<compile_context>
chip_gen: v7x
topology: tpu7x:2x2x1
jax: 0.10.2.dev20260603
libtpu: 0.0.44.dev20260713+nightly
codegen_flags: <defaults>
</compile_context>

<pallas_src>
import functools

import jax
import jax.numpy as jnp
from jax import lax
from jax.experimental import pallas as pl
from jax.experimental.pallas import tpu as pltpu
from jax.experimental.pallas import tpu_sc as plsc

_SCALE = 12.0
_NUM_CORES = 2
_NUM_SUBCORES = 16
_NW = _NUM_CORES * _NUM_SUBCORES
_LANES = 16
_CHUNK = 128
_NBUF = 4


def _body(n_rows, d, ids_hbm, table_hbm, out_hbm, idx_v, in_v, out_v, gsem, ssem):
    per_w = n_rows // _NW
    wid = lax.axis_index("s") * _NUM_CORES + lax.axis_index("c")
    base = wid * per_w
    pltpu.sync_copy(ids_hbm.at[pl.ds(base, per_w)], idx_v)
    n_chunks = per_w // _CHUNK

    def gather(g, b):
        return pltpu.make_async_copy(
            table_hbm.at[idx_v.at[pl.ds(g * _CHUNK, _CHUNK)]],
            in_v.at[b],
            gsem.at[b],
        )

    def store(g, b):
        return pltpu.make_async_copy(
            out_v.at[b],
            out_hbm.at[pl.ds(base + g * _CHUNK, _CHUNK)],
            ssem.at[b],
        )

    for b in range(_NBUF):
        gather(b, b).start()

    def outer_body(o, carry):
        for b in range(_NBUF):
            g = o * _NBUF + b
            gather(g, b).wait()

            @pl.when(g >= _NBUF)
            def _():
                store(g - _NBUF, b).wait()

            def scale_rows(r, c2):
                for u in range(4):
                    for j in range(d // _LANES):
                        sl = pl.ds(j * _LANES, _LANES)
                        out_v[b, r * 4 + u, sl] = in_v[b, r * 4 + u, sl] * _SCALE
                return c2

            lax.fori_loop(0, _CHUNK // 4, scale_rows, 0, unroll=2)

            @pl.when(g + _NBUF < n_chunks)
            def _():
                gather(g + _NBUF, b).start()

            store(g, b).start()
        return carry

    lax.fori_loop(0, n_chunks // _NBUF, outer_body, 0)

    for b in range(_NBUF):
        store(n_chunks - _NBUF + b, b).wait()


@jax.jit
def kernel(input_ids, weight):
    b, s = input_ids.shape
    v, d = weight.shape
    n_rows = b * s
    flat_ids = input_ids.reshape(n_rows)

    mesh = plsc.VectorSubcoreMesh(core_axis_name="c", subcore_axis_name="s")
    per_w = n_rows // _NW
    run = functools.partial(
        pl.kernel,
        mesh=mesh,
        out_type=jax.ShapeDtypeStruct((n_rows, d), jnp.float32),
        scratch_types=[
            pltpu.VMEM((per_w,), jnp.int32),
            pltpu.VMEM((_NBUF, _CHUNK, d), jnp.float32),
            pltpu.VMEM((_NBUF, _CHUNK, d), jnp.float32),
            pltpu.SemaphoreType.DMA((_NBUF,)),
            pltpu.SemaphoreType.DMA((_NBUF,)),
        ],
        compiler_params=pltpu.CompilerParams(use_tc_tiling_on_sc=False),
    )(functools.partial(_body, n_rows, d))
    out = run(flat_ids, weight)
    return out.reshape(b, s, d)

# --- scband reference (transcript-rebuilt; emitter-appended) ---
"""Pipeline reference for scband-scaled-parallel-embedding-23974507446561 (READ-ONLY COPY).

The authoritative reference and input builder live on the scoring server;
editing this copy changes nothing except your own understanding.
"""

import jax, jax.numpy as jnp
import numpy as np

VOCAB = 1000000
EMBED_DIM = 64
BATCH = 4096
SEQ = 200
SCALE_EMB = 12.0


def setup_inputs(seed: int = 0) -> dict:
    key = jax.random.key(seed)
    k_ids, k_tbl = jax.random.split(key)
    input_ids = jax.random.randint(k_ids, (BATCH, SEQ), 0, VOCAB, dtype=jnp.int32)
    # learned embedding table, initialized like nn.Embedding default (N(0,1))
    weight = jax.random.normal(k_tbl, (VOCAB, EMBED_DIM), dtype=jnp.float32)
    return {"input_ids": input_ids, "weight": weight}


def reference(input_ids, weight):
    # embedding lookup (gather) followed by MiniCPM-style scaling
    emb = jnp.take(weight, input_ids, axis=0)
    return emb * SCALE_EMB

if __name__ == "__main__":
    import jax
    _d = setup_inputs()
    print(jax.jit(kernel)(*tuple(_d.values())))

</pallas_src>

<mosaic_0001>
#map = affine_map<(d0, d1) -> (0)>
#map1 = affine_map<(d0, d1) -> (0, 0)>
module attributes {stable_mosaic.version = 14 : i64} {
  func.func @_body(%arg0: i32, %arg1: i32, %arg2: memref<819200xi32, #tpu.memory_space<hbm>>, %arg3: memref<1000000x64xf32, #tpu.memory_space<hbm>>, %arg4: memref<819200x64xf32, #tpu.memory_space<hbm>>, %arg5: memref<25600xi32, #tpu.memory_space<vmem>>, %arg6: memref<4x128x64xf32, #tpu.memory_space<vmem>>, %arg7: memref<4x128x64xf32, #tpu.memory_space<vmem>>, %arg8: memref<4x!tpu.dma_semaphore, #tpu.memory_space<semaphore_mem>>, %arg9: memref<4x!tpu.dma_semaphore, #tpu.memory_space<semaphore_mem>>) attributes {dimension_semantics = [#tpu.dimension_semantics<core_parallel>, #tpu.dimension_semantics<subcore_parallel>], iteration_bounds = array<i64: 2, 16>, scalar_prefetch = 0 : i64, scratch_operands = 5 : i64, tpu.core_type = #tpu.core_type<sc_vector_subcore>, window_params = [{transform_indices = #map}, {transform_indices = #map1}, {transform_indices = #map1}]} {
    %mul3A = arith.constant 2 : i32
    %mul3A_0 = arith.muli %arg1, %mul3A : i32
    %add3A = arith.addi %mul3A_0, %arg0 : i32
    %mul3A_1 = arith.constant 25600 : i32
    %mul3A_2 = arith.muli %add3A, %mul3A_1 : i32
    "tpu.region"() ({
      %run_scoped3A = tpu.sem_alloc : memref<!tpu.dma_semaphore, #tpu.memory_space<semaphore_mem>>
      %dma_start3A_130 = tpu.memref_slice %arg2[%mul3A_2] : memref<819200xi32, #tpu.memory_space<hbm>> -> memref<25600xi32, #tpu.memory_space<hbm>>
      %dma_start3A_131 = tpu.memref_slice %arg2[%mul3A_2] : memref<819200xi32, #tpu.memory_space<hbm>> -> memref<25600xi32, #tpu.memory_space<hbm>>
      tpu.enqueue_dma source(%dma_start3A_131 : memref<25600xi32, #tpu.memory_space<hbm>>) target(%arg5 : memref<25600xi32, #tpu.memory_space<vmem>>) target_semaphore(%run_scoped3A : memref<!tpu.dma_semaphore, #tpu.memory_space<semaphore_mem>>)
      %dma_wait3A_132 = tpu.memref_slice %arg2[%mul3A_2] : memref<819200xi32, #tpu.memory_space<hbm>> -> memref<25600xi32, #tpu.memory_space<hbm>>
      %dma_wait3A_133 = tpu.memref_slice %arg2[%mul3A_2] : memref<819200xi32, #tpu.memory_space<hbm>> -> memref<25600xi32, #tpu.memory_space<hbm>>
      tpu.wait_dma2 semaphore(%run_scoped3A : memref<!tpu.dma_semaphore, #tpu.memory_space<semaphore_mem>>) src(%dma_wait3A_133 : memref<25600xi32, #tpu.memory_space<hbm>>) dst(%arg5 : memref<25600xi32, #tpu.memory_space<vmem>>)
      tpu.yield
    }) : () -> ()
    %dma_start3A = arith.constant 0 : i32
    %dma_start3A_3 = arith.constant 0 : i32
    %dma_start3A_4 = arith.constant 0 : i32
    %dma_start3A_5 = arith.constant 0 : i32
    %dma_start3A_6 = tpu.memref_slice %arg6[%dma_start3A, %dma_start3A_4, %dma_start3A_5] : memref<4x128x64xf32, #tpu.memory_space<vmem>> -> memref<1x128x64xf32, #tpu.memory_space<vmem>>
    %dma_start3A_7 = tpu.memref_squeeze %dma_start3A_6 : memref<1x128x64xf32, #tpu.memory_space<vmem>> -> memref<128x64xf32, #tpu.memory_space<vmem>>
    %dma_start3A_8 = arith.constant 0 : i32
    %dma_start3A_9 = tpu.memref_slice %arg5[%dma_start3A_8] : memref<25600xi32, #tpu.memory_space<vmem>> -> memref<128xi32, #tpu.memory_space<vmem>>
    %dma_start3A_10 = arith.constant 0 : i32
    %dma_start3A_11 = arith.constant 0 : i32
    %dma_start3A_12 = tpu.memref_slice %arg3[%dma_start3A_10, %dma_start3A_11] : memref<1000000x64xf32, #tpu.memory_space<hbm>> -> memref<1000000x64xf32, #tpu.memory_space<hbm>>
    %dma_start3A_13 = tpu.memref_slice %arg8[%dma_start3A_3] : memref<4x!tpu.dma_semaphore, #tpu.memory_space<semaphore_mem>> -> memref<1x!tpu.dma_semaphore, #tpu.memory_space<semaphore_mem>>
    %dma_start3A_14 = tpu.memref_squeeze %dma_start3A_13 : memref<1x!tpu.dma_semaphore, #tpu.memory_space<semaphore_mem>> -> memref<!tpu.dma_semaphore, #tpu.memory_space<semaphore_mem>>
    tpu.enqueue_indirect_dma source(%dma_start3A_12 : memref<1000000x64xf32, #tpu.memory_space<hbm>>) target(%dma_start3A_7 : memref<128x64xf32, #tpu.memory_space<vmem>>) offsets(%dma_start3A_9 : memref<128xi32, #tpu.memory_space<vmem>>) semaphore(%dma_start3A_14 : memref<!tpu.dma_semaphore, #tpu.memory_space<semaphore_mem>>)
    %dma_start3A_15 = arith.constant 1 : i32
    %dma_start3A_16 = arith.constant 1 : i32
    %dma_start3A_17 = arith.constant 0 : i32
    %dma_start3A_18 = arith.constant 0 : i32
    %dma_start3A_19 = tpu.memref_slice %arg6[%dma_start3A_15, %dma_start3A_17, %dma_start3A_18] : memref<4x128x64xf32, #tpu.memory_space<vmem>> -> memref<1x128x64xf32, #tpu.memory_space<vmem>>
    %dma_start3A_20 = tpu.memref_squeeze %dma_start3A_19 : memref<1x128x64xf32, #tpu.memory_space<vmem>> -> memref<128x64xf32, #tpu.memory_space<vmem>>
    %dma_start3A_21 = arith.constant 128 : i32
    %dma_start3A_22 = tpu.memref_slice %arg5[%dma_start3A_21] : memref<25600xi32, #tpu.memory_space<vmem>> -> memref<128xi32, #tpu.memory_space<vmem>>
    %dma_start3A_23 = arith.constant 0 : i32
    %dma_start3A_24 = arith.constant 0 : i32
    %dma_start3A_25 = tpu.memref_slice %arg3[%dma_start3A_23, %dma_start3A_24] : memref<1000000x64xf32, #tpu.memory_space<hbm>> -> memref<1000000x64xf32, #tpu.memory_space<hbm>>
    %dma_start3A_26 = tpu.memref_slice %arg8[%dma_start3A_16] : memref<4x!tpu.dma_semaphore, #tpu.memory_space<semaphore_mem>> -> memref<1x!tpu.dma_semaphore, #tpu.memory_space<semaphore_mem>>
    %dma_start3A_27 = tpu.memref_squeeze %dma_start3A_26 : memref<1x!tpu.dma_semaphore, #tpu.memory_space<semaphore_mem>> -> memref<!tpu.dma_semaphore, #tpu.memory_space<semaphore_mem>>
    tpu.enqueue_indirect_dma source(%dma_start3A_25 : memref<1000000x64xf32, #tpu.memory_space<hbm>>) target(%dma_start3A_20 : memref<128x64xf32, #tpu.memory_space<vmem>>) offsets(%dma_start3A_22 : memref<128xi32, #tpu.memory_space<vmem>>) semaphore(%dma_start3A_27 : memref<!tpu.dma_semaphore, #tpu.memory_space<semaphore_mem>>)
    %dma_start3A_28 = arith.constant 2 : i32
    %dma_start3A_29 = arith.constant 2 : i32
    %dma_start3A_30 = arith.constant 0 : i32
    %dma_start3A_31 = arith.constant 0 : i32
    %dma_start3A_32 = tpu.memref_slice %arg6[%dma_start3A_28, %dma_start3A_30, %dma_start3A_31] : memref<4x128x64xf32, #tpu.memory_space<vmem>> -> memref<1x128x64xf32, #tpu.memory_space<vmem>>
    %dma_start3A_33 = tpu.memref_squeeze %dma_start3A_32 : memref<1x128x64xf32, #tpu.memory_space<vmem>> -> memref<128x64xf32, #tpu.memory_space<vmem>>
    %dma_start3A_34 = arith.constant 256 : i32
    %dma_start3A_35 = tpu.memref_slice %arg5[%dma_start3A_34] : memref<25600xi32, #tpu.memory_space<vmem>> -> memref<128xi32, #tpu.memory_space<vmem>>
    %dma_start3A_36 = arith.constant 0 : i32
    %dma_start3A_37 = arith.constant 0 : i32
    %dma_start3A_38 = tpu.memref_slice %arg3[%dma_start3A_36, %dma_start3A_37] : memref<1000000x64xf32, #tpu.memory_space<hbm>> -> memref<1000000x64xf32, #tpu.memory_space<hbm>>
    %dma_start3A_39 = tpu.memref_slice %arg8[%dma_start3A_29] : memref<4x!tpu.dma_semaphore, #tpu.memory_space<semaphore_mem>> -> memref<1x!tpu.dma_semaphore, #tpu.memory_space<semaphore_mem>>
    %dma_start3A_40 = tpu.memref_squeeze %dma_start3A_39 : memref<1x!tpu.dma_semaphore, #tpu.memory_space<semaphore_mem>> -> memref<!tpu.dma_semaphore, #tpu.memory_space<semaphore_mem>>
    tpu.enqueue_indirect_dma source(%dma_start3A_38 : memref<1000000x64xf32, #tpu.memory_space<hbm>>) target(%dma_start3A_33 : memref<128x64xf32, #tpu.memory_space<vmem>>) offsets(%dma_start3A_35 : memref<128xi32, #tpu.memory_space<vmem>>) semaphore(%dma_start3A_40 : memref<!tpu.dma_semaphore, #tpu.memory_space<semaphore_mem>>)
    %dma_start3A_41 = arith.constant 3 : i32
    %dma_start3A_42 = arith.constant 3 : i32
    %dma_start3A_43 = arith.constant 0 : i32
    %dma_start3A_44 = arith.constant 0 : i32
    %dma_start3A_45 = tpu.memref_slice %arg6[%dma_start3A_41, %dma_start3A_43, %dma_start3A_44] : memref<4x128x64xf32, #tpu.memory_space<vmem>> -> memref<1x128x64xf32, #tpu.memory_space<vmem>>
    %dma_start3A_46 = tpu.memref_squeeze %dma_start3A_45 : memref<1x128x64xf32, #tpu.memory_space<vmem>> -> memref<128x64xf32, #tpu.memory_space<vmem>>
    %dma_start3A_47 = arith.constant 384 : i32
    %dma_start3A_48 = tpu.memref_slice %arg5[%dma_start3A_47] : memref<25600xi32, #tpu.memory_space<vmem>> -> memref<128xi32, #tpu.memory_space<vmem>>
    %dma_start3A_49 = arith.constant 0 : i32
    %dma_start3A_50 = arith.constant 0 : i32
    %dma_start3A_51 = tpu.memref_slice %arg3[%dma_start3A_49, %dma_start3A_50] : memref<1000000x64xf32, #tpu.memory_space<hbm>> -> memref<1000000x64xf32, #tpu.memory_space<hbm>>
    %dma_start3A_52 = tpu.memref_slice %arg8[%dma_start3A_42] : memref<4x!tpu.dma_semaphore, #tpu.memory_space<semaphore_mem>> -> memref<1x!tpu.dma_semaphore, #tpu.memory_space<semaphore_mem>>
    %dma_start3A_53 = tpu.memref_squeeze %dma_start3A_52 : memref<1x!tpu.dma_semaphore, #tpu.memory_space<semaphore_mem>> -> memref<!tpu.dma_semaphore, #tpu.memory_space<semaphore_mem>>
    tpu.enqueue_indirect_dma source(%dma_start3A_51 : memref<1000000x64xf32, #tpu.memory_space<hbm>>) target(%dma_start3A_46 : memref<128x64xf32, #tpu.memory_space<vmem>>) offsets(%dma_start3A_48 : memref<128xi32, #tpu.memory_space<vmem>>) semaphore(%dma_start3A_53 : memref<!tpu.dma_semaphore, #tpu.memory_space<semaphore_mem>>)
    %scan3A = arith.constant 0 : i32
    %scan3A_54 = arith.constant 0 : i32
    %scan3A_55 = arith.constant 50 : i32
    %scan3A_56 = arith.addi %scan3A_54, %scan3A_55 : i32
    %scan3A_57 = arith.constant 1 : i32
    scf.for %scan3A_130 = %scan3A_54 to %scan3A_56 step %scan3A_57  : i32 {
      %mul3A_131 = arith.constant 4 : i32
      %mul3A_132 = arith.muli %scan3A_130, %mul3A_131 : i32
      %add3A_133 = arith.constant 0 : i32
      %add3A_134 = arith.addi %mul3A_132, %add3A_133 : i32
      %mul3A_135 = arith.constant 128 : i32
      %mul3A_136 = arith.muli %add3A_134, %mul3A_135 : i32
      %dma_wait3A_137 = arith.constant 0 : i32
      %dma_wait3A_138 = arith.constant 0 : i32
      %dma_wait3A_139 = arith.constant 0 : i32
      %dma_wait3A_140 = arith.constant 0 : i32
      %dma_wait3A_141 = tpu.memref_slice %arg6[%dma_wait3A_137, %dma_wait3A_139, %dma_wait3A_140] : memref<4x128x64xf32, #tpu.memory_space<vmem>> -> memref<1x128x64xf32, #tpu.memory_space<vmem>>
      %dma_wait3A_142 = tpu.memref_squeeze %dma_wait3A_141 : memref<1x128x64xf32, #tpu.memory_space<vmem>> -> memref<128x64xf32, #tpu.memory_space<vmem>>
      %dma_wait3A_143 = tpu.memref_slice %arg5[%mul3A_136] : memref<25600xi32, #tpu.memory_space<vmem>> -> memref<128xi32, #tpu.memory_space<vmem>>
      %dma_wait3A_144 = arith.constant 0 : i32
      %dma_wait3A_145 = arith.constant 0 : i32
      %dma_wait3A_146 = tpu.memref_slice %arg3[%dma_wait3A_144, %dma_wait3A_145] : memref<1000000x64xf32, #tpu.memory_space<hbm>> -> memref<1000000x64xf32, #tpu.memory_space<hbm>>
      %dma_wait3A_147 = tpu.memref_slice %arg8[%dma_wait3A_138] : memref<4x!tpu.dma_semaphore, #tpu.memory_space<semaphore_mem>> -> memref<1x!tpu.dma_semaphore, #tpu.memory_space<semaphore_mem>>
      %dma_wait3A_148 = tpu.memref_squeeze %dma_wait3A_147 : memref<1x!tpu.dma_semaphore, #tpu.memory_space<semaphore_mem>> -> memref<!tpu.dma_semaphore, #tpu.memory_space<semaphore_mem>>
      tpu.wait_indirect_dma semaphore(%dma_wait3A_148 : memref<!tpu.dma_semaphore, #tpu.memory_space<semaphore_mem>>) src(%dma_wait3A_146 : memref<1000000x64xf32, #tpu.memory_space<hbm>>) dst(%dma_wait3A_142 : memref<128x64xf32, #tpu.memory_space<vmem>>)
      %ge3A = arith.constant 4 : i32
      %ge3A_149 = arith.cmpi sge, %add3A_134, %ge3A : i32
      %convert_element_type3A = arith.extui %ge3A_149 : i1 to i32
      %cond3A = arith.constant 0 : i32
      %cond3A_150 = arith.cmpi ne, %convert_element_type3A, %cond3A : i32
      scf.if %cond3A_150 {
        %sub3A = arith.constant 4 : i32
        %sub3A_347 = arith.subi %add3A_134, %sub3A : i32
        %mul3A_348 = arith.constant 128 : i32
        %mul3A_349 = arith.muli %sub3A_347, %mul3A_348 : i32
        %add3A_350 = arith.addi %mul3A_2, %mul3A_349 : i32
        %dma_wait3A_351 = arith.constant 0 : i32
        %dma_wait3A_352 = arith.constant 0 : i32
        %dma_wait3A_353 = arith.constant 0 : i32
        %dma_wait3A_354 = arith.constant 0 : i32
        %dma_wait3A_355 = tpu.memref_slice %arg7[%dma_wait3A_351, %dma_wait3A_353, %dma_wait3A_354] : memref<4x128x64xf32, #tpu.memory_space<vmem>> -> memref<1x128x64xf32, #tpu.memory_space<vmem>>
        %dma_wait3A_356 = tpu.memref_squeeze %dma_wait3A_355 : memref<1x128x64xf32, #tpu.memory_space<vmem>> -> memref<128x64xf32, #tpu.memory_space<vmem>>
        %dma_wait3A_357 = arith.constant 0 : i32
        %dma_wait3A_358 = tpu.memref_slice %arg4[%add3A_350, %dma_wait3A_357] : memref<819200x64xf32, #tpu.memory_space<hbm>> -> memref<128x64xf32, #tpu.memory_space<hbm>>
        %dma_wait3A_359 = tpu.memref_slice %arg9[%dma_wait3A_352] : memref<4x!tpu.dma_semaphore, #tpu.memory_space<semaphore_mem>> -> memref<1x!tpu.dma_semaphore, #tpu.memory_space<semaphore_mem>>
        %dma_wait3A_360 = tpu.memref_squeeze %dma_wait3A_359 : memref<1x!tpu.dma_semaphore, #tpu.memory_space<semaphore_mem>> -> memref<!tpu.dma_semaphore, #tpu.memory_space<semaphore_mem>>
        %dma_wait3A_361 = arith.constant 0 : i32
        %dma_wait3A_362 = tpu.memref_slice %arg4[%add3A_350, %dma_wait3A_361] : memref<819200x64xf32, #tpu.memory_space<hbm>> -> memref<128x64xf32, #tpu.memory_space<hbm>>
        %dma_wait3A_363 = arith.constant 0 : i32
        %dma_wait3A_364 = arith.constant 0 : i32
        %dma_wait3A_365 = tpu.memref_slice %arg7[%dma_wait3A_351, %dma_wait3A_363, %dma_wait3A_364] : memref<4x128x64xf32, #tpu.memory_space<vmem>> -> memref<1x128x64xf32, #tpu.memory_space<vmem>>
        %dma_wait3A_366 = tpu.memref_squeeze %dma_wait3A_365 : memref<1x128x64xf32, #tpu.memory_space<vmem>> -> memref<128x64xf32, #tpu.memory_space<vmem>>
        tpu.wait_dma2 semaphore(%dma_wait3A_360 : memref<!tpu.dma_semaphore, #tpu.memory_space<semaphore_mem>>) src(%dma_wait3A_366 : memref<128x64xf32, #tpu.memory_space<vmem>>) dst(%dma_wait3A_362 : memref<128x64xf32, #tpu.memory_space<hbm>>)
      } else {
      }
      %scan3A_151 = arith.constant 0 : i32
      %scan3A_152 = arith.constant 0 : i32
      %scan3A_153 = arith.constant 32 : i32
      %scan3A_154 = arith.addi %scan3A_152, %scan3A_153 : i32
      %scan3A_155 = arith.constant 2 : i32
      scf.for %scan3A_347 = %scan3A_152 to %scan3A_154 step %scan3A_155  : i32 {
        %mul3A_348 = arith.constant 4 : i32
        %mul3A_349 = arith.muli %scan3A_347, %mul3A_348 : i32
        %add3A_350 = arith.constant 0 : i32
        %add3A_351 = arith.addi %mul3A_349, %add3A_350 : i32
        %get3A = arith.constant 0 : i32
        %get3A_352 = arith.index_cast %get3A : i32 to index
        %get3A_353 = arith.index_cast %add3A_351 : i32 to index
        %get3A_354 = arith.constant 0 : index
        %get3A_355 = tpu.vector_load %arg6[%get3A_352, %get3A_353, %get3A_354] {strides = array<i32>} : memref<4x128x64xf32, #tpu.memory_space<vmem>>, vector<1x1x16xf32>,
        %get3A_356 = vector.shape_cast %get3A_355 : vector<1x1x16xf32> to vector<16xf32>
        %mul3A_357 = arith.constant 1.200000e+01 : f32
        %mul3A_358 = vector.broadcast %mul3A_357 : f32 to vector<16xf32>
        %mul3A_359 = arith.mulf %get3A_356, %mul3A_358 : vector<16xf32>
        %mul3A_360 = arith.constant 4 : i32
        %mul3A_361 = arith.muli %scan3A_347, %mul3A_360 : i32
        %add3A_362 = arith.constant 0 : i32
        %add3A_363 = arith.addi %mul3A_361, %add3A_362 : i32
        %swap3A = arith.constant 0 : i32
        %swap3A_364 = arith.index_cast %swap3A : i32 to index
        %swap3A_365 = arith.index_cast %add3A_363 : i32 to index
        %swap3A_366 = arith.constant 0 : index
        %swap3A_367 = tpu.vector_load %arg7[%swap3A_364, %swap3A_365, %swap3A_366] {strides = array<i32>} : memref<4x128x64xf32, #tpu.memory_space<vmem>>, vector<1x1x16xf32>,
        %swap3A_368 = vector.shape_cast %swap3A_367 : vector<1x1x16xf32> to vector<16xf32>
        %swap3A_369 = vector.shape_cast %mul3A_359 : vector<16xf32> to vector<1x1x16xf32>
        tpu.vector_store %arg7[%swap3A_364, %swap3A_365, %swap3A_366], %swap3A_369 {strides = array<i32>} : memref<4x128x64xf32, #tpu.memory_space<vmem>>, vector<1x1x16xf32>,
        %mul3A_370 = arith.constant 4 : i32
        %mul3A_371 = arith.muli %scan3A_347, %mul3A_370 : i32
        %add3A_372 = arith.constant 0 : i32
        %add3A_373 = arith.addi %mul3A_371, %add3A_372 : i32
        %get3A_374 = arith.constant 0 : i32
        %get3A_375 = arith.index_cast %get3A_374 : i32 to index
        %get3A_376 = arith.index_cast %add3A_373 : i32 to index
        %get3A_377 = arith.constant 16 : index
        %get3A_378 = tpu.vector_load %arg6[%get3A_375, %get3A_376, %get3A_377] {strides = array<i32>} : memref<4x128x64xf32, #tpu.memory_space<vmem>>, vector<1x1x16xf32>,
        %get3A_379 = vector.shape_cast %get3A_378 : vector<1x1x16xf32> to vector<16xf32>
        %mul3A_380 = arith.constant 1.200000e+01 : f32
        %mul3A_381 = vector.broadcast %mul3A_380 : f32 to vector<16xf32>
        %mul3A_382 = arith.mulf %get3A_379, %mul3A_381 : vector<16xf32>
        %mul3A_383 = arith.constant 4 : i32
        %mul3A_384 = arith.muli %scan3A_347, %mul3A_383 : i32
        %add3A_385 = arith.constant 0 : i32
        %add3A_386 = arith.addi %mul3A_384, %add3A_385 : i32
        %swap3A_387 = arith.constant 0 : i32
        %swap3A_388 = arith.index_cast %swap3A_387 : i32 to index
        %swap3A_389 = arith.index_cast %add3A_386 : i32 to index
        %swap3A_390 = arith.constant 16 : index
        %swap3A_391 = tpu.vector_load %arg7[%swap3A_388, %swap3A_389, %swap3A_390] {strides = array<i32>} : memref<4x128x64xf32, #tpu.memory_space<vmem>>, vector<1x1x16xf32>,
        %swap3A_392 = vector.shape_cast %swap3A_391 : vector<1x1x16xf32> to vector<16xf32>
        %swap3A_393 = vector.shape_cast %mul3A_382 : vector<16xf32> to vector<1x1x16xf32>
        tpu.vector_store %arg7[%swap3A_388, %swap3A_389, %swap3A_390], %swap3A_393 {strides = array<i32>} : memref<4x128x64xf32, #tpu.memory_space<vmem>>, vector<1x1x16xf32>,
        %mul3A_394 = arith.constant 4 : i32
        %mul3A_395 = arith.muli %scan3A_347, %mul3A_394 : i32
        %add3A_396 = arith.constant 0 : i32
        %add3A_397 = arith.addi %mul3A_395, %add3A_396 : i32
        %get3A_398 = arith.constant 0 : i32
        %get3A_399 = arith.index_cast %get3A_398 : i32 to index
        %get3A_400 = arith.index_cast %add3A_397 : i32 to index
        %get3A_401 = arith.constant 32 : index
        %get3A_402 = tpu.vector_load %arg6[%get3A_399, %get3A_400, %get3A_401] {strides = array<i32>} : memref<4x128x64xf32, #tpu.memory_space<vmem>>, vector<1x1x16xf32>,
        %get3A_403 = vector.shape_cast %get3A_402 : vector<1x1x16xf32> to vector<16xf32>
        %mul3A_404 = arith.constant 1.200000e+01 : f32
        %mul3A_405 = vector.broadcast %mul3A_404 : f32 to vector<16xf32>
        %mul3A_406 = arith.mulf %get3A_403, %mul3A_405 : vector<16xf32>
        %mul3A_407 = arith.constant 4 : i32
        %mul3A_408 = arith.muli %scan3A_347, %mul3A_407 : i32
        %add3A_409 = arith.constant 0 : i32
        %add3A_410 = arith.addi %mul3A_408, %add3A_409 : i32
        %swap3A_411 = arith.constant 0 : i32
        %swap3A_412 = arith.index_cast %swap3A_411 : i32 to index
        %swap3A_413 = arith.index_cast %add3A_410 : i32 to index
        %swap3A_414 = arith.constant 32 : index
        %swap3A_415 = tpu.vector_load %arg7[%swap3A_412, %swap3A_413, %swap3A_414] {strides = array<i32>} : memref<4x128x64xf32, #tpu.memory_space<vmem>>, vector<1x1x16xf32>,
        %swap3A_416 = vector.shape_cast %swap3A_415 : vector<1x1x16xf32> to vector<16xf32>
        %swap3A_417 = vector.shape_cast %mul3A_406 : vector<16xf32> to vector<1x1x16xf32>
        tpu.vector_store %arg7[%swap3A_412, %swap3A_413, %swap3A_414], %swap3A_417 {strides = array<i32>} : memref<4x128x64xf32, #tpu.memory_space<vmem>>, vector<1x1x16xf32>,
        %mul3A_418 = arith.constant 4 : i32
        %mul3A_419 = arith.muli %scan3A_347, %mul3A_418 : i32
        %add3A_420 = arith.constant 0 : i32
        %add3A_421 = arith.addi %mul3A_419, %add3A_420 : i32
        %get3A_422 = arith.constant 0 : i32
        %get3A_423 = arith.index_cast %get3A_422 : i32 to index
        %get3A_424 = arith.index_cast %add3A_421 : i32 to index
        %get3A_425 = arith.constant 48 : index
        %get3A_426 = tpu.vector_load %arg6[%get3A_423, %get3A_424, %get3A_425] {strides = array<i32>} : memref<4x128x64xf32, #tpu.memory_space<vmem>>, vector<1x1x16xf32>,
        %get3A_427 = vector.shape_cast %get3A_426 : vector<1x1x16xf32> to vector<16xf32>
        %mul3A_428 = arith.constant 1.200000e+01 : f32
        %mul3A_429 = vector.broadcast %mul3A_428 : f32 to vector<16xf32>
        %mul3A_430 = arith.mulf %get3A_427, %mul3A_429 : vector<16xf32>
        %mul3A_431 = arith.constant 4 : i32
        %mul3A_432 = arith.muli %scan3A_347, %mul3A_431 : i32
        %add3A_433 = arith.constant 0 : i32
        %add3A_434 = arith.addi %mul3A_432, %add3A_433 : i32
        %swap3A_435 = arith.constant 0 : i32
        %swap3A_436 = arith.index_cast %swap3A_435 : i32 to index
        %swap3A_437 = arith.index_cast %add3A_434 : i32 to index
        %swap3A_438 = arith.constant 48 : index
        %swap3A_439 = tpu.vector_load %arg7[%swap3A_436, %swap3A_437, %swap3A_438] {strides = array<i32>} : memref<4x128x64xf32, #tpu.memory_space<vmem>>, vector<1x1x16xf32>,
        %swap3A_440 = vector.shape_cast %swap3A_439 : vector<1x1x16xf32> to vector<16xf32>
        %swap3A_441 = vector.shape_cast %mul3A_430 : vector<16xf32> to vector<1x1x16xf32>
        tpu.vector_store %arg7[%swap3A_436, %swap3A_437, %swap3A_438], %swap3A_441 {strides = array<i32>} : memref<4x128x64xf32, #tpu.memory_space<vmem>>, vector<1x1x16xf32>,
        %mul3A_442 = arith.constant 4 : i32
        %mul3A_443 = arith.muli %scan3A_347, %mul3A_442 : i32
        %add3A_444 = arith.constant 1 : i32
        %add3A_445 = arith.addi %mul3A_443, %add3A_444 : i32
        %get3A_446 = arith.constant 0 : i32
        %get3A_447 = arith.index_cast %get3A_446 : i32 to index
        %get3A_448 = arith.index_cast %add3A_445 : i32 to index
        %get3A_449 = arith.constant 0 : index
        %get3A_450 = tpu.vector_load %arg6[%get3A_447, %get3A_448, %get3A_449] {strides = array<i32>} : memref<4x128x64xf32, #tpu.memory_space<vmem>>, vector<1x1x16xf32>,
        %get3A_451 = vector.shape_cast %get3A_450 : vector<1x1x16xf32> to vector<16xf32>
        %mul3A_452 = arith.constant 1.200000e+01 : f32
        %mul3A_453 = vector.broadcast %mul3A_452 : f32 to vector<16xf32>
        %mul3A_454 = arith.mulf %get3A_451, %mul3A_453 : vector<16xf32>
        %mul3A_455 = arith.constant 4 : i32
        %mul3A_456 = arith.muli %scan3A_347, %mul3A_455 : i32
        %add3A_457 = arith.constant 1 : i32
        %add3A_458 = arith.addi %mul3A_456, %add3A_457 : i32
        %swap3A_459 = arith.constant 0 : i32
        %swap3A_460 = arith.index_cast %swap3A_459 : i32 to index
        %swap3A_461 = arith.index_cast %add3A_458 : i32 to index
        %swap3A_462 = arith.constant 0 : index
        %swap3A_463 = tpu.vector_load %arg7[%swap3A_460, %swap3A_461, %swap3A_462] {strides = array<i32>} : memref<4x128x64xf32, #tpu.memory_space<vmem>>, vector<1x1x16xf32>,
        %swap3A_464 = vector.shape_cast %swap3A_463 : vector<1x1x16xf32> to vector<16xf32>
        %swap3A_465 = vector.shape_cast %mul3A_454 : vector<16xf32> to vector<1x1x16xf32>
        tpu.vector_store %arg7[%swap3A_460, %swap3A_461, %swap3A_462], %swap3A_465 {strides = array<i32>} : memref<4x128x64xf32, #tpu.memory_space<vmem>>, vector<1x1x16xf32>,
        %mul3A_466 = arith.constant 4 : i32
        %mul3A_467 = arith.muli %scan3A_347, %mul3A_466 : i32
        %add3A_468 = arith.constant 1 : i32
        %add3A_469 = arith.addi %mul3A_467, %add3A_468 : i32
        %get3A_470 = arith.constant 0 : i32
        %get3A_471 = arith.index_cast %get3A_470 : i32 to index
        %get3A_472 = arith.index_cast %add3A_469 : i32 to index
        %get3A_473 = arith.constant 16 : index
        %get3A_474 = tpu.vector_load %arg6[%get3A_471, %get3A_472, %get3A_473] {strides = array<i32>} : memref<4x128x64xf32, #tpu.memory_space<vmem>>, vector<1x1x16xf32>,
        %get3A_475 = vector.shape_cast %get3A_474 : vector<1x1x16xf32> to vector<16xf32>
        %mul3A_476 = arith.constant 1.200000e+01 : f32
        %mul3A_477 = vector.broadcast %mul3A_476 : f32 to vector<16xf32>
        %mul3A_478 = arith.mulf %get3A_475, %mul3A_477 : vector<16xf32>
        %mul3A_479 = arith.constant 4 : i32
        %mul3A_480 = arith.muli %scan3A_347, %mul3A_479 : i32
        %add3A_481 = arith.constant 1 : i32
        %add3A_482 = arith.addi %mul3A_480, %add3A_481 : i32
        %swap3A_483 = arith.constant 0 : i32
        %swap3A_484 = arith.index_cast %swap3A_483 : i32 to index
        %swap3A_485 = arith.index_cast %add3A_482 : i32 to index
        %swap3A_486 = arith.constant 16 : index
        %swap3A_487 = tpu.vector_load %arg7[%swap3A_484, %swap3A_485, %swap3A_486] {strides = array<i32>} : memref<4x128x64xf32, #tpu.memory_space<vmem>>, vector<1x1x16xf32>,
        %swap3A_488 = vector.shape_cast %swap3A_487 : vector<1x1x16xf32> to vector<16xf32>
        %swap3A_489 = vector.shape_cast %mul3A_478 : vector<16xf32> to vector<1x1x16xf32>
        tpu.vector_store %arg7[%swap3A_484, %swap3A_485, %swap3A_486], %swap3A_489 {strides = array<i32>} : memref<4x128x64xf32, #tpu.memory_space<vmem>>, vector<1x1x16xf32>,
        %mul3A_490 = arith.constant 4 : i32
        %mul3A_491 = arith.muli %scan3A_347, %mul3A_490 : i32
        %add3A_492 = arith.constant 1 : i32
        %add3A_493 = arith.addi %mul3A_491, %add3A_492 : i32
        %get3A_494 = arith.constant 0 : i32
        %get3A_495 = arith.index_cast %get3A_494 : i32 to index
        %get3A_496 = arith.index_cast %add3A_493 : i32 to index
        %get3A_497 = arith.constant 32 : index
        %get3A_498 = tpu.vector_load %arg6[%get3A_495, %get3A_496, %get3A_497] {strides = array<i32>} : memref<4x128x64xf32, #tpu.memory_space<vmem>>, vector<1x1x16xf32>,
        %get3A_499 = vector.shape_cast %get3A_498 : vector<1x1x16xf32> to vector<16xf32>
        %mul3A_500 = arith.constant 1.200000e+01 : f32
        %mul3A_501 = vector.broadcast %mul3A_500 : f32 to vector<16xf32>
        %mul3A_502 = arith.mulf %get3A_499, %mul3A_501 : vector<16xf32>
        %mul3A_503 = arith.constant 4 : i32
        %mul3A_504 = arith.muli %scan3A_347, %mul3A_503 : i32
        %add3A_505 = arith.constant 1 : i32
        %add3A_506 = arith.addi %mul3A_504, %add3A_505 : i32
        %swap3A_507 = arith.constant 0 : i32
        %swap3A_508 = arith.index_cast %swap3A_507 : i32 to index
        %swap3A_509 = arith.index_cast %add3A_506 : i32 to index
        %swap3A_510 = arith.constant 32 : index
        %swap3A_511 = tpu.vector_load %arg7[%swap3A_508, %swap3A_509, %swap3A_510] {strides = array<i32>} : memref<4x128x64xf32, #tpu.memory_space<vmem>>, vector<1x1x16xf32>,
        %swap3A_512 = vector.shape_cast %swap3A_511 : vector<1x1x16xf32> to vector<16xf32>
        %swap3A_513 = vector.shape_cast %mul3A_502 : vector<16xf32> to vector<1x1x16xf32>
        tpu.vector_store %arg7[%swap3A_508, %swap3A_509, %swap3A_510], %swap3A_513 {strides = array<i32>} : memref<4x128x64xf32, #tpu.memory_space<vmem>>, vector<1x1x16xf32>,
        %mul3A_514 = arith.constant 4 : i32
        %mul3A_515 = arith.muli %scan3A_347, %mul3A_514 : i32
        %add3A_516 = arith.constant 1 : i32
        %add3A_517 = arith.addi %mul3A_515, %add3A_516 : i32
        %get3A_518 = arith.constant 0 : i32
        %get3A_519 = arith.index_cast %get3A_518 : i32 to index
        %get3A_520 = arith.index_cast %add3A_517 : i32 to index
        %get3A_521 = arith.constant 48 : index
        %get3A_522 = tpu.vector_load %arg6[%get3A_519, %get3A_520, %get3A_521] {strides = array<i32>} : memref<4x128x64xf32, #tpu.memory_space<vmem>>, vector<1x1x16xf32>,
        %get3A_523 = vector.shape_cast %get3A_522 : vector<1x1x16xf32> to vector<16xf32>
        %mul3A_524 = arith.constant 1.200000e+01 : f32
        %mul3A_525 = vector.broadcast %mul3A_524 : f32 to vector<16xf32>
        %mul3A_526 = arith.mulf %get3A_523, %mul3A_525 : vector<16xf32>
        %mul3A_527 = arith.constant 4 : i32
        %mul3A_528 = arith.muli %scan3A_347, %mul3A_527 : i32
        %add3A_529 = arith.constant 1 : i32
        %add3A_530 = arith.addi %mul3A_528, %add3A_529 : i32
        %swap3A_531 = arith.constant 0 : i32
        %swap3A_532 = arith.index_cast %swap3A_531 : i32 to index
        %swap3A_533 = arith.index_cast %add3A_530 : i32 to index
        %swap3A_534 = arith.constant 48 : index
        %swap3A_535 = tpu.vector_load %arg7[%swap3A_532, %swap3A_533, %swap3A_534] {strides = array<i32>} : memref<4x128x64xf32, #tpu.memory_space<vmem>>, vector<1x1x16xf32>,
        %swap3A_536 = vector.shape_cast %swap3A_535 : vector<1x1x16xf32> to vector<16xf32>
        %swap3A_537 = vector.shape_cast %mul3A_526 : vector<16xf32> to vector<1x1x16xf32>
        tpu.vector_store %arg7[%swap3A_532, %swap3A_533, %swap3A_534], %swap3A_537 {strides = array<i32>} : memref<4x128x64xf32, #tpu.memory_space<vmem>>, vector<1x1x16xf32>,
        %mul3A_538 = arith.constant 4 : i32
        %mul3A_539 = arith.muli %scan3A_347, %mul3A_538 : i32
        %add3A_540 = arith.constant 2 : i32
        %add3A_541 = arith.addi %mul3A_539, %add3A_540 : i32
        %get3A_542 = arith.constant 0 : i32
        %get3A_543 = arith.index_cast %get3A_542 : i32 to index
        %get3A_544 = arith.index_cast %add3A_541 : i32 to index
        %get3A_545 = arith.constant 0 : index
        %get3A_546 = tpu.vector_load %arg6[%get3A_543, %get3A_544, %get3A_545] {strides = array<i32>} : memref<4x128x64xf32, #tpu.memory_space<vmem>>, vector<1x1x16xf32>,
        %get3A_547 = vector.shape_cast %get3A_546 : vector<1x1x16xf32> to vector<16xf32>
        %mul3A_548 = arith.constant 1.200000e+01 : f32
        %mul3A_549 = vector.broadcast %mul3A_548 : f32 to vector<16xf32>
        %mul3A_550 = arith.mulf %get3A_547, %mul3A_549 : vector<16xf32>
        %mul3A_551 = arith.constant 4 : i32
        %mul3A_552 = arith.muli %scan3A_347, %mul3A_551 : i32
        %add3A_553 = arith.constant 2 : i32
        %add3A_554 = arith.addi %mul3A_552, %add3A_553 : i32
        %swap3A_555 = arith.constant 0 : i32
        %swap3A_556 = arith.index_cast %swap3A_555 : i32 to index
        %swap3A_557 = arith.index_cast %add3A_554 : i32 to index
        %swap3A_558 = arith.constant 0 : index
        %swap3A_559 = tpu.vector_load %arg7[%swap3A_556, %swap3A_557, %swap3A_558] {strides = array<i32>} : memref<4x128x64xf32, #tpu.memory_space<vmem>>, vector<1x1x16xf32>,
        %swap3A_560 = vector.shape_cast %swap3A_559 : vector<1x1x16xf32> to vector<16xf32>
        %swap3A_561 = vector.shape_cast %mul3A_550 : vector<16xf32> to vector<1x1x16xf32>
        tpu.vector_store %arg7[%swap3A_556, %swap3A_557, %swap3A_558], %swap3A_561 {strides = array<i32>} : memref<4x128x64xf32, #tpu.memory_space<vmem>>, vector<1x1x16xf32>,
        %mul3A_562 = arith.constant 4 : i32
        %mul3A_563 = arith.muli %scan3A_347, %mul3A_562 : i32
        %add3A_564 = arith.constant 2 : i32
        %add3A_565 = arith.addi %mul3A_563, %add3A_564 : i32
        %get3A_566 = arith.constant 0 : i32
        %get3A_567 = arith.index_cast %get3A_566 : i32 to index
        %get3A_568 = arith.index_cast %add3A_565 : i32 to index
        %get3A_569 = arith.constant 16 : index
        %get3A_570 = tpu.vector_load %arg6[%get3A_567, %get3A_568, %get3A_569] {strides = array<i32>} : memref<4x128x64xf32, #tpu.memory_space<vmem>>, vector<1x1x16xf32>,
        %get3A_571 = vector.shape_cast %get3A_570 : vector<1x1x16xf32> to vector<16xf32>
        %mul3A_572 = arith.constant 1.200000e+01 : f32
        %mul3A_573 = vector.broadcast %mul3A_572 : f32 to vector<16xf32>
        %mul3A_574 = arith.mulf %get3A_571, %mul3A_573 : vector<16xf32>
        %mul3A_575 = arith.constant 4 : i32
        %mul3A_576 = arith.muli %scan3A_347, %mul3A_575 : i32
        %add3A_577 = arith.constant 2 : i32
        %add3A_578 = arith.addi %mul3A_576, %add3A_577 : i32
        %swap3A_579 = arith.constant 0 : i32
        %swap3A_580 = arith.index_cast %swap3A_579 : i32 to index
        %swap3A_581 = arith.index_cast %add3A_578 : i32 to index
        %swap3A_582 = arith.constant 16 : index
        %swap3A_583 = tpu.vector_load %arg7[%swap3A_580, %swap3A_581, %swap3A_582] {strides = array<i32>} : memref<4x128x64xf32, #tpu.memory_space<vmem>>, vector<1x1x16xf32>,
        %swap3A_584 = vector.shape_cast %swap3A_583 : vector<1x1x16xf32> to vector<16xf32>
        %swap3A_585 = vector.shape_cast %mul3A_574 : vector<16xf32> to vector<1x1x16xf32>
        tpu.vector_store %arg7[%swap3A_580, %swap3A_581, %swap3A_582], %swap3A_585 {strides = array<i32>} : memref<4x128x64xf32, #tpu.memory_space<vmem>>, vector<1x1x16xf32>,
        %mul3A_586 = arith.constant 4 : i32
        %mul3A_587 = arith.muli %scan3A_347, %mul3A_586 : i32
        %add3A_588 = arith.constant 2 : i32
        %add3A_589 = arith.addi %mul3A_587, %add3A_588 : i32
        %get3A_590 = arith.constant 0 : i32
        %get3A_591 = arith.index_cast %get3A_590 : i32 to index
        %get3A_592 = arith.index_cast %add3A_589 : i32 to index
        %get3A_593 = arith.constant 32 : index
        %get3A_594 = tpu.vector_load %arg6[%get3A_591, %get3A_592, %get3A_593] {strides = array<i32>} : memref<4x128x64xf32, #tpu.memory_space<vmem>>, vector<1x1x16xf32>,
        %get3A_595 = vector.shape_cast %get3A_594 : vector<1x1x16xf32> to vector<16xf32>
        %mul3A_596 = arith.constant 1.200000e+01 : f32
        %mul3A_597 = vector.broadcast %mul3A_596 : f32 to vector<16xf32>
        %mul3A_598 = arith.mulf %get3A_595, %mul3A_597 : vector<16xf32>
        %mul3A_599 = arith.constant 4 : i32
        %mul3A_600 = arith.muli %scan3A_347, %mul3A_599 : i32
        %add3A_601 = arith.constant 2 : i32
        %add3A_602 = arith.addi %mul3A_600, %add3A_601 : i32
        %swap3A_603 = arith.constant 0 : i32
        %swap3A_604 = arith.index_cast %swap3A_603 : i32 to index
        %swap3A_605 = arith.index_cast %add3A_602 : i32 to index
        %swap3A_606 = arith.constant 32 : index
        %swap3A_607 = tpu.vector_load %arg7[%swap3A_604, %swap3A_605, %swap3A_606] {strides = array<i32>} : memref<4x128x64xf32, #tpu.memory_space<vmem>>, vector<1x1x16xf32>,
        %swap3A_608 = vector.shape_cast %swap3A_607 : vector<1x1x16xf32> to vector<16xf32>
        %swap3A_609 = vector.shape_cast %mul3A_598 : vector<16xf32> to vector<1x1x16xf32>
        tpu.vector_store %arg7[%swap3A_604, %swap3A_605, %swap3A_606], %swap3A_609 {strides = array<i32>} : memref<4x128x64xf32, #tpu.memory_space<vmem>>, vector<1x1x16xf32>,
        %mul3A_610 = arith.constant 4 : i32
        %mul3A_611 = arith.muli %scan3A_347, %mul3A_610 : i32
        %add3A_612 = arith.constant 2 : i32
        %add3A_613 = arith.addi %mul3A_611, %add3A_612 : i32
        %get3A_614 = arith.constant 0 : i32
        %get3A_615 = arith.index_cast %get3A_614 : i32 to index
        %get3A_616 = arith.index_cast %add3A_613 : i32 to index
        %get3A_617 = arith.constant 48 : index
        %get3A_618 = tpu.vector_load %arg6[%get3A_615, %get3A_616, %get3A_617] {strides = array<i32>} : memref<4x128x64xf32, #tpu.memory_space<vmem>>, vector<1x1x16xf32>,
        %get3A_619 = vector.shape_cast %get3A_618 : vector<1x1x16xf32> to vector<16xf32>
        %mul3A_620 = arith.constant 1.200000e+01 : f32
        %mul3A_621 = vector.broadcast %mul3A_620 : f32 to vector<16xf32>
        %mul3A_622 = arith.mulf %get3A_619, %mul3A_621 : vector<16xf32>
        %mul3A_623 = arith.constant 4 : i32
        %mul3A_624 = arith.muli %scan3A_347, %mul3A_623 : i32
        %add3A_625 = arith.constant 2 : i32
        %add3A_626 = arith.addi %mul3A_624, %add3A_625 : i32
        %swap3A_627 = arith.constant 0 : i32
        %swap3A_628 = arith.index_cast %swap3A_627 : i32 to index
        %swap3A_629 = arith.index_cast %add3A_626 : i32 to index
        %swap3A_630 = arith.constant 48 : index
        %swap3A_631 = tpu.vector_load %arg7[%swap3A_628, %swap3A_629, %swap3A_630] {strides = array<i32>} : memref<4x128x64xf32, #tpu.memory_space<vmem>>, vector<1x1x16xf32>,
        %swap3A_632 = vector.shape_cast %swap3A_631 : vector<1x1x16xf32> to vector<16xf32>
        %swap3A_633 = vector.shape_cast %mul3A_622 : vector<16xf32> to vector<1x1x16xf32>
        tpu.vector_store %arg7[%swap3A_628, %swap3A_629, %swap3A_630], %swap3A_633 {strides = array<i32>} : memref<4x128x64xf32, #tpu.memory_space<vmem>>, vector<1x1x16xf32>,
        %mul3A_634 = arith.constant 4 : i32
        %mul3A_635 = arith.muli %scan3A_347, %mul3A_634 : i32
        %add3A_636 = arith.constant 3 : i32
        %add3A_637 = arith.addi %mul3A_635, %add3A_636 : i32
        %get3A_638 = arith.constant 0 : i32
        %get3A_639 = arith.index_cast %get3A_638 : i32 to index
        %get3A_640 = arith.index_cast %add3A_637 : i32 to index
        %get3A_641 = arith.constant 0 : index
        %get3A_642 = tpu.vector_load %arg6[%get3A_639, %get3A_640, %get3A_641] {strides = array<i32>} : memref<4x128x64xf32, #tpu.memory_space<vmem>>, vector<1x1x16xf32>,
        %get3A_643 = vector.shape_cast %get3A_642 : vector<1x1x16xf32> to vector<16xf32>
        %mul3A_644 = arith.constant 1.200000e+01 : f32
        %mul3A_645 = vector.broadcast %mul3A_644 : f32 to vector<16xf32>
        %mul3A_646 = arith.mulf %get3A_643, %mul3A_645 : vector<16xf32>
        %mul3A_647 = arith.constant 4 : i32
        %mul3A_648 = arith.muli %scan3A_347, %mul3A_647 : i32
        %add3A_649 = arith.constant 3 : i32
        %add3A_650 = arith.addi %mul3A_648, %add3A_649 : i32
        %swap3A_651 = arith.constant 0 : i32
        %swap3A_652 = arith.index_cast %swap3A_651 : i32 to index
        %swap3A_653 = arith.index_cast %add3A_650 : i32 to index
        %swap3A_654 = arith.constant 0 : index
        %swap3A_655 = tpu.vector_load %arg7[%swap3A_652, %swap3A_653, %swap3A_654] {strides = array<i32>} : memref<4x128x64xf32, #tpu.memory_space<vmem>>, vector<1x1x16xf32>,
        %swap3A_656 = vector.shape_cast %swap3A_655 : vector<1x1x16xf32> to vector<16xf32>
        %swap3A_657 = vector.shape_cast %mul3A_646 : vector<16xf32> to vector<1x1x16xf32>
        tpu.vector_store %arg7[%swap3A_652, %swap3A_653, %swap3A_654], %swap3A_657 {strides = array<i32>} : memref<4x128x64xf32, #tpu.memory_space<vmem>>, vector<1x1x16xf32>,
        %mul3A_658 = arith.constant 4 : i32
        %mul3A_659 = arith.muli %scan3A_347, %mul3A_658 : i32
        %add3A_660 = arith.constant 3 : i32
        %add3A_661 = arith.addi %mul3A_659, %add3A_660 : i32
        %get3A_662 = arith.constant 0 : i32
        %get3A_663 = arith.index_cast %get3A_662 : i32 to index
        %get3A_664 = arith.index_cast %add3A_661 : i32 to index
        %get3A_665 = arith.constant 16 : index
        %get3A_666 = tpu.vector_load %arg6[%get3A_663, %get3A_664, %get3A_665] {strides = array<i32>} : memref<4x128x64xf32, #tpu.memory_space<vmem>>, vector<1x1x16xf32>,
        %get3A_667 = vector.shape_cast %get3A_666 : vector<1x1x16xf32> to vector<16xf32>
        %mul3A_668 = arith.constant 1.200000e+01 : f32
        %mul3A_669 = vector.broadcast %mul3A_668 : f32 to vector<16xf32>
        %mul3A_670 = arith.mulf %get3A_667, %mul3A_669 : vector<16xf32>
        %mul3A_671 = arith.constant 4 : i32
        %mul3A_672 = arith.muli %scan3A_347, %mul3A_671 : i32
        %add3A_673 = arith.constant 3 : i32
        %add3A_674 = arith.addi %mul3A_672, %add3A_673 : i32
        %swap3A_675 = arith.constant 0 : i32
        %swap3A_676 = arith.index_cast %swap3A_675 : i32 to index
        %swap3A_677 = arith.index_cast %add3A_674 : i32 to index
        %swap3A_678 = arith.constant 16 : index
        %swap3A_679 = tpu.vector_load %arg7[%swap3A_676, %swap3A_677, %swap3A_678] {strides = array<i32>} : memref<4x128x64xf32, #tpu.memory_space<vmem>>, vector<1x1x16xf32>,
        %swap3A_680 = vector.shape_cast %swap3A_679 : vector<1x1x16xf32> to vector<16xf32>
        %swap3A_681 = vector.shape_cast %mul3A_670 : vector<16xf32> to vector<1x1x16xf32>
        tpu.vector_store %arg7[%swap3A_676, %swap3A_677, %swap3A_678], %swap3A_681 {strides = array<i32>} : memref<4x128x64xf32, #tpu.memory_space<vmem>>, vector<1x1x16xf32>,
        %mul3A_682 = arith.constant 4 : i32
        %mul3A_683 = arith.muli %scan3A_347, %mul3A_682 : i32
        %add3A_684 = arith.constant 3 : i32
        %add3A_685 = arith.addi %mul3A_683, %add3A_684 : i32
        %get3A_686 = arith.constant 0 : i32
        %get3A_687 = arith.index_cast %get3A_686 : i32 to index
        %get3A_688 = arith.index_cast %add3A_685 : i32 to index
        %get3A_689 = arith.constant 32 : index
        %get3A_690 = tpu.vector_load %arg6[%get3A_687, %get3A_688, %get3A_689] {strides = array<i32>} : memref<4x128x64xf32, #tpu.memory_space<vmem>>, vector<1x1x16xf32>,
        %get3A_691 = vector.shape_cast %get3A_690 : vector<1x1x16xf32> to vector<16xf32>
        %mul3A_692 = arith.constant 1.200000e+01 : f32
        %mul3A_693 = vector.broadcast %mul3A_692 : f32 to vector<16xf32>
        %mul3A_694 = arith.mulf %get3A_691, %mul3A_693 : vector<16xf32>
        %mul3A_695 = arith.constant 4 : i32
        %mul3A_696 = arith.muli %scan3A_347, %mul3A_695 : i32
        %add3A_697 = arith.constant 3 : i32
        %add3A_698 = arith.addi %mul3A_696, %add3A_697 : i32
        %swap3A_699 = arith.constant 0 : i32
        %swap3A_700 = arith.index_cast %swap3A_699 : i32 to index
        %swap3A_701 = arith.index_cast %add3A_698 : i32 to index
        %swap3A_702 = arith.constant 32 : index
        %swap3A_703 = tpu.vector_load %arg7[%swap3A_700, %swap3A_701, %swap3A_702] {strides = array<i32>} : memref<4x128x64xf32, #tpu.memory_space<vmem>>, vector<1x1x16xf32>,
        %swap3A_704 = vector.shape_cast %swap3A_703 : vector<1x1x16xf32> to vector<16xf32>
        %swap3A_705 = vector.shape_cast %mul3A_694 : vector<16xf32> to vector<1x1x16xf32>
        tpu.vector_store %arg7[%swap3A_700, %swap3A_701, %swap3A_702], %swap3A_705 {strides = array<i32>} : memref<4x128x64xf32, #tpu.memory_space<vmem>>, vector<1x1x16xf32>,
        %mul3A_706 = arith.constant 4 : i32
        %mul3A_707 = arith.muli %scan3A_347, %mul3A_706 : i32
        %add3A_708 = arith.constant 3 : i32
        %add3A_709 = arith.addi %mul3A_707, %add3A_708 : i32
        %get3A_710 = arith.constant 0 : i32
        %get3A_711 = arith.index_cast %get3A_710 : i32 to index
        %get3A_712 = arith.index_cast %add3A_709 : i32 to index
        %get3A_713 = arith.constant 48 : index
        %get3A_714 = tpu.vector_load %arg6[%get3A_711, %get3A_712, %get3A_713] {strides = array<i32>} : memref<4x128x64xf32, #tpu.memory_space<vmem>>, vector<1x1x16xf32>,
        %get3A_715 = vector.shape_cast %get3A_714 : vector<1x1x16xf32> to vector<16xf32>
        %mul3A_716 = arith.constant 1.200000e+01 : f32
        %mul3A_717 = vector.broadcast %mul3A_716 : f32 to vector<16xf32>
        %mul3A_718 = arith.mulf %get3A_715, %mul3A_717 : vector<16xf32>
        %mul3A_719 = arith.constant 4 : i32
        %mul3A_720 = arith.muli %scan3A_347, %mul3A_719 : i32
        %add3A_721 = arith.constant 3 : i32
        %add3A_722 = arith.addi %mul3A_720, %add3A_721 : i32
        %swap3A_723 = arith.constant 0 : i32
        %swap3A_724 = arith.index_cast %swap3A_723 : i32 to index
        %swap3A_725 = arith.index_cast %add3A_722 : i32 to index
        %swap3A_726 = arith.constant 48 : index
        %swap3A_727 = tpu.vector_load %arg7[%swap3A_724, %swap3A_725, %swap3A_726] {strides = array<i32>} : memref<4x128x64xf32, #tpu.memory_space<vmem>>, vector<1x1x16xf32>,
        %swap3A_728 = vector.shape_cast %swap3A_727 : vector<1x1x16xf32> to vector<16xf32>
        %swap3A_729 = vector.shape_cast %mul3A_718 : vector<16xf32> to vector<1x1x16xf32>
        tpu.vector_store %arg7[%swap3A_724, %swap3A_725, %swap3A_726], %swap3A_729 {strides = array<i32>} : memref<4x128x64xf32, #tpu.memory_space<vmem>>, vector<1x1x16xf32>,
        %scan3A_730 = arith.constant 1 : i32
        %scan3A_731 = arith.addi %scan3A_347, %scan3A_730 : i32
        %mul3A_732 = arith.constant 4 : i32
        %mul3A_733 = arith.muli %scan3A_731, %mul3A_732 : i32
        %add3A_734 = arith.constant 0 : i32
        %add3A_735 = arith.addi %mul3A_733, %add3A_734 : i32
        %get3A_736 = arith.constant 0 : i32
        %get3A_737 = arith.index_cast %get3A_736 : i32 to index
        %get3A_738 = arith.index_cast %add3A_735 : i32 to index
        %get3A_739 = arith.constant 0 : index
        %get3A_740 = tpu.vector_load %arg6[%get3A_737, %get3A_738, %get3A_739] {strides = array<i32>} : memref<4x128x64xf32, #tpu.memory_space<vmem>>, vector<1x1x16xf32>,
        %get3A_741 = vector.shape_cast %get3A_740 : vector<1x1x16xf32> to vector<16xf32>
        %mul3A_742 = arith.constant 1.200000e+01 : f32
        %mul3A_743 = vector.broadcast %mul3A_742 : f32 to vector<16xf32>
        %mul3A_744 = arith.mulf %get3A_741, %mul3A_743 : vector<16xf32>
        %mul3A_745 = arith.constant 4 : i32
        %mul3A_746 = arith.muli %scan3A_731, %mul3A_745 : i32
        %add3A_747 = arith.constant 0 : i32
        %add3A_748 = arith.addi %mul3A_746, %add3A_747 : i32
        %swap3A_749 = arith.constant 0 : i32
        %swap3A_750 = arith.index_cast %swap3A_749 : i32 to index
        %swap3A_751 = arith.index_cast %add3A_748 : i32 to index
        %swap3A_752 = arith.constant 0 : index
        %swap3A_753 = tpu.vector_load %arg7[%swap3A_750, %swap3A_751, %swap3A_752] {strides = array<i32>} : memref<4x128x64xf32, #tpu.memory_space<vmem>>, vector<1x1x16xf32>,
        %swap3A_754 = vector.shape_cast %swap3A_753 : vector<1x1x16xf32> to vector<16xf32>
        %swap3A_755 = vector.shape_cast %mul3A_744 : vector<16xf32> to vector<1x1x16xf32>
        tpu.vector_store %arg7[%swap3A_750, %swap3A_751, %swap3A_752], %swap3A_755 {strides = array<i32>} : memref<4x128x64xf32, #tpu.memory_space<vmem>>, vector<1x1x16xf32>,
        %mul3A_756 = arith.constant 4 : i32
        %mul3A_757 = arith.muli %scan3A_731, %mul3A_756 : i32
        %add3A_758 = arith.constant 0 : i32
        %add3A_759 = arith.addi %mul3A_757, %add3A_758 : i32
        %get3A_760 = arith.constant 0 : i32
        %get3A_761 = arith.index_cast %get3A_760 : i32 to index
        %get3A_762 = arith.index_cast %add3A_759 : i32 to index
        %get3A_763 = arith.constant 16 : index
        %get3A_764 = tpu.vector_load %arg6[%get3A_761, %get3A_762, %get3A_763] {strides = array<i32>} : memref<4x128x64xf32, #tpu.memory_space<vmem>>, vector<1x1x16xf32>,
        %get3A_765 = vector.shape_cast %get3A_764 : vector<1x1x16xf32> to vector<16xf32>
        %mul3A_766 = arith.constant 1.200000e+01 : f32
        %mul3A_767 = vector.broadcast %mul3A_766 : f32 to vector<16xf32>
        %mul3A_768 = arith.mulf %get3A_765, %mul3A_767 : vector<16xf32>
        %mul3A_769 = arith.constant 4 : i32
        %mul3A_770 = arith.muli %scan3A_731, %mul3A_769 : i32
        %add3A_771 = arith.constant 0 : i32
        %add3A_772 = arith.addi %mul3A_770, %add3A_771 : i32
        %swap3A_773 = arith.constant 0 : i32
        %swap3A_774 = arith.index_cast %swap3A_773 : i32 to index
        %swap3A_775 = arith.index_cast %add3A_772 : i32 to index
        %swap3A_776 = arith.constant 16 : index
        %swap3A_777 = tpu.vector_load %arg7[%swap3A_774, %swap3A_775, %swap3A_776] {strides = array<i32>} : memref<4x128x64xf32, #tpu.memory_space<vmem>>, vector<1x1x16xf32>,
        %swap3A_778 = vector.shape_cast %swap3A_777 : vector<1x1x16xf32> to vector<16xf32>
        %swap3A_779 = vector.shape_cast %mul3A_768 : vector<16xf32> to vector<1x1x16xf32>
        tpu.vector_store %arg7[%swap3A_774, %swap3A_775, %swap3A_776], %swap3A_779 {strides = array<i32>} : memref<4x128x64xf32, #tpu.memory_space<vmem>>, vector<1x1x16xf32>,
        %mul3A_780 = arith.constant 4 : i32
        %mul3A_781 = arith.muli %scan3A_731, %mul3A_780 : i32
        %add3A_782 = arith.constant 0 : i32
        %add3A_783 = arith.addi %mul3A_781, %add3A_782 : i32
        %get3A_784 = arith.constant 0 : i32
        %get3A_785 = arith.index_cast %get3A_784 : i32 to index
        %get3A_786 = arith.index_cast %add3A_783 : i32 to index
        %get3A_787 = arith.constant 32 : index
        %get3A_788 = tpu.vector_load %arg6[%get3A_785, %get3A_786, %get3A_787] {strides = array<i32>} : memref<4x128x64xf32, #tpu.memory_space<vmem>>, vector<1x1x16xf32>,
        %get3A_789 = vector.shape_cast %get3A_788 : vector<1x1x16xf32> to vector<16xf32>
        %mul3A_790 = arith.constant 1.200000e+01 : f32
        %mul3A_791 = vector.broadcast %mul3A_790 : f32 to vector<16xf32>
        %mul3A_792 = arith.mulf %get3A_789, %mul3A_791 : vector<16xf32>
        %mul3A_793 = arith.constant 4 : i32
        %mul3A_794 = arith.muli %scan3A_731, %mul3A_793 : i32
        %add3A_795 = arith.constant 0 : i32
        %add3A_796 = arith.addi %mul3A_794, %add3A_795 : i32
        %swap3A_797 = arith.constant 0 : i32
        %swap3A_798 = arith.index_cast %swap3A_797 : i32 to index
        %swap3A_799 = arith.index_cast %add3A_796 : i32 to index
        %swap3A_800 = arith.constant 32 : index
        %swap3A_801 = tpu.vector_load %arg7[%swap3A_798, %swap3A_799, %swap3A_800] {strides = array<i32>} : memref<4x128x64xf32, #tpu.memory_space<vmem>>, vector<1x1x16xf32>,
        %swap3A_802 = vector.shape_cast %swap3A_801 : vector<1x1x16xf32> to vector<16xf32>
        %swap3A_803 = vector.shape_cast %mul3A_792 : vector<16xf32> to vector<1x1x16xf32>
        tpu.vector_store %arg7[%swap3A_798, %swap3A_799, %swap3A_800], %swap3A_803 {strides = array<i32>} : memref<4x128x64xf32, #tpu.memory_space<vmem>>, vector<1x1x16xf32>,
        %mul3A_804 = arith.constant 4 : i32
        %mul3A_805 = arith.muli %scan3A_731, %mul3A_804 : i32
        %add3A_806 = arith.constant 0 : i32
        %add3A_807 = arith.addi %mul3A_805, %add3A_806 : i32
        %get3A_808 = arith.constant 0 : i32
        %get3A_809 = arith.index_cast %get3A_808 : i32 to index
        %get3A_810 = arith.index_cast %add3A_807 : i32 to index
        %get3A_811 = arith.constant 48 : index
        %get3A_812 = tpu.vector_load %arg6[%get3A_809, %get3A_810, %get3A_811] {strides = array<i32>} : memref<4x128x64xf32, #tpu.memory_space<vmem>>, vector<1x1x16xf32>,
        %get3A_813 = vector.shape_cast %get3A_812 : vector<1x1x16xf32> to vector<16xf32>
        %mul3A_814 = arith.constant 1.200000e+01 : f32
        %mul3A_815 = vector.broadcast %mul3A_814 : f32 to vector<16xf32>
        %mul3A_816 = arith.mulf %get3A_813, %mul3A_815 : vector<16xf32>
        %mul3A_817 = arith.constant 4 : i32
        %mul3A_818 = arith.muli %scan3A_731, %mul3A_817 : i32
        %add3A_819 = arith.constant 0 : i32
        %add3A_820 = arith.addi %mul3A_818, %add3A_819 : i32
        %swap3A_821 = arith.constant 0 : i32
        %swap3A_822 = arith.index_cast %swap3A_821 : i32 to index
        %swap3A_823 = arith.index_cast %add3A_820 : i32 to index
        %swap3A_824 = arith.constant 48 : index
        %swap3A_825 = tpu.vector_load %arg7[%swap3A_822, %swap3A_823, %swap3A_824] {strides = array<i32>} : memref<4x128x64xf32, #tpu.memory_space<vmem>>, vector<1x1x16xf32>,
        %swap3A_826 = vector.shape_cast %swap3A_825 : vector<1x1x16xf32> to vector<16xf32>
        %swap3A_827 = vector.shape_cast %mul3A_816 : vector<16xf32> to vector<1x1x16xf32>
        tpu.vector_store %arg7[%swap3A_822, %swap3A_823, %swap3A_824], %swap3A_827 {strides = array<i32>} : memref<4x128x64xf32, #tpu.memory_space<vmem>>, vector<1x1x16xf32>,
        %mul3A_828 = arith.constant 4 : i32
        %mul3A_829 = arith.muli %scan3A_731, %mul3A_828 : i32
        %add3A_830 = arith.constant 1 : i32
        %add3A_831 = arith.addi %mul3A_829, %add3A_830 : i32
        %get3A_832 = arith.constant 0 : i32
        %get3A_833 = arith.index_cast %get3A_832 : i32 to index
        %get3A_834 = arith.index_cast %add3A_831 : i32 to index
        %get3A_835 = arith.constant 0 : index
        %get3A_836 = tpu.vector_load %arg6[%get3A_833, %get3A_834, %get3A_835] {strides = array<i32>} : memref<4x128x64xf32, #tpu.memory_space<vmem>>, vector<1x1x16xf32>,
        %get3A_837 = vector.shape_cast %get3A_836 : vector<1x1x16xf32> to vector<16xf32>
        %mul3A_838 = arith.constant 1.200000e+01 : f32
        %mul3A_839 = vector.broadcast %mul3A_838 : f32 to vector<16xf32>
        %mul3A_840 = arith.mulf %get3A_837, %mul3A_839 : vector<16xf32>
        %mul3A_841 = arith.constant 4 : i32
        %mul3A_842 = arith.muli %scan3A_731, %mul3A_841 : i32
        %add3A_843 = arith.constant 1 : i32
        %add3A_844 = arith.addi %mul3A_842, %add3A_843 : i32
        %swap3A_845 = arith.constant 0 : i32
        %swap3A_846 = arith.index_cast %swap3A_845 : i32 to index
        %swap3A_847 = arith.index_cast %add3A_844 : i32 to index
        %swap3A_848 = arith.constant 0 : index
        %swap3A_849 = tpu.vector_load %arg7[%swap3A_846, %swap3A_847, %swap3A_848] {strides = array<i32>} : memref<4x128x64xf32, #tpu.memory_space<vmem>>, vector<1x1x16xf32>,
        %swap3A_850 = vector.shape_cast %swap3A_849 : vector<1x1x16xf32> to vector<16xf32>
        %swap3A_851 = vector.shape_cast %mul3A_840 : vector<16xf32> to vector<1x1x16xf32>
        tpu.vector_store %arg7[%swap3A_846, %swap3A_847, %swap3A_848], %swap3A_851 {strides = array<i32>} : memref<4x128x64xf32, #tpu.memory_space<vmem>>, vector<1x1x16xf32>,
        %mul3A_852 = arith.constant 4 : i32
        %mul3A_853 = arith.muli %scan3A_731, %mul3A_852 : i32
        %add3A_854 = arith.constant 1 : i32
        %add3A_855 = arith.addi %mul3A_853, %add3A_854 : i32
        %get3A_856 = arith.constant 0 : i32
        %get3A_857 = arith.index_cast %get3A_856 : i32 to index
        %get3A_858 = arith.index_cast %add3A_855 : i32 to index
        %get3A_859 = arith.constant 16 : index
        %get3A_860 = tpu.vector_load %arg6[%get3A_857, %get3A_858, %get3A_859] {strides = array<i32>} : memref<4x128x64xf32, #tpu.memory_space<vmem>>, vector<1x1x16xf32>,
        %get3A_861 = vector.shape_cast %get3A_860 : vector<1x1x16xf32> to vector<16xf32>
        %mul3A_862 = arith.constant 1.200000e+01 : f32
        %mul3A_863 = vector.broadcast %mul3A_862 : f32 to vector<16xf32>
        %mul3A_864 = arith.mulf %get3A_861, %mul3A_863 : vector<16xf32>
        %mul3A_865 = arith.constant 4 : i32
        %mul3A_866 = arith.muli %scan3A_731, %mul3A_865 : i32
        %add3A_867 = arith.constant 1 : i32
        %add3A_868 = arith.addi %mul3A_866, %add3A_867 : i32
        %swap3A_869 = arith.constant 0 : i32
        %swap3A_870 = arith.index_cast %swap3A_869 : i32 to index
        %swap3A_871 = arith.index_cast %add3A_868 : i32 to index
        %swap3A_872 = arith.constant 16 : index
        %swap3A_873 = tpu.vector_load %arg7[%swap3A_870, %swap3A_871, %swap3A_872] {strides = array<i32>} : memref<4x128x64xf32, #tpu.memory_space<vmem>>, vector<1x1x16xf32>,
        %swap3A_874 = vector.shape_cast %swap3A_873 : vector<1x1x16xf32> to vector<16xf32>
        %swap3A_875 = vector.shape_cast %mul3A_864 : vector<16xf32> to vector<1x1x16xf32>
        tpu.vector_store %arg7[%swap3A_870, %swap3A_871, %swap3A_872], %swap3A_875 {strides = array<i32>} : memref<4x128x64xf32, #tpu.memory_space<vmem>>, vector<1x1x16xf32>,
        %mul3A_876 = arith.constant 4 : i32
        %mul3A_877 = arith.muli %scan3A_731, %mul3A_876 : i32
        %add3A_878 = arith.constant 1 : i32
        %add3A_879 = arith.addi %mul3A_877, %add3A_878 : i32
        %get3A_880 = arith.constant 0 : i32
        %get3A_881 = arith.index_cast %get3A_880 : i32 to index
        %get3A_882 = arith.index_cast %add3A_879 : i32 to index
        %get3A_883 = arith.constant 32 : index
        %get3A_884 = tpu.vector_load %arg6[%get3A_881, %get3A_882, %get3A_883] {strides = array<i32>} : memref<4x128x64xf32, #tpu.memory_space<vmem>>, vector<1x1x16xf32>,
        %get3A_885 = vector.shape_cast %get3A_884 : vector<1x1x16xf32> to vector<16xf32>
        %mul3A_886 = arith.constant 1.200000e+01 : f32
        %mul3A_887 = vector.broadcast %mul3A_886 : f32 to vector<16xf32>
        %mul3A_888 = arith.mulf %get3A_885, %mul3A_887 : vector<16xf32>
        %mul3A_889 = arith.constant 4 : i32
        %mul3A_890 = arith.muli %scan3A_731, %mul3A_889 : i32
        %add3A_891 = arith.constant 1 : i32
        %add3A_892 = arith.addi %mul3A_890, %add3A_891 : i32
        %swap3A_893 = arith.constant 0 : i32
        %swap3A_894 = arith.index_cast %swap3A_893 : i32 to index
        %swap3A_895 = arith.index_cast %add3A_892 : i32 to index
        %swap3A_896 = arith.constant 32 : index
        %swap3A_897 = tpu.vector_load %arg7[%swap3A_894, %swap3A_895, %swap3A_896] {strides = array<i32>} : memref<4x128x64xf32, #tpu.memory_space<vmem>>, vector<1x1x16xf32>,
        %swap3A_898 = vector.shape_cast %swap3A_897 : vector<1x1x16xf32> to vector<16xf32>
        %swap3A_899 = vector.shape_cast %mul3A_888 : vector<16xf32> to vector<1x1x16xf32>
        tpu.vector_store %arg7[%swap3A_894, %swap3A_895, %swap3A_896], %swap3A_899 {strides = array<i32>} : memref<4x128x64xf32, #tpu.memory_space<vmem>>, vector<1x1x16xf32>,
        %mul3A_900 = arith.constant 4 : i32
        %mul3A_901 = arith.muli %scan3A_731, %mul3A_900 : i32
        %add3A_902 = arith.constant 1 : i32
        %add3A_903 = arith.addi %mul3A_901, %add3A_902 : i32
        %get3A_904 = arith.constant 0 : i32
        %get3A_905 = arith.index_cast %get3A_904 : i32 to index
        %get3A_906 = arith.index_cast %add3A_903 : i32 to index
        %get3A_907 = arith.constant 48 : index
        %get3A_908 = tpu.vector_load %arg6[%get3A_905, %get3A_906, %get3A_907] {strides = array<i32>} : memref<4x128x64xf32, #tpu.memory_space<vmem>>, vector<1x1x16xf32>,
        %get3A_909 = vector.shape_cast %get3A_908 : vector<1x1x16xf32> to vector<16xf32>
        %mul3A_910 = arith.constant 1.200000e+01 : f32
        %mul3A_911 = vector.broadcast %mul3A_910 : f32 to vector<16xf32>
        %mul3A_912 = arith.mulf %get3A_909, %mul3A_911 : vector<16xf32>
        %mul3A_913 = arith.constant 4 : i32
        %mul3A_914 = arith.muli %scan3A_731, %mul3A_913 : i32
        %add3A_915 = arith.constant 1 : i32
        %add3A_916 = arith.addi %mul3A_914, %add3A_915 : i32
        %swap3A_917 = arith.constant 0 : i32
        %swap3A_918 = arith.index_cast %swap3A_917 : i32 to index
        %swap3A_919 = arith.index_cast %add3A_916 : i32 to index
        %swap3A_920 = arith.constant 48 : index
        %swap3A_921 = tpu.vector_load %arg7[%swap3A_918, %swap3A_919, %swap3A_920] {strides = array<i32>} : memref<4x128x64xf32, #tpu.memory_space<vmem>>, vector<1x1x16xf32>,
        %swap3A_922 = vector.shape_cast %swap3A_921 : vector<1x1x16xf32> to vector<16xf32>
        %swap3A_923 = vector.shape_cast %mul3A_912 : vector<16xf32> to vector<1x1x16xf32>
        tpu.vector_store %arg7[%swap3A_918, %swap3A_919, %swap3A_920], %swap3A_923 {strides = array<i32>} : memref<4x128x64xf32, #tpu.memory_space<vmem>>, vector<1x1x16xf32>,
        %mul3A_924 = arith.constant 4 : i32
        %mul3A_925 = arith.muli %scan3A_731, %mul3A_924 : i32
        %add3A_926 = arith.constant 2 : i32
        %add3A_927 = arith.addi %mul3A_925, %add3A_926 : i32
        %get3A_928 = arith.constant 0 : i32
        %get3A_929 = arith.index_cast %get3A_928 : i32 to index
        %get3A_930 = arith.index_cast %add3A_927 : i32 to index
        %get3A_931 = arith.constant 0 : index
        %get3A_932 = tpu.vector_load %arg6[%get3A_929, %get3A_930, %get3A_931] {strides = array<i32>} : memref<4x128x64xf32, #tpu.memory_space<vmem>>, vector<1x1x16xf32>,
        %get3A_933 = vector.shape_cast %get3A_932 : vector<1x1x16xf32> to vector<16xf32>
        %mul3A_934 = arith.constant 1.200000e+01 : f32
        %mul3A_935 = vector.broadcast %mul3A_934 : f32 to vector<16xf32>
        %mul3A_936 = arith.mulf %get3A_933, %mul3A_935 : vector<16xf32>
        %mul3A_937 = arith.constant 4 : i32
        %mul3A_938 = arith.muli %scan3A_731, %mul3A_937 : i32
        %add3A_939 = arith.constant 2 : i32
        %add3A_940 = arith.addi %mul3A_938, %add3A_939 : i32
        %swap3A_941 = arith.constant 0 : i32
        %swap3A_942 = arith.index_cast %swap3A_941 : i32 to index
        %swap3A_943 = arith.index_cast %add3A_940 : i32 to index
        %swap3A_944 = arith.constant 0 : index
        %swap3A_945 = tpu.vector_load %arg7[%swap3A_942, %swap3A_943, %swap3A_944] {strides = array<i32>} : memref<4x128x64xf32, #tpu.memory_space<vmem>>, vector<1x1x16xf32>,
        %swap3A_946 = vector.shape_cast %swap3A_945 : vector<1x1x16xf32> to vector<16xf32>
        %swap3A_947 = vector.shape_cast %mul3A_936 : vector<16xf32> to vector<1x1x16xf32>
        tpu.vector_store %arg7[%swap3A_942, %swap3A_943, %swap3A_944], %swap3A_947 {strides = array<i32>} : memref<4x128x64xf32, #tpu.memory_space<vmem>>, vector<1x1x16xf32>,
        %mul3A_948 = arith.constant 4 : i32
        %mul3A_949 = arith.muli %scan3A_731, %mul3A_948 : i32
        %add3A_950 = arith.constant 2 : i32
        %add3A_951 = arith.addi %mul3A_949, %add3A_950 : i32
        %get3A_952 = arith.constant 0 : i32
        %get3A_953 = arith.index_cast %get3A_952 : i32 to index
        %get3A_954 = arith.index_cast %add3A_951 : i32 to index
        %get3A_955 = arith.constant 16 : index
        %get3A_956 = tpu.vector_load %arg6[%get3A_953, %get3A_954, %get3A_955] {strides = array<i32>} : memref<4x128x64xf32, #tpu.memory_space<vmem>>, vector<1x1x16xf32>,
        %get3A_957 = vector.shape_cast %get3A_956 : vector<1x1x16xf32> to vector<16xf32>
        %mul3A_958 = arith.constant 1.200000e+01 : f32
        %mul3A_959 = vector.broadcast %mul3A_958 : f32 to vector<16xf32>
        %mul3A_960 = arith.mulf %get3A_957, %mul3A_959 : vector<16xf32>
        %mul3A_961 = arith.constant 4 : i32
        %mul3A_962 = arith.muli %scan3A_731, %mul3A_961 : i32
        %add3A_963 = arith.constant 2 : i32
        %add3A_964 = arith.addi %mul3A_962, %add3A_963 : i32
        %swap3A_965 = arith.constant 0 : i32
        %swap3A_966 = arith.index_cast %swap3A_965 : i32 to index
        %swap3A_967 = arith.index_cast %add3A_964 : i32 to index
        %swap3A_968 = arith.constant 16 : index
        %swap3A_969 = tpu.vector_load %arg7[%swap3A_966, %swap3A_967, %swap3A_968] {strides = array<i32>} : memref<4x128x64xf32, #tpu.memory_space<vmem>>, vector<1x1x16xf32>,
        %swap3A_970 = vector.shape_cast %swap3A_969 : vector<1x1x16xf32> to vector<16xf32>
        %swap3A_971 = vector.shape_cast %mul3A_960 : vector<16xf32> to vector<1x1x16xf32>
        tpu.vector_store %arg7[%swap3A_966, %swap3A_967, %swap3A_968], %swap3A_971 {strides = array<i32>} : memref<4x128x64xf32, #tpu.memory_space<vmem>>, vector<1x1x16xf32>,
        %mul3A_972 = arith.constant 4 : i32
        %mul3A_973 = arith.muli %scan3A_731, %mul3A_972 : i32
        %add3A_974 = arith.constant 2 : i32
        %add3A_975 = arith.addi %mul3A_973, %add3A_974 : i32
        %get3A_976 = arith.constant 0 : i32
        %get3A_977 = arith.index_cast %get3A_976 : i32 to index
        %get3A_978 = arith.index_cast %add3A_975 : i32 to index
        %get3A_979 = arith.constant 32 : index
        %get3A_980 = tpu.vector_load %arg6[%get3A_977, %get3A_978, %get3A_979] {strides = array<i32>} : memref<4x128x64xf32, #tpu.memory_space<vmem>>, vector<1x1x16xf32>,
        %get3A_981 = vector.shape_cast %get3A_980 : vector<1x1x16xf32> to vector<16xf32>
        %mul3A_982 = arith.constant 1.200000e+01 : f32
        %mul3A_983 = vector.broadcast %mul3A_982 : f32 to vector<16xf32>
        %mul3A_984 = arith.mulf %get3A_981, %mul3A_983 : vector<16xf32>
        %mul3A_985 = arith.constant 4 : i32
        %mul3A_986 = arith.muli %scan3A_731, %mul3A_985 : i32
        %add3A_987 = arith.constant 2 : i32
        %add3A_988 = arith.addi %mul3A_986, %add3A_987 : i32
        %swap3A_989 = arith.constant 0 : i32
        %swap3A_990 = arith.index_cast %swap3A_989 : i32 to index
        %swap3A_991 = arith.index_cast %add3A_988 : i32 to index
        %swap3A_992 = arith.constant 32 : index
        %swap3A_993 = tpu.vector_load %arg7[%swap3A_990, %swap3A_991, %swap3A_992] {strides = array<i32>} : memref<4x128x64xf32, #tpu.memory_space<vmem>>, vector<1x1x16xf32>,
        %swap3A_994 = vector.shape_cast %swap3A_993 : vector<1x1x16xf32> to vector<16xf32>
        %swap3A_995 = vector.shape_cast %mul3A_984 : vector<16xf32> to vector<1x1x16xf32>
        tpu.vector_store %arg7[%swap3A_990, %swap3A_991, %swap3A_992], %swap3A_995 {strides = array<i32>} : memref<4x128x64xf32, #tpu.memory_space<vmem>>, vector<1x1x16xf32>,
        %mul3A_996 = arith.constant 4 : i32
        %mul3A_997 = arith.muli %scan3A_731, %mul3A_996 : i32
        %add3A_998 = arith.constant 2 : i32
        %add3A_999 = arith.addi %mul3A_997, %add3A_998 : i32
        %get3A_1000 = arith.constant 0 : i32
        %get3A_1001 = arith.index_cast %get3A_1000 : i32 to index
        %get3A_1002 = arith.index_cast %add3A_999 : i32 to index
        %get3A_1003 = arith.constant 48 : index
        %get3A_1004 = tpu.vector_load %arg6[%get3A_1001, %get3A_1002, %get3A_1003] {strides = array<i32>} : memref<4x128x64xf32, #tpu.memory_space<vmem>>, vector<1x1x16xf32>,
        %get3A_1005 = vector.shape_cast %get3A_1004 : vector<1x1x16xf32> to vector<16xf32>
        %mul3A_1006 = arith.constant 1.200000e+01 : f32
        %mul3A_1007 = vector.broadcast %mul3A_1006 : f32 to vector<16xf32>
        %mul3A_1008 = arith.mulf %get3A_1005, %mul3A_1007 : vector<16xf32>
        %mul3A_1009 = arith.constant 4 : i32
        %mul3A_1010 = arith.muli %scan3A_731, %mul3A_1009 : i32
        %add3A_1011 = arith.constant 2 : i32
        %add3A_1012 = arith.addi %mul3A_1010, %add3A_1011 : i32
        %swap3A_1013 = arith.constant 0 : i32
        %swap3A_1014 = arith.index_cast %swap3A_1013 : i32 to index
        %swap3A_1015 = arith.index_cast %add3A_1012 : i32 to index
        %swap3A_1016 = arith.constant 48 : index
        %swap3A_1017 = tpu.vector_load %arg7[%swap3A_1014, %swap3A_1015, %swap3A_1016] {strides = array<i32>} : memref<4x128x64xf32, #tpu.memory_space<vmem>>, vector<1x1x16xf32>,
        %swap3A_1018 = vector.shape_cast %swap3A_1017 : vector<1x1x16xf32> to vector<16xf32>
        %swap3A_1019 = vector.shape_cast %mul3A_1008 : vector<16xf32> to vector<1x1x16xf32>
        tpu.vector_store %arg7[%swap3A_1014, %swap3A_1015, %swap3A_1016], %swap3A_1019 {strides = array<i32>} : memref<4x128x64xf32, #tpu.memory_space<vmem>>, vector<1x1x16xf32>,
        %mul3A_1020 = arith.constant 4 : i32
        %mul3A_1021 = arith.muli %scan3A_731, %mul3A_1020 : i32
        %add3A_1022 = arith.constant 3 : i32
        %add3A_1023 = arith.addi %mul3A_1021, %add3A_1022 : i32
        %get3A_1024 = arith.constant 0 : i32
        %get3A_1025 = arith.index_cast %get3A_1024 : i32 to index
        %get3A_1026 = arith.index_cast %add3A_1023 : i32 to index
        %get3A_1027 = arith.constant 0 : index
        %get3A_1028 = tpu.vector_load %arg6[%get3A_1025, %get3A_1026, %get3A_1027] {strides = array<i32>} : memref<4x128x64xf32, #tpu.memory_space<vmem>>, vector<1x1x16xf32>,
        %get3A_1029 = vector.shape_cast %get3A_1028 : vector<1x1x16xf32> to vector<16xf32>
        %mul3A_1030 = arith.constant 1.200000e+01 : f32
        %mul3A_1031 = vector.broadcast %mul3A_1030 : f32 to vector<16xf32>
        %mul3A_1032 = arith.mulf %get3A_1029, %mul3A_1031 : vector<16xf32>
        %mul3A_1033 = arith.constant 4 : i32
        %mul3A_1034 = arith.muli %scan3A_731, %mul3A_1033 : i32
        %add3A_1035 = arith.constant 3 : i32
        %add3A_1036 = arith.addi %mul3A_1034, %add3A_1035 : i32
        %swap3A_1037 = arith.constant 0 : i32
        %swap3A_1038 = arith.index_cast %swap3A_1037 : i32 to index
        %swap3A_1039 = arith.index_cast %add3A_1036 : i32 to index
        %swap3A_1040 = arith.constant 0 : index
        %swap3A_1041 = tpu.vector_load %arg7[%swap3A_1038, %swap3A_1039, %swap3A_1040] {strides = array<i32>} : memref<4x128x64xf32, #tpu.memory_space<vmem>>, vector<1x1x16xf32>,
        %swap3A_1042 = vector.shape_cast %swap3A_1041 : vector<1x1x16xf32> to vector<16xf32>
        %swap3A_1043 = vector.shape_cast %mul3A_1032 : vector<16xf32> to vector<1x1x16xf32>
        tpu.vector_store %arg7[%swap3A_1038, %swap3A_1039, %swap3A_1040], %swap3A_1043 {strides = array<i32>} : memref<4x128x64xf32, #tpu.memory_space<vmem>>, vector<1x1x16xf32>,
        %mul3A_1044 = arith.constant 4 : i32
        %mul3A_1045 = arith.muli %scan3A_731, %mul3A_1044 : i32
        %add3A_1046 = arith.constant 3 : i32
        %add3A_1047 = arith.addi %mul3A_1045, %add3A_1046 : i32
        %get3A_1048 = arith.constant 0 : i32
        %get3A_1049 = arith.index_cast %get3A_1048 : i32 to index
        %get3A_1050 = arith.index_cast %add3A_1047 : i32 to index
        %get3A_1051 = arith.constant 16 : index
        %get3A_1052 = tpu.vector_load %arg6[%get3A_1049, %get3A_1050, %get3A_1051] {strides = array<i32>} : memref<4x128x64xf32, #tpu.memory_space<vmem>>, vector<1x1x16xf32>,
        %get3A_1053 = vector.shape_cast %get3A_1052 : vector<1x1x16xf32> to vector<16xf32>
        %mul3A_1054 = arith.constant 1.200000e+01 : f32
        %mul3A_1055 = vector.broadcast %mul3A_1054 : f32 to vector<16xf32>
        %mul3A_1056 = arith.mulf %get3A_1053, %mul3A_1055 : vector<16xf32>
        %mul3A_1057 = arith.constant 4 : i32
        %mul3A_1058 = arith.muli %scan3A_731, %mul3A_1057 : i32
        %add3A_1059 = arith.constant 3 : i32
        %add3A_1060 = arith.addi %mul3A_1058, %add3A_1059 : i32
        %swap3A_1061 = arith.constant 0 : i32
        %swap3A_1062 = arith.index_cast %swap3A_1061 : i32 to index
        %swap3A_1063 = arith.index_cast %add3A_1060 : i32 to index
        %swap3A_1064 = arith.constant 16 : index
        %swap3A_1065 = tpu.vector_load %arg7[%swap3A_1062, %swap3A_1063, %swap3A_1064] {strides = array<i32>} : memref<4x128x64xf32, #tpu.memory_space<vmem>>, vector<1x1x16xf32>,
        %swap3A_1066 = vector.shape_cast %swap3A_1065 : vector<1x1x16xf32> to vector<16xf32>
        %swap3A_1067 = vector.shape_cast %mul3A_1056 : vector<16xf32> to vector<1x1x16xf32>
        tpu.vector_store %arg7[%swap3A_1062, %swap3A_1063, %swap3A_1064], %swap3A_1067 {strides = array<i32>} : memref<4x128x64xf32, #tpu.memory_space<vmem>>, vector<1x1x16xf32>,
        %mul3A_1068 = arith.constant 4 : i32
        %mul3A_1069 = arith.muli %scan3A_731, %mul3A_1068 : i32
        %add3A_1070 = arith.constant 3 : i32
        %add3A_1071 = arith.addi %mul3A_1069, %add3A_1070 : i32
        %get3A_1072 = arith.constant 0 : i32
        %get3A_1073 = arith.index_cast %get3A_1072 : i32 to index
        %get3A_1074 = arith.index_cast %add3A_1071 : i32 to index
        %get3A_1075 = arith.constant 32 : index
        %get3A_1076 = tpu.vector_load %arg6[%get3A_1073, %get3A_1074, %get3A_1075] {strides = array<i32>} : memref<4x128x64xf32, #tpu.memory_space<vmem>>, vector<1x1x16xf32>,
        %get3A_1077 = vector.shape_cast %get3A_1076 : vector<1x1x16xf32> to vector<16xf32>
        %mul3A_1078 = arith.constant 1.200000e+01 : f32
        %mul3A_1079 = vector.broadcast %mul3A_1078 : f32 to vector<16xf32>
        %mul3A_1080 = arith.mulf %get3A_1077, %mul3A_1079 : vector<16xf32>
        %mul3A_1081 = arith.constant 4 : i32
        %mul3A_1082 = arith.muli %scan3A_731, %mul3A_1081 : i32
        %add3A_1083 = arith.constant 3 : i32
        %add3A_1084 = arith.addi %mul3A_1082, %add3A_1083 : i32
        %swap3A_1085 = arith.constant 0 : i32
        %swap3A_1086 = arith.index_cast %swap3A_1085 : i32 to index
        %swap3A_1087 = arith.index_cast %add3A_1084 : i32 to index
        %swap3A_1088 = arith.constant 32 : index
        %swap3A_1089 = tpu.vector_load %arg7[%swap3A_1086, %swap3A_1087, %swap3A_1088] {strides = array<i32>} : memref<4x128x64xf32, #tpu.memory_space<vmem>>, vector<1x1x16xf32>,
        %swap3A_1090 = vector.shape_cast %swap3A_1089 : vector<1x1x16xf32> to vector<16xf32>
        %swap3A_1091 = vector.shape_cast %mul3A_1080 : vector<16xf32> to vector<1x1x16xf32>
        tpu.vector_store %arg7[%swap3A_1086, %swap3A_1087, %swap3A_1088], %swap3A_1091 {strides = array<i32>} : memref<4x128x64xf32, #tpu.memory_space<vmem>>, vector<1x1x16xf32>,
        %mul3A_1092 = arith.constant 4 : i32
        %mul3A_1093 = arith.muli %scan3A_731, %mul3A_1092 : i32
        %add3A_1094 = arith.constant 3 : i32
        %add3A_1095 = arith.addi %mul3A_1093, %add3A_1094 : i32
        %get3A_1096 = arith.constant 0 : i32
        %get3A_1097 = arith.index_cast %get3A_1096 : i32 to index
        %get3A_1098 = arith.index_cast %add3A_1095 : i32 to index
        %get3A_1099 = arith.constant 48 : index
        %get3A_1100 = tpu.vector_load %arg6[%get3A_1097, %get3A_1098, %get3A_1099] {strides = array<i32>} : memref<4x128x64xf32, #tpu.memory_space<vmem>>, vector<1x1x16xf32>,
        %get3A_1101 = vector.shape_cast %get3A_1100 : vector<1x1x16xf32> to vector<16xf32>
        %mul3A_1102 = arith.constant 1.200000e+01 : f32
        %mul3A_1103 = vector.broadcast %mul3A_1102 : f32 to vector<16xf32>
        %mul3A_1104 = arith.mulf %get3A_1101, %mul3A_1103 : vector<16xf32>
        %mul3A_1105 = arith.constant 4 : i32
        %mul3A_1106 = arith.muli %scan3A_731, %mul3A_1105 : i32
        %add3A_1107 = arith.constant 3 : i32
        %add3A_1108 = arith.addi %mul3A_1106, %add3A_1107 : i32
        %swap3A_1109 = arith.constant 0 : i32
        %swap3A_1110 = arith.index_cast %swap3A_1109 : i32 to index
        %swap3A_1111 = arith.index_cast %add3A_1108 : i32 to index
        %swap3A_1112 = arith.constant 48 : index
        %swap3A_1113 = tpu.vector_load %arg7[%swap3A_1110, %swap3A_1111, %swap3A_1112] {strides = array<i32>} : memref<4x128x64xf32, #tpu.memory_space<vmem>>, vector<1x1x16xf32>,
        %swap3A_1114 = vector.shape_cast %swap3A_1113 : vector<1x1x16xf32> to vector<16xf32>
        %swap3A_1115 = vector.shape_cast %mul3A_1104 : vector<16xf32> to vector<1x1x16xf32>
        tpu.vector_store %arg7[%swap3A_1110, %swap3A_1111, %swap3A_1112], %swap3A_1115 {strides = array<i32>} : memref<4x128x64xf32, #tpu.memory_space<vmem>>, vector<1x1x16xf32>,
      }
      %scan3A_156 = arith.constant 32 : i32
      %add3A_157 = arith.constant 4 : i32
      %add3A_158 = arith.addi %add3A_134, %add3A_157 : i32
      %lt3A = arith.constant 200 : i32
      %lt3A_159 = arith.cmpi slt, %add3A_158, %lt3A : i32
      %convert_element_type3A_160 = arith.extui %lt3A_159 : i1 to i32
      %cond3A_161 = arith.constant 0 : i32
      %cond3A_162 = arith.cmpi ne, %convert_element_type3A_160, %cond3A_161 : i32
      scf.if %cond3A_162 {
        %add3A_347 = arith.constant 4 : i32
        %add3A_348 = arith.addi %add3A_134, %add3A_347 : i32
        %mul3A_349 = arith.constant 128 : i32
        %mul3A_350 = arith.muli %add3A_348, %mul3A_349 : i32
        %dma_start3A_351 = arith.constant 0 : i32
        %dma_start3A_352 = arith.constant 0 : i32
        %dma_start3A_353 = arith.constant 0 : i32
        %dma_start3A_354 = arith.constant 0 : i32
        %dma_start3A_355 = tpu.memref_slice %arg6[%dma_start3A_351, %dma_start3A_353, %dma_start3A_354] : memref<4x128x64xf32, #tpu.memory_space<vmem>> -> memref<1x128x64xf32, #tpu.memory_space<vmem>>
        %dma_start3A_356 = tpu.memref_squeeze %dma_start3A_355 : memref<1x128x64xf32, #tpu.memory_space<vmem>> -> memref<128x64xf32, #tpu.memory_space<vmem>>
        %dma_start3A_357 = tpu.memref_slice %arg5[%mul3A_350] : memref<25600xi32, #tpu.memory_space<vmem>> -> memref<128xi32, #tpu.memory_space<vmem>>
        %dma_start3A_358 = arith.constant 0 : i32
        %dma_start3A_359 = arith.constant 0 : i32
        %dma_start3A_360 = tpu.memref_slice %arg3[%dma_start3A_358, %dma_start3A_359] : memref<1000000x64xf32, #tpu.memory_space<hbm>> -> memref<1000000x64xf32, #tpu.memory_space<hbm>>
        %dma_start3A_361 = tpu.memref_slice %arg8[%dma_start3A_352] : memref<4x!tpu.dma_semaphore, #tpu.memory_space<semaphore_mem>> -> memref<1x!tpu.dma_semaphore, #tpu.memory_space<semaphore_mem>>
        %dma_start3A_362 = tpu.memref_squeeze %dma_start3A_361 : memref<1x!tpu.dma_semaphore, #tpu.memory_space<semaphore_mem>> -> memref<!tpu.dma_semaphore, #tpu.memory_space<semaphore_mem>>
        tpu.enqueue_indirect_dma source(%dma_start3A_360 : memref<1000000x64xf32, #tpu.memory_space<hbm>>) target(%dma_start3A_356 : memref<128x64xf32, #tpu.memory_space<vmem>>) offsets(%dma_start3A_357 : memref<128xi32, #tpu.memory_space<vmem>>) semaphore(%dma_start3A_362 : memref<!tpu.dma_semaphore, #tpu.memory_space<semaphore_mem>>)
      } else {
      }
      %mul3A_163 = arith.constant 128 : i32
      %mul3A_164 = arith.muli %add3A_134, %mul3A_163 : i32
      %add3A_165 = arith.addi %mul3A_2, %mul3A_164 : i32
      %dma_start3A_166 = arith.constant 0 : i32
      %dma_start3A_167 = arith.constant 0 : i32
      %dma_start3A_168 = arith.constant 0 : i32
      %dma_start3A_169 = arith.constant 0 : i32
      %dma_start3A_170 = tpu.memref_slice %arg7[%dma_start3A_166, %dma_start3A_168, %dma_start3A_169] : memref<4x128x64xf32, #tpu.memory_space<vmem>> -> memref<1x128x64xf32, #tpu.memory_space<vmem>>
      %dma_start3A_171 = tpu.memref_squeeze %dma_start3A_170 : memref<1x128x64xf32, #tpu.memory_space<vmem>> -> memref<128x64xf32, #tpu.memory_space<vmem>>
      %dma_start3A_172 = arith.constant 0 : i32
      %dma_start3A_173 = tpu.memref_slice %arg4[%add3A_165, %dma_start3A_172] : memref<819200x64xf32, #tpu.memory_space<hbm>> -> memref<128x64xf32, #tpu.memory_space<hbm>>
      %dma_start3A_174 = tpu.memref_slice %arg9[%dma_start3A_167] : memref<4x!tpu.dma_semaphore, #tpu.memory_space<semaphore_mem>> -> memref<1x!tpu.dma_semaphore, #tpu.memory_space<semaphore_mem>>
      %dma_start3A_175 = tpu.memref_squeeze %dma_start3A_174 : memref<1x!tpu.dma_semaphore, #tpu.memory_space<semaphore_mem>> -> memref<!tpu.dma_semaphore, #tpu.memory_space<semaphore_mem>>
      %dma_start3A_176 = arith.constant 0 : i32
      %dma_start3A_177 = tpu.memref_slice %arg4[%add3A_165, %dma_start3A_176] : memref<819200x64xf32, #tpu.memory_space<hbm>> -> memref<128x64xf32, #tpu.memory_space<hbm>>
      %dma_start3A_178 = arith.constant 0 : i32
      %dma_start3A_179 = arith.constant 0 : i32
      %dma_start3A_180 = tpu.memref_slice %arg7[%dma_start3A_166, %dma_start3A_178, %dma_start3A_179] : memref<4x128x64xf32, #tpu.memory_space<vmem>> -> memref<1x128x64xf32, #tpu.memory_space<vmem>>
      %dma_start3A_181 = tpu.memref_squeeze %dma_start3A_180 : memref<1x128x64xf32, #tpu.memory_space<vmem>> -> memref<128x64xf32, #tpu.memory_space<vmem>>
      tpu.enqueue_dma source(%dma_start3A_181 : memref<128x64xf32, #tpu.memory_space<vmem>>) target(%dma_start3A_177 : memref<128x64xf32, #tpu.memory_space<hbm>>) target_semaphore(%dma_start3A_175 : memref<!tpu.dma_semaphore, #tpu.memory_space<semaphore_mem>>)
      %mul3A_182 = arith.constant 4 : i32
      %mul3A_183 = arith.muli %scan3A_130, %mul3A_182 : i32
      %add3A_184 = arith.constant 1 : i32
      %add3A_185 = arith.addi %mul3A_183, %add3A_184 : i32
      %mul3A_186 = arith.constant 128 : i32
      %mul3A_187 = arith.muli %add3A_185, %mul3A_186 : i32
      %dma_wait3A_188 = arith.constant 1 : i32
      %dma_wait3A_189 = arith.constant 1 : i32
      %dma_wait3A_190 = arith.constant 0 : i32
      %dma_wait3A_191 = arith.constant 0 : i32
      %dma_wait3A_192 = tpu.memref_slice %arg6[%dma_wait3A_188, %dma_wait3A_190, %dma_wait3A_191] : memref<4x128x64xf32, #tpu.memory_space<vmem>> -> memref<1x128x64xf32, #tpu.memory_space<vmem>>
      %dma_wait3A_193 = tpu.memref_squeeze %dma_wait3A_192 : memref<1x128x64xf32, #tpu.memory_space<vmem>> -> memref<128x64xf32, #tpu.memory_space<vmem>>
      %dma_wait3A_194 = tpu.memref_slice %arg5[%mul3A_187] : memref<25600xi32, #tpu.memory_space<vmem>> -> memref<128xi32, #tpu.memory_space<vmem>>
      %dma_wait3A_195 = arith.constant 0 : i32
      %dma_wait3A_196 = arith.constant 0 : i32
      %dma_wait3A_197 = tpu.memref_slice %arg3[%dma_wait3A_195, %dma_wait3A_196] : memref<1000000x64xf32, #tpu.memory_space<hbm>> -> memref<1000000x64xf32, #tpu.memory_space<hbm>>
      %dma_wait3A_198 = tpu.memref_slice %arg8[%dma_wait3A_189] : memref<4x!tpu.dma_semaphore, #tpu.memory_space<semaphore_mem>> -> memref<1x!tpu.dma_semaphore, #tpu.memory_space<semaphore_mem>>
      %dma_wait3A_199 = tpu.memref_squeeze %dma_wait3A_198 : memref<1x!tpu.dma_semaphore, #tpu.memory_space<semaphore_mem>> -> memref<!tpu.dma_semaphore, #tpu.memory_space<semaphore_mem>>
      tpu.wait_indirect_dma semaphore(%dma_wait3A_199 : memref<!tpu.dma_semaphore, #tpu.memory_space<semaphore_mem>>) src(%dma_wait3A_197 : memref<1000000x64xf32, #tpu.memory_space<hbm>>) dst(%dma_wait3A_193 : memref<128x64xf32, #tpu.memory_space<vmem>>)
      %ge3A_200 = arith.constant 4 : i32
      %ge3A_201 = arith.cmpi sge, %add3A_185, %ge3A_200 : i32
      %convert_element_type3A_202 = arith.extui %ge3A_201 : i1 to i32
      %cond3A_203 = arith.constant 0 : i32
      %cond3A_204 = arith.cmpi ne, %convert_element_type3A_202, %cond3A_203 : i32
      scf.if %cond3A_204 {
        %sub3A = arith.constant 4 : i32
        %sub3A_347 = arith.subi %add3A_185, %sub3A : i32
        %mul3A_348 = arith.constant 128 : i32
        %mul3A_349 = arith.muli %sub3A_347, %mul3A_348 : i32
        %add3A_350 = arith.addi %mul3A_2, %mul3A_349 : i32
        %dma_wait3A_351 = arith.constant 1 : i32
        %dma_wait3A_352 = arith.constant 1 : i32
        %dma_wait3A_353 = arith.constant 0 : i32
        %dma_wait3A_354 = arith.constant 0 : i32
        %dma_wait3A_355 = tpu.memref_slice %arg7[%dma_wait3A_351, %dma_wait3A_353, %dma_wait3A_354] : memref<4x128x64xf32, #tpu.memory_space<vmem>> -> memref<1x128x64xf32, #tpu.memory_space<vmem>>
        %dma_wait3A_356 = tpu.memref_squeeze %dma_wait3A_355 : memref<1x128x64xf32, #tpu.memory_space<vmem>> -> memref<128x64xf32, #tpu.memory_space<vmem>>
        %dma_wait3A_357 = arith.constant 0 : i32
        %dma_wait3A_358 = tpu.memref_slice %arg4[%add3A_350, %dma_wait3A_357] : memref<819200x64xf32, #tpu.memory_space<hbm>> -> memref<128x64xf32, #tpu.memory_space<hbm>>
        %dma_wait3A_359 = tpu.memref_slice %arg9[%dma_wait3A_352] : memref<4x!tpu.dma_semaphore, #tpu.memory_space<semaphore_mem>> -> memref<1x!tpu.dma_semaphore, #tpu.memory_space<semaphore_mem>>
        %dma_wait3A_360 = tpu.memref_squeeze %dma_wait3A_359 : memref<1x!tpu.dma_semaphore, #tpu.memory_space<semaphore_mem>> -> memref<!tpu.dma_semaphore, #tpu.memory_space<semaphore_mem>>
        %dma_wait3A_361 = arith.constant 0 : i32
        %dma_wait3A_362 = tpu.memref_slice %arg4[%add3A_350, %dma_wait3A_361] : memref<819200x64xf32, #tpu.memory_space<hbm>> -> memref<128x64xf32, #tpu.memory_space<hbm>>
        %dma_wait3A_363 = arith.constant 0 : i32
        %dma_wait3A_364 = arith.constant 0 : i32
        %dma_wait3A_365 = tpu.memref_slice %arg7[%dma_wait3A_351, %dma_wait3A_363, %dma_wait3A_364] : memref<4x128x64xf32, #tpu.memory_space<vmem>> -> memref<1x128x64xf32, #tpu.memory_space<vmem>>
        %dma_wait3A_366 = tpu.memref_squeeze %dma_wait3A_365 : memref<1x128x64xf32, #tpu.memory_space<vmem>> -> memref<128x64xf32, #tpu.memory_space<vmem>>
        tpu.wait_dma2 semaphore(%dma_wait3A_360 : memref<!tpu.dma_semaphore, #tpu.memory_space<semaphore_mem>>) src(%dma_wait3A_366 : memref<128x64xf32, #tpu.memory_space<vmem>>) dst(%dma_wait3A_362 : memref<128x64xf32, #tpu.memory_space<hbm>>)
      } else {
      }
      %scan3A_205 = arith.constant 0 : i32
      %scan3A_206 = arith.constant 0 : i32
      %scan3A_207 = arith.constant 32 : i32
      %scan3A_208 = arith.addi %scan3A_206, %scan3A_207 : i32
      %scan3A_209 = arith.constant 2 : i32
      scf.for %scan3A_347 = %scan3A_206 to %scan3A_208 step %scan3A_209  : i32 {
        %mul3A_348 = arith.constant 4 : i32
        %mul3A_349 = arith.muli %scan3A_347, %mul3A_348 : i32
        %add3A_350 = arith.constant 0 : i32
        %add3A_351 = arith.addi %mul3A_349, %add3A_350 : i32
        %get3A = arith.constant 1 : i32
        %get3A_352 = arith.index_cast %get3A : i32 to index
        %get3A_353 = arith.index_cast %add3A_351 : i32 to index
        %get3A_354 = arith.constant 0 : index
        %get3A_355 = tpu.vector_load %arg6[%get3A_352, %get3A_353, %get3A_354] {strides = array<i32>} : memref<4x128x64xf32, #tpu.memory_space<vmem>>, vector<1x1x16xf32>,
        %get3A_356 = vector.shape_cast %get3A_355 : vector<1x1x16xf32> to vector<16xf32>
        %mul3A_357 = arith.constant 1.200000e+01 : f32
        %mul3A_358 = vector.broadcast %mul3A_357 : f32 to vector<16xf32>
        %mul3A_359 = arith.mulf %get3A_356, %mul3A_358 : vector<16xf32>
        %mul3A_360 = arith.constant 4 : i32
        %mul3A_361 = arith.muli %scan3A_347, %mul3A_360 : i32
        %add3A_362 = arith.constant 0 : i32
        %add3A_363 = arith.addi %mul3A_361, %add3A_362 : i32
        %swap3A = arith.constant 1 : i32
        %swap3A_364 = arith.index_cast %swap3A : i32 to index
        %swap3A_365 = arith.index_cast %add3A_363 : i32 to index
        %swap3A_366 = arith.constant 0 : index
        %swap3A_367 = tpu.vector_load %arg7[%swap3A_364, %swap3A_365, %swap3A_366] {strides = array<i32>} : memref<4x128x64xf32, #tpu.memory_space<vmem>>, vector<1x1x16xf32>,
        %swap3A_368 = vector.shape_cast %swap3A_367 : vector<1x1x16xf32> to vector<16xf32>
        %swap3A_369 = vector.shape_cast %mul3A_359 : vector<16xf32> to vector<1x1x16xf32>
        tpu.vector_store %arg7[%swap3A_364, %swap3A_365, %swap3A_366], %swap3A_369 {strides = array<i32>} : memref<4x128x64xf32, #tpu.memory_space<vmem>>, vector<1x1x16xf32>,
        %mul3A_370 = arith.constant 4 : i32
        %mul3A_371 = arith.muli %scan3A_347, %mul3A_370 : i32
        %add3A_372 = arith.constant 0 : i32
        %add3A_373 = arith.addi %mul3A_371, %add3A_372 : i32
        %get3A_374 = arith.constant 1 : i32
        %get3A_375 = arith.index_cast %get3A_374 : i32 to index
        %get3A_376 = arith.index_cast %add3A_373 : i32 to index
        %get3A_377 = arith.constant 16 : index
        %get3A_378 = tpu.vector_load %arg6[%get3A_375, %get3A_376, %get3A_377] {strides = array<i32>} : memref<4x128x64xf32, #tpu.memory_space<vmem>>, vector<1x1x16xf32>,
        %get3A_379 = vector.shape_cast %get3A_378 : vector<1x1x16xf32> to vector<16xf32>
        %mul3A_380 = arith.constant 1.200000e+01 : f32
        %mul3A_381 = vector.broadcast %mul3A_380 : f32 to vector<16xf32>
        %mul3A_382 = arith.mulf %get3A_379, %mul3A_381 : vector<16xf32>
        %mul3A_383 = arith.constant 4 : i32
        %mul3A_384 = arith.muli %scan3A_347, %mul3A_383 : i32
        %add3A_385 = arith.constant 0 : i32
        %add3A_386 = arith.addi %mul3A_384, %add3A_385 : i32
        %swap3A_387 = arith.constant 1 : i32
        %swap3A_388 = arith.index_cast %swap3A_387 : i32 to index
        %swap3A_389 = arith.index_cast %add3A_386 : i32 to index
        %swap3A_390 = arith.constant 16 : index
        %swap3A_391 = tpu.vector_load %arg7[%swap3A_388, %swap3A_389, %swap3A_390] {strides = array<i32>} : memref<4x128x64xf32, #tpu.memory_space<vmem>>, vector<1x1x16xf32>,
        %swap3A_392 = vector.shape_cast %swap3A_391 : vector<1x1x16xf32> to vector<16xf32>
        %swap3A_393 = vector.shape_cast %mul3A_382 : vector<16xf32> to vector<1x1x16xf32>
        tpu.vector_store %arg7[%swap3A_388, %swap3A_389, %swap3A_390], %swap3A_393 {strides = array<i32>} : memref<4x128x64xf32, #tpu.memory_space<vmem>>, vector<1x1x16xf32>,
        %mul3A_394 = arith.constant 4 : i32
        %mul3A_395 = arith.muli %scan3A_347, %mul3A_394 : i32
        %add3A_396 = arith.constant 0 : i32
        %add3A_397 = arith.addi %mul3A_395, %add3A_396 : i32
        %get3A_398 = arith.constant 1 : i32
        %get3A_399 = arith.index_cast %get3A_398 : i32 to index
        %get3A_400 = arith.index_cast %add3A_397 : i32 to index
        %get3A_401 = arith.constant 32 : index
        %get3A_402 = tpu.vector_load %arg6[%get3A_399, %get3A_400, %get3A_401] {strides = array<i32>} : memref<4x128x64xf32, #tpu.memory_space<vmem>>, vector<1x1x16xf32>,
        %get3A_403 = vector.shape_cast %get3A_402 : vector<1x1x16xf32> to vector<16xf32>
        %mul3A_404 = arith.constant 1.200000e+01 : f32
        %mul3A_405 = vector.broadcast %mul3A_404 : f32 to vector<16xf32>
        %mul3A_406 = arith.mulf %get3A_403, %mul3A_405 : vector<16xf32>
        %mul3A_407 = arith.constant 4 : i32
        %mul3A_408 = arith.muli %scan3A_347, %mul3A_407 : i32
        %add3A_409 = arith.constant 0 : i32
        %add3A_410 = arith.addi %mul3A_408, %add3A_409 : i32
        %swap3A_411 = arith.constant 1 : i32
        %swap3A_412 = arith.index_cast %swap3A_411 : i32 to index
        %swap3A_413 = arith.index_cast %add3A_410 : i32 to index
        %swap3A_414 = arith.constant 32 : index
        %swap3A_415 = tpu.vector_load %arg7[%swap3A_412, %swap3A_413, %swap3A_414] {strides = array<i32>} : memref<4x128x64xf32, #tpu.memory_space<vmem>>, vector<1x1x16xf32>,
        %swap3A_416 = vector.shape_cast %swap3A_415 : vector<1x1x16xf32> to vector<16xf32>
        %swap3A_417 = vector.shape_cast %mul3A_406 : vector<16xf32> to vector<1x1x16xf32>
        tpu.vector_store %arg7[%swap3A_412, %swap3A_413, %swap3A_414], %swap3A_417 {strides = array<i32>} : memref<4x128x64xf32, #tpu.memory_space<vmem>>, vector<1x1x16xf32>,
        %mul3A_418 = arith.constant 4 : i32
        %mul3A_419 = arith.muli %scan3A_347, %mul3A_418 : i32
        %add3A_420 = arith.constant 0 : i32
        %add3A_421 = arith.addi %mul3A_419, %add3A_420 : i32
        %get3A_422 = arith.constant 1 : i32
        %get3A_423 = arith.index_cast %get3A_422 : i32 to index
        %get3A_424 = arith.index_cast %add3A_421 : i32 to index
        %get3A_425 = arith.constant 48 : index
        %get3A_426 = tpu.vector_load %arg6[%get3A_423, %get3A_424, %get3A_425] {strides = array<i32>} : memref<4x128x64xf32, #tpu.memory_space<vmem>>, vector<1x1x16xf32>,
        %get3A_427 = vector.shape_cast %get3A_426 : vector<1x1x16xf32> to vector<16xf32>
        %mul3A_428 = arith.constant 1.200000e+01 : f32
        %mul3A_429 = vector.broadcast %mul3A_428 : f32 to vector<16xf32>
        %mul3A_430 = arith.mulf %get3A_427, %mul3A_429 : vector<16xf32>
        %mul3A_431 = arith.constant 4 : i32
        %mul3A_432 = arith.muli %scan3A_347, %mul3A_431 : i32
        %add3A_433 = arith.constant 0 : i32
        %add3A_434 = arith.addi %mul3A_432, %add3A_433 : i32
        %swap3A_435 = arith.constant 1 : i32
        %swap3A_436 = arith.index_cast %swap3A_435 : i32 to index
        %swap3A_437 = arith.index_cast %add3A_434 : i32 to index
        %swap3A_438 = arith.constant 48 : index
        %swap3A_439 = tpu.vector_load %arg7[%swap3A_436, %swap3A_437, %swap3A_438] {strides = array<i32>} : memref<4x128x64xf32, #tpu.memory_space<vmem>>, vector<1x1x16xf32>,
        %swap3A_440 = vector.shape_cast %swap3A_439 : vector<1x1x16xf32> to vector<16xf32>
        %swap3A_441 = vector.shape_cast %mul3A_430 : vector<16xf32> to vector<1x1x16xf32>
        tpu.vector_store %arg7[%swap3A_436, %swap3A_437, %swap3A_438], %swap3A_441 {strides = array<i32>} : memref<4x128x64xf32, #tpu.memory_space<vmem>>, vector<1x1x16xf32>,
        %mul3A_442 = arith.constant 4 : i32
        %mul3A_443 = arith.muli %scan3A_347, %mul3A_442 : i32
        %add3A_444 = arith.constant 1 : i32
        %add3A_445 = arith.addi %mul3A_443, %add3A_444 : i32
        %get3A_446 = arith.constant 1 : i32
        %get3A_447 = arith.index_cast %get3A_446 : i32 to index
        %get3A_448 = arith.index_cast %add3A_445 : i32 to index
        %get3A_449 = arith.constant 0 : index
        %get3A_450 = tpu.vector_load %arg6[%get3A_447, %get3A_448, %get3A_449] {strides = array<i32>} : memref<4x128x64xf32, #tpu.memory_space<vmem>>, vector<1x1x16xf32>,
        %get3A_451 = vector.shape_cast %get3A_450 : vector<1x1x16xf32> to vector<16xf32>
        %mul3A_452 = arith.constant 1.200000e+01 : f32
        %mul3A_453 = vector.broadcast %mul3A_452 : f32 to vector<16xf32>
        %mul3A_454 = arith.mulf %get3A_451, %mul3A_453 : vector<16xf32>
        %mul3A_455 = arith.constant 4 : i32
        %mul3A_456 = arith.muli %scan3A_347, %mul3A_455 : i32
        %add3A_457 = arith.constant 1 : i32
        %add3A_458 = arith.addi %mul3A_456, %add3A_457 : i32
        %swap3A_459 = arith.constant 1 : i32
        %swap3A_460 = arith.index_cast %swap3A_459 : i32 to index
        %swap3A_461 = arith.index_cast %add3A_458 : i32 to index
        %swap3A_462 = arith.constant 0 : index
        %swap3A_463 = tpu.vector_load %arg7[%swap3A_460, %swap3A_461, %swap3A_462] {strides = array<i32>} : memref<4x128x64xf32, #tpu.memory_space<vmem>>, vector<1x1x16xf32>,
        %swap3A_464 = vector.shape_cast %swap3A_463 : vector<1x1x16xf32> to vector<16xf32>
        %swap3A_465 = vector.shape_cast %mul3A_454 : vector<16xf32> to vector<1x1x16xf32>
        tpu.vector_store %arg7[%swap3A_460, %swap3A_461, %swap3A_462], %swap3A_465 {strides = array<i32>} : memref<4x128x64xf32, #tpu.memory_space<vmem>>, vector<1x1x16xf32>,
        %mul3A_466 = arith.constant 4 : i32
        %mul3A_467 = arith.muli %scan3A_347, %mul3A_466 : i32
        %add3A_468 = arith.constant 1 : i32
        %add3A_469 = arith.addi %mul3A_467, %add3A_468 : i32
        %get3A_470 = arith.constant 1 : i32
        %get3A_471 = arith.index_cast %get3A_470 : i32 to index
        %get3A_472 = arith.index_cast %add3A_469 : i32 to index
        %get3A_473 = arith.constant 16 : index
        %get3A_474 = tpu.vector_load %arg6[%get3A_471, %get3A_472, %get3A_473] {strides = array<i32>} : memref<4x128x64xf32, #tpu.memory_space<vmem>>, vector<1x1x16xf32>,
        %get3A_475 = vector.shape_cast %get3A_474 : vector<1x1x16xf32> to vector<16xf32>
        %mul3A_476 = arith.constant 1.200000e+01 : f32
        %mul3A_477 = vector.broadcast %mul3A_476 : f32 to vector<16xf32>
        %mul3A_478 = arith.mulf %get3A_475, %mul3A_477 : vector<16xf32>
        %mul3A_479 = arith.constant 4 : i32
        %mul3A_480 = arith.muli %scan3A_347, %mul3A_479 : i32
        %add3A_481 = arith.constant 1 : i32
        %add3A_482 = arith.addi %mul3A_480, %add3A_481 : i32
        %swap3A_483 = arith.constant 1 : i32
        %swap3A_484 = arith.index_cast %swap3A_483 : i32 to index
        %swap3A_485 = arith.index_cast %add3A_482 : i32 to index
        %swap3A_486 = arith.constant 16 : index
        %swap3A_487 = tpu.vector_load %arg7[%swap3A_484, %swap3A_485, %swap3A_486] {strides = array<i32>} : memref<4x128x64xf32, #tpu.memory_space<vmem>>, vector<1x1x16xf32>,
        %swap3A_488 = vector.shape_cast %swap3A_487 : vector<1x1x16xf32> to vector<16xf32>
        %swap3A_489 = vector.shape_cast %mul3A_478 : vector<16xf32> to vector<1x1x16xf32>
        tpu.vector_store %arg7[%swap3A_484, %swap3A_485, %swap3A_486], %swap3A_489 {strides = array<i32>} : memref<4x128x64xf32, #tpu.memory_space<vmem>>, vector<1x1x16xf32>,
        %mul3A_490 = arith.constant 4 : i32
        %mul3A_491 = arith.muli %scan3A_347, %mul3A_490 : i32
        %add3A_492 = arith.constant 1 : i32
        %add3A_493 = arith.addi %mul3A_491, %add3A_492 : i32
        %get3A_494 = arith.constant 1 : i32
        %get3A_495 = arith.index_cast %get3A_494 : i32 to index
        %get3A_496 = arith.index_cast %add3A_493 : i32 to index
        %get3A_497 = arith.constant 32 : index
        %get3A_498 = tpu.vector_load %arg6[%get3A_495, %get3A_496, %get3A_497] {strides = array<i32>} : memref<4x128x64xf32, #tpu.memory_space<vmem>>, vector<1x1x16xf32>,
        %get3A_499 = vector.shape_cast %get3A_498 : vector<1x1x16xf32> to vector<16xf32>
        %mul3A_500 = arith.constant 1.200000e+01 : f32
        %mul3A_501 = vector.broadcast %mul3A_500 : f32 to vector<16xf32>
        %mul3A_502 = arith.mulf %get3A_499, %mul3A_501 : vector<16xf32>
        %mul3A_503 = arith.constant 4 : i32
        %mul3A_504 = arith.muli %scan3A_347, %mul3A_503 : i32
        %add3A_505 = arith.constant 1 : i32
        %add3A_506 = arith.addi %mul3A_504, %add3A_505 : i32
        %swap3A_507 = arith.constant 1 : i32
        %swap3A_508 = arith.index_cast %swap3A_507 : i32 to index
        %swap3A_509 = arith.index_cast %add3A_506 : i32 to index
        %swap3A_510 = arith.constant 32 : index
        %swap3A_511 = tpu.vector_load %arg7[%swap3A_508, %swap3A_509, %swap3A_510] {strides = array<i32>} : memref<4x128x64xf32, #tpu.memory_space<vmem>>, vector<1x1x16xf32>,
        %swap3A_512 = vector.shape_cast %swap3A_511 : vector<1x1x16xf32> to vector<16xf32>
        %swap3A_513 = vector.shape_cast %mul3A_502 : vector<16xf32> to vector<1x1x16xf32>
        tpu.vector_store %arg7[%swap3A_508, %swap3A_509, %swap3A_510], %swap3A_513 {strides = array<i32>} : memref<4x128x64xf32, #tpu.memory_space<vmem>>, vector<1x1x16xf32>,
        %mul3A_514 = arith.constant 4 : i32
        %mul3A_515 = arith.muli %scan3A_347, %mul3A_514 : i32
        %add3A_516 = arith.constant 1 : i32
        %add3A_517 = arith.addi %mul3A_515, %add3A_516 : i32
        %get3A_518 = arith.constant 1 : i32
        %get3A_519 = arith.index_cast %get3A_518 : i32 to index
        %get3A_520 = arith.index_cast %add3A_517 : i32 to index
        %get3A_521 = arith.constant 48 : index
        %get3A_522 = tpu.vector_load %arg6[%get3A_519, %get3A_520, %get3A_521] {strides = array<i32>} : memref<4x128x64xf32, #tpu.memory_space<vmem>>, vector<1x1x16xf32>,
        %get3A_523 = vector.shape_cast %get3A_522 : vector<1x1x16xf32> to vector<16xf32>
        %mul3A_524 = arith.constant 1.200000e+01 : f32
        %mul3A_525 = vector.broadcast %mul3A_524 : f32 to vector<16xf32>
        %mul3A_526 = arith.mulf %get3A_523, %mul3A_525 : vector<16xf32>
        %mul3A_527 = arith.constant 4 : i32
        %mul3A_528 = arith.muli %scan3A_347, %mul3A_527 : i32
        %add3A_529 = arith.constant 1 : i32
        %add3A_530 = arith.addi %mul3A_528, %add3A_529 : i32
        %swap3A_531 = arith.constant 1 : i32
        %swap3A_532 = arith.index_cast %swap3A_531 : i32 to index
        %swap3A_533 = arith.index_cast %add3A_530 : i32 to index
        %swap3A_534 = arith.constant 48 : index
        %swap3A_535 = tpu.vector_load %arg7[%swap3A_532, %swap3A_533, %swap3A_534] {strides = array<i32>} : memref<4x128x64xf32, #tpu.memory_space<vmem>>, vector<1x1x16xf32>,
        %swap3A_536 = vector.shape_cast %swap3A_535 : vector<1x1x16xf32> to vector<16xf32>
        %swap3A_537 = vector.shape_cast %mul3A_526 : vector<16xf32> to vector<1x1x16xf32>
        tpu.vector_store %arg7[%swap3A_532, %swap3A_533, %swap3A_534], %swap3A_537 {strides = array<i32>} : memref<4x128x64xf32, #tpu.memory_space<vmem>>, vector<1x1x16xf32>,
        %mul3A_538 = arith.constant 4 : i32
        %mul3A_539 = arith.muli %scan3A_347, %mul3A_538 : i32
        %add3A_540 = arith.constant 2 : i32
        %add3A_541 = arith.addi %mul3A_539, %add3A_540 : i32
        %get3A_542 = arith.constant 1 : i32
        %get3A_543 = arith.index_cast %get3A_542 : i32 to index
        %get3A_544 = arith.index_cast %add3A_541 : i32 to index
        %get3A_545 = arith.constant 0 : index
        %get3A_546 = tpu.vector_load %arg6[%get3A_543, %get3A_544, %get3A_545] {strides = array<i32>} : memref<4x128x64xf32, #tpu.memory_space<vmem>>, vector<1x1x16xf32>,
        %get3A_547 = vector.shape_cast %get3A_546 : vector<1x1x16xf32> to vector<16xf32>
        %mul3A_548 = arith.constant 1.200000e+01 : f32
        %mul3A_549 = vector.broadcast %mul3A_548 : f32 to vector<16xf32>
        %mul3A_550 = arith.mulf %get3A_547, %mul3A_549 : vector<16xf32>
        %mul3A_551 = arith.constant 4 : i32
        %mul3A_552 = arith.muli %scan3A_347, %mul3A_551 : i32
        %add3A_553 = arith.constant 2 : i32
        %add3A_554 = arith.addi %mul3A_552, %add3A_553 : i32
        %swap3A_555 = arith.constant 1 : i32
        %swap3A_556 = arith.index_cast %swap3A_555 : i32 to index
        %swap3A_557 = arith.index_cast %add3A_554 : i32 to index
        %swap3A_558 = arith.constant 0 : index
        %swap3A_559 = tpu.vector_load %arg7[%swap3A_556, %swap3A_557, %swap3A_558] {strides = array<i32>} : memref<4x128x64xf32, #tpu.memory_space<vmem>>, vector<1x1x16xf32>,
        %swap3A_560 = vector.shape_cast %swap3A_559 : vector<1x1x16xf32> to vector<16xf32>
        %swap3A_561 = vector.shape_cast %mul3A_550 : vector<16xf32> to vector<1x1x16xf32>
        tpu.vector_store %arg7[%swap3A_556, %swap3A_557, %swap3A_558], %swap3A_561 {strides = array<i32>} : memref<4x128x64xf32, #tpu.memory_space<vmem>>, vector<1x1x16xf32>,
        %mul3A_562 = arith.constant 4 : i32
        %mul3A_563 = arith.muli %scan3A_347, %mul3A_562 : i32
        %add3A_564 = arith.constant 2 : i32
        %add3A_565 = arith.addi %mul3A_563, %add3A_564 : i32
        %get3A_566 = arith.constant 1 : i32
        %get3A_567 = arith.index_cast %get3A_566 : i32 to index
        %get3A_568 = arith.index_cast %add3A_565 : i32 to index
        %get3A_569 = arith.constant 16 : index
        %get3A_570 = tpu.vector_load %arg6[%get3A_567, %get3A_568, %get3A_569] {strides = array<i32>} : memref<4x128x64xf32, #tpu.memory_space<vmem>>, vector<1x1x16xf32>,
        %get3A_571 = vector.shape_cast %get3A_570 : vector<1x1x16xf32> to vector<16xf32>
        %mul3A_572 = arith.constant 1.200000e+01 : f32
        %mul3A_573 = vector.broadcast %mul3A_572 : f32 to vector<16xf32>
        %mul3A_574 = arith.mulf %get3A_571, %mul3A_573 : vector<16xf32>
        %mul3A_575 = arith.constant 4 : i32
        %mul3A_576 = arith.muli %scan3A_347, %mul3A_575 : i32
        %add3A_577 = arith.constant 2 : i32
        %add3A_578 = arith.addi %mul3A_576, %add3A_577 : i32
        %swap3A_579 = arith.constant 1 : i32
        %swap3A_580 = arith.index_cast %swap3A_579 : i32 to index
        %swap3A_581 = arith.index_cast %add3A_578 : i32 to index
        %swap3A_582 = arith.constant 16 : index
        %swap3A_583 = tpu.vector_load %arg7[%swap3A_580, %swap3A_581, %swap3A_582] {strides = array<i32>} : memref<4x128x64xf32, #tpu.memory_space<vmem>>, vector<1x1x16xf32>,
        %swap3A_584 = vector.shape_cast %swap3A_583 : vector<1x1x16xf32> to vector<16xf32>
        %swap3A_585 = vector.shape_cast %mul3A_574 : vector<16xf32> to vector<1x1x16xf32>
        tpu.vector_store %arg7[%swap3A_580, %swap3A_581, %swap3A_582], %swap3A_585 {strides = array<i32>} : memref<4x128x64xf32, #tpu.memory_space<vmem>>, vector<1x1x16xf32>,
        %mul3A_586 = arith.constant 4 : i32
        %mul3A_587 = arith.muli %scan3A_347, %mul3A_586 : i32
        %add3A_588 = arith.constant 2 : i32
        %add3A_589 = arith.addi %mul3A_587, %add3A_588 : i32
        %get3A_590 = arith.constant 1 : i32
        %get3A_591 = arith.index_cast %get3A_590 : i32 to index
        %get3A_592 = arith.index_cast %add3A_589 : i32 to index
        %get3A_593 = arith.constant 32 : index
        %get3A_594 = tpu.vector_load %arg6[%get3A_591, %get3A_592, %get3A_593] {strides = array<i32>} : memref<4x128x64xf32, #tpu.memory_space<vmem>>, vector<1x1x16xf32>,
        %get3A_595 = vector.shape_cast %get3A_594 : vector<1x1x16xf32> to vector<16xf32>
        %mul3A_596 = arith.constant 1.200000e+01 : f32
        %mul3A_597 = vector.broadcast %mul3A_596 : f32 to vector<16xf32>
        %mul3A_598 = arith.mulf %get3A_595, %mul3A_597 : vector<16xf32>
        %mul3A_599 = arith.constant 4 : i32
        %mul3A_600 = arith.muli %scan3A_347, %mul3A_599 : i32
        %add3A_601 = arith.constant 2 : i32
        %add3A_602 = arith.addi %mul3A_600, %add3A_601 : i32
        %swap3A_603 = arith.constant 1 : i32
        %swap3A_604 = arith.index_cast %swap3A_603 : i32 to index
        %swap3A_605 = arith.index_cast %add3A_602 : i32 to index
        %swap3A_606 = arith.constant 32 : index
        %swap3A_607 = tpu.vector_load %arg7[%swap3A_604, %swap3A_605, %swap3A_606] {strides = array<i32>} : memref<4x128x64xf32, #tpu.memory_space<vmem>>, vector<1x1x16xf32>,
        %swap3A_608 = vector.shape_cast %swap3A_607 : vector<1x1x16xf32> to vector<16xf32>
        %swap3A_609 = vector.shape_cast %mul3A_598 : vector<16xf32> to vector<1x1x16xf32>
        tpu.vector_store %arg7[%swap3A_604, %swap3A_605, %swap3A_606], %swap3A_609 {strides = array<i32>} : memref<4x128x64xf32, #tpu.memory_space<vmem>>, vector<1x1x16xf32>,
        %mul3A_610 = arith.constant 4 : i32
        %mul3A_611 = arith.muli %scan3A_347, %mul3A_610 : i32
        %add3A_612 = arith.constant 2 : i32
        %add3A_613 = arith.addi %mul3A_611, %add3A_612 : i32
        %get3A_614 = arith.constant 1 : i32
        %get3A_615 = arith.index_cast %get3A_614 : i32 to index
        %get3A_616 = arith.index_cast %add3A_613 : i32 to index
        %get3A_617 = arith.constant 48 : index
        %get3A_618 = tpu.vector_load %arg6[%get3A_615, %get3A_616, %get3A_617] {strides = array<i32>} : memref<4x128x64xf32, #tpu.memory_space<vmem>>, vector<1x1x16xf32>,
        %get3A_619 = vector.shape_cast %get3A_618 : vector<1x1x16xf32> to vector<16xf32>
        %mul3A_620 = arith.constant 1.200000e+01 : f32
        %mul3A_621 = vector.broadcast %mul3A_620 : f32 to vector<16xf32>
        %mul3A_622 = arith.mulf %get3A_619, %mul3A_621 : vector<16xf32>
        %mul3A_623 = arith.constant 4 : i32
        %mul3A_624 = arith.muli %scan3A_347, %mul3A_623 : i32
        %add3A_625 = arith.constant 2 : i32
        %add3A_626 = arith.addi %mul3A_624, %add3A_625 : i32
        %swap3A_627 = arith.constant 1 : i32
        %swap3A_628 = arith.index_cast %swap3A_627 : i32 to index
        %swap3A_629 = arith.index_cast %add3A_626 : i32 to index
        %swap3A_630 = arith.constant 48 : index
        %swap3A_631 = tpu.vector_load %arg7[%swap3A_628, %swap3A_629, %swap3A_630] {strides = array<i32>} : memref<4x128x64xf32, #tpu.memory_space<vmem>>, vector<1x1x16xf32>,
        %swap3A_632 = vector.shape_cast %swap3A_631 : vector<1x1x16xf32> to vector<16xf32>
        %swap3A_633 = vector.shape_cast %mul3A_622 : vector<16xf32> to vector<1x1x16xf32>
        tpu.vector_store %arg7[%swap3A_628, %swap3A_629, %swap3A_630], %swap3A_633 {strides = array<i32>} : memref<4x128x64xf32, #tpu.memory_space<vmem>>, vector<1x1x16xf32>,
        %mul3A_634 = arith.constant 4 : i32
        %mul3A_635 = arith.muli %scan3A_347, %mul3A_634 : i32
        %add3A_636 = arith.constant 3 : i32
        %add3A_637 = arith.addi %mul3A_635, %add3A_636 : i32
        %get3A_638 = arith.constant 1 : i32
        %get3A_639 = arith.index_cast %get3A_638 : i32 to index
        %get3A_640 = arith.index_cast %add3A_637 : i32 to index
        %get3A_641 = arith.constant 0 : index
        %get3A_642 = tpu.vector_load %arg6[%get3A_639, %get3A_640, %get3A_641] {strides = array<i32>} : memref<4x128x64xf32, #tpu.memory_space<vmem>>, vector<1x1x16xf32>,
        %get3A_643 = vector.shape_cast %get3A_642 : vector<1x1x16xf32> to vector<16xf32>
        %mul3A_644 = arith.constant 1.200000e+01 : f32
        %mul3A_645 = vector.broadcast %mul3A_644 : f32 to vector<16xf32>
        %mul3A_646 = arith.mulf %get3A_643, %mul3A_645 : vector<16xf32>
        %mul3A_647 = arith.constant 4 : i32
        %mul3A_648 = arith.muli %scan3A_347, %mul3A_647 : i32
        %add3A_649 = arith.constant 3 : i32
        %add3A_650 = arith.addi %mul3A_648, %add3A_649 : i32
        %swap3A_651 = arith.constant 1 : i32
        %swap3A_652 = arith.index_cast %swap3A_651 : i32 to index
        %swap3A_653 = arith.index_cast %add3A_650 : i32 to index
        %swap3A_654 = arith.constant 0 : index
        %swap3A_655 = tpu.vector_load %arg7[%swap3A_652, %swap3A_653, %swap3A_654] {strides = array<i32>} : memref<4x128x64xf32, #tpu.memory_space<vmem>>, vector<1x1x16xf32>,
        %swap3A_656 = vector.shape_cast %swap3A_655 : vector<1x1x16xf32> to vector<16xf32>
        %swap3A_657 = vector.shape_cast %mul3A_646 : vector<16xf32> to vector<1x1x16xf32>
        tpu.vector_store %arg7[%swap3A_652, %swap3A_653, %swap3A_654], %swap3A_657 {strides = array<i32>} : memref<4x128x64xf32, #tpu.memory_space<vmem>>, vector<1x1x16xf32>,
        %mul3A_658 = arith.constant 4 : i32
        %mul3A_659 = arith.muli %scan3A_347, %mul3A_658 : i32
        %add3A_660 = arith.constant 3 : i32
        %add3A_661 = arith.addi %mul3A_659, %add3A_660 : i32
        %get3A_662 = arith.constant 1 : i32
        %get3A_663 = arith.index_cast %get3A_662 : i32 to index
        %get3A_664 = arith.index_cast %add3A_661 : i32 to index
        %get3A_665 = arith.constant 16 : index
        %get3A_666 = tpu.vector_load %arg6[%get3A_663, %get3A_664, %get3A_665] {strides = array<i32>} : memref<4x128x64xf32, #tpu.memory_space<vmem>>, vector<1x1x16xf32>,
        %get3A_667 = vector.shape_cast %get3A_666 : vector<1x1x16xf32> to vector<16xf32>
        %mul3A_668 = arith.constant 1.200000e+01 : f32
        %mul3A_669 = vector.broadcast %mul3A_668 : f32 to vector<16xf32>
        %mul3A_670 = arith.mulf %get3A_667, %mul3A_669 : vector<16xf32>
        %mul3A_671 = arith.constant 4 : i32
        %mul3A_672 = arith.muli %scan3A_347, %mul3A_671 : i32
        %add3A_673 = arith.constant 3 : i32
        %add3A_674 = arith.addi %mul3A_672, %add3A_673 : i32
        %swap3A_675 = arith.constant 1 : i32
        %swap3A_676 = arith.index_cast %swap3A_675 : i32 to index
        %swap3A_677 = arith.index_cast %add3A_674 : i32 to index
        %swap3A_678 = arith.constant 16 : index
        %swap3A_679 = tpu.vector_load %arg7[%swap3A_676, %swap3A_677, %swap3A_678] {strides = array<i32>} : memref<4x128x64xf32, #tpu.memory_space<vmem>>, vector<1x1x16xf32>,
        %swap3A_680 = vector.shape_cast %swap3A_679 : vector<1x1x16xf32> to vector<16xf32>
        %swap3A_681 = vector.shape_cast %mul3A_670 : vector<16xf32> to vector<1x1x16xf32>
        tpu.vector_store %arg7[%swap3A_676, %swap3A_677, %swap3A_678], %swap3A_681 {strides = array<i32>} : memref<4x128x64xf32, #tpu.memory_space<vmem>>, vector<1x1x16xf32>,
        %mul3A_682 = arith.constant 4 : i32
        %mul3A_683 = arith.muli %scan3A_347, %mul3A_682 : i32
        %add3A_684 = arith.constant 3 : i32
        %add3A_685 = arith.addi %mul3A_683, %add3A_684 : i32
        %get3A_686 = arith.constant 1 : i32
        %get3A_687 = arith.index_cast %get3A_686 : i32 to index
        %get3A_688 = arith.index_cast %add3A_685 : i32 to index
        %get3A_689 = arith.constant 32 : index
        %get3A_690 = tpu.vector_load %arg6[%get3A_687, %get3A_688, %get3A_689] {strides = array<i32>} : memref<4x128x64xf32, #tpu.memory_space<vmem>>, vector<1x1x16xf32>,
        %get3A_691 = vector.shape_cast %get3A_690 : vector<1x1x16xf32> to vector<16xf32>
        %mul3A_692 = arith.constant 1.200000e+01 : f32
        %mul3A_693 = vector.broadcast %mul3A_692 : f32 to vector<16xf32>
        %mul3A_694 = arith.mulf %get3A_691, %mul3A_693 : vector<16xf32>
        %mul3A_695 = arith.constant 4 : i32
        %mul3A_696 = arith.muli %scan3A_347, %mul3A_695 : i32
        %add3A_697 = arith.constant 3 : i32
        %add3A_698 = arith.addi %mul3A_696, %add3A_697 : i32
        %swap3A_699 = arith.constant 1 : i32
        %swap3A_700 = arith.index_cast %swap3A_699 : i32 to index
        %swap3A_701 = arith.index_cast %add3A_698 : i32 to index
        %swap3A_702 = arith.constant 32 : index
        %swap3A_703 = tpu.vector_load %arg7[%swap3A_700, %swap3A_701, %swap3A_702] {strides = array<i32>} : memref<4x128x64xf32, #tpu.memory_space<vmem>>, vector<1x1x16xf32>,
        %swap3A_704 = vector.shape_cast %swap3A_703 : vector<1x1x16xf32> to vector<16xf32>
        %swap3A_705 = vector.shape_cast %mul3A_694 : vector<16xf32> to vector<1x1x16xf32>
        tpu.vector_store %arg7[%swap3A_700, %swap3A_701, %swap3A_702], %swap3A_705 {strides = array<i32>} : memref<4x128x64xf32, #tpu.memory_space<vmem>>, vector<1x1x16xf32>,
        %mul3A_706 = arith.constant 4 : i32
        %mul3A_707 = arith.muli %scan3A_347, %mul3A_706 : i32
        %add3A_708 = arith.constant 3 : i32
        %add3A_709 = arith.addi %mul3A_707, %add3A_708 : i32
        %get3A_710 = arith.constant 1 : i32
        %get3A_711 = arith.index_cast %get3A_710 : i32 to index
        %get3A_712 = arith.index_cast %add3A_709 : i32 to index
        %get3A_713 = arith.constant 48 : index
        %get3A_714 = tpu.vector_load %arg6[%get3A_711, %get3A_712, %get3A_713] {strides = array<i32>} : memref<4x128x64xf32, #tpu.memory_space<vmem>>, vector<1x1x16xf32>,
        %get3A_715 = vector.shape_cast %get3A_714 : vector<1x1x16xf32> to vector<16xf32>
        %mul3A_716 = arith.constant 1.200000e+01 : f32
        %mul3A_717 = vector.broadcast %mul3A_716 : f32 to vector<16xf32>
        %mul3A_718 = arith.mulf %get3A_715, %mul3A_717 : vector<16xf32>
        %mul3A_719 = arith.constant 4 : i32
        %mul3A_720 = arith.muli %scan3A_347, %mul3A_719 : i32
        %add3A_721 = arith.constant 3 : i32
        %add3A_722 = arith.addi %mul3A_720, %add3A_721 : i32
        %swap3A_723 = arith.constant 1 : i32
        %swap3A_724 = arith.index_cast %swap3A_723 : i32 to index
        %swap3A_725 = arith.index_cast %add3A_722 : i32 to index
        %swap3A_726 = arith.constant 48 : index
        %swap3A_727 = tpu.vector_load %arg7[%swap3A_724, %swap3A_725, %swap3A_726] {strides = array<i32>} : memref<4x128x64xf32, #tpu.memory_space<vmem>>, vector<1x1x16xf32>,
        %swap3A_728 = vector.shape_cast %swap3A_727 : vector<1x1x16xf32> to vector<16xf32>
        %swap3A_729 = vector.shape_cast %mul3A_718 : vector<16xf32> to vector<1x1x16xf32>
        tpu.vector_store %arg7[%swap3A_724, %swap3A_725, %swap3A_726], %swap3A_729 {strides = array<i32>} : memref<4x128x64xf32, #tpu.memory_space<vmem>>, vector<1x1x16xf32>,
        %scan3A_730 = arith.constant 1 : i32
        %scan3A_731 = arith.addi %scan3A_347, %scan3A_730 : i32
        %mul3A_732 = arith.constant 4 : i32
        %mul3A_733 = arith.muli %scan3A_731, %mul3A_732 : i32
        %add3A_734 = arith.constant 0 : i32
        %add3A_735 = arith.addi %mul3A_733, %add3A_734 : i32
        %get3A_736 = arith.constant 1 : i32
        %get3A_737 = arith.index_cast %get3A_736 : i32 to index
        %get3A_738 = arith.index_cast %add3A_735 : i32 to index
        %get3A_739 = arith.constant 0 : index
        %get3A_740 = tpu.vector_load %arg6[%get3A_737, %get3A_738, %get3A_739] {strides = array<i32>} : memref<4x128x64xf32, #tpu.memory_space<vmem>>, vector<1x1x16xf32>,
        %get3A_741 = vector.shape_cast %get3A_740 : vector<1x1x16xf32> to vector<16xf32>
        %mul3A_742 = arith.constant 1.200000e+01 : f32
        %mul3A_743 = vector.broadcast %mul3A_742 : f32 to vector<16xf32>
        %mul3A_744 = arith.mulf %get3A_741, %mul3A_743 : vector<16xf32>
        %mul3A_745 = arith.constant 4 : i32
        %mul3A_746 = arith.muli %scan3A_731, %mul3A_745 : i32
        %add3A_747 = arith.constant 0 : i32
        %add3A_748 = arith.addi %mul3A_746, %add3A_747 : i32
        %swap3A_749 = arith.constant 1 : i32
        %swap3A_750 = arith.index_cast %swap3A_749 : i32 to index
        %swap3A_751 = arith.index_cast %add3A_748 : i32 to index
        %swap3A_752 = arith.constant 0 : index
        %swap3A_753 = tpu.vector_load %arg7[%swap3A_750, %swap3A_751, %swap3A_752] {strides = array<i32>} : memref<4x128x64xf32, #tpu.memory_space<vmem>>, vector<1x1x16xf32>,
        %swap3A_754 = vector.shape_cast %swap3A_753 : vector<1x1x16xf32> to vector<16xf32>
        %swap3A_755 = vector.shape_cast %mul3A_744 : vector<16xf32> to vector<1x1x16xf32>
        tpu.vector_store %arg7[%swap3A_750, %swap3A_751, %swap3A_752], %swap3A_755 {strides = array<i32>} : memref<4x128x64xf32, #tpu.memory_space<vmem>>, vector<1x1x16xf32>,
        %mul3A_756 = arith.constant 4 : i32
        %mul3A_757 = arith.muli %scan3A_731, %mul3A_756 : i32
        %add3A_758 = arith.constant 0 : i32
        %add3A_759 = arith.addi %mul3A_757, %add3A_758 : i32
        %get3A_760 = arith.constant 1 : i32
        %get3A_761 = arith.index_cast %get3A_760 : i32 to index
        %get3A_762 = arith.index_cast %add3A_759 : i32 to index
        %get3A_763 = arith.constant 16 : index
        %get3A_764 = tpu.vector_load %arg6[%get3A_761, %get3A_762, %get3A_763] {strides = array<i32>} : memref<4x128x64xf32, #tpu.memory_space<vmem>>, vector<1x1x16xf32>,
        %get3A_765 = vector.shape_cast %get3A_764 : vector<1x1x16xf32> to vector<16xf32>
        %mul3A_766 = arith.constant 1.200000e+01 : f32
        %mul3A_767 = vector.broadcast %mul3A_766 : f32 to vector<16xf32>
        %mul3A_768 = arith.mulf %get3A_765, %mul3A_767 : vector<16xf32>
        %mul3A_769 = arith.constant 4 : i32
        %mul3A_770 = arith.muli %scan3A_731, %mul3A_769 : i32
        %add3A_771 = arith.constant 0 : i32
        %add3A_772 = arith.addi %mul3A_770, %add3A_771 : i32
        %swap3A_773 = arith.constant 1 : i32
        %swap3A_774 = arith.index_cast %swap3A_773 : i32 to index
        %swap3A_775 = arith.index_cast %add3A_772 : i32 to index
        %swap3A_776 = arith.constant 16 : index
        %swap3A_777 = tpu.vector_load %arg7[%swap3A_774, %swap3A_775, %swap3A_776] {strides = array<i32>} : memref<4x128x64xf32, #tpu.memory_space<vmem>>, vector<1x1x16xf32>,
        %swap3A_778 = vector.shape_cast %swap3A_777 : vector<1x1x16xf32> to vector<16xf32>
        %swap3A_779 = vector.shape_cast %mul3A_768 : vector<16xf32> to vector<1x1x16xf32>
        tpu.vector_store %arg7[%swap3A_774, %swap3A_775, %swap3A_776], %swap3A_779 {strides = array<i32>} : memref<4x128x64xf32, #tpu.memory_space<vmem>>, vector<1x1x16xf32>,
        %mul3A_780 = arith.constant 4 : i32
        %mul3A_781 = arith.muli %scan3A_731, %mul3A_780 : i32
        %add3A_782 = arith.constant 0 : i32
        %add3A_783 = arith.addi %mul3A_781, %add3A_782 : i32
        %get3A_784 = arith.constant 1 : i32
        %get3A_785 = arith.index_cast %get3A_784 : i32 to index
        %get3A_786 = arith.index_cast %add3A_783 : i32 to index
        %get3A_787 = arith.constant 32 : index
        %get3A_788 = tpu.vector_load %arg6[%get3A_785, %get3A_786, %get3A_787] {strides = array<i32>} : memref<4x128x64xf32, #tpu.memory_space<vmem>>, vector<1x1x16xf32>,
        %get3A_789 = vector.shape_cast %get3A_788 : vector<1x1x16xf32> to vector<16xf32>
        %mul3A_790 = arith.constant 1.200000e+01 : f32
        %mul3A_791 = vector.broadcast %mul3A_790 : f32 to vector<16xf32>
        %mul3A_792 = arith.mulf %get3A_789, %mul3A_791 : vector<16xf32>
        %mul3A_793 = arith.constant 4 : i32
        %mul3A_794 = arith.muli %scan3A_731, %mul3A_793 : i32
        %add3A_795 = arith.constant 0 : i32
        %add3A_796 = arith.addi %mul3A_794, %add3A_795 : i32
        %swap3A_797 = arith.constant 1 : i32
        %swap3A_798 = arith.index_cast %swap3A_797 : i32 to index
        %swap3A_799 = arith.index_cast %add3A_796 : i32 to index
        %swap3A_800 = arith.constant 32 : index
        %swap3A_801 = tpu.vector_load %arg7[%swap3A_798, %swap3A_799, %swap3A_800] {strides = array<i32>} : memref<4x128x64xf32, #tpu.memory_space<vmem>>, vector<1x1x16xf32>,
        %swap3A_802 = vector.shape_cast %swap3A_801 : vector<1x1x16xf32> to vector<16xf32>
        %swap3A_803 = vector.shape_cast %mul3A_792 : vector<16xf32> to vector<1x1x16xf32>
        tpu.vector_store %arg7[%swap3A_798, %swap3A_799, %swap3A_800], %swap3A_803 {strides = array<i32>} : memref<4x128x64xf32, #tpu.memory_space<vmem>>, vector<1x1x16xf32>,
        %mul3A_804 = arith.constant 4 : i32
        %mul3A_805 = arith.muli %scan3A_731, %mul3A_804 : i32
        %add3A_806 = arith.constant 0 : i32
        %add3A_807 = arith.addi %mul3A_805, %add3A_806 : i32
        %get3A_808 = arith.constant 1 : i32
        %get3A_809 = arith.index_cast %get3A_808 : i32 to index
        %get3A_810 = arith.index_cast %add3A_807 : i32 to index
        %get3A_811 = arith.constant 48 : index
        %get3A_812 = tpu.vector_load %arg6[%get3A_809, %get3A_810, %get3A_811] {strides = array<i32>} : memref<4x128x64xf32, #tpu.memory_space<vmem>>, vector<1x1x16xf32>,
        %get3A_813 = vector.shape_cast %get3A_812 : vector<1x1x16xf32> to vector<16xf32>
        %mul3A_814 = arith.constant 1.200000e+01 : f32
        %mul3A_815 = vector.broadcast %mul3A_814 : f32 to vector<16xf32>
        %mul3A_816 = arith.mulf %get3A_813, %mul3A_815 : vector<16xf32>
        %mul3A_817 = arith.constant 4 : i32
        %mul3A_818 = arith.muli %scan3A_731, %mul3A_817 : i32
        %add3A_819 = arith.constant 0 : i32
        %add3A_820 = arith.addi %mul3A_818, %add3A_819 : i32
        %swap3A_821 = arith.constant 1 : i32
        %swap3A_822 = arith.index_cast %swap3A_821 : i32 to index
        %swap3A_823 = arith.index_cast %add3A_820 : i32 to index
        %swap3A_824 = arith.constant 48 : index
        %swap3A_825 = tpu.vector_load %arg7[%swap3A_822, %swap3A_823, %swap3A_824] {strides = array<i32>} : memref<4x128x64xf32, #tpu.memory_space<vmem>>, vector<1x1x16xf32>,
        %swap3A_826 = vector.shape_cast %swap3A_825 : vector<1x1x16xf32> to vector<16xf32>
        %swap3A_827 = vector.shape_cast %mul3A_816 : vector<16xf32> to vector<1x1x16xf32>
        tpu.vector_store %arg7[%swap3A_822, %swap3A_823, %swap3A_824], %swap3A_827 {strides = array<i32>} : memref<4x128x64xf32, #tpu.memory_space<vmem>>, vector<1x1x16xf32>,
        %mul3A_828 = arith.constant 4 : i32
        %mul3A_829 = arith.muli %scan3A_731, %mul3A_828 : i32
        %add3A_830 = arith.constant 1 : i32
        %add3A_831 = arith.addi %mul3A_829, %add3A_830 : i32
        %get3A_832 = arith.constant 1 : i32
        %get3A_833 = arith.index_cast %get3A_832 : i32 to index
        %get3A_834 = arith.index_cast %add3A_831 : i32 to index
        %get3A_835 = arith.constant 0 : index
        %get3A_836 = tpu.vector_load %arg6[%get3A_833, %get3A_834, %get3A_835] {strides = array<i32>} : memref<4x128x64xf32, #tpu.memory_space<vmem>>, vector<1x1x16xf32>,
        %get3A_837 = vector.shape_cast %get3A_836 : vector<1x1x16xf32> to vector<16xf32>
        %mul3A_838 = arith.constant 1.200000e+01 : f32
        %mul3A_839 = vector.broadcast %mul3A_838 : f32 to vector<16xf32>
        %mul3A_840 = arith.mulf %get3A_837, %mul3A_839 : vector<16xf32>
        %mul3A_841 = arith.constant 4 : i32
        %mul3A_842 = arith.muli %scan3A_731, %mul3A_841 : i32
        %add3A_843 = arith.constant 1 : i32
        %add3A_844 = arith.addi %mul3A_842, %add3A_843 : i32
        %swap3A_845 = arith.constant 1 : i32
        %swap3A_846 = arith.index_cast %swap3A_845 : i32 to index
        %swap3A_847 = arith.index_cast %add3A_844 : i32 to index
        %swap3A_848 = arith.constant 0 : index
        %swap3A_849 = tpu.vector_load %arg7[%swap3A_846, %swap3A_847, %swap3A_848] {strides = array<i32>} : memref<4x128x64xf32, #tpu.memory_space<vmem>>, vector<1x1x16xf32>,
        %swap3A_850 = vector.shape_cast %swap3A_849 : vector<1x1x16xf32> to vector<16xf32>
        %swap3A_851 = vector.shape_cast %mul3A_840 : vector<16xf32> to vector<1x1x16xf32>
        tpu.vector_store %arg7[%swap3A_846, %swap3A_847, %swap3A_848], %swap3A_851 {strides = array<i32>} : memref<4x128x64xf32, #tpu.memory_space<vmem>>, vector<1x1x16xf32>,
        %mul3A_852 = arith.constant 4 : i32
        %mul3A_853 = arith.muli %scan3A_731, %mul3A_852 : i32
        %add3A_854 = arith.constant 1 : i32
        %add3A_855 = arith.addi %mul3A_853, %add3A_854 : i32
        %get3A_856 = arith.constant 1 : i32
        %get3A_857 = arith.index_cast %get3A_856 : i32 to index
        %get3A_858 = arith.index_cast %add3A_855 : i32 to index
        %get3A_859 = arith.constant 16 : index
        %get3A_860 = tpu.vector_load %arg6[%get3A_857, %get3A_858, %get3A_859] {strides = array<i32>} : memref<4x128x64xf32, #tpu.memory_space<vmem>>, vector<1x1x16xf32>,
        %get3A_861 = vector.shape_cast %get3A_860 : vector<1x1x16xf32> to vector<16xf32>
        %mul3A_862 = arith.constant 1.200000e+01 : f32
        %mul3A_863 = vector.broadcast %mul3A_862 : f32 to vector<16xf32>
        %mul3A_864 = arith.mulf %get3A_861, %mul3A_863 : vector<16xf32>
        %mul3A_865 = arith.constant 4 : i32
        %mul3A_866 = arith.muli %scan3A_731, %mul3A_865 : i32
        %add3A_867 = arith.constant 1 : i32
        %add3A_868 = arith.addi %mul3A_866, %add3A_867 : i32
        %swap3A_869 = arith.constant 1 : i32
        %swap3A_870 = arith.index_cast %swap3A_869 : i32 to index
        %swap3A_871 = arith.index_cast %add3A_868 : i32 to index
        %swap3A_872 = arith.constant 16 : index
        %swap3A_873 = tpu.vector_load %arg7[%swap3A_870, %swap3A_871, %swap3A_872] {strides = array<i32>} : memref<4x128x64xf32, #tpu.memory_space<vmem>>, vector<1x1x16xf32>,
        %swap3A_874 = vector.shape_cast %swap3A_873 : vector<1x1x16xf32> to vector<16xf32>
        %swap3A_875 = vector.shape_cast %mul3A_864 : vector<16xf32> to vector<1x1x16xf32>
        tpu.vector_store %arg7[%swap3A_870, %swap3A_871, %swap3A_872], %swap3A_875 {strides = array<i32>} : memref<4x128x64xf32, #tpu.memory_space<vmem>>, vector<1x1x16xf32>,
        %mul3A_876 = arith.constant 4 : i32
        %mul3A_877 = arith.muli %scan3A_731, %mul3A_876 : i32
        %add3A_878 = arith.constant 1 : i32
        %add3A_879 = arith.addi %mul3A_877, %add3A_878 : i32
        %get3A_880 = arith.constant 1 : i32
        %get3A_881 = arith.index_cast %get3A_880 : i32 to index
        %get3A_882 = arith.index_cast %add3A_879 : i32 to index
        %get3A_883 = arith.constant 32 : index
        %get3A_884 = tpu.vector_load %arg6[%get3A_881, %get3A_882, %get3A_883] {strides = array<i32>} : memref<4x128x64xf32, #tpu.memory_space<vmem>>, vector<1x1x16xf32>,
        %get3A_885 = vector.shape_cast %get3A_884 : vector<1x1x16xf32> to vector<16xf32>
        %mul3A_886 = arith.constant 1.200000e+01 : f32
        %mul3A_887 = vector.broadcast %mul3A_886 : f32 to vector<16xf32>
        %mul3A_888 = arith.mulf %get3A_885, %mul3A_887 : vector<16xf32>
        %mul3A_889 = arith.constant 4 : i32
        %mul3A_890 = arith.muli %scan3A_731, %mul3A_889 : i32
        %add3A_891 = arith.constant 1 : i32
        %add3A_892 = arith.addi %mul3A_890, %add3A_891 : i32
        %swap3A_893 = arith.constant 1 : i32
        %swap3A_894 = arith.index_cast %swap3A_893 : i32 to index
        %swap3A_895 = arith.index_cast %add3A_892 : i32 to index
        %swap3A_896 = arith.constant 32 : index
        %swap3A_897 = tpu.vector_load %arg7[%swap3A_894, %swap3A_895, %swap3A_896] {strides = array<i32>} : memref<4x128x64xf32, #tpu.memory_space<vmem>>, vector<1x1x16xf32>,
        %swap3A_898 = vector.shape_cast %swap3A_897 : vector<1x1x16xf32> to vector<16xf32>
        %swap3A_899 = vector.shape_cast %mul3A_888 : vector<16xf32> to vector<1x1x16xf32>
        tpu.vector_store %arg7[%swap3A_894, %swap3A_895, %swap3A_896], %swap3A_899 {strides = array<i32>} : memref<4x128x64xf32, #tpu.memory_space<vmem>>, vector<1x1x16xf32>,
        %mul3A_900 = arith.constant 4 : i32
        %mul3A_901 = arith.muli %scan3A_731, %mul3A_900 : i32
        %add3A_902 = arith.constant 1 : i32
        %add3A_903 = arith.addi %mul3A_901, %add3A_902 : i32
        %get3A_904 = arith.constant 1 : i32
        %get3A_905 = arith.index_cast %get3A_904 : i32 to index
        %get3A_906 = arith.index_cast %add3A_903 : i32 to index
        %get3A_907 = arith.constant 48 : index
        %get3A_908 = tpu.vector_load %arg6[%get3A_905, %get3A_906, %get3A_907] {strides = array<i32>} : memref<4x128x64xf32, #tpu.memory_space<vmem>>, vector<1x1x16xf32>,
        %get3A_909 = vector.shape_cast %get3A_908 : vector<1x1x16xf32> to vector<16xf32>
        %mul3A_910 = arith.constant 1.200000e+01 : f32
        %mul3A_911 = vector.broadcast %mul3A_910 : f32 to vector<16xf32>
        %mul3A_912 = arith.mulf %get3A_909, %mul3A_911 : vector<16xf32>
        %mul3A_913 = arith.constant 4 : i32
        %mul3A_914 = arith.muli %scan3A_731, %mul3A_913 : i32
        %add3A_915 = arith.constant 1 : i32
        %add3A_916 = arith.addi %mul3A_914, %add3A_915 : i32
        %swap3A_917 = arith.constant 1 : i32
        %swap3A_918 = arith.index_cast %swap3A_917 : i32 to index
        %swap3A_919 = arith.index_cast %add3A_916 : i32 to index
        %swap3A_920 = arith.constant 48 : index
        %swap3A_921 = tpu.vector_load %arg7[%swap3A_918, %swap3A_919, %swap3A_920] {strides = array<i32>} : memref<4x128x64xf32, #tpu.memory_space<vmem>>, vector<1x1x16xf32>,
        %swap3A_922 = vector.shape_cast %swap3A_921 : vector<1x1x16xf32> to vector<16xf32>
        %swap3A_923 = vector.shape_cast %mul3A_912 : vector<16xf32> to vector<1x1x16xf32>
        tpu.vector_store %arg7[%swap3A_918, %swap3A_919, %swap3A_920], %swap3A_923 {strides = array<i32>} : memref<4x128x64xf32, #tpu.memory_space<vmem>>, vector<1x1x16xf32>,
        %mul3A_924 = arith.constant 4 : i32
        %mul3A_925 = arith.muli %scan3A_731, %mul3A_924 : i32
        %add3A_926 = arith.constant 2 : i32
        %add3A_927 = arith.addi %mul3A_925, %add3A_926 : i32
        %get3A_928 = arith.constant 1 : i32
        %get3A_929 = arith.index_cast %get3A_928 : i32 to index
        %get3A_930 = arith.index_cast %add3A_927 : i32 to index
        %get3A_931 = arith.constant 0 : index
        %get3A_932 = tpu.vector_load %arg6[%get3A_929, %get3A_930, %get3A_931] {strides = array<i32>} : memref<4x128x64xf32, #tpu.memory_space<vmem>>, vector<1x1x16xf32>,
        %get3A_933 = vector.shape_cast %get3A_932 : vector<1x1x16xf32> to vector<16xf32>
        %mul3A_934 = arith.constant 1.200000e+01 : f32
        %mul3A_935 = vector.broadcast %mul3A_934 : f32 to vector<16xf32>
        %mul3A_936 = arith.mulf %get3A_933, %mul3A_935 : vector<16xf32>
        %mul3A_937 = arith.constant 4 : i32
        %mul3A_938 = arith.muli %scan3A_731, %mul3A_937 : i32
        %add3A_939 = arith.constant 2 : i32
        %add3A_940 = arith.addi %mul3A_938, %add3A_939 : i32
        %swap3A_941 = arith.constant 1 : i32
        %swap3A_942 = arith.index_cast %swap3A_941 : i32 to index
        %swap3A_943 = arith.index_cast %add3A_940 : i32 to index
        %swap3A_944 = arith.constant 0 : index
        %swap3A_945 = tpu.vector_load %arg7[%swap3A_942, %swap3A_943, %swap3A_944] {strides = array<i32>} : memref<4x128x64xf32, #tpu.memory_space<vmem>>, vector<1x1x16xf32>,
        %swap3A_946 = vector.shape_cast %swap3A_945 : vector<1x1x16xf32> to vector<16xf32>
        %swap3A_947 = vector.shape_cast %mul3A_936 : vector<16xf32> to vector<1x1x16xf32>
        tpu.vector_store %arg7[%swap3A_942, %swap3A_943, %swap3A_944], %swap3A_947 {strides = array<i32>} : memref<4x128x64xf32, #tpu.memory_space<vmem>>, vector<1x1x16xf32>,
        %mul3A_948 = arith.constant 4 : i32
        %mul3A_949 = arith.muli %scan3A_731, %mul3A_948 : i32
        %add3A_950 = arith.constant 2 : i32
        %add3A_951 = arith.addi %mul3A_949, %add3A_950 : i32
        %get3A_952 = arith.constant 1 : i32
        %get3A_953 = arith.index_cast %get3A_952 : i32 to index
        %get3A_954 = arith.index_cast %add3A_951 : i32 to index
        %get3A_955 = arith.constant 16 : index
        %get3A_956 = tpu.vector_load %arg6[%get3A_953, %get3A_954, %get3A_955] {strides = array<i32>} : memref<4x128x64xf32, #tpu.memory_space<vmem>>, vector<1x1x16xf32>,
        %get3A_957 = vector.shape_cast %get3A_956 : vector<1x1x16xf32> to vector<16xf32>
        %mul3A_958 = arith.constant 1.200000e+01 : f32
        %mul3A_959 = vector.broadcast %mul3A_958 : f32 to vector<16xf32>
        %mul3A_960 = arith.mulf %get3A_957, %mul3A_959 : vector<16xf32>
        %mul3A_961 = arith.constant 4 : i32
        %mul3A_962 = arith.muli %scan3A_731, %mul3A_961 : i32
        %add3A_963 = arith.constant 2 : i32
        %add3A_964 = arith.addi %mul3A_962, %add3A_963 : i32
        %swap3A_965 = arith.constant 1 : i32
        %swap3A_966 = arith.index_cast %swap3A_965 : i32 to index
        %swap3A_967 = arith.index_cast %add3A_964 : i32 to index
        %swap3A_968 = arith.constant 16 : index
        %swap3A_969 = tpu.vector_load %arg7[%swap3A_966, %swap3A_967, %swap3A_968] {strides = array<i32>} : memref<4x128x64xf32, #tpu.memory_space<vmem>>, vector<1x1x16xf32>,
        %swap3A_970 = vector.shape_cast %swap3A_969 : vector<1x1x16xf32> to vector<16xf32>
        %swap3A_971 = vector.shape_cast %mul3A_960 : vector<16xf32> to vector<1x1x16xf32>
        tpu.vector_store %arg7[%swap3A_966, %swap3A_967, %swap3A_968], %swap3A_971 {strides = array<i32>} : memref<4x128x64xf32, #tpu.memory_space<vmem>>, vector<1x1x16xf32>,
        %mul3A_972 = arith.constant 4 : i32
        %mul3A_973 = arith.muli %scan3A_731, %mul3A_972 : i32
        %add3A_974 = arith.constant 2 : i32
        %add3A_975 = arith.addi %mul3A_973, %add3A_974 : i32
        %get3A_976 = arith.constant 1 : i32
        %get3A_977 = arith.index_cast %get3A_976 : i32 to index
        %get3A_978 = arith.index_cast %add3A_975 : i32 to index
        %get3A_979 = arith.constant 32 : index
        %get3A_980 = tpu.vector_load %arg6[%get3A_977, %get3A_978, %get3A_979] {strides = array<i32>} : memref<4x128x64xf32, #tpu.memory_space<vmem>>, vector<1x1x16xf32>,
        %get3A_981 = vector.shape_cast %get3A_980 : vector<1x1x16xf32> to vector<16xf32>
        %mul3A_982 = arith.constant 1.200000e+01 : f32
        %mul3A_983 = vector.broadcast %mul3A_982 : f32 to vector<16xf32>
        %mul3A_984 = arith.mulf %get3A_981, %mul3A_983 : vector<16xf32>
        %mul3A_985 = arith.constant 4 : i32
        %mul3A_986 = arith.muli %scan3A_731, %mul3A_985 : i32
        %add3A_987 = arith.constant 2 : i32
        %add3A_988 = arith.addi %mul3A_986, %add3A_987 : i32
        %swap3A_989 = arith.constant 1 : i32
        %swap3A_990 = arith.index_cast %swap3A_989 : i32 to index
        %swap3A_991 = arith.index_cast %add3A_988 : i32 to index
        %swap3A_992 = arith.constant 32 : index
        %swap3A_993 = tpu.vector_load %arg7[%swap3A_990, %swap3A_991, %swap3A_992] {strides = array<i32>} : memref<4x128x64xf32, #tpu.memory_space<vmem>>, vector<1x1x16xf32>,
        %swap3A_994 = vector.shape_cast %swap3A_993 : vector<1x1x16xf32> to vector<16xf32>
        %swap3A_995 = vector.shape_cast %mul3A_984 : vector<16xf32> to vector<1x1x16xf32>
        tpu.vector_store %arg7[%swap3A_990, %swap3A_991, %swap3A_992], %swap3A_995 {strides = array<i32>} : memref<4x128x64xf32, #tpu.memory_space<vmem>>, vector<1x1x16xf32>,
        %mul3A_996 = arith.constant 4 : i32
        %mul3A_997 = arith.muli %scan3A_731, %mul3A_996 : i32
        %add3A_998 = arith.constant 2 : i32
        %add3A_999 = arith.addi %mul3A_997, %add3A_998 : i32
        %get3A_1000 = arith.constant 1 : i32
        %get3A_1001 = arith.index_cast %get3A_1000 : i32 to index
        %get3A_1002 = arith.index_cast %add3A_999 : i32 to index
        %get3A_1003 = arith.constant 48 : index
        %get3A_1004 = tpu.vector_load %arg6[%get3A_1001, %get3A_1002, %get3A_1003] {strides = array<i32>} : memref<4x128x64xf32, #tpu.memory_space<vmem>>, vector<1x1x16xf32>,
        %get3A_1005 = vector.shape_cast %get3A_1004 : vector<1x1x16xf32> to vector<16xf32>
        %mul3A_1006 = arith.constant 1.200000e+01 : f32
        %mul3A_1007 = vector.broadcast %mul3A_1006 : f32 to vector<16xf32>
        %mul3A_1008 = arith.mulf %get3A_1005, %mul3A_1007 : vector<16xf32>
        %mul3A_1009 = arith.constant 4 : i32
        %mul3A_1010 = arith.muli %scan3A_731, %mul3A_1009 : i32
        %add3A_1011 = arith.constant 2 : i32
        %add3A_1012 = arith.addi %mul3A_1010, %add3A_1011 : i32
        %swap3A_1013 = arith.constant 1 : i32
        %swap3A_1014 = arith.index_cast %swap3A_1013 : i32 to index
        %swap3A_1015 = arith.index_cast %add3A_1012 : i32 to index
        %swap3A_1016 = arith.constant 48 : index
        %swap3A_1017 = tpu.vector_load %arg7[%swap3A_1014, %swap3A_1015, %swap3A_1016] {strides = array<i32>} : memref<4x128x64xf32, #tpu.memory_space<vmem>>, vector<1x1x16xf32>,
        %swap3A_1018 = vector.shape_cast %swap3A_1017 : vector<1x1x16xf32> to vector<16xf32>
        %swap3A_1019 = vector.shape_cast %mul3A_1008 : vector<16xf32> to vector<1x1x16xf32>
        tpu.vector_store %arg7[%swap3A_1014, %swap3A_1015, %swap3A_1016], %swap3A_1019 {strides = array<i32>} : memref<4x128x64xf32, #tpu.memory_space<vmem>>, vector<1x1x16xf32>,
        %mul3A_1020 = arith.constant 4 : i32
        %mul3A_1021 = arith.muli %scan3A_731, %mul3A_1020 : i32
        %add3A_1022 = arith.constant 3 : i32
        %add3A_1023 = arith.addi %mul3A_1021, %add3A_1022 : i32
        %get3A_1024 = arith.constant 1 : i32
        %get3A_1025 = arith.index_cast %get3A_1024 : i32 to index
        %get3A_1026 = arith.index_cast %add3A_1023 : i32 to index
        %get3A_1027 = arith.constant 0 : index
        %get3A_1028 = tpu.vector_load %arg6[%get3A_1025, %get3A_1026, %get3A_1027] {strides = array<i32>} : memref<4x128x64xf32, #tpu.memory_space<vmem>>, vector<1x1x16xf32>,
        %get3A_1029 = vector.shape_cast %get3A_1028 : vector<1x1x16xf32> to vector<16xf32>
        %mul3A_1030 = arith.constant 1.200000e+01 : f32
        %mul3A_1031 = vector.broadcast %mul3A_1030 : f32 to vector<16xf32>
        %mul3A_1032 = arith.mulf %get3A_1029, %mul3A_1031 : vector<16xf32>
        %mul3A_1033 = arith.constant 4 : i32
        %mul3A_1034 = arith.muli %scan3A_731, %mul3A_1033 : i32
        %add3A_1035 = arith.constant 3 : i32
        %add3A_1036 = arith.addi %mul3A_1034, %add3A_1035 : i32
        %swap3A_1037 = arith.constant 1 : i32
        %swap3A_1038 = arith.index_cast %swap3A_1037 : i32 to index
        %swap3A_1039 = arith.index_cast %add3A_1036 : i32 to index
        %swap3A_1040 = arith.constant 0 : index
        %swap3A_1041 = tpu.vector_load %arg7[%swap3A_1038, %swap3A_1039, %swap3A_1040] {strides = array<i32>} : memref<4x128x64xf32, #tpu.memory_space<vmem>>, vector<1x1x16xf32>,
        %swap3A_1042 = vector.shape_cast %swap3A_1041 : vector<1x1x16xf32> to vector<16xf32>
        %swap3A_1043 = vector.shape_cast %mul3A_1032 : vector<16xf32> to vector<1x1x16xf32>
        tpu.vector_store %arg7[%swap3A_1038, %swap3A_1039, %swap3A_1040], %swap3A_1043 {strides = array<i32>} : memref<4x128x64xf32, #tpu.memory_space<vmem>>, vector<1x1x16xf32>,
        %mul3A_1044 = arith.constant 4 : i32
        %mul3A_1045 = arith.muli %scan3A_731, %mul3A_1044 : i32
        %add3A_1046 = arith.constant 3 : i32
        %add3A_1047 = arith.addi %mul3A_1045, %add3A_1046 : i32
        %get3A_1048 = arith.constant 1 : i32
        %get3A_1049 = arith.index_cast %get3A_1048 : i32 to index
        %get3A_1050 = arith.index_cast %add3A_1047 : i32 to index
        %get3A_1051 = arith.constant 16 : index
        %get3A_1052 = tpu.vector_load %arg6[%get3A_1049, %get3A_1050, %get3A_1051] {strides = array<i32>} : memref<4x128x64xf32, #tpu.memory_space<vmem>>, vector<1x1x16xf32>,
        %get3A_1053 = vector.shape_cast %get3A_1052 : vector<1x1x16xf32> to vector<16xf32>
        %mul3A_1054 = arith.constant 1.200000e+01 : f32
        %mul3A_1055 = vector.broadcast %mul3A_1054 : f32 to vector<16xf32>
        %mul3A_1056 = arith.mulf %get3A_1053, %mul3A_1055 : vector<16xf32>
        %mul3A_1057 = arith.constant 4 : i32
        %mul3A_1058 = arith.muli %scan3A_731, %mul3A_1057 : i32
        %add3A_1059 = arith.constant 3 : i32
        %add3A_1060 = arith.addi %mul3A_1058, %add3A_1059 : i32
        %swap3A_1061 = arith.constant 1 : i32
        %swap3A_1062 = arith.index_cast %swap3A_1061 : i32 to index
        %swap3A_1063 = arith.index_cast %add3A_1060 : i32 to index
        %swap3A_1064 = arith.constant 16 : index
        %swap3A_1065 = tpu.vector_load %arg7[%swap3A_1062, %swap3A_1063, %swap3A_1064] {strides = array<i32>} : memref<4x128x64xf32, #tpu.memory_space<vmem>>, vector<1x1x16xf32>,
        %swap3A_1066 = vector.shape_cast %swap3A_1065 : vector<1x1x16xf32> to vector<16xf32>
        %swap3A_1067 = vector.shape_cast %mul3A_1056 : vector<16xf32> to vector<1x1x16xf32>
        tpu.vector_store %arg7[%swap3A_1062, %swap3A_1063, %swap3A_1064], %swap3A_1067 {strides = array<i32>} : memref<4x128x64xf32, #tpu.memory_space<vmem>>, vector<1x1x16xf32>,
        %mul3A_1068 = arith.constant 4 : i32
        %mul3A_1069 = arith.muli %scan3A_731, %mul3A_1068 : i32
        %add3A_1070 = arith.constant 3 : i32
        %add3A_1071 = arith.addi %mul3A_1069, %add3A_1070 : i32
        %get3A_1072 = arith.constant 1 : i32
        %get3A_1073 = arith.index_cast %get3A_1072 : i32 to index
        %get3A_1074 = arith.index_cast %add3A_1071 : i32 to index
        %get3A_1075 = arith.constant 32 : index
        %get3A_1076 = tpu.vector_load %arg6[%get3A_1073, %get3A_1074, %get3A_1075] {strides = array<i32>} : memref<4x128x64xf32, #tpu.memory_space<vmem>>, vector<1x1x16xf32>,
        %get3A_1077 = vector.shape_cast %get3A_1076 : vector<1x1x16xf32> to vector<16xf32>
        %mul3A_1078 = arith.constant 1.200000e+01 : f32
        %mul3A_1079 = vector.broadcast %mul3A_1078 : f32 to vector<16xf32>
        %mul3A_1080 = arith.mulf %get3A_1077, %mul3A_1079 : vector<16xf32>
        %mul3A_1081 = arith.constant 4 : i32
        %mul3A_1082 = arith.muli %scan3A_731, %mul3A_1081 : i32
        %add3A_1083 = arith.constant 3 : i32
        %add3A_1084 = arith.addi %mul3A_1082, %add3A_1083 : i32
        %swap3A_1085 = arith.constant 1 : i32
        %swap3A_1086 = arith.index_cast %swap3A_1085 : i32 to index
        %swap3A_1087 = arith.index_cast %add3A_1084 : i32 to index
        %swap3A_1088 = arith.constant 32 : index
        %swap3A_1089 = tpu.vector_load %arg7[%swap3A_1086, %swap3A_1087, %swap3A_1088] {strides = array<i32>} : memref<4x128x64xf32, #tpu.memory_space<vmem>>, vector<1x1x16xf32>,
        %swap3A_1090 = vector.shape_cast %swap3A_1089 : vector<1x1x16xf32> to vector<16xf32>
        %swap3A_1091 = vector.shape_cast %mul3A_1080 : vector<16xf32> to vector<1x1x16xf32>
        tpu.vector_store %arg7[%swap3A_1086, %swap3A_1087, %swap3A_1088], %swap3A_1091 {strides = array<i32>} : memref<4x128x64xf32, #tpu.memory_space<vmem>>, vector<1x1x16xf32>,
        %mul3A_1092 = arith.constant 4 : i32
        %mul3A_1093 = arith.muli %scan3A_731, %mul3A_1092 : i32
        %add3A_1094 = arith.constant 3 : i32
        %add3A_1095 = arith.addi %mul3A_1093, %add3A_1094 : i32
        %get3A_1096 = arith.constant 1 : i32
        %get3A_1097 = arith.index_cast %get3A_1096 : i32 to index
        %get3A_1098 = arith.index_cast %add3A_1095 : i32 to index
        %get3A_1099 = arith.constant 48 : index
        %get3A_1100 = tpu.vector_load %arg6[%get3A_1097, %get3A_1098, %get3A_1099] {strides = array<i32>} : memref<4x128x64xf32, #tpu.memory_space<vmem>>, vector<1x1x16xf32>,
        %get3A_1101 = vector.shape_cast %get3A_1100 : vector<1x1x16xf32> to vector<16xf32>
        %mul3A_1102 = arith.constant 1.200000e+01 : f32
        %mul3A_1103 = vector.broadcast %mul3A_1102 : f32 to vector<16xf32>
        %mul3A_1104 = arith.mulf %get3A_1101, %mul3A_1103 : vector<16xf32>
        %mul3A_1105 = arith.constant 4 : i32
        %mul3A_1106 = arith.muli %scan3A_731, %mul3A_1105 : i32
        %add3A_1107 = arith.constant 3 : i32
        %add3A_1108 = arith.addi %mul3A_1106, %add3A_1107 : i32
        %swap3A_1109 = arith.constant 1 : i32
        %swap3A_1110 = arith.index_cast %swap3A_1109 : i32 to index
        %swap3A_1111 = arith.index_cast %add3A_1108 : i32 to index
        %swap3A_1112 = arith.constant 48 : index
        %swap3A_1113 = tpu.vector_load %arg7[%swap3A_1110, %swap3A_1111, %swap3A_1112] {strides = array<i32>} : memref<4x128x64xf32, #tpu.memory_space<vmem>>, vector<1x1x16xf32>,
        %swap3A_1114 = vector.shape_cast %swap3A_1113 : vector<1x1x16xf32> to vector<16xf32>
        %swap3A_1115 = vector.shape_cast %mul3A_1104 : vector<16xf32> to vector<1x1x16xf32>
        tpu.vector_store %arg7[%swap3A_1110, %swap3A_1111, %swap3A_1112], %swap3A_1115 {strides = array<i32>} : memref<4x128x64xf32, #tpu.memory_space<vmem>>, vector<1x1x16xf32>,
      }
      %scan3A_210 = arith.constant 32 : i32
      %add3A_211 = arith.constant 4 : i32
      %add3A_212 = arith.addi %add3A_185, %add3A_211 : i32
      %lt3A_213 = arith.constant 200 : i32
      %lt3A_214 = arith.cmpi slt, %add3A_212, %lt3A_213 : i32
      %convert_element_type3A_215 = arith.extui %lt3A_214 : i1 to i32
      %cond3A_216 = arith.constant 0 : i32
      %cond3A_217 = arith.cmpi ne, %convert_element_type3A_215, %cond3A_216 : i32
      scf.if %cond3A_217 {
        %add3A_347 = arith.constant 4 : i32
        %add3A_348 = arith.addi %add3A_185, %add3A_347 : i32
        %mul3A_349 = arith.constant 128 : i32
        %mul3A_350 = arith.muli %add3A_348, %mul3A_349 : i32
        %dma_start3A_351 = arith.constant 1 : i32
        %dma_start3A_352 = arith.constant 1 : i32
        %dma_start3A_353 = arith.constant 0 : i32
        %dma_start3A_354 = arith.constant 0 : i32
        %dma_start3A_355 = tpu.memref_slice %arg6[%dma_start3A_351, %dma_start3A_353, %dma_start3A_354] : memref<4x128x64xf32, #tpu.memory_space<vmem>> -> memref<1x128x64xf32, #tpu.memory_space<vmem>>
        %dma_start3A_356 = tpu.memref_squeeze %dma_start3A_355 : memref<1x128x64xf32, #tpu.memory_space<vmem>> -> memref<128x64xf32, #tpu.memory_space<vmem>>
        %dma_start3A_357 = tpu.memref_slice %arg5[%mul3A_350] : memref<25600xi32, #tpu.memory_space<vmem>> -> memref<128xi32, #tpu.memory_space<vmem>>
        %dma_start3A_358 = arith.constant 0 : i32
        %dma_start3A_359 = arith.constant 0 : i32
        %dma_start3A_360 = tpu.memref_slice %arg3[%dma_start3A_358, %dma_start3A_359] : memref<1000000x64xf32, #tpu.memory_space<hbm>> -> memref<1000000x64xf32, #tpu.memory_space<hbm>>
        %dma_start3A_361 = tpu.memref_slice %arg8[%dma_start3A_352] : memref<4x!tpu.dma_semaphore, #tpu.memory_space<semaphore_mem>> -> memref<1x!tpu.dma_semaphore, #tpu.memory_space<semaphore_mem>>
        %dma_start3A_362 = tpu.memref_squeeze %dma_start3A_361 : memref<1x!tpu.dma_semaphore, #tpu.memory_space<semaphore_mem>> -> memref<!tpu.dma_semaphore, #tpu.memory_space<semaphore_mem>>
        tpu.enqueue_indirect_dma source(%dma_start3A_360 : memref<1000000x64xf32, #tpu.memory_space<hbm>>) target(%dma_start3A_356 : memref<128x64xf32, #tpu.memory_space<vmem>>) offsets(%dma_start3A_357 : memref<128xi32, #tpu.memory_space<vmem>>) semaphore(%dma_start3A_362 : memref<!tpu.dma_semaphore, #tpu.memory_space<semaphore_mem>>)
      } else {
      }
      %mul3A_218 = arith.constant 128 : i32
      %mul3A_219 = arith.muli %add3A_185, %mul3A_218 : i32
      %add3A_220 = arith.addi %mul3A_2, %mul3A_219 : i32
      %dma_start3A_221 = arith.constant 1 : i32
      %dma_start3A_222 = arith.constant 1 : i32
      %dma_start3A_223 = arith.constant 0 : i32
      %dma_start3A_224 = arith.constant 0 : i32
      %dma_start3A_225 = tpu.memref_slice %arg7[%dma_start3A_221, %dma_start3A_223, %dma_start3A_224] : memref<4x128x64xf32, #tpu.memory_space<vmem>> -> memref<1x128x64xf32, #tpu.memory_space<vmem>>
      %dma_start3A_226 = tpu.memref_squeeze %dma_start3A_225 : memref<1x128x64xf32, #tpu.memory_space<vmem>> -> memref<128x64xf32, #tpu.memory_space<vmem>>
      %dma_start3A_227 = arith.constant 0 : i32
      %dma_start3A_228 = tpu.memref_slice %arg4[%add3A_220, %dma_start3A_227] : memref<819200x64xf32, #tpu.memory_space<hbm>> -> memref<128x64xf32, #tpu.memory_space<hbm>>
      %dma_start3A_229 = tpu.memref_slice %arg9[%dma_start3A_222] : memref<4x!tpu.dma_semaphore, #tpu.memory_space<semaphore_mem>> -> memref<1x!tpu.dma_semaphore, #tpu.memory_space<semaphore_mem>>
      %dma_start3A_230 = tpu.memref_squeeze %dma_start3A_229 : memref<1x!tpu.dma_semaphore, #tpu.memory_space<semaphore_mem>> -> memref<!tpu.dma_semaphore, #tpu.memory_space<semaphore_mem>>
      %dma_start3A_231 = arith.constant 0 : i32
      %dma_start3A_232 = tpu.memref_slice %arg4[%add3A_220, %dma_start3A_231] : memref<819200x64xf32, #tpu.memory_space<hbm>> -> memref<128x64xf32, #tpu.memory_space<hbm>>
      %dma_start3A_233 = arith.constant 0 : i32
      %dma_start3A_234 = arith.constant 0 : i32
      %dma_start3A_235 = tpu.memref_slice %arg7[%dma_start3A_221, %dma_start3A_233, %dma_start3A_234] : memref<4x128x64xf32, #tpu.memory_space<vmem>> -> memref<1x128x64xf32, #tpu.memory_space<vmem>>
      %dma_start3A_236 = tpu.memref_squeeze %dma_start3A_235 : memref<1x128x64xf32, #tpu.memory_space<vmem>> -> memref<128x64xf32, #tpu.memory_space<vmem>>
      tpu.enqueue_dma source(%dma_start3A_236 : memref<128x64xf32, #tpu.memory_space<vmem>>) target(%dma_start3A_232 : memref<128x64xf32, #tpu.memory_space<hbm>>) target_semaphore(%dma_start3A_230 : memref<!tpu.dma_semaphore, #tpu.memory_space<semaphore_mem>>)
      %mul3A_237 = arith.constant 4 : i32
      %mul3A_238 = arith.muli %scan3A_130, %mul3A_237 : i32
      %add3A_239 = arith.constant 2 : i32
      %add3A_240 = arith.addi %mul3A_238, %add3A_239 : i32
      %mul3A_241 = arith.constant 128 : i32
      %mul3A_242 = arith.muli %add3A_240, %mul3A_241 : i32
      %dma_wait3A_243 = arith.constant 2 : i32
      %dma_wait3A_244 = arith.constant 2 : i32
      %dma_wait3A_245 = arith.constant 0 : i32
      %dma_wait3A_246 = arith.constant 0 : i32
      %dma_wait3A_247 = tpu.memref_slice %arg6[%dma_wait3A_243, %dma_wait3A_245, %dma_wait3A_246] : memref<4x128x64xf32, #tpu.memory_space<vmem>> -> memref<1x128x64xf32, #tpu.memory_space<vmem>>
      %dma_wait3A_248 = tpu.memref_squeeze %dma_wait3A_247 : memref<1x128x64xf32, #tpu.memory_space<vmem>> -> memref<128x64xf32, #tpu.memory_space<vmem>>
      %dma_wait3A_249 = tpu.memref_slice %arg5[%mul3A_242] : memref<25600xi32, #tpu.memory_space<vmem>> -> memref<128xi32, #tpu.memory_space<vmem>>
      %dma_wait3A_250 = arith.constant 0 : i32
      %dma_wait3A_251 = arith.constant 0 : i32
      %dma_wait3A_252 = tpu.memref_slice %arg3[%dma_wait3A_250, %dma_wait3A_251] : memref<1000000x64xf32, #tpu.memory_space<hbm>> -> memref<1000000x64xf32, #tpu.memory_space<hbm>>
      %dma_wait3A_253 = tpu.memref_slice %arg8[%dma_wait3A_244] : memref<4x!tpu.dma_semaphore, #tpu.memory_space<semaphore_mem>> -> memref<1x!tpu.dma_semaphore, #tpu.memory_space<semaphore_mem>>
      %dma_wait3A_254 = tpu.memref_squeeze %dma_wait3A_253 : memref<1x!tpu.dma_semaphore, #tpu.memory_space<semaphore_mem>> -> memref<!tpu.dma_semaphore, #tpu.memory_space<semaphore_mem>>
      tpu.wait_indirect_dma semaphore(%dma_wait3A_254 : memref<!tpu.dma_semaphore, #tpu.memory_space<semaphore_mem>>) src(%dma_wait3A_252 : memref<1000000x64xf32, #tpu.memory_space<hbm>>) dst(%dma_wait3A_248 : memref<128x64xf32, #tpu.memory_space<vmem>>)
      %ge3A_255 = arith.constant 4 : i32
      %ge3A_256 = arith.cmpi sge, %add3A_240, %ge3A_255 : i32
      %convert_element_type3A_257 = arith.extui %ge3A_256 : i1 to i32
      %cond3A_258 = arith.constant 0 : i32
      %cond3A_259 = arith.cmpi ne, %convert_element_type3A_257, %cond3A_258 : i32
      scf.if %cond3A_259 {
        %sub3A = arith.constant 4 : i32
        %sub3A_347 = arith.subi %add3A_240, %sub3A : i32
        %mul3A_348 = arith.constant 128 : i32
        %mul3A_349 = arith.muli %sub3A_347, %mul3A_348 : i32
        %add3A_350 = arith.addi %mul3A_2, %mul3A_349 : i32
        %dma_wait3A_351 = arith.constant 2 : i32
        %dma_wait3A_352 = arith.constant 2 : i32
        %dma_wait3A_353 = arith.constant 0 : i32
        %dma_wait3A_354 = arith.constant 0 : i32
        %dma_wait3A_355 = tpu.memref_slice %arg7[%dma_wait3A_351, %dma_wait3A_353, %dma_wait3A_354] : memref<4x128x64xf32, #tpu.memory_space<vmem>> -> memref<1x128x64xf32, #tpu.memory_space<vmem>>
        %dma_wait3A_356 = tpu.memref_squeeze %dma_wait3A_355 : memref<1x128x64xf32, #tpu.memory_space<vmem>> -> memref<128x64xf32, #tpu.memory_space<vmem>>
        %dma_wait3A_357 = arith.constant 0 : i32
        %dma_wait3A_358 = tpu.memref_slice %arg4[%add3A_350, %dma_wait3A_357] : memref<819200x64xf32, #tpu.memory_space<hbm>> -> memref<128x64xf32, #tpu.memory_space<hbm>>
        %dma_wait3A_359 = tpu.memref_slice %arg9[%dma_wait3A_352] : memref<4x!tpu.dma_semaphore, #tpu.memory_space<semaphore_mem>> -> memref<1x!tpu.dma_semaphore, #tpu.memory_space<semaphore_mem>>
        %dma_wait3A_360 = tpu.memref_squeeze %dma_wait3A_359 : memref<1x!tpu.dma_semaphore, #tpu.memory_space<semaphore_mem>> -> memref<!tpu.dma_semaphore, #tpu.memory_space<semaphore_mem>>
        %dma_wait3A_361 = arith.constant 0 : i32
        %dma_wait3A_362 = tpu.memref_slice %arg4[%add3A_350, %dma_wait3A_361] : memref<819200x64xf32, #tpu.memory_space<hbm>> -> memref<128x64xf32, #tpu.memory_space<hbm>>
        %dma_wait3A_363 = arith.constant 0 : i32
        %dma_wait3A_364 = arith.constant 0 : i32
        %dma_wait3A_365 = tpu.memref_slice %arg7[%dma_wait3A_351, %dma_wait3A_363, %dma_wait3A_364] : memref<4x128x64xf32, #tpu.memory_space<vmem>> -> memref<1x128x64xf32, #tpu.memory_space<vmem>>
        %dma_wait3A_366 = tpu.memref_squeeze %dma_wait3A_365 : memref<1x128x64xf32, #tpu.memory_space<vmem>> -> memref<128x64xf32, #tpu.memory_space<vmem>>
        tpu.wait_dma2 semaphore(%dma_wait3A_360 : memref<!tpu.dma_semaphore, #tpu.memory_space<semaphore_mem>>) src(%dma_wait3A_366 : memref<128x64xf32, #tpu.memory_space<vmem>>) dst(%dma_wait3A_362 : memref<128x64xf32, #tpu.memory_space<hbm>>)
      } else {
      }
      %scan3A_260 = arith.constant 0 : i32
      %scan3A_261 = arith.constant 0 : i32
      %scan3A_262 = arith.constant 32 : i32
      %scan3A_263 = arith.addi %scan3A_261, %scan3A_262 : i32
      %scan3A_264 = arith.constant 2 : i32
      scf.for %scan3A_347 = %scan3A_261 to %scan3A_263 step %scan3A_264  : i32 {
        %mul3A_348 = arith.constant 4 : i32
        %mul3A_349 = arith.muli %scan3A_347, %mul3A_348 : i32
        %add3A_350 = arith.constant 0 : i32
        %add3A_351 = arith.addi %mul3A_349, %add3A_350 : i32
        %get3A = arith.constant 2 : i32
        %get3A_352 = arith.index_cast %get3A : i32 to index
        %get3A_353 = arith.index_cast %add3A_351 : i32 to index
        %get3A_354 = arith.constant 0 : index
        %get3A_355 = tpu.vector_load %arg6[%get3A_352, %get3A_353, %get3A_354] {strides = array<i32>} : memref<4x128x64xf32, #tpu.memory_space<vmem>>, vector<1x1x16xf32>,
        %get3A_356 = vector.shape_cast %get3A_355 : vector<1x1x16xf32> to vector<16xf32>
        %mul3A_357 = arith.constant 1.200000e+01 : f32
        %mul3A_358 = vector.broadcast %mul3A_357 : f32 to vector<16xf32>
        %mul3A_359 = arith.mulf %get3A_356, %mul3A_358 : vector<16xf32>
        %mul3A_360 = arith.constant 4 : i32
        %mul3A_361 = arith.muli %scan3A_347, %mul3A_360 : i32
        %add3A_362 = arith.constant 0 : i32
        %add3A_363 = arith.addi %mul3A_361, %add3A_362 : i32
        %swap3A = arith.constant 2 : i32
        %swap3A_364 = arith.index_cast %swap3A : i32 to index
        %swap3A_365 = arith.index_cast %add3A_363 : i32 to index
        %swap3A_366 = arith.constant 0 : index
        %swap3A_367 = tpu.vector_load %arg7[%swap3A_364, %swap3A_365, %swap3A_366] {strides = array<i32>} : memref<4x128x64xf32, #tpu.memory_space<vmem>>, vector<1x1x16xf32>,
        %swap3A_368 = vector.shape_cast %swap3A_367 : vector<1x1x16xf32> to vector<16xf32>
        %swap3A_369 = vector.shape_cast %mul3A_359 : vector<16xf32> to vector<1x1x16xf32>
        tpu.vector_store %arg7[%swap3A_364, %swap3A_365, %swap3A_366], %swap3A_369 {strides = array<i32>} : memref<4x128x64xf32, #tpu.memory_space<vmem>>, vector<1x1x16xf32>,
        %mul3A_370 = arith.constant 4 : i32
        %mul3A_371 = arith.muli %scan3A_347, %mul3A_370 : i32
        %add3A_372 = arith.constant 0 : i32
        %add3A_373 = arith.addi %mul3A_371, %add3A_372 : i32
        %get3A_374 = arith.constant 2 : i32
        %get3A_375 = arith.index_cast %get3A_374 : i32 to index
        %get3A_376 = arith.index_cast %add3A_373 : i32 to index
        %get3A_377 = arith.constant 16 : index
        %get3A_378 = tpu.vector_load %arg6[%get3A_375, %get3A_376, %get3A_377] {strides = array<i32>} : memref<4x128x64xf32, #tpu.memory_space<vmem>>, vector<1x1x16xf32>,
        %get3A_379 = vector.shape_cast %get3A_378 : vector<1x1x16xf32> to vector<16xf32>
        %mul3A_380 = arith.constant 1.200000e+01 : f32
        %mul3A_381 = vector.broadcast %mul3A_380 : f32 to vector<16xf32>
        %mul3A_382 = arith.mulf %get3A_379, %mul3A_381 : vector<16xf32>
        %mul3A_383 = arith.constant 4 : i32
        %mul3A_384 = arith.muli %scan3A_347, %mul3A_383 : i32
        %add3A_385 = arith.constant 0 : i32
        %add3A_386 = arith.addi %mul3A_384, %add3A_385 : i32
        %swap3A_387 = arith.constant 2 : i32
        %swap3A_388 = arith.index_cast %swap3A_387 : i32 to index
        %swap3A_389 = arith.index_cast %add3A_386 : i32 to index
        %swap3A_390 = arith.constant 16 : index
        %swap3A_391 = tpu.vector_load %arg7[%swap3A_388, %swap3A_389, %swap3A_390] {strides = array<i32>} : memref<4x128x64xf32, #tpu.memory_space<vmem>>, vector<1x1x16xf32>,
        %swap3A_392 = vector.shape_cast %swap3A_391 : vector<1x1x16xf32> to vector<16xf32>
        %swap3A_393 = vector.shape_cast %mul3A_382 : vector<16xf32> to vector<1x1x16xf32>
        tpu.vector_store %arg7[%swap3A_388, %swap3A_389, %swap3A_390], %swap3A_393 {strides = array<i32>} : memref<4x128x64xf32, #tpu.memory_space<vmem>>, vector<1x1x16xf32>,
        %mul3A_394 = arith.constant 4 : i32
        %mul3A_395 = arith.muli %scan3A_347, %mul3A_394 : i32
        %add3A_396 = arith.constant 0 : i32
        %add3A_397 = arith.addi %mul3A_395, %add3A_396 : i32
        %get3A_398 = arith.constant 2 : i32
        %get3A_399 = arith.index_cast %get3A_398 : i32 to index
        %get3A_400 = arith.index_cast %add3A_397 : i32 to index
        %get3A_401 = arith.constant 32 : index
        %get3A_402 = tpu.vector_load %arg6[%get3A_399, %get3A_400, %get3A_401] {strides = array<i32>} : memref<4x128x64xf32, #tpu.memory_space<vmem>>, vector<1x1x16xf32>,
        %get3A_403 = vector.shape_cast %get3A_402 : vector<1x1x16xf32> to vector<16xf32>
        %mul3A_404 = arith.constant 1.200000e+01 : f32
        %mul3A_405 = vector.broadcast %mul3A_404 : f32 to vector<16xf32>
        %mul3A_406 = arith.mulf %get3A_403, %mul3A_405 : vector<16xf32>
        %mul3A_407 = arith.constant 4 : i32
        %mul3A_408 = arith.muli %scan3A_347, %mul3A_407 : i32
        %add3A_409 = arith.constant 0 : i32
        %add3A_410 = arith.addi %mul3A_408, %add3A_409 : i32
        %swap3A_411 = arith.constant 2 : i32
        %swap3A_412 = arith.index_cast %swap3A_411 : i32 to index
        %swap3A_413 = arith.index_cast %add3A_410 : i32 to index
        %swap3A_414 = arith.constant 32 : index
        %swap3A_415 = tpu.vector_load %arg7[%swap3A_412, %swap3A_413, %swap3A_414] {strides = array<i32>} : memref<4x128x64xf32, #tpu.memory_space<vmem>>, vector<1x1x16xf32>,
        %swap3A_416 = vector.shape_cast %swap3A_415 : vector<1x1x16xf32> to vector<16xf32>
        %swap3A_417 = vector.shape_cast %mul3A_406 : vector<16xf32> to vector<1x1x16xf32>
        tpu.vector_store %arg7[%swap3A_412, %swap3A_413, %swap3A_414], %swap3A_417 {strides = array<i32>} : memref<4x128x64xf32, #tpu.memory_space<vmem>>, vector<1x1x16xf32>,
        %mul3A_418 = arith.constant 4 : i32
        %mul3A_419 = arith.muli %scan3A_347, %mul3A_418 : i32
        %add3A_420 = arith.constant 0 : i32
        %add3A_421 = arith.addi %mul3A_419, %add3A_420 : i32
        %get3A_422 = arith.constant 2 : i32
        %get3A_423 = arith.index_cast %get3A_422 : i32 to index
        %get3A_424 = arith.index_cast %add3A_421 : i32 to index
        %get3A_425 = arith.constant 48 : index
        %get3A_426 = tpu.vector_load %arg6[%get3A_423, %get3A_424, %get3A_425] {strides = array<i32>} : memref<4x128x64xf32, #tpu.memory_space<vmem>>, vector<1x1x16xf32>,
        %get3A_427 = vector.shape_cast %get3A_426 : vector<1x1x16xf32> to vector<16xf32>
        %mul3A_428 = arith.constant 1.200000e+01 : f32
        %mul3A_429 = vector.broadcast %mul3A_428 : f32 to vector<16xf32>
        %mul3A_430 = arith.mulf %get3A_427, %mul3A_429 : vector<16xf32>
        %mul3A_431 = arith.constant 4 : i32
        %mul3A_432 = arith.muli %scan3A_347, %mul3A_431 : i32
        %add3A_433 = arith.constant 0 : i32
        %add3A_434 = arith.addi %mul3A_432, %add3A_433 : i32
        %swap3A_435 = arith.constant 2 : i32
        %swap3A_436 = arith.index_cast %swap3A_435 : i32 to index
        %swap3A_437 = arith.index_cast %add3A_434 : i32 to index
        %swap3A_438 = arith.constant 48 : index
        %swap3A_439 = tpu.vector_load %arg7[%swap3A_436, %swap3A_437, %swap3A_438] {strides = array<i32>} : memref<4x128x64xf32, #tpu.memory_space<vmem>>, vector<1x1x16xf32>,
        %swap3A_440 = vector.shape_cast %swap3A_439 : vector<1x1x16xf32> to vector<16xf32>
        %swap3A_441 = vector.shape_cast %mul3A_430 : vector<16xf32> to vector<1x1x16xf32>
        tpu.vector_store %arg7[%swap3A_436, %swap3A_437, %swap3A_438], %swap3A_441 {strides = array<i32>} : memref<4x128x64xf32, #tpu.memory_space<vmem>>, vector<1x1x16xf32>,
        %mul3A_442 = arith.constant 4 : i32
        %mul3A_443 = arith.muli %scan3A_347, %mul3A_442 : i32
        %add3A_444 = arith.constant 1 : i32
        %add3A_445 = arith.addi %mul3A_443, %add3A_444 : i32
        %get3A_446 = arith.constant 2 : i32
        %get3A_447 = arith.index_cast %get3A_446 : i32 to index
        %get3A_448 = arith.index_cast %add3A_445 : i32 to index
        %get3A_449 = arith.constant 0 : index
        %get3A_450 = tpu.vector_load %arg6[%get3A_447, %get3A_448, %get3A_449] {strides = array<i32>} : memref<4x128x64xf32, #tpu.memory_space<vmem>>, vector<1x1x16xf32>,
        %get3A_451 = vector.shape_cast %get3A_450 : vector<1x1x16xf32> to vector<16xf32>
        %mul3A_452 = arith.constant 1.200000e+01 : f32
        %mul3A_453 = vector.broadcast %mul3A_452 : f32 to vector<16xf32>
        %mul3A_454 = arith.mulf %get3A_451, %mul3A_453 : vector<16xf32>
        %mul3A_455 = arith.constant 4 : i32
        %mul3A_456 = arith.muli %scan3A_347, %mul3A_455 : i32
        %add3A_457 = arith.constant 1 : i32
        %add3A_458 = arith.addi %mul3A_456, %add3A_457 : i32
        %swap3A_459 = arith.constant 2 : i32
        %swap3A_460 = arith.index_cast %swap3A_459 : i32 to index
        %swap3A_461 = arith.index_cast %add3A_458 : i32 to index
        %swap3A_462 = arith.constant 0 : index
        %swap3A_463 = tpu.vector_load %arg7[%swap3A_460, %swap3A_461, %swap3A_462] {strides = array<i32>} : memref<4x128x64xf32, #tpu.memory_space<vmem>>, vector<1x1x16xf32>,
        %swap3A_464 = vector.shape_cast %swap3A_463 : vector<1x1x16xf32> to vector<16xf32>
        %swap3A_465 = vector.shape_cast %mul3A_454 : vector<16xf32> to vector<1x1x16xf32>
        tpu.vector_store %arg7[%swap3A_460, %swap3A_461, %swap3A_462], %swap3A_465 {strides = array<i32>} : memref<4x128x64xf32, #tpu.memory_space<vmem>>, vector<1x1x16xf32>,
        %mul3A_466 = arith.constant 4 : i32
        %mul3A_467 = arith.muli %scan3A_347, %mul3A_466 : i32
        %add3A_468 = arith.constant 1 : i32
        %add3A_469 = arith.addi %mul3A_467, %add3A_468 : i32
        %get3A_470 = arith.constant 2 : i32
        %get3A_471 = arith.index_cast %get3A_470 : i32 to index
        %get3A_472 = arith.index_cast %add3A_469 : i32 to index
        %get3A_473 = arith.constant 16 : index
        %get3A_474 = tpu.vector_load %arg6[%get3A_471, %get3A_472, %get3A_473] {strides = array<i32>} : memref<4x128x64xf32, #tpu.memory_space<vmem>>, vector<1x1x16xf32>,
        %get3A_475 = vector.shape_cast %get3A_474 : vector<1x1x16xf32> to vector<16xf32>
        %mul3A_476 = arith.constant 1.200000e+01 : f32
        %mul3A_477 = vector.broadcast %mul3A_476 : f32 to vector<16xf32>
        %mul3A_478 = arith.mulf %get3A_475, %mul3A_477 : vector<16xf32>
        %mul3A_479 = arith.constant 4 : i32
        %mul3A_480 = arith.muli %scan3A_347, %mul3A_479 : i32
        %add3A_481 = arith.constant 1 : i32
        %add3A_482 = arith.addi %mul3A_480, %add3A_481 : i32
        %swap3A_483 = arith.constant 2 : i32
        %swap3A_484 = arith.index_cast %swap3A_483 : i32 to index
        %swap3A_485 = arith.index_cast %add3A_482 : i32 to index
        %swap3A_486 = arith.constant 16 : index
        %swap3A_487 = tpu.vector_load %arg7[%swap3A_484, %swap3A_485, %swap3A_486] {strides = array<i32>} : memref<4x128x64xf32, #tpu.memory_space<vmem>>, vector<1x1x16xf32>,
        %swap3A_488 = vector.shape_cast %swap3A_487 : vector<1x1x16xf32> to vector<16xf32>
        %swap3A_489 = vector.shape_cast %mul3A_478 : vector<16xf32> to vector<1x1x16xf32>
        tpu.vector_store %arg7[%swap3A_484, %swap3A_485, %swap3A_486], %swap3A_489 {strides = array<i32>} : memref<4x128x64xf32, #tpu.memory_space<vmem>>, vector<1x1x16xf32>,
        %mul3A_490 = arith.constant 4 : i32
        %mul3A_491 = arith.muli %scan3A_347, %mul3A_490 : i32
        %add3A_492 = arith.constant 1 : i32
        %add3A_493 = arith.addi %mul3A_491, %add3A_492 : i32
        %get3A_494 = arith.constant 2 : i32
        %get3A_495 = arith.index_cast %get3A_494 : i32 to index
        %get3A_496 = arith.index_cast %add3A_493 : i32 to index
        %get3A_497 = arith.constant 32 : index
        %get3A_498 = tpu.vector_load %arg6[%get3A_495, %get3A_496, %get3A_497] {strides = array<i32>} : memref<4x128x64xf32, #tpu.memory_space<vmem>>, vector<1x1x16xf32>,
        %get3A_499 = vector.shape_cast %get3A_498 : vector<1x1x16xf32> to vector<16xf32>
        %mul3A_500 = arith.constant 1.200000e+01 : f32
        %mul3A_501 = vector.broadcast %mul3A_500 : f32 to vector<16xf32>
        %mul3A_502 = arith.mulf %get3A_499, %mul3A_501 : vector<16xf32>
        %mul3A_503 = arith.constant 4 : i32
        %mul3A_504 = arith.muli %scan3A_347, %mul3A_503 : i32
        %add3A_505 = arith.constant 1 : i32
        %add3A_506 = arith.addi %mul3A_504, %add3A_505 : i32
        %swap3A_507 = arith.constant 2 : i32
        %swap3A_508 = arith.index_cast %swap3A_507 : i32 to index
        %swap3A_509 = arith.index_cast %add3A_506 : i32 to index
        %swap3A_510 = arith.constant 32 : index
        %swap3A_511 = tpu.vector_load %arg7[%swap3A_508, %swap3A_509, %swap3A_510] {strides = array<i32>} : memref<4x128x64xf32, #tpu.memory_space<vmem>>, vector<1x1x16xf32>,
        %swap3A_512 = vector.shape_cast %swap3A_511 : vector<1x1x16xf32> to vector<16xf32>
        %swap3A_513 = vector.shape_cast %mul3A_502 : vector<16xf32> to vector<1x1x16xf32>
        tpu.vector_store %arg7[%swap3A_508, %swap3A_509, %swap3A_510], %swap3A_513 {strides = array<i32>} : memref<4x128x64xf32, #tpu.memory_space<vmem>>, vector<1x1x16xf32>,
        %mul3A_514 = arith.constant 4 : i32
        %mul3A_515 = arith.muli %scan3A_347, %mul3A_514 : i32
        %add3A_516 = arith.constant 1 : i32
        %add3A_517 = arith.addi %mul3A_515, %add3A_516 : i32
        %get3A_518 = arith.constant 2 : i32
        %get3A_519 = arith.index_cast %get3A_518 : i32 to index
        %get3A_520 = arith.index_cast %add3A_517 : i32 to index
        %get3A_521 = arith.constant 48 : index
        %get3A_522 = tpu.vector_load %arg6[%get3A_519, %get3A_520, %get3A_521] {strides = array<i32>} : memref<4x128x64xf32, #tpu.memory_space<vmem>>, vector<1x1x16xf32>,
        %get3A_523 = vector.shape_cast %get3A_522 : vector<1x1x16xf32> to vector<16xf32>
        %mul3A_524 = arith.constant 1.200000e+01 : f32
        %mul3A_525 = vector.broadcast %mul3A_524 : f32 to vector<16xf32>
        %mul3A_526 = arith.mulf %get3A_523, %mul3A_525 : vector<16xf32>
        %mul3A_527 = arith.constant 4 : i32
        %mul3A_528 = arith.muli %scan3A_347, %mul3A_527 : i32
        %add3A_529 = arith.constant 1 : i32
        %add3A_530 = arith.addi %mul3A_528, %add3A_529 : i32
        %swap3A_531 = arith.constant 2 : i32
        %swap3A_532 = arith.index_cast %swap3A_531 : i32 to index
        %swap3A_533 = arith.index_cast %add3A_530 : i32 to index
        %swap3A_534 = arith.constant 48 : index
        %swap3A_535 = tpu.vector_load %arg7[%swap3A_532, %swap3A_533, %swap3A_534] {strides = array<i32>} : memref<4x128x64xf32, #tpu.memory_space<vmem>>, vector<1x1x16xf32>,
        %swap3A_536 = vector.shape_cast %swap3A_535 : vector<1x1x16xf32> to vector<16xf32>
        %swap3A_537 = vector.shape_cast %mul3A_526 : vector<16xf32> to vector<1x1x16xf32>
        tpu.vector_store %arg7[%swap3A_532, %swap3A_533, %swap3A_534], %swap3A_537 {strides = array<i32>} : memref<4x128x64xf32, #tpu.memory_space<vmem>>, vector<1x1x16xf32>,
        %mul3A_538 = arith.constant 4 : i32
        %mul3A_539 = arith.muli %scan3A_347, %mul3A_538 : i32
        %add3A_540 = arith.constant 2 : i32
        %add3A_541 = arith.addi %mul3A_539, %add3A_540 : i32
        %get3A_542 = arith.constant 2 : i32
        %get3A_543 = arith.index_cast %get3A_542 : i32 to index
        %get3A_544 = arith.index_cast %add3A_541 : i32 to index
        %get3A_545 = arith.constant 0 : index
        %get3A_546 = tpu.vector_load %arg6[%get3A_543, %get3A_544, %get3A_545] {strides = array<i32>} : memref<4x128x64xf32, #tpu.memory_space<vmem>>, vector<1x1x16xf32>,
        %get3A_547 = vector.shape_cast %get3A_546 : vector<1x1x16xf32> to vector<16xf32>
        %mul3A_548 = arith.constant 1.200000e+01 : f32
        %mul3A_549 = vector.broadcast %mul3A_548 : f32 to vector<16xf32>
        %mul3A_550 = arith.mulf %get3A_547, %mul3A_549 : vector<16xf32>
        %mul3A_551 = arith.constant 4 : i32
        %mul3A_552 = arith.muli %scan3A_347, %mul3A_551 : i32
        %add3A_553 = arith.constant 2 : i32
        %add3A_554 = arith.addi %mul3A_552, %add3A_553 : i32
        %swap3A_555 = arith.constant 2 : i32
        %swap3A_556 = arith.index_cast %swap3A_555 : i32 to index
        %swap3A_557 = arith.index_cast %add3A_554 : i32 to index
        %swap3A_558 = arith.constant 0 : index
        %swap3A_559 = tpu.vector_load %arg7[%swap3A_556, %swap3A_557, %swap3A_558] {strides = array<i32>} : memref<4x128x64xf32, #tpu.memory_space<vmem>>, vector<1x1x16xf32>,
        %swap3A_560 = vector.shape_cast %swap3A_559 : vector<1x1x16xf32> to vector<16xf32>
        %swap3A_561 = vector.shape_cast %mul3A_550 : vector<16xf32> to vector<1x1x16xf32>
        tpu.vector_store %arg7[%swap3A_556, %swap3A_557, %swap3A_558], %swap3A_561 {strides = array<i32>} : memref<4x128x64xf32, #tpu.memory_space<vmem>>, vector<1x1x16xf32>,
        %mul3A_562 = arith.constant 4 : i32
        %mul3A_563 = arith.muli %scan3A_347, %mul3A_562 : i32
        %add3A_564 = arith.constant 2 : i32
        %add3A_565 = arith.addi %mul3A_563, %add3A_564 : i32
        %get3A_566 = arith.constant 2 : i32
        %get3A_567 = arith.index_cast %get3A_566 : i32 to index
        %get3A_568 = arith.index_cast %add3A_565 : i32 to index
        %get3A_569 = arith.constant 16 : index
        %get3A_570 = tpu.vector_load %arg6[%get3A_567, %get3A_568, %get3A_569] {strides = array<i32>} : memref<4x128x64xf32, #tpu.memory_space<vmem>>, vector<1x1x16xf32>,
        %get3A_571 = vector.shape_cast %get3A_570 : vector<1x1x16xf32> to vector<16xf32>
        %mul3A_572 = arith.constant 1.200000e+01 : f32
        %mul3A_573 = vector.broadcast %mul3A_572 : f32 to vector<16xf32>
        %mul3A_574 = arith.mulf %get3A_571, %mul3A_573 : vector<16xf32>
        %mul3A_575 = arith.constant 4 : i32
        %mul3A_576 = arith.muli %scan3A_347, %mul3A_575 : i32
        %add3A_577 = arith.constant 2 : i32
        %add3A_578 = arith.addi %mul3A_576, %add3A_577 : i32
        %swap3A_579 = arith.constant 2 : i32
        %swap3A_580 = arith.index_cast %swap3A_579 : i32 to index
        %swap3A_581 = arith.index_cast %add3A_578 : i32 to index
        %swap3A_582 = arith.constant 16 : index
        %swap3A_583 = tpu.vector_load %arg7[%swap3A_580, %swap3A_581, %swap3A_582] {strides = array<i32>} : memref<4x128x64xf32, #tpu.memory_space<vmem>>, vector<1x1x16xf32>,
        %swap3A_584 = vector.shape_cast %swap3A_583 : vector<1x1x16xf32> to vector<16xf32>
        %swap3A_585 = vector.shape_cast %mul3A_574 : vector<16xf32> to vector<1x1x16xf32>
        tpu.vector_store %arg7[%swap3A_580, %swap3A_581, %swap3A_582], %swap3A_585 {strides = array<i32>} : memref<4x128x64xf32, #tpu.memory_space<vmem>>, vector<1x1x16xf32>,
        %mul3A_586 = arith.constant 4 : i32
        %mul3A_587 = arith.muli %scan3A_347, %mul3A_586 : i32
        %add3A_588 = arith.constant 2 : i32
        %add3A_589 = arith.addi %mul3A_587, %add3A_588 : i32
        %get3A_590 = arith.constant 2 : i32
        %get3A_591 = arith.index_cast %get3A_590 : i32 to index
        %get3A_592 = arith.index_cast %add3A_589 : i32 to index
        %get3A_593 = arith.constant 32 : index
        %get3A_594 = tpu.vector_load %arg6[%get3A_591, %get3A_592, %get3A_593] {strides = array<i32>} : memref<4x128x64xf32, #tpu.memory_space<vmem>>, vector<1x1x16xf32>,
        %get3A_595 = vector.shape_cast %get3A_594 : vector<1x1x16xf32> to vector<16xf32>
        %mul3A_596 = arith.constant 1.200000e+01 : f32
        %mul3A_597 = vector.broadcast %mul3A_596 : f32 to vector<16xf32>
        %mul3A_598 = arith.mulf %get3A_595, %mul3A_597 : vector<16xf32>
        %mul3A_599 = arith.constant 4 : i32
        %mul3A_600 = arith.muli %scan3A_347, %mul3A_599 : i32
        %add3A_601 = arith.constant 2 : i32
        %add3A_602 = arith.addi %mul3A_600, %add3A_601 : i32
        %swap3A_603 = arith.constant 2 : i32
        %swap3A_604 = arith.index_cast %swap3A_603 : i32 to index
        %swap3A_605 = arith.index_cast %add3A_602 : i32 to index
        %swap3A_606 = arith.constant 32 : index
        %swap3A_607 = tpu.vector_load %arg7[%swap3A_604, %swap3A_605, %swap3A_606] {strides = array<i32>} : memref<4x128x64xf32, #tpu.memory_space<vmem>>, vector<1x1x16xf32>,
        %swap3A_608 = vector.shape_cast %swap3A_607 : vector<1x1x16xf32> to vector<16xf32>
        %swap3A_609 = vector.shape_cast %mul3A_598 : vector<16xf32> to vector<1x1x16xf32>
        tpu.vector_store %arg7[%swap3A_604, %swap3A_605, %swap3A_606], %swap3A_609 {strides = array<i32>} : memref<4x128x64xf32, #tpu.memory_space<vmem>>, vector<1x1x16xf32>,
        %mul3A_610 = arith.constant 4 : i32
        %mul3A_611 = arith.muli %scan3A_347, %mul3A_610 : i32
        %add3A_612 = arith.constant 2 : i32
        %add3A_613 = arith.addi %mul3A_611, %add3A_612 : i32
        %get3A_614 = arith.constant 2 : i32
        %get3A_615 = arith.index_cast %get3A_614 : i32 to index
        %get3A_616 = arith.index_cast %add3A_613 : i32 to index
        %get3A_617 = arith.constant 48 : index
        %get3A_618 = tpu.vector_load %arg6[%get3A_615, %get3A_616, %get3A_617] {strides = array<i32>} : memref<4x128x64xf32, #tpu.memory_space<vmem>>, vector<1x1x16xf32>,
        %get3A_619 = vector.shape_cast %get3A_618 : vector<1x1x16xf32> to vector<16xf32>
        %mul3A_620 = arith.constant 1.200000e+01 : f32
        %mul3A_621 = vector.broadcast %mul3A_620 : f32 to vector<16xf32>
        %mul3A_622 = arith.mulf %get3A_619, %mul3A_621 : vector<16xf32>
        %mul3A_623 = arith.constant 4 : i32
        %mul3A_624 = arith.muli %scan3A_347, %mul3A_623 : i32
        %add3A_625 = arith.constant 2 : i32
        %add3A_626 = arith.addi %mul3A_624, %add3A_625 : i32
        %swap3A_627 = arith.constant 2 : i32
        %swap3A_628 = arith.index_cast %swap3A_627 : i32 to index
        %swap3A_629 = arith.index_cast %add3A_626 : i32 to index
        %swap3A_630 = arith.constant 48 : index
        %swap3A_631 = tpu.vector_load %arg7[%swap3A_628, %swap3A_629, %swap3A_630] {strides = array<i32>} : memref<4x128x64xf32, #tpu.memory_space<vmem>>, vector<1x1x16xf32>,
        %swap3A_632 = vector.shape_cast %swap3A_631 : vector<1x1x16xf32> to vector<16xf32>
        %swap3A_633 = vector.shape_cast %mul3A_622 : vector<16xf32> to vector<1x1x16xf32>
        tpu.vector_store %arg7[%swap3A_628, %swap3A_629, %swap3A_630], %swap3A_633 {strides = array<i32>} : memref<4x128x64xf32, #tpu.memory_space<vmem>>, vector<1x1x16xf32>,
        %mul3A_634 = arith.constant 4 : i32
        %mul3A_635 = arith.muli %scan3A_347, %mul3A_634 : i32
        %add3A_636 = arith.constant 3 : i32
        %add3A_637 = arith.addi %mul3A_635, %add3A_636 : i32
        %get3A_638 = arith.constant 2 : i32
        %get3A_639 = arith.index_cast %get3A_638 : i32 to index
        %get3A_640 = arith.index_cast %add3A_637 : i32 to index
        %get3A_641 = arith.constant 0 : index
        %get3A_642 = tpu.vector_load %arg6[%get3A_639, %get3A_640, %get3A_641] {strides = array<i32>} : memref<4x128x64xf32, #tpu.memory_space<vmem>>, vector<1x1x16xf32>,
        %get3A_643 = vector.shape_cast %get3A_642 : vector<1x1x16xf32> to vector<16xf32>
        %mul3A_644 = arith.constant 1.200000e+01 : f32
        %mul3A_645 = vector.broadcast %mul3A_644 : f32 to vector<16xf32>
        %mul3A_646 = arith.mulf %get3A_643, %mul3A_645 : vector<16xf32>
        %mul3A_647 = arith.constant 4 : i32
        %mul3A_648 = arith.muli %scan3A_347, %mul3A_647 : i32
        %add3A_649 = arith.constant 3 : i32
        %add3A_650 = arith.addi %mul3A_648, %add3A_649 : i32
        %swap3A_651 = arith.constant 2 : i32
        %swap3A_652 = arith.index_cast %swap3A_651 : i32 to index
        %swap3A_653 = arith.index_cast %add3A_650 : i32 to index
        %swap3A_654 = arith.constant 0 : index
        %swap3A_655 = tpu.vector_load %arg7[%swap3A_652, %swap3A_653, %swap3A_654] {strides = array<i32>} : memref<4x128x64xf32, #tpu.memory_space<vmem>>, vector<1x1x16xf32>,
        %swap3A_656 = vector.shape_cast %swap3A_655 : vector<1x1x16xf32> to vector<16xf32>
        %swap3A_657 = vector.shape_cast %mul3A_646 : vector<16xf32> to vector<1x1x16xf32>
        tpu.vector_store %arg7[%swap3A_652, %swap3A_653, %swap3A_654], %swap3A_657 {strides = array<i32>} : memref<4x128x64xf32, #tpu.memory_space<vmem>>, vector<1x1x16xf32>,
        %mul3A_658 = arith.constant 4 : i32
        %mul3A_659 = arith.muli %scan3A_347, %mul3A_658 : i32
        %add3A_660 = arith.constant 3 : i32
        %add3A_661 = arith.addi %mul3A_659, %add3A_660 : i32
        %get3A_662 = arith.constant 2 : i32
        %get3A_663 = arith.index_cast %get3A_662 : i32 to index
        %get3A_664 = arith.index_cast %add3A_661 : i32 to index
        %get3A_665 = arith.constant 16 : index
        %get3A_666 = tpu.vector_load %arg6[%get3A_663, %get3A_664, %get3A_665] {strides = array<i32>} : memref<4x128x64xf32, #tpu.memory_space<vmem>>, vector<1x1x16xf32>,
        %get3A_667 = vector.shape_cast %get3A_666 : vector<1x1x16xf32> to vector<16xf32>
        %mul3A_668 = arith.constant 1.200000e+01 : f32
        %mul3A_669 = vector.broadcast %mul3A_668 : f32 to vector<16xf32>
        %mul3A_670 = arith.mulf %get3A_667, %mul3A_669 : vector<16xf32>
        %mul3A_671 = arith.constant 4 : i32
        %mul3A_672 = arith.muli %scan3A_347, %mul3A_671 : i32
        %add3A_673 = arith.constant 3 : i32
        %add3A_674 = arith.addi %mul3A_672, %add3A_673 : i32
        %swap3A_675 = arith.constant 2 : i32
        %swap3A_676 = arith.index_cast %swap3A_675 : i32 to index
        %swap3A_677 = arith.index_cast %add3A_674 : i32 to index
        %swap3A_678 = arith.constant 16 : index
        %swap3A_679 = tpu.vector_load %arg7[%swap3A_676, %swap3A_677, %swap3A_678] {strides = array<i32>} : memref<4x128x64xf32, #tpu.memory_space<vmem>>, vector<1x1x16xf32>,
        %swap3A_680 = vector.shape_cast %swap3A_679 : vector<1x1x16xf32> to vector<16xf32>
        %swap3A_681 = vector.shape_cast %mul3A_670 : vector<16xf32> to vector<1x1x16xf32>
        tpu.vector_store %arg7[%swap3A_676, %swap3A_677, %swap3A_678], %swap3A_681 {strides = array<i32>} : memref<4x128x64xf32, #tpu.memory_space<vmem>>, vector<1x1x16xf32>,
        %mul3A_682 = arith.constant 4 : i32
        %mul3A_683 = arith.muli %scan3A_347, %mul3A_682 : i32
        %add3A_684 = arith.constant 3 : i32
        %add3A_685 = arith.addi %mul3A_683, %add3A_684 : i32
        %get3A_686 = arith.constant 2 : i32
        %get3A_687 = arith.index_cast %get3A_686 : i32 to index
        %get3A_688 = arith.index_cast %add3A_685 : i32 to index
        %get3A_689 = arith.constant 32 : index
        %get3A_690 = tpu.vector_load %arg6[%get3A_687, %get3A_688, %get3A_689] {strides = array<i32>} : memref<4x128x64xf32, #tpu.memory_space<vmem>>, vector<1x1x16xf32>,
        %get3A_691 = vector.shape_cast %get3A_690 : vector<1x1x16xf32> to vector<16xf32>
        %mul3A_692 = arith.constant 1.200000e+01 : f32
        %mul3A_693 = vector.broadcast %mul3A_692 : f32 to vector<16xf32>
        %mul3A_694 = arith.mulf %get3A_691, %mul3A_693 : vector<16xf32>
        %mul3A_695 = arith.constant 4 : i32
        %mul3A_696 = arith.muli %scan3A_347, %mul3A_695 : i32
        %add3A_697 = arith.constant 3 : i32
        %add3A_698 = arith.addi %mul3A_696, %add3A_697 : i32
        %swap3A_699 = arith.constant 2 : i32
        %swap3A_700 = arith.index_cast %swap3A_699 : i32 to index
        %swap3A_701 = arith.index_cast %add3A_698 : i32 to index
        %swap3A_702 = arith.constant 32 : index
        %swap3A_703 = tpu.vector_load %arg7[%swap3A_700, %swap3A_701, %swap3A_702] {strides = array<i32>} : memref<4x128x64xf32, #tpu.memory_space<vmem>>, vector<1x1x16xf32>,
        %swap3A_704 = vector.shape_cast %swap3A_703 : vector<1x1x16xf32> to vector<16xf32>
        %swap3A_705 = vector.shape_cast %mul3A_694 : vector<16xf32> to vector<1x1x16xf32>
        tpu.vector_store %arg7[%swap3A_700, %swap3A_701, %swap3A_702], %swap3A_705 {strides = array<i32>} : memref<4x128x64xf32, #tpu.memory_space<vmem>>, vector<1x1x16xf32>,
        %mul3A_706 = arith.constant 4 : i32
        %mul3A_707 = arith.muli %scan3A_347, %mul3A_706 : i32
        %add3A_708 = arith.constant 3 : i32
        %add3A_709 = arith.addi %mul3A_707, %add3A_708 : i32
        %get3A_710 = arith.constant 2 : i32
        %get3A_711 = arith.index_cast %get3A_710 : i32 to index
        %get3A_712 = arith.index_cast %add3A_709 : i32 to index
        %get3A_713 = arith.constant 48 : index
        %get3A_714 = tpu.vector_load %arg6[%get3A_711, %get3A_712, %get3A_713] {strides = array<i32>} : memref<4x128x64xf32, #tpu.memory_space<vmem>>, vector<1x1x16xf32>,
        %get3A_715 = vector.shape_cast %get3A_714 : vector<1x1x16xf32> to vector<16xf32>
        %mul3A_716 = arith.constant 1.200000e+01 : f32
        %mul3A_717 = vector.broadcast %mul3A_716 : f32 to vector<16xf32>
        %mul3A_718 = arith.mulf %get3A_715, %mul3A_717 : vector<16xf32>
        %mul3A_719 = arith.constant 4 : i32
        %mul3A_720 = arith.muli %scan3A_347, %mul3A_719 : i32
        %add3A_721 = arith.constant 3 : i32
        %add3A_722 = arith.addi %mul3A_720, %add3A_721 : i32
        %swap3A_723 = arith.constant 2 : i32
        %swap3A_724 = arith.index_cast %swap3A_723 : i32 to index
        %swap3A_725 = arith.index_cast %add3A_722 : i32 to index
        %swap3A_726 = arith.constant 48 : index
        %swap3A_727 = tpu.vector_load %arg7[%swap3A_724, %swap3A_725, %swap3A_726] {strides = array<i32>} : memref<4x128x64xf32, #tpu.memory_space<vmem>>, vector<1x1x16xf32>,
        %swap3A_728 = vector.shape_cast %swap3A_727 : vector<1x1x16xf32> to vector<16xf32>
        %swap3A_729 = vector.shape_cast %mul3A_718 : vector<16xf32> to vector<1x1x16xf32>
        tpu.vector_store %arg7[%swap3A_724, %swap3A_725, %swap3A_726], %swap3A_729 {strides = array<i32>} : memref<4x128x64xf32, #tpu.memory_space<vmem>>, vector<1x1x16xf32>,
        %scan3A_730 = arith.constant 1 : i32
        %scan3A_731 = arith.addi %scan3A_347, %scan3A_730 : i32
        %mul3A_732 = arith.constant 4 : i32
        %mul3A_733 = arith.muli %scan3A_731, %mul3A_732 : i32
        %add3A_734 = arith.constant 0 : i32
        %add3A_735 = arith.addi %mul3A_733, %add3A_734 : i32
        %get3A_736 = arith.constant 2 : i32
        %get3A_737 = arith.index_cast %get3A_736 : i32 to index
        %get3A_738 = arith.index_cast %add3A_735 : i32 to index
        %get3A_739 = arith.constant 0 : index
        %get3A_740 = tpu.vector_load %arg6[%get3A_737, %get3A_738, %get3A_739] {strides = array<i32>} : memref<4x128x64xf32, #tpu.memory_space<vmem>>, vector<1x1x16xf32>,
        %get3A_741 = vector.shape_cast %get3A_740 : vector<1x1x16xf32> to vector<16xf32>
        %mul3A_742 = arith.constant 1.200000e+01 : f32
        %mul3A_743 = vector.broadcast %mul3A_742 : f32 to vector<16xf32>
        %mul3A_744 = arith.mulf %get3A_741, %mul3A_743 : vector<16xf32>
        %mul3A_745 = arith.constant 4 : i32
        %mul3A_746 = arith.muli %scan3A_731, %mul3A_745 : i32
        %add3A_747 = arith.constant 0 : i32
        %add3A_748 = arith.addi %mul3A_746, %add3A_747 : i32
        %swap3A_749 = arith.constant 2 : i32
        %swap3A_750 = arith.index_cast %swap3A_749 : i32 to index
        %swap3A_751 = arith.index_cast %add3A_748 : i32 to index
        %swap3A_752 = arith.constant 0 : index
        %swap3A_753 = tpu.vector_load %arg7[%swap3A_750, %swap3A_751, %swap3A_752] {strides = array<i32>} : memref<4x128x64xf32, #tpu.memory_space<vmem>>, vector<1x1x16xf32>,
        %swap3A_754 = vector.shape_cast %swap3A_753 : vector<1x1x16xf32> to vector<16xf32>
        %swap3A_755 = vector.shape_cast %mul3A_744 : vector<16xf32> to vector<1x1x16xf32>
        tpu.vector_store %arg7[%swap3A_750, %swap3A_751, %swap3A_752], %swap3A_755 {strides = array<i32>} : memref<4x128x64xf32, #tpu.memory_space<vmem>>, vector<1x1x16xf32>,
        %mul3A_756 = arith.constant 4 : i32
        %mul3A_757 = arith.muli %scan3A_731, %mul3A_756 : i32
        %add3A_758 = arith.constant 0 : i32
        %add3A_759 = arith.addi %mul3A_757, %add3A_758 : i32
        %get3A_760 = arith.constant 2 : i32
        %get3A_761 = arith.index_cast %get3A_760 : i32 to index
        %get3A_762 = arith.index_cast %add3A_759 : i32 to index
        %get3A_763 = arith.constant 16 : index
        %get3A_764 = tpu.vector_load %arg6[%get3A_761, %get3A_762, %get3A_763] {strides = array<i32>} : memref<4x128x64xf32, #tpu.memory_space<vmem>>, vector<1x1x16xf32>,
        %get3A_765 = vector.shape_cast %get3A_764 : vector<1x1x16xf32> to vector<16xf32>
        %mul3A_766 = arith.constant 1.200000e+01 : f32
        %mul3A_767 = vector.broadcast %mul3A_766 : f32 to vector<16xf32>
        %mul3A_768 = arith.mulf %get3A_765, %mul3A_767 : vector<16xf32>
        %mul3A_769 = arith.constant 4 : i32
        %mul3A_770 = arith.muli %scan3A_731, %mul3A_769 : i32
        %add3A_771 = arith.constant 0 : i32
        %add3A_772 = arith.addi %mul3A_770, %add3A_771 : i32
        %swap3A_773 = arith.constant 2 : i32
        %swap3A_774 = arith.index_cast %swap3A_773 : i32 to index
        %swap3A_775 = arith.index_cast %add3A_772 : i32 to index
        %swap3A_776 = arith.constant 16 : index
        %swap3A_777 = tpu.vector_load %arg7[%swap3A_774, %swap3A_775, %swap3A_776] {strides = array<i32>} : memref<4x128x64xf32, #tpu.memory_space<vmem>>, vector<1x1x16xf32>,
        %swap3A_778 = vector.shape_cast %swap3A_777 : vector<1x1x16xf32> to vector<16xf32>
        %swap3A_779 = vector.shape_cast %mul3A_768 : vector<16xf32> to vector<1x1x16xf32>
        tpu.vector_store %arg7[%swap3A_774, %swap3A_775, %swap3A_776], %swap3A_779 {strides = array<i32>} : memref<4x128x64xf32, #tpu.memory_space<vmem>>, vector<1x1x16xf32>,
        %mul3A_780 = arith.constant 4 : i32
        %mul3A_781 = arith.muli %scan3A_731, %mul3A_780 : i32
        %add3A_782 = arith.constant 0 : i32
        %add3A_783 = arith.addi %mul3A_781, %add3A_782 : i32
        %get3A_784 = arith.constant 2 : i32
        %get3A_785 = arith.index_cast %get3A_784 : i32 to index
        %get3A_786 = arith.index_cast %add3A_783 : i32 to index
        %get3A_787 = arith.constant 32 : index
        %get3A_788 = tpu.vector_load %arg6[%get3A_785, %get3A_786, %get3A_787] {strides = array<i32>} : memref<4x128x64xf32, #tpu.memory_space<vmem>>, vector<1x1x16xf32>,
        %get3A_789 = vector.shape_cast %get3A_788 : vector<1x1x16xf32> to vector<16xf32>
        %mul3A_790 = arith.constant 1.200000e+01 : f32
        %mul3A_791 = vector.broadcast %mul3A_790 : f32 to vector<16xf32>
        %mul3A_792 = arith.mulf %get3A_789, %mul3A_791 : vector<16xf32>
        %mul3A_793 = arith.constant 4 : i32
        %mul3A_794 = arith.muli %scan3A_731, %mul3A_793 : i32
        %add3A_795 = arith.constant 0 : i32
        %add3A_796 = arith.addi %mul3A_794, %add3A_795 : i32
        %swap3A_797 = arith.constant 2 : i32
        %swap3A_798 = arith.index_cast %swap3A_797 : i32 to index
        %swap3A_799 = arith.index_cast %add3A_796 : i32 to index
        %swap3A_800 = arith.constant 32 : index
        %swap3A_801 = tpu.vector_load %arg7[%swap3A_798, %swap3A_799, %swap3A_800] {strides = array<i32>} : memref<4x128x64xf32, #tpu.memory_space<vmem>>, vector<1x1x16xf32>,
        %swap3A_802 = vector.shape_cast %swap3A_801 : vector<1x1x16xf32> to vector<16xf32>
        %swap3A_803 = vector.shape_cast %mul3A_792 : vector<16xf32> to vector<1x1x16xf32>
        tpu.vector_store %arg7[%swap3A_798, %swap3A_799, %swap3A_800], %swap3A_803 {strides = array<i32>} : memref<4x128x64xf32, #tpu.memory_space<vmem>>, vector<1x1x16xf32>,
        %mul3A_804 = arith.constant 4 : i32
        %mul3A_805 = arith.muli %scan3A_731, %mul3A_804 : i32
        %add3A_806 = arith.constant 0 : i32
        %add3A_807 = arith.addi %mul3A_805, %add3A_806 : i32
        %get3A_808 = arith.constant 2 : i32
        %get3A_809 = arith.index_cast %get3A_808 : i32 to index
        %get3A_810 = arith.index_cast %add3A_807 : i32 to index
        %get3A_811 = arith.constant 48 : index
        %get3A_812 = tpu.vector_load %arg6[%get3A_809, %get3A_810, %get3A_811] {strides = array<i32>} : memref<4x128x64xf32, #tpu.memory_space<vmem>>, vector<1x1x16xf32>,
        %get3A_813 = vector.shape_cast %get3A_812 : vector<1x1x16xf32> to vector<16xf32>
        %mul3A_814 = arith.constant 1.200000e+01 : f32
        %mul3A_815 = vector.broadcast %mul3A_814 : f32 to vector<16xf32>
        %mul3A_816 = arith.mulf %get3A_813, %mul3A_815 : vector<16xf32>
        %mul3A_817 = arith.constant 4 : i32
        %mul3A_818 = arith.muli %scan3A_731, %mul3A_817 : i32
        %add3A_819 = arith.constant 0 : i32
        %add3A_820 = arith.addi %mul3A_818, %add3A_819 : i32
        %swap3A_821 = arith.constant 2 : i32
        %swap3A_822 = arith.index_cast %swap3A_821 : i32 to index
        %swap3A_823 = arith.index_cast %add3A_820 : i32 to index
        %swap3A_824 = arith.constant 48 : index
        %swap3A_825 = tpu.vector_load %arg7[%swap3A_822, %swap3A_823, %swap3A_824] {strides = array<i32>} : memref<4x128x64xf32, #tpu.memory_space<vmem>>, vector<1x1x16xf32>,
        %swap3A_826 = vector.shape_cast %swap3A_825 : vector<1x1x16xf32> to vector<16xf32>
        %swap3A_827 = vector.shape_cast %mul3A_816 : vector<16xf32> to vector<1x1x16xf32>
        tpu.vector_store %arg7[%swap3A_822, %swap3A_823, %swap3A_824], %swap3A_827 {strides = array<i32>} : memref<4x128x64xf32, #tpu.memory_space<vmem>>, vector<1x1x16xf32>,
        %mul3A_828 = arith.constant 4 : i32
        %mul3A_829 = arith.muli %scan3A_731, %mul3A_828 : i32
        %add3A_830 = arith.constant 1 : i32
        %add3A_831 = arith.addi %mul3A_829, %add3A_830 : i32
        %get3A_832 = arith.constant 2 : i32
        %get3A_833 = arith.index_cast %get3A_832 : i32 to index
        %get3A_834 = arith.index_cast %add3A_831 : i32 to index
        %get3A_835 = arith.constant 0 : index
        %get3A_836 = tpu.vector_load %arg6[%get3A_833, %get3A_834, %get3A_835] {strides = array<i32>} : memref<4x128x64xf32, #tpu.memory_space<vmem>>, vector<1x1x16xf32>,
        %get3A_837 = vector.shape_cast %get3A_836 : vector<1x1x16xf32> to vector<16xf32>
        %mul3A_838 = arith.constant 1.200000e+01 : f32
        %mul3A_839 = vector.broadcast %mul3A_838 : f32 to vector<16xf32>
        %mul3A_840 = arith.mulf %get3A_837, %mul3A_839 : vector<16xf32>
        %mul3A_841 = arith.constant 4 : i32
        %mul3A_842 = arith.muli %scan3A_731, %mul3A_841 : i32
        %add3A_843 = arith.constant 1 : i32
        %add3A_844 = arith.addi %mul3A_842, %add3A_843 : i32
        %swap3A_845 = arith.constant 2 : i32
        %swap3A_846 = arith.index_cast %swap3A_845 : i32 to index
        %swap3A_847 = arith.index_cast %add3A_844 : i32 to index
        %swap3A_848 = arith.constant 0 : index
        %swap3A_849 = tpu.vector_load %arg7[%swap3A_846, %swap3A_847, %swap3A_848] {strides = array<i32>} : memref<4x128x64xf32, #tpu.memory_space<vmem>>, vector<1x1x16xf32>,
        %swap3A_850 = vector.shape_cast %swap3A_849 : vector<1x1x16xf32> to vector<16xf32>
        %swap3A_851 = vector.shape_cast %mul3A_840 : vector<16xf32> to vector<1x1x16xf32>
        tpu.vector_store %arg7[%swap3A_846, %swap3A_847, %swap3A_848], %swap3A_851 {strides = array<i32>} : memref<4x128x64xf32, #tpu.memory_space<vmem>>, vector<1x1x16xf32>,
        %mul3A_852 = arith.constant 4 : i32
        %mul3A_853 = arith.muli %scan3A_731, %mul3A_852 : i32
        %add3A_854 = arith.constant 1 : i32
        %add3A_855 = arith.addi %mul3A_853, %add3A_854 : i32
        %get3A_856 = arith.constant 2 : i32
        %get3A_857 = arith.index_cast %get3A_856 : i32 to index
        %get3A_858 = arith.index_cast %add3A_855 : i32 to index
        %get3A_859 = arith.constant 16 : index
        %get3A_860 = tpu.vector_load %arg6[%get3A_857, %get3A_858, %get3A_859] {strides = array<i32>} : memref<4x128x64xf32, #tpu.memory_space<vmem>>, vector<1x1x16xf32>,
        %get3A_861 = vector.shape_cast %get3A_860 : vector<1x1x16xf32> to vector<16xf32>
        %mul3A_862 = arith.constant 1.200000e+01 : f32
        %mul3A_863 = vector.broadcast %mul3A_862 : f32 to vector<16xf32>
        %mul3A_864 = arith.mulf %get3A_861, %mul3A_863 : vector<16xf32>
        %mul3A_865 = arith.constant 4 : i32
        %mul3A_866 = arith.muli %scan3A_731, %mul3A_865 : i32
        %add3A_867 = arith.constant 1 : i32
        %add3A_868 = arith.addi %mul3A_866, %add3A_867 : i32
        %swap3A_869 = arith.constant 2 : i32
        %swap3A_870 = arith.index_cast %swap3A_869 : i32 to index
        %swap3A_871 = arith.index_cast %add3A_868 : i32 to index
        %swap3A_872 = arith.constant 16 : index
        %swap3A_873 = tpu.vector_load %arg7[%swap3A_870, %swap3A_871, %swap3A_872] {strides = array<i32>} : memref<4x128x64xf32, #tpu.memory_space<vmem>>, vector<1x1x16xf32>,
        %swap3A_874 = vector.shape_cast %swap3A_873 : vector<1x1x16xf32> to vector<16xf32>
        %swap3A_875 = vector.shape_cast %mul3A_864 : vector<16xf32> to vector<1x1x16xf32>
        tpu.vector_store %arg7[%swap3A_870, %swap3A_871, %swap3A_872], %swap3A_875 {strides = array<i32>} : memref<4x128x64xf32, #tpu.memory_space<vmem>>, vector<1x1x16xf32>,
        %mul3A_876 = arith.constant 4 : i32
        %mul3A_877 = arith.muli %scan3A_731, %mul3A_876 : i32
        %add3A_878 = arith.constant 1 : i32
        %add3A_879 = arith.addi %mul3A_877, %add3A_878 : i32
        %get3A_880 = arith.constant 2 : i32
        %get3A_881 = arith.index_cast %get3A_880 : i32 to index
        %get3A_882 = arith.index_cast %add3A_879 : i32 to index
        %get3A_883 = arith.constant 32 : index
        %get3A_884 = tpu.vector_load %arg6[%get3A_881, %get3A_882, %get3A_883] {strides = array<i32>} : memref<4x128x64xf32, #tpu.memory_space<vmem>>, vector<1x1x16xf32>,
        %get3A_885 = vector.shape_cast %get3A_884 : vector<1x1x16xf32> to vector<16xf32>
        %mul3A_886 = arith.constant 1.200000e+01 : f32
        %mul3A_887 = vector.broadcast %mul3A_886 : f32 to vector<16xf32>
        %mul3A_888 = arith.mulf %get3A_885, %mul3A_887 : vector<16xf32>
        %mul3A_889 = arith.constant 4 : i32
        %mul3A_890 = arith.muli %scan3A_731, %mul3A_889 : i32
        %add3A_891 = arith.constant 1 : i32
        %add3A_892 = arith.addi %mul3A_890, %add3A_891 : i32
        %swap3A_893 = arith.constant 2 : i32
        %swap3A_894 = arith.index_cast %swap3A_893 : i32 to index
        %swap3A_895 = arith.index_cast %add3A_892 : i32 to index
        %swap3A_896 = arith.constant 32 : index
        %swap3A_897 = tpu.vector_load %arg7[%swap3A_894, %swap3A_895, %swap3A_896] {strides = array<i32>} : memref<4x128x64xf32, #tpu.memory_space<vmem>>, vector<1x1x16xf32>,
        %swap3A_898 = vector.shape_cast %swap3A_897 : vector<1x1x16xf32> to vector<16xf32>
        %swap3A_899 = vector.shape_cast %mul3A_888 : vector<16xf32> to vector<1x1x16xf32>
        tpu.vector_store %arg7[%swap3A_894, %swap3A_895, %swap3A_896], %swap3A_899 {strides = array<i32>} : memref<4x128x64xf32, #tpu.memory_space<vmem>>, vector<1x1x16xf32>,
        %mul3A_900 = arith.constant 4 : i32
        %mul3A_901 = arith.muli %scan3A_731, %mul3A_900 : i32
        %add3A_902 = arith.constant 1 : i32
        %add3A_903 = arith.addi %mul3A_901, %add3A_902 : i32
        %get3A_904 = arith.constant 2 : i32
        %get3A_905 = arith.index_cast %get3A_904 : i32 to index
        %get3A_906 = arith.index_cast %add3A_903 : i32 to index
        %get3A_907 = arith.constant 48 : index
        %get3A_908 = tpu.vector_load %arg6[%get3A_905, %get3A_906, %get3A_907] {strides = array<i32>} : memref<4x128x64xf32, #tpu.memory_space<vmem>>, vector<1x1x16xf32>,
        %get3A_909 = vector.shape_cast %get3A_908 : vector<1x1x16xf32> to vector<16xf32>
        %mul3A_910 = arith.constant 1.200000e+01 : f32
        %mul3A_911 = vector.broadcast %mul3A_910 : f32 to vector<16xf32>
        %mul3A_912 = arith.mulf %get3A_909, %mul3A_911 : vector<16xf32>
        %mul3A_913 = arith.constant 4 : i32
        %mul3A_914 = arith.muli %scan3A_731, %mul3A_913 : i32
        %add3A_915 = arith.constant 1 : i32
        %add3A_916 = arith.addi %mul3A_914, %add3A_915 : i32
        %swap3A_917 = arith.constant 2 : i32
        %swap3A_918 = arith.index_cast %swap3A_917 : i32 to index
        %swap3A_919 = arith.index_cast %add3A_916 : i32 to index
        %swap3A_920 = arith.constant 48 : index
        %swap3A_921 = tpu.vector_load %arg7[%swap3A_918, %swap3A_919, %swap3A_920] {strides = array<i32>} : memref<4x128x64xf32, #tpu.memory_space<vmem>>, vector<1x1x16xf32>,
        %swap3A_922 = vector.shape_cast %swap3A_921 : vector<1x1x16xf32> to vector<16xf32>
        %swap3A_923 = vector.shape_cast %mul3A_912 : vector<16xf32> to vector<1x1x16xf32>
        tpu.vector_store %arg7[%swap3A_918, %swap3A_919, %swap3A_920], %swap3A_923 {strides = array<i32>} : memref<4x128x64xf32, #tpu.memory_space<vmem>>, vector<1x1x16xf32>,
        %mul3A_924 = arith.constant 4 : i32
        %mul3A_925 = arith.muli %scan3A_731, %mul3A_924 : i32
        %add3A_926 = arith.constant 2 : i32
        %add3A_927 = arith.addi %mul3A_925, %add3A_926 : i32
        %get3A_928 = arith.constant 2 : i32
        %get3A_929 = arith.index_cast %get3A_928 : i32 to index
        %get3A_930 = arith.index_cast %add3A_927 : i32 to index
        %get3A_931 = arith.constant 0 : index
        %get3A_932 = tpu.vector_load %arg6[%get3A_929, %get3A_930, %get3A_931] {strides = array<i32>} : memref<4x128x64xf32, #tpu.memory_space<vmem>>, vector<1x1x16xf32>,
        %get3A_933 = vector.shape_cast %get3A_932 : vector<1x1x16xf32> to vector<16xf32>
        %mul3A_934 = arith.constant 1.200000e+01 : f32
        %mul3A_935 = vector.broadcast %mul3A_934 : f32 to vector<16xf32>
        %mul3A_936 = arith.mulf %get3A_933, %mul3A_935 : vector<16xf32>
        %mul3A_937 = arith.constant 4 : i32
        %mul3A_938 = arith.muli %scan3A_731, %mul3A_937 : i32
        %add3A_939 = arith.constant 2 : i32
        %add3A_940 = arith.addi %mul3A_938, %add3A_939 : i32
        %swap3A_941 = arith.constant 2 : i32
        %swap3A_942 = arith.index_cast %swap3A_941 : i32 to index
        %swap3A_943 = arith.index_cast %add3A_940 : i32 to index
        %swap3A_944 = arith.constant 0 : index
        %swap3A_945 = tpu.vector_load %arg7[%swap3A_942, %swap3A_943, %swap3A_944] {strides = array<i32>} : memref<4x128x64xf32, #tpu.memory_space<vmem>>, vector<1x1x16xf32>,
        %swap3A_946 = vector.shape_cast %swap3A_945 : vector<1x1x16xf32> to vector<16xf32>
        %swap3A_947 = vector.shape_cast %mul3A_936 : vector<16xf32> to vector<1x1x16xf32>
        tpu.vector_store %arg7[%swap3A_942, %swap3A_943, %swap3A_944], %swap3A_947 {strides = array<i32>} : memref<4x128x64xf32, #tpu.memory_space<vmem>>, vector<1x1x16xf32>,
        %mul3A_948 = arith.constant 4 : i32
        %mul3A_949 = arith.muli %scan3A_731, %mul3A_948 : i32
        %add3A_950 = arith.constant 2 : i32
        %add3A_951 = arith.addi %mul3A_949, %add3A_950 : i32
        %get3A_952 = arith.constant 2 : i32
        %get3A_953 = arith.index_cast %get3A_952 : i32 to index
        %get3A_954 = arith.index_cast %add3A_951 : i32 to index
        %get3A_955 = arith.constant 16 : index
        %get3A_956 = tpu.vector_load %arg6[%get3A_953, %get3A_954, %get3A_955] {strides = array<i32>} : memref<4x128x64xf32, #tpu.memory_space<vmem>>, vector<1x1x16xf32>,
        %get3A_957 = vector.shape_cast %get3A_956 : vector<1x1x16xf32> to vector<16xf32>
        %mul3A_958 = arith.constant 1.200000e+01 : f32
        %mul3A_959 = vector.broadcast %mul3A_958 : f32 to vector<16xf32>
        %mul3A_960 = arith.mulf %get3A_957, %mul3A_959 : vector<16xf32>
        %mul3A_961 = arith.constant 4 : i32
        %mul3A_962 = arith.muli %scan3A_731, %mul3A_961 : i32
        %add3A_963 = arith.constant 2 : i32
        %add3A_964 = arith.addi %mul3A_962, %add3A_963 : i32
        %swap3A_965 = arith.constant 2 : i32
        %swap3A_966 = arith.index_cast %swap3A_965 : i32 to index
        %swap3A_967 = arith.index_cast %add3A_964 : i32 to index
        %swap3A_968 = arith.constant 16 : index
        %swap3A_969 = tpu.vector_load %arg7[%swap3A_966, %swap3A_967, %swap3A_968] {strides = array<i32>} : memref<4x128x64xf32, #tpu.memory_space<vmem>>, vector<1x1x16xf32>,
        %swap3A_970 = vector.shape_cast %swap3A_969 : vector<1x1x16xf32> to vector<16xf32>
        %swap3A_971 = vector.shape_cast %mul3A_960 : vector<16xf32> to vector<1x1x16xf32>
        tpu.vector_store %arg7[%swap3A_966, %swap3A_967, %swap3A_968], %swap3A_971 {strides = array<i32>} : memref<4x128x64xf32, #tpu.memory_space<vmem>>, vector<1x1x16xf32>,
        %mul3A_972 = arith.constant 4 : i32
        %mul3A_973 = arith.muli %scan3A_731, %mul3A_972 : i32
        %add3A_974 = arith.constant 2 : i32
        %add3A_975 = arith.addi %mul3A_973, %add3A_974 : i32
        %get3A_976 = arith.constant 2 : i32
        %get3A_977 = arith.index_cast %get3A_976 : i32 to index
        %get3A_978 = arith.index_cast %add3A_975 : i32 to index
        %get3A_979 = arith.constant 32 : index
        %get3A_980 = tpu.vector_load %arg6[%get3A_977, %get3A_978, %get3A_979] {strides = array<i32>} : memref<4x128x64xf32, #tpu.memory_space<vmem>>, vector<1x1x16xf32>,
        %get3A_981 = vector.shape_cast %get3A_980 : vector<1x1x16xf32> to vector<16xf32>
        %mul3A_982 = arith.constant 1.200000e+01 : f32
        %mul3A_983 = vector.broadcast %mul3A_982 : f32 to vector<16xf32>
        %mul3A_984 = arith.mulf %get3A_981, %mul3A_983 : vector<16xf32>
        %mul3A_985 = arith.constant 4 : i32
        %mul3A_986 = arith.muli %scan3A_731, %mul3A_985 : i32
        %add3A_987 = arith.constant 2 : i32
        %add3A_988 = arith.addi %mul3A_986, %add3A_987 : i32
        %swap3A_989 = arith.constant 2 : i32
        %swap3A_990 = arith.index_cast %swap3A_989 : i32 to index
        %swap3A_991 = arith.index_cast %add3A_988 : i32 to index
        %swap3A_992 = arith.constant 32 : index
        %swap3A_993 = tpu.vector_load %arg7[%swap3A_990, %swap3A_991, %swap3A_992] {strides = array<i32>} : memref<4x128x64xf32, #tpu.memory_space<vmem>>, vector<1x1x16xf32>,
        %swap3A_994 = vector.shape_cast %swap3A_993 : vector<1x1x16xf32> to vector<16xf32>
        %swap3A_995 = vector.shape_cast %mul3A_984 : vector<16xf32> to vector<1x1x16xf32>
        tpu.vector_store %arg7[%swap3A_990, %swap3A_991, %swap3A_992], %swap3A_995 {strides = array<i32>} : memref<4x128x64xf32, #tpu.memory_space<vmem>>, vector<1x1x16xf32>,
        %mul3A_996 = arith.constant 4 : i32
        %mul3A_997 = arith.muli %scan3A_731, %mul3A_996 : i32
        %add3A_998 = arith.constant 2 : i32
        %add3A_999 = arith.addi %mul3A_997, %add3A_998 : i32
        %get3A_1000 = arith.constant 2 : i32
        %get3A_1001 = arith.index_cast %get3A_1000 : i32 to index
        %get3A_1002 = arith.index_cast %add3A_999 : i32 to index
        %get3A_1003 = arith.constant 48 : index
        %get3A_1004 = tpu.vector_load %arg6[%get3A_1001, %get3A_1002, %get3A_1003] {strides = array<i32>} : memref<4x128x64xf32, #tpu.memory_space<vmem>>, vector<1x1x16xf32>,
        %get3A_1005 = vector.shape_cast %get3A_1004 : vector<1x1x16xf32> to vector<16xf32>
        %mul3A_1006 = arith.constant 1.200000e+01 : f32
        %mul3A_1007 = vector.broadcast %mul3A_1006 : f32 to vector<16xf32>
        %mul3A_1008 = arith.mulf %get3A_1005, %mul3A_1007 : vector<16xf32>
        %mul3A_1009 = arith.constant 4 : i32
        %mul3A_1010 = arith.muli %scan3A_731, %mul3A_1009 : i32
        %add3A_1011 = arith.constant 2 : i32
        %add3A_1012 = arith.addi %mul3A_1010, %add3A_1011 : i32
        %swap3A_1013 = arith.constant 2 : i32
        %swap3A_1014 = arith.index_cast %swap3A_1013 : i32 to index
        %swap3A_1015 = arith.index_cast %add3A_1012 : i32 to index
        %swap3A_1016 = arith.constant 48 : index
        %swap3A_1017 = tpu.vector_load %arg7[%swap3A_1014, %swap3A_1015, %swap3A_1016] {strides = array<i32>} : memref<4x128x64xf32, #tpu.memory_space<vmem>>, vector<1x1x16xf32>,
        %swap3A_1018 = vector.shape_cast %swap3A_1017 : vector<1x1x16xf32> to vector<16xf32>
        %swap3A_1019 = vector.shape_cast %mul3A_1008 : vector<16xf32> to vector<1x1x16xf32>
        tpu.vector_store %arg7[%swap3A_1014, %swap3A_1015, %swap3A_1016], %swap3A_1019 {strides = array<i32>} : memref<4x128x64xf32, #tpu.memory_space<vmem>>, vector<1x1x16xf32>,
        %mul3A_1020 = arith.constant 4 : i32
        %mul3A_1021 = arith.muli %scan3A_731, %mul3A_1020 : i32
        %add3A_1022 = arith.constant 3 : i32
        %add3A_1023 = arith.addi %mul3A_1021, %add3A_1022 : i32
        %get3A_1024 = arith.constant 2 : i32
        %get3A_1025 = arith.index_cast %get3A_1024 : i32 to index
        %get3A_1026 = arith.index_cast %add3A_1023 : i32 to index
        %get3A_1027 = arith.constant 0 : index
        %get3A_1028 = tpu.vector_load %arg6[%get3A_1025, %get3A_1026, %get3A_1027] {strides = array<i32>} : memref<4x128x64xf32, #tpu.memory_space<vmem>>, vector<1x1x16xf32>,
        %get3A_1029 = vector.shape_cast %get3A_1028 : vector<1x1x16xf32> to vector<16xf32>
        %mul3A_1030 = arith.constant 1.200000e+01 : f32
        %mul3A_1031 = vector.broadcast %mul3A_1030 : f32 to vector<16xf32>
        %mul3A_1032 = arith.mulf %get3A_1029, %mul3A_1031 : vector<16xf32>
        %mul3A_1033 = arith.constant 4 : i32
        %mul3A_1034 = arith.muli %scan3A_731, %mul3A_1033 : i32
        %add3A_1035 = arith.constant 3 : i32
        %add3A_1036 = arith.addi %mul3A_1034, %add3A_1035 : i32
        %swap3A_1037 = arith.constant 2 : i32
        %swap3A_1038 = arith.index_cast %swap3A_1037 : i32 to index
        %swap3A_1039 = arith.index_cast %add3A_1036 : i32 to index
        %swap3A_1040 = arith.constant 0 : index
        %swap3A_1041 = tpu.vector_load %arg7[%swap3A_1038, %swap3A_1039, %swap3A_1040] {strides = array<i32>} : memref<4x128x64xf32, #tpu.memory_space<vmem>>, vector<1x1x16xf32>,
        %swap3A_1042 = vector.shape_cast %swap3A_1041 : vector<1x1x16xf32> to vector<16xf32>
        %swap3A_1043 = vector.shape_cast %mul3A_1032 : vector<16xf32> to vector<1x1x16xf32>
        tpu.vector_store %arg7[%swap3A_1038, %swap3A_1039, %swap3A_1040], %swap3A_1043 {strides = array<i32>} : memref<4x128x64xf32, #tpu.memory_space<vmem>>, vector<1x1x16xf32>,
        %mul3A_1044 = arith.constant 4 : i32
        %mul3A_1045 = arith.muli %scan3A_731, %mul3A_1044 : i32
        %add3A_1046 = arith.constant 3 : i32
        %add3A_1047 = arith.addi %mul3A_1045, %add3A_1046 : i32
        %get3A_1048 = arith.constant 2 : i32
        %get3A_1049 = arith.index_cast %get3A_1048 : i32 to index
        %get3A_1050 = arith.index_cast %add3A_1047 : i32 to index
        %get3A_1051 = arith.constant 16 : index
        %get3A_1052 = tpu.vector_load %arg6[%get3A_1049, %get3A_1050, %get3A_1051] {strides = array<i32>} : memref<4x128x64xf32, #tpu.memory_space<vmem>>, vector<1x1x16xf32>,
        %get3A_1053 = vector.shape_cast %get3A_1052 : vector<1x1x16xf32> to vector<16xf32>
        %mul3A_1054 = arith.constant 1.200000e+01 : f32
        %mul3A_1055 = vector.broadcast %mul3A_1054 : f32 to vector<16xf32>
        %mul3A_1056 = arith.mulf %get3A_1053, %mul3A_1055 : vector<16xf32>
        %mul3A_1057 = arith.constant 4 : i32
        %mul3A_1058 = arith.muli %scan3A_731, %mul3A_1057 : i32
        %add3A_1059 = arith.constant 3 : i32
        %add3A_1060 = arith.addi %mul3A_1058, %add3A_1059 : i32
        %swap3A_1061 = arith.constant 2 : i32
        %swap3A_1062 = arith.index_cast %swap3A_1061 : i32 to index
        %swap3A_1063 = arith.index_cast %add3A_1060 : i32 to index
        %swap3A_1064 = arith.constant 16 : index
        %swap3A_1065 = tpu.vector_load %arg7[%swap3A_1062, %swap3A_1063, %swap3A_1064] {strides = array<i32>} : memref<4x128x64xf32, #tpu.memory_space<vmem>>, vector<1x1x16xf32>,
        %swap3A_1066 = vector.shape_cast %swap3A_1065 : vector<1x1x16xf32> to vector<16xf32>
        %swap3A_1067 = vector.shape_cast %mul3A_1056 : vector<16xf32> to vector<1x1x16xf32>
        tpu.vector_store %arg7[%swap3A_1062, %swap3A_1063, %swap3A_1064], %swap3A_1067 {strides = array<i32>} : memref<4x128x64xf32, #tpu.memory_space<vmem>>, vector<1x1x16xf32>,
        %mul3A_1068 = arith.constant 4 : i32
        %mul3A_1069 = arith.muli %scan3A_731, %mul3A_1068 : i32
        %add3A_1070 = arith.constant 3 : i32
        %add3A_1071 = arith.addi %mul3A_1069, %add3A_1070 : i32
        %get3A_1072 = arith.constant 2 : i32
        %get3A_1073 = arith.index_cast %get3A_1072 : i32 to index
        %get3A_1074 = arith.index_cast %add3A_1071 : i32 to index
        %get3A_1075 = arith.constant 32 : index
        %get3A_1076 = tpu.vector_load %arg6[%get3A_1073, %get3A_1074, %get3A_1075] {strides = array<i32>} : memref<4x128x64xf32, #tpu.memory_space<vmem>>, vector<1x1x16xf32>,
        %get3A_1077 = vector.shape_cast %get3A_1076 : vector<1x1x16xf32> to vector<16xf32>
        %mul3A_1078 = arith.constant 1.200000e+01 : f32
        %mul3A_1079 = vector.broadcast %mul3A_1078 : f32 to vector<16xf32>
        %mul3A_1080 = arith.mulf %get3A_1077, %mul3A_1079 : vector<16xf32>
        %mul3A_1081 = arith.constant 4 : i32
        %mul3A_1082 = arith.muli %scan3A_731, %mul3A_1081 : i32
        %add3A_1083 = arith.constant 3 : i32
        %add3A_1084 = arith.addi %mul3A_1082, %add3A_1083 : i32
        %swap3A_1085 = arith.constant 2 : i32
        %swap3A_1086 = arith.index_cast %swap3A_1085 : i32 to index
        %swap3A_1087 = arith.index_cast %add3A_1084 : i32 to index
        %swap3A_1088 = arith.constant 32 : index
        %swap3A_1089 = tpu.vector_load %arg7[%swap3A_1086, %swap3A_1087, %swap3A_1088] {strides = array<i32>} : memref<4x128x64xf32, #tpu.memory_space<vmem>>, vector<1x1x16xf32>,
        %swap3A_1090 = vector.shape_cast %swap3A_1089 : vector<1x1x16xf32> to vector<16xf32>
        %swap3A_1091 = vector.shape_cast %mul3A_1080 : vector<16xf32> to vector<1x1x16xf32>
        tpu.vector_store %arg7[%swap3A_1086, %swap3A_1087, %swap3A_1088], %swap3A_1091 {strides = array<i32>} : memref<4x128x64xf32, #tpu.memory_space<vmem>>, vector<1x1x16xf32>,
        %mul3A_1092 = arith.constant 4 : i32
        %mul3A_1093 = arith.muli %scan3A_731, %mul3A_1092 : i32
        %add3A_1094 = arith.constant 3 : i32
        %add3A_1095 = arith.addi %mul3A_1093, %add3A_1094 : i32
        %get3A_1096 = arith.constant 2 : i32
        %get3A_1097 = arith.index_cast %get3A_1096 : i32 to index
        %get3A_1098 = arith.index_cast %add3A_1095 : i32 to index
        %get3A_1099 = arith.constant 48 : index
        %get3A_1100 = tpu.vector_load %arg6[%get3A_1097, %get3A_1098, %get3A_1099] {strides = array<i32>} : memref<4x128x64xf32, #tpu.memory_space<vmem>>, vector<1x1x16xf32>,
        %get3A_1101 = vector.shape_cast %get3A_1100 : vector<1x1x16xf32> to vector<16xf32>
        %mul3A_1102 = arith.constant 1.200000e+01 : f32
        %mul3A_1103 = vector.broadcast %mul3A_1102 : f32 to vector<16xf32>
        %mul3A_1104 = arith.mulf %get3A_1101, %mul3A_1103 : vector<16xf32>
        %mul3A_1105 = arith.constant 4 : i32
        %mul3A_1106 = arith.muli %scan3A_731, %mul3A_1105 : i32
        %add3A_1107 = arith.constant 3 : i32
        %add3A_1108 = arith.addi %mul3A_1106, %add3A_1107 : i32
        %swap3A_1109 = arith.constant 2 : i32
        %swap3A_1110 = arith.index_cast %swap3A_1109 : i32 to index
        %swap3A_1111 = arith.index_cast %add3A_1108 : i32 to index
        %swap3A_1112 = arith.constant 48 : index
        %swap3A_1113 = tpu.vector_load %arg7[%swap3A_1110, %swap3A_1111, %swap3A_1112] {strides = array<i32>} : memref<4x128x64xf32, #tpu.memory_space<vmem>>, vector<1x1x16xf32>,
        %swap3A_1114 = vector.shape_cast %swap3A_1113 : vector<1x1x16xf32> to vector<16xf32>
        %swap3A_1115 = vector.shape_cast %mul3A_1104 : vector<16xf32> to vector<1x1x16xf32>
        tpu.vector_store %arg7[%swap3A_1110, %swap3A_1111, %swap3A_1112], %swap3A_1115 {strides = array<i32>} : memref<4x128x64xf32, #tpu.memory_space<vmem>>, vector<1x1x16xf32>,
      }
      %scan3A_265 = arith.constant 32 : i32
      %add3A_266 = arith.constant 4 : i32
      %add3A_267 = arith.addi %add3A_240, %add3A_266 : i32
      %lt3A_268 = arith.constant 200 : i32
      %lt3A_269 = arith.cmpi slt, %add3A_267, %lt3A_268 : i32
      %convert_element_type3A_270 = arith.extui %lt3A_269 : i1 to i32
      %cond3A_271 = arith.constant 0 : i32
      %cond3A_272 = arith.cmpi ne, %convert_element_type3A_270, %cond3A_271 : i32
      scf.if %cond3A_272 {
        %add3A_347 = arith.constant 4 : i32
        %add3A_348 = arith.addi %add3A_240, %add3A_347 : i32
        %mul3A_349 = arith.constant 128 : i32
        %mul3A_350 = arith.muli %add3A_348, %mul3A_349 : i32
        %dma_start3A_351 = arith.constant 2 : i32
        %dma_start3A_352 = arith.constant 2 : i32
        %dma_start3A_353 = arith.constant 0 : i32
        %dma_start3A_354 = arith.constant 0 : i32
        %dma_start3A_355 = tpu.memref_slice %arg6[%dma_start3A_351, %dma_start3A_353, %dma_start3A_354] : memref<4x128x64xf32, #tpu.memory_space<vmem>> -> memref<1x128x64xf32, #tpu.memory_space<vmem>>
        %dma_start3A_356 = tpu.memref_squeeze %dma_start3A_355 : memref<1x128x64xf32, #tpu.memory_space<vmem>> -> memref<128x64xf32, #tpu.memory_space<vmem>>
        %dma_start3A_357 = tpu.memref_slice %arg5[%mul3A_350] : memref<25600xi32, #tpu.memory_space<vmem>> -> memref<128xi32, #tpu.memory_space<vmem>>
        %dma_start3A_358 = arith.constant 0 : i32
        %dma_start3A_359 = arith.constant 0 : i32
        %dma_start3A_360 = tpu.memref_slice %arg3[%dma_start3A_358, %dma_start3A_359] : memref<1000000x64xf32, #tpu.memory_space<hbm>> -> memref<1000000x64xf32, #tpu.memory_space<hbm>>
        %dma_start3A_361 = tpu.memref_slice %arg8[%dma_start3A_352] : memref<4x!tpu.dma_semaphore, #tpu.memory_space<semaphore_mem>> -> memref<1x!tpu.dma_semaphore, #tpu.memory_space<semaphore_mem>>
        %dma_start3A_362 = tpu.memref_squeeze %dma_start3A_361 : memref<1x!tpu.dma_semaphore, #tpu.memory_space<semaphore_mem>> -> memref<!tpu.dma_semaphore, #tpu.memory_space<semaphore_mem>>
        tpu.enqueue_indirect_dma source(%dma_start3A_360 : memref<1000000x64xf32, #tpu.memory_space<hbm>>) target(%dma_start3A_356 : memref<128x64xf32, #tpu.memory_space<vmem>>) offsets(%dma_start3A_357 : memref<128xi32, #tpu.memory_space<vmem>>) semaphore(%dma_start3A_362 : memref<!tpu.dma_semaphore, #tpu.memory_space<semaphore_mem>>)
      } else {
      }
      %mul3A_273 = arith.constant 128 : i32
      %mul3A_274 = arith.muli %add3A_240, %mul3A_273 : i32
      %add3A_275 = arith.addi %mul3A_2, %mul3A_274 : i32
      %dma_start3A_276 = arith.constant 2 : i32
      %dma_start3A_277 = arith.constant 2 : i32
      %dma_start3A_278 = arith.constant 0 : i32
      %dma_start3A_279 = arith.constant 0 : i32
      %dma_start3A_280 = tpu.memref_slice %arg7[%dma_start3A_276, %dma_start3A_278, %dma_start3A_279] : memref<4x128x64xf32, #tpu.memory_space<vmem>> -> memref<1x128x64xf32, #tpu.memory_space<vmem>>
      %dma_start3A_281 = tpu.memref_squeeze %dma_start3A_280 : memref<1x128x64xf32, #tpu.memory_space<vmem>> -> memref<128x64xf32, #tpu.memory_space<vmem>>
      %dma_start3A_282 = arith.constant 0 : i32
      %dma_start3A_283 = tpu.memref_slice %arg4[%add3A_275, %dma_start3A_282] : memref<819200x64xf32, #tpu.memory_space<hbm>> -> memref<128x64xf32, #tpu.memory_space<hbm>>
      %dma_start3A_284 = tpu.memref_slice %arg9[%dma_start3A_277] : memref<4x!tpu.dma_semaphore, #tpu.memory_space<semaphore_mem>> -> memref<1x!tpu.dma_semaphore, #tpu.memory_space<semaphore_mem>>
      %dma_start3A_285 = tpu.memref_squeeze %dma_start3A_284 : memref<1x!tpu.dma_semaphore, #tpu.memory_space<semaphore_mem>> -> memref<!tpu.dma_semaphore, #tpu.memory_space<semaphore_mem>>
      %dma_start3A_286 = arith.constant 0 : i32
      %dma_start3A_287 = tpu.memref_slice %arg4[%add3A_275, %dma_start3A_286] : memref<819200x64xf32, #tpu.memory_space<hbm>> -> memref<128x64xf32, #tpu.memory_space<hbm>>
      %dma_start3A_288 = arith.constant 0 : i32
      %dma_start3A_289 = arith.constant 0 : i32
      %dma_start3A_290 = tpu.memref_slice %arg7[%dma_start3A_276, %dma_start3A_288, %dma_start3A_289] : memref<4x128x64xf32, #tpu.memory_space<vmem>> -> memref<1x128x64xf32, #tpu.memory_space<vmem>>
      %dma_start3A_291 = tpu.memref_squeeze %dma_start3A_290 : memref<1x128x64xf32, #tpu.memory_space<vmem>> -> memref<128x64xf32, #tpu.memory_space<vmem>>
      tpu.enqueue_dma source(%dma_start3A_291 : memref<128x64xf32, #tpu.memory_space<vmem>>) target(%dma_start3A_287 : memref<128x64xf32, #tpu.memory_space<hbm>>) target_semaphore(%dma_start3A_285 : memref<!tpu.dma_semaphore, #tpu.memory_space<semaphore_mem>>)
      %mul3A_292 = arith.constant 4 : i32
      %mul3A_293 = arith.muli %scan3A_130, %mul3A_292 : i32
      %add3A_294 = arith.constant 3 : i32
      %add3A_295 = arith.addi %mul3A_293, %add3A_294 : i32
      %mul3A_296 = arith.constant 128 : i32
      %mul3A_297 = arith.muli %add3A_295, %mul3A_296 : i32
      %dma_wait3A_298 = arith.constant 3 : i32
      %dma_wait3A_299 = arith.constant 3 : i32
      %dma_wait3A_300 = arith.constant 0 : i32
      %dma_wait3A_301 = arith.constant 0 : i32
      %dma_wait3A_302 = tpu.memref_slice %arg6[%dma_wait3A_298, %dma_wait3A_300, %dma_wait3A_301] : memref<4x128x64xf32, #tpu.memory_space<vmem>> -> memref<1x128x64xf32, #tpu.memory_space<vmem>>
      %dma_wait3A_303 = tpu.memref_squeeze %dma_wait3A_302 : memref<1x128x64xf32, #tpu.memory_space<vmem>> -> memref<128x64xf32, #tpu.memory_space<vmem>>
      %dma_wait3A_304 = tpu.memref_slice %arg5[%mul3A_297] : memref<25600xi32, #tpu.memory_space<vmem>> -> memref<128xi32, #tpu.memory_space<vmem>>
      %dma_wait3A_305 = arith.constant 0 : i32
      %dma_wait3A_306 = arith.constant 0 : i32
      %dma_wait3A_307 = tpu.memref_slice %arg3[%dma_wait3A_305, %dma_wait3A_306] : memref<1000000x64xf32, #tpu.memory_space<hbm>> -> memref<1000000x64xf32, #tpu.memory_space<hbm>>
      %dma_wait3A_308 = tpu.memref_slice %arg8[%dma_wait3A_299] : memref<4x!tpu.dma_semaphore, #tpu.memory_space<semaphore_mem>> -> memref<1x!tpu.dma_semaphore, #tpu.memory_space<semaphore_mem>>
      %dma_wait3A_309 = tpu.memref_squeeze %dma_wait3A_308 : memref<1x!tpu.dma_semaphore, #tpu.memory_space<semaphore_mem>> -> memref<!tpu.dma_semaphore, #tpu.memory_space<semaphore_mem>>
      tpu.wait_indirect_dma semaphore(%dma_wait3A_309 : memref<!tpu.dma_semaphore, #tpu.memory_space<semaphore_mem>>) src(%dma_wait3A_307 : memref<1000000x64xf32, #tpu.memory_space<hbm>>) dst(%dma_wait3A_303 : memref<128x64xf32, #tpu.memory_space<vmem>>)
      %ge3A_310 = arith.constant 4 : i32
      %ge3A_311 = arith.cmpi sge, %add3A_295, %ge3A_310 : i32
      %convert_element_type3A_312 = arith.extui %ge3A_311 : i1 to i32
      %cond3A_313 = arith.constant 0 : i32
      %cond3A_314 = arith.cmpi ne, %convert_element_type3A_312, %cond3A_313 : i32
      scf.if %cond3A_314 {
        %sub3A = arith.constant 4 : i32
        %sub3A_347 = arith.subi %add3A_295, %sub3A : i32
        %mul3A_348 = arith.constant 128 : i32
        %mul3A_349 = arith.muli %sub3A_347, %mul3A_348 : i32
        %add3A_350 = arith.addi %mul3A_2, %mul3A_349 : i32
        %dma_wait3A_351 = arith.constant 3 : i32
        %dma_wait3A_352 = arith.constant 3 : i32
        %dma_wait3A_353 = arith.constant 0 : i32
        %dma_wait3A_354 = arith.constant 0 : i32
        %dma_wait3A_355 = tpu.memref_slice %arg7[%dma_wait3A_351, %dma_wait3A_353, %dma_wait3A_354] : memref<4x128x64xf32, #tpu.memory_space<vmem>> -> memref<1x128x64xf32, #tpu.memory_space<vmem>>
        %dma_wait3A_356 = tpu.memref_squeeze %dma_wait3A_355 : memref<1x128x64xf32, #tpu.memory_space<vmem>> -> memref<128x64xf32, #tpu.memory_space<vmem>>
        %dma_wait3A_357 = arith.constant 0 : i32
        %dma_wait3A_358 = tpu.memref_slice %arg4[%add3A_350, %dma_wait3A_357] : memref<819200x64xf32, #tpu.memory_space<hbm>> -> memref<128x64xf32, #tpu.memory_space<hbm>>
        %dma_wait3A_359 = tpu.memref_slice %arg9[%dma_wait3A_352] : memref<4x!tpu.dma_semaphore, #tpu.memory_space<semaphore_mem>> -> memref<1x!tpu.dma_semaphore, #tpu.memory_space<semaphore_mem>>
        %dma_wait3A_360 = tpu.memref_squeeze %dma_wait3A_359 : memref<1x!tpu.dma_semaphore, #tpu.memory_space<semaphore_mem>> -> memref<!tpu.dma_semaphore, #tpu.memory_space<semaphore_mem>>
        %dma_wait3A_361 = arith.constant 0 : i32
        %dma_wait3A_362 = tpu.memref_slice %arg4[%add3A_350, %dma_wait3A_361] : memref<819200x64xf32, #tpu.memory_space<hbm>> -> memref<128x64xf32, #tpu.memory_space<hbm>>
        %dma_wait3A_363 = arith.constant 0 : i32
        %dma_wait3A_364 = arith.constant 0 : i32
        %dma_wait3A_365 = tpu.memref_slice %arg7[%dma_wait3A_351, %dma_wait3A_363, %dma_wait3A_364] : memref<4x128x64xf32, #tpu.memory_space<vmem>> -> memref<1x128x64xf32, #tpu.memory_space<vmem>>
        %dma_wait3A_366 = tpu.memref_squeeze %dma_wait3A_365 : memref<1x128x64xf32, #tpu.memory_space<vmem>> -> memref<128x64xf32, #tpu.memory_space<vmem>>
        tpu.wait_dma2 semaphore(%dma_wait3A_360 : memref<!tpu.dma_semaphore, #tpu.memory_space<semaphore_mem>>) src(%dma_wait3A_366 : memref<128x64xf32, #tpu.memory_space<vmem>>) dst(%dma_wait3A_362 : memref<128x64xf32, #tpu.memory_space<hbm>>)
      } else {
      }
      %scan3A_315 = arith.constant 0 : i32
      %scan3A_316 = arith.constant 0 : i32
      %scan3A_317 = arith.constant 32 : i32
      %scan3A_318 = arith.addi %scan3A_316, %scan3A_317 : i32
      %scan3A_319 = arith.constant 2 : i32
      scf.for %scan3A_347 = %scan3A_316 to %scan3A_318 step %scan3A_319  : i32 {
        %mul3A_348 = arith.constant 4 : i32
        %mul3A_349 = arith.muli %scan3A_347, %mul3A_348 : i32
        %add3A_350 = arith.constant 0 : i32
        %add3A_351 = arith.addi %mul3A_349, %add3A_350 : i32
        %get3A = arith.constant 3 : i32
        %get3A_352 = arith.index_cast %get3A : i32 to index
        %get3A_353 = arith.index_cast %add3A_351 : i32 to index
        %get3A_354 = arith.constant 0 : index
        %get3A_355 = tpu.vector_load %arg6[%get3A_352, %get3A_353, %get3A_354] {strides = array<i32>} : memref<4x128x64xf32, #tpu.memory_space<vmem>>, vector<1x1x16xf32>,
        %get3A_356 = vector.shape_cast %get3A_355 : vector<1x1x16xf32> to vector<16xf32>
        %mul3A_357 = arith.constant 1.200000e+01 : f32
        %mul3A_358 = vector.broadcast %mul3A_357 : f32 to vector<16xf32>
        %mul3A_359 = arith.mulf %get3A_356, %mul3A_358 : vector<16xf32>
        %mul3A_360 = arith.constant 4 : i32
        %mul3A_361 = arith.muli %scan3A_347, %mul3A_360 : i32
        %add3A_362 = arith.constant 0 : i32
        %add3A_363 = arith.addi %mul3A_361, %add3A_362 : i32
        %swap3A = arith.constant 3 : i32
        %swap3A_364 = arith.index_cast %swap3A : i32 to index
        %swap3A_365 = arith.index_cast %add3A_363 : i32 to index
        %swap3A_366 = arith.constant 0 : index
        %swap3A_367 = tpu.vector_load %arg7[%swap3A_364, %swap3A_365, %swap3A_366] {strides = array<i32>} : memref<4x128x64xf32, #tpu.memory_space<vmem>>, vector<1x1x16xf32>,
        %swap3A_368 = vector.shape_cast %swap3A_367 : vector<1x1x16xf32> to vector<16xf32>
        %swap3A_369 = vector.shape_cast %mul3A_359 : vector<16xf32> to vector<1x1x16xf32>
        tpu.vector_store %arg7[%swap3A_364, %swap3A_365, %swap3A_366], %swap3A_369 {strides = array<i32>} : memref<4x128x64xf32, #tpu.memory_space<vmem>>, vector<1x1x16xf32>,
        %mul3A_370 = arith.constant 4 : i32
        %mul3A_371 = arith.muli %scan3A_347, %mul3A_370 : i32
        %add3A_372 = arith.constant 0 : i32
        %add3A_373 = arith.addi %mul3A_371, %add3A_372 : i32
        %get3A_374 = arith.constant 3 : i32
        %get3A_375 = arith.index_cast %get3A_374 : i32 to index
        %get3A_376 = arith.index_cast %add3A_373 : i32 to index
        %get3A_377 = arith.constant 16 : index
        %get3A_378 = tpu.vector_load %arg6[%get3A_375, %get3A_376, %get3A_377] {strides = array<i32>} : memref<4x128x64xf32, #tpu.memory_space<vmem>>, vector<1x1x16xf32>,
        %get3A_379 = vector.shape_cast %get3A_378 : vector<1x1x16xf32> to vector<16xf32>
        %mul3A_380 = arith.constant 1.200000e+01 : f32
        %mul3A_381 = vector.broadcast %mul3A_380 : f32 to vector<16xf32>
        %mul3A_382 = arith.mulf %get3A_379, %mul3A_381 : vector<16xf32>
        %mul3A_383 = arith.constant 4 : i32
        %mul3A_384 = arith.muli %scan3A_347, %mul3A_383 : i32
        %add3A_385 = arith.constant 0 : i32
        %add3A_386 = arith.addi %mul3A_384, %add3A_385 : i32
        %swap3A_387 = arith.constant 3 : i32
        %swap3A_388 = arith.index_cast %swap3A_387 : i32 to index
        %swap3A_389 = arith.index_cast %add3A_386 : i32 to index
        %swap3A_390 = arith.constant 16 : index
        %swap3A_391 = tpu.vector_load %arg7[%swap3A_388, %swap3A_389, %swap3A_390] {strides = array<i32>} : memref<4x128x64xf32, #tpu.memory_space<vmem>>, vector<1x1x16xf32>,
        %swap3A_392 = vector.shape_cast %swap3A_391 : vector<1x1x16xf32> to vector<16xf32>
        %swap3A_393 = vector.shape_cast %mul3A_382 : vector<16xf32> to vector<1x1x16xf32>
        tpu.vector_store %arg7[%swap3A_388, %swap3A_389, %swap3A_390], %swap3A_393 {strides = array<i32>} : memref<4x128x64xf32, #tpu.memory_space<vmem>>, vector<1x1x16xf32>,
        %mul3A_394 = arith.constant 4 : i32
        %mul3A_395 = arith.muli %scan3A_347, %mul3A_394 : i32
        %add3A_396 = arith.constant 0 : i32
        %add3A_397 = arith.addi %mul3A_395, %add3A_396 : i32
        %get3A_398 = arith.constant 3 : i32
        %get3A_399 = arith.index_cast %get3A_398 : i32 to index
        %get3A_400 = arith.index_cast %add3A_397 : i32 to index
        %get3A_401 = arith.constant 32 : index
        %get3A_402 = tpu.vector_load %arg6[%get3A_399, %get3A_400, %get3A_401] {strides = array<i32>} : memref<4x128x64xf32, #tpu.memory_space<vmem>>, vector<1x1x16xf32>,
        %get3A_403 = vector.shape_cast %get3A_402 : vector<1x1x16xf32> to vector<16xf32>
        %mul3A_404 = arith.constant 1.200000e+01 : f32
        %mul3A_405 = vector.broadcast %mul3A_404 : f32 to vector<16xf32>
        %mul3A_406 = arith.mulf %get3A_403, %mul3A_405 : vector<16xf32>
        %mul3A_407 = arith.constant 4 : i32
        %mul3A_408 = arith.muli %scan3A_347, %mul3A_407 : i32
        %add3A_409 = arith.constant 0 : i32
        %add3A_410 = arith.addi %mul3A_408, %add3A_409 : i32
        %swap3A_411 = arith.constant 3 : i32
        %swap3A_412 = arith.index_cast %swap3A_411 : i32 to index
        %swap3A_413 = arith.index_cast %add3A_410 : i32 to index
        %swap3A_414 = arith.constant 32 : index
        %swap3A_415 = tpu.vector_load %arg7[%swap3A_412, %swap3A_413, %swap3A_414] {strides = array<i32>} : memref<4x128x64xf32, #tpu.memory_space<vmem>>, vector<1x1x16xf32>,
        %swap3A_416 = vector.shape_cast %swap3A_415 : vector<1x1x16xf32> to vector<16xf32>
        %swap3A_417 = vector.shape_cast %mul3A_406 : vector<16xf32> to vector<1x1x16xf32>
        tpu.vector_store %arg7[%swap3A_412, %swap3A_413, %swap3A_414], %swap3A_417 {strides = array<i32>} : memref<4x128x64xf32, #tpu.memory_space<vmem>>, vector<1x1x16xf32>,
        %mul3A_418 = arith.constant 4 : i32
        %mul3A_419 = arith.muli %scan3A_347, %mul3A_418 : i32
        %add3A_420 = arith.constant 0 : i32
        %add3A_421 = arith.addi %mul3A_419, %add3A_420 : i32
        %get3A_422 = arith.constant 3 : i32
        %get3A_423 = arith.index_cast %get3A_422 : i32 to index
        %get3A_424 = arith.index_cast %add3A_421 : i32 to index
        %get3A_425 = arith.constant 48 : index
        %get3A_426 = tpu.vector_load %arg6[%get3A_423, %get3A_424, %get3A_425] {strides = array<i32>} : memref<4x128x64xf32, #tpu.memory_space<vmem>>, vector<1x1x16xf32>,
        %get3A_427 = vector.shape_cast %get3A_426 : vector<1x1x16xf32> to vector<16xf32>
        %mul3A_428 = arith.constant 1.200000e+01 : f32
        %mul3A_429 = vector.broadcast %mul3A_428 : f32 to vector<16xf32>
        %mul3A_430 = arith.mulf %get3A_427, %mul3A_429 : vector<16xf32>
        %mul3A_431 = arith.constant 4 : i32
        %mul3A_432 = arith.muli %scan3A_347, %mul3A_431 : i32
        %add3A_433 = arith.constant 0 : i32
        %add3A_434 = arith.addi %mul3A_432, %add3A_433 : i32
        %swap3A_435 = arith.constant 3 : i32
        %swap3A_436 = arith.index_cast %swap3A_435 : i32 to index
        %swap3A_437 = arith.index_cast %add3A_434 : i32 to index
        %swap3A_438 = arith.constant 48 : index
        %swap3A_439 = tpu.vector_load %arg7[%swap3A_436, %swap3A_437, %swap3A_438] {strides = array<i32>} : memref<4x128x64xf32, #tpu.memory_space<vmem>>, vector<1x1x16xf32>,
        %swap3A_440 = vector.shape_cast %swap3A_439 : vector<1x1x16xf32> to vector<16xf32>
        %swap3A_441 = vector.shape_cast %mul3A_430 : vector<16xf32> to vector<1x1x16xf32>
        tpu.vector_store %arg7[%swap3A_436, %swap3A_437, %swap3A_438], %swap3A_441 {strides = array<i32>} : memref<4x128x64xf32, #tpu.memory_space<vmem>>, vector<1x1x16xf32>,
        %mul3A_442 = arith.constant 4 : i32
        %mul3A_443 = arith.muli %scan3A_347, %mul3A_442 : i32
        %add3A_444 = arith.constant 1 : i32
        %add3A_445 = arith.addi %mul3A_443, %add3A_444 : i32
        %get3A_446 = arith.constant 3 : i32
        %get3A_447 = arith.index_cast %get3A_446 : i32 to index
        %get3A_448 = arith.index_cast %add3A_445 : i32 to index
        %get3A_449 = arith.constant 0 : index
        %get3A_450 = tpu.vector_load %arg6[%get3A_447, %get3A_448, %get3A_449] {strides = array<i32>} : memref<4x128x64xf32, #tpu.memory_space<vmem>>, vector<1x1x16xf32>,
        %get3A_451 = vector.shape_cast %get3A_450 : vector<1x1x16xf32> to vector<16xf32>
        %mul3A_452 = arith.constant 1.200000e+01 : f32
        %mul3A_453 = vector.broadcast %mul3A_452 : f32 to vector<16xf32>
        %mul3A_454 = arith.mulf %get3A_451, %mul3A_453 : vector<16xf32>
        %mul3A_455 = arith.constant 4 : i32
        %mul3A_456 = arith.muli %scan3A_347, %mul3A_455 : i32
        %add3A_457 = arith.constant 1 : i32
        %add3A_458 = arith.addi %mul3A_456, %add3A_457 : i32
        %swap3A_459 = arith.constant 3 : i32
        %swap3A_460 = arith.index_cast %swap3A_459 : i32 to index
        %swap3A_461 = arith.index_cast %add3A_458 : i32 to index
        %swap3A_462 = arith.constant 0 : index
        %swap3A_463 = tpu.vector_load %arg7[%swap3A_460, %swap3A_461, %swap3A_462] {strides = array<i32>} : memref<4x128x64xf32, #tpu.memory_space<vmem>>, vector<1x1x16xf32>,
        %swap3A_464 = vector.shape_cast %swap3A_463 : vector<1x1x16xf32> to vector<16xf32>
        %swap3A_465 = vector.shape_cast %mul3A_454 : vector<16xf32> to vector<1x1x16xf32>
        tpu.vector_store %arg7[%swap3A_460, %swap3A_461, %swap3A_462], %swap3A_465 {strides = array<i32>} : memref<4x128x64xf32, #tpu.memory_space<vmem>>, vector<1x1x16xf32>,
        %mul3A_466 = arith.constant 4 : i32
        %mul3A_467 = arith.muli %scan3A_347, %mul3A_466 : i32
        %add3A_468 = arith.constant 1 : i32
        %add3A_469 = arith.addi %mul3A_467, %add3A_468 : i32
        %get3A_470 = arith.constant 3 : i32
        %get3A_471 = arith.index_cast %get3A_470 : i32 to index
        %get3A_472 = arith.index_cast %add3A_469 : i32 to index
        %get3A_473 = arith.constant 16 : index
        %get3A_474 = tpu.vector_load %arg6[%get3A_471, %get3A_472, %get3A_473] {strides = array<i32>} : memref<4x128x64xf32, #tpu.memory_space<vmem>>, vector<1x1x16xf32>,
        %get3A_475 = vector.shape_cast %get3A_474 : vector<1x1x16xf32> to vector<16xf32>
        %mul3A_476 = arith.constant 1.200000e+01 : f32
        %mul3A_477 = vector.broadcast %mul3A_476 : f32 to vector<16xf32>
        %mul3A_478 = arith.mulf %get3A_475, %mul3A_477 : vector<16xf32>
        %mul3A_479 = arith.constant 4 : i32
        %mul3A_480 = arith.muli %scan3A_347, %mul3A_479 : i32
        %add3A_481 = arith.constant 1 : i32
        %add3A_482 = arith.addi %mul3A_480, %add3A_481 : i32
        %swap3A_483 = arith.constant 3 : i32
        %swap3A_484 = arith.index_cast %swap3A_483 : i32 to index
        %swap3A_485 = arith.index_cast %add3A_482 : i32 to index
        %swap3A_486 = arith.constant 16 : index
        %swap3A_487 = tpu.vector_load %arg7[%swap3A_484, %swap3A_485, %swap3A_486] {strides = array<i32>} : memref<4x128x64xf32, #tpu.memory_space<vmem>>, vector<1x1x16xf32>,
        %swap3A_488 = vector.shape_cast %swap3A_487 : vector<1x1x16xf32> to vector<16xf32>
        %swap3A_489 = vector.shape_cast %mul3A_478 : vector<16xf32> to vector<1x1x16xf32>
        tpu.vector_store %arg7[%swap3A_484, %swap3A_485, %swap3A_486], %swap3A_489 {strides = array<i32>} : memref<4x128x64xf32, #tpu.memory_space<vmem>>, vector<1x1x16xf32>,
        %mul3A_490 = arith.constant 4 : i32
        %mul3A_491 = arith.muli %scan3A_347, %mul3A_490 : i32
        %add3A_492 = arith.constant 1 : i32
        %add3A_493 = arith.addi %mul3A_491, %add3A_492 : i32
        %get3A_494 = arith.constant 3 : i32
        %get3A_495 = arith.index_cast %get3A_494 : i32 to index
        %get3A_496 = arith.index_cast %add3A_493 : i32 to index
        %get3A_497 = arith.constant 32 : index
        %get3A_498 = tpu.vector_load %arg6[%get3A_495, %get3A_496, %get3A_497] {strides = array<i32>} : memref<4x128x64xf32, #tpu.memory_space<vmem>>, vector<1x1x16xf32>,
        %get3A_499 = vector.shape_cast %get3A_498 : vector<1x1x16xf32> to vector<16xf32>
        %mul3A_500 = arith.constant 1.200000e+01 : f32
        %mul3A_501 = vector.broadcast %mul3A_500 : f32 to vector<16xf32>
        %mul3A_502 = arith.mulf %get3A_499, %mul3A_501 : vector<16xf32>
        %mul3A_503 = arith.constant 4 : i32
        %mul3A_504 = arith.muli %scan3A_347, %mul3A_503 : i32
        %add3A_505 = arith.constant 1 : i32
        %add3A_506 = arith.addi %mul3A_504, %add3A_505 : i32
        %swap3A_507 = arith.constant 3 : i32
        %swap3A_508 = arith.index_cast %swap3A_507 : i32 to index
        %swap3A_509 = arith.index_cast %add3A_506 : i32 to index
        %swap3A_510 = arith.constant 32 : index
        %swap3A_511 = tpu.vector_load %arg7[%swap3A_508, %swap3A_509, %swap3A_510] {strides = array<i32>} : memref<4x128x64xf32, #tpu.memory_space<vmem>>, vector<1x1x16xf32>,
        %swap3A_512 = vector.shape_cast %swap3A_511 : vector<1x1x16xf32> to vector<16xf32>
        %swap3A_513 = vector.shape_cast %mul3A_502 : vector<16xf32> to vector<1x1x16xf32>
        tpu.vector_store %arg7[%swap3A_508, %swap3A_509, %swap3A_510], %swap3A_513 {strides = array<i32>} : memref<4x128x64xf32, #tpu.memory_space<vmem>>, vector<1x1x16xf32>,
        %mul3A_514 = arith.constant 4 : i32
        %mul3A_515 = arith.muli %scan3A_347, %mul3A_514 : i32
        %add3A_516 = arith.constant 1 : i32
        %add3A_517 = arith.addi %mul3A_515, %add3A_516 : i32
        %get3A_518 = arith.constant 3 : i32
        %get3A_519 = arith.index_cast %get3A_518 : i32 to index
        %get3A_520 = arith.index_cast %add3A_517 : i32 to index
        %get3A_521 = arith.constant 48 : index
        %get3A_522 = tpu.vector_load %arg6[%get3A_519, %get3A_520, %get3A_521] {strides = array<i32>} : memref<4x128x64xf32, #tpu.memory_space<vmem>>, vector<1x1x16xf32>,
        %get3A_523 = vector.shape_cast %get3A_522 : vector<1x1x16xf32> to vector<16xf32>
        %mul3A_524 = arith.constant 1.200000e+01 : f32
        %mul3A_525 = vector.broadcast %mul3A_524 : f32 to vector<16xf32>
        %mul3A_526 = arith.mulf %get3A_523, %mul3A_525 : vector<16xf32>
        %mul3A_527 = arith.constant 4 : i32
        %mul3A_528 = arith.muli %scan3A_347, %mul3A_527 : i32
        %add3A_529 = arith.constant 1 : i32
        %add3A_530 = arith.addi %mul3A_528, %add3A_529 : i32
        %swap3A_531 = arith.constant 3 : i32
        %swap3A_532 = arith.index_cast %swap3A_531 : i32 to index
        %swap3A_533 = arith.index_cast %add3A_530 : i32 to index
        %swap3A_534 = arith.constant 48 : index
        %swap3A_535 = tpu.vector_load %arg7[%swap3A_532, %swap3A_533, %swap3A_534] {strides = array<i32>} : memref<4x128x64xf32, #tpu.memory_space<vmem>>, vector<1x1x16xf32>,
        %swap3A_536 = vector.shape_cast %swap3A_535 : vector<1x1x16xf32> to vector<16xf32>
        %swap3A_537 = vector.shape_cast %mul3A_526 : vector<16xf32> to vector<1x1x16xf32>
        tpu.vector_store %arg7[%swap3A_532, %swap3A_533, %swap3A_534], %swap3A_537 {strides = array<i32>} : memref<4x128x64xf32, #tpu.memory_space<vmem>>, vector<1x1x16xf32>,
        %mul3A_538 = arith.constant 4 : i32
        %mul3A_539 = arith.muli %scan3A_347, %mul3A_538 : i32
        %add3A_540 = arith.constant 2 : i32
        %add3A_541 = arith.addi %mul3A_539, %add3A_540 : i32
        %get3A_542 = arith.constant 3 : i32
        %get3A_543 = arith.index_cast %get3A_542 : i32 to index
        %get3A_544 = arith.index_cast %add3A_541 : i32 to index
        %get3A_545 = arith.constant 0 : index
        %get3A_546 = tpu.vector_load %arg6[%get3A_543, %get3A_544, %get3A_545] {strides = array<i32>} : memref<4x128x64xf32, #tpu.memory_space<vmem>>, vector<1x1x16xf32>,
        %get3A_547 = vector.shape_cast %get3A_546 : vector<1x1x16xf32> to vector<16xf32>
        %mul3A_548 = arith.constant 1.200000e+01 : f32
        %mul3A_549 = vector.broadcast %mul3A_548 : f32 to vector<16xf32>
        %mul3A_550 = arith.mulf %get3A_547, %mul3A_549 : vector<16xf32>
        %mul3A_551 = arith.constant 4 : i32
        %mul3A_552 = arith.muli %scan3A_347, %mul3A_551 : i32
        %add3A_553 = arith.constant 2 : i32
        %add3A_554 = arith.addi %mul3A_552, %add3A_553 : i32
        %swap3A_555 = arith.constant 3 : i32
        %swap3A_556 = arith.index_cast %swap3A_555 : i32 to index
        %swap3A_557 = arith.index_cast %add3A_554 : i32 to index
        %swap3A_558 = arith.constant 0 : index
        %swap3A_559 = tpu.vector_load %arg7[%swap3A_556, %swap3A_557, %swap3A_558] {strides = array<i32>} : memref<4x128x64xf32, #tpu.memory_space<vmem>>, vector<1x1x16xf32>,
        %swap3A_560 = vector.shape_cast %swap3A_559 : vector<1x1x16xf32> to vector<16xf32>
        %swap3A_561 = vector.shape_cast %mul3A_550 : vector<16xf32> to vector<1x1x16xf32>
        tpu.vector_store %arg7[%swap3A_556, %swap3A_557, %swap3A_558], %swap3A_561 {strides = array<i32>} : memref<4x128x64xf32, #tpu.memory_space<vmem>>, vector<1x1x16xf32>,
        %mul3A_562 = arith.constant 4 : i32
        %mul3A_563 = arith.muli %scan3A_347, %mul3A_562 : i32
        %add3A_564 = arith.constant 2 : i32
        %add3A_565 = arith.addi %mul3A_563, %add3A_564 : i32
        %get3A_566 = arith.constant 3 : i32
        %get3A_567 = arith.index_cast %get3A_566 : i32 to index
        %get3A_568 = arith.index_cast %add3A_565 : i32 to index
        %get3A_569 = arith.constant 16 : index
        %get3A_570 = tpu.vector_load %arg6[%get3A_567, %get3A_568, %get3A_569] {strides = array<i32>} : memref<4x128x64xf32, #tpu.memory_space<vmem>>, vector<1x1x16xf32>,
        %get3A_571 = vector.shape_cast %get3A_570 : vector<1x1x16xf32> to vector<16xf32>
        %mul3A_572 = arith.constant 1.200000e+01 : f32
        %mul3A_573 = vector.broadcast %mul3A_572 : f32 to vector<16xf32>
        %mul3A_574 = arith.mulf %get3A_571, %mul3A_573 : vector<16xf32>
        %mul3A_575 = arith.constant 4 : i32
        %mul3A_576 = arith.muli %scan3A_347, %mul3A_575 : i32
        %add3A_577 = arith.constant 2 : i32
        %add3A_578 = arith.addi %mul3A_576, %add3A_577 : i32
        %swap3A_579 = arith.constant 3 : i32
        %swap3A_580 = arith.index_cast %swap3A_579 : i32 to index
        %swap3A_581 = arith.index_cast %add3A_578 : i32 to index
        %swap3A_582 = arith.constant 16 : index
        %swap3A_583 = tpu.vector_load %arg7[%swap3A_580, %swap3A_581, %swap3A_582] {strides = array<i32>} : memref<4x128x64xf32, #tpu.memory_space<vmem>>, vector<1x1x16xf32>,
        %swap3A_584 = vector.shape_cast %swap3A_583 : vector<1x1x16xf32> to vector<16xf32>
        %swap3A_585 = vector.shape_cast %mul3A_574 : vector<16xf32> to vector<1x1x16xf32>
        tpu.vector_store %arg7[%swap3A_580, %swap3A_581, %swap3A_582], %swap3A_585 {strides = array<i32>} : memref<4x128x64xf32, #tpu.memory_space<vmem>>, vector<1x1x16xf32>,
        %mul3A_586 = arith.constant 4 : i32
        %mul3A_587 = arith.muli %scan3A_347, %mul3A_586 : i32
        %add3A_588 = arith.constant 2 : i32
        %add3A_589 = arith.addi %mul3A_587, %add3A_588 : i32
        %get3A_590 = arith.constant 3 : i32
        %get3A_591 = arith.index_cast %get3A_590 : i32 to index
        %get3A_592 = arith.index_cast %add3A_589 : i32 to index
        %get3A_593 = arith.constant 32 : index
        %get3A_594 = tpu.vector_load %arg6[%get3A_591, %get3A_592, %get3A_593] {strides = array<i32>} : memref<4x128x64xf32, #tpu.memory_space<vmem>>, vector<1x1x16xf32>,
        %get3A_595 = vector.shape_cast %get3A_594 : vector<1x1x16xf32> to vector<16xf32>
        %mul3A_596 = arith.constant 1.200000e+01 : f32
        %mul3A_597 = vector.broadcast %mul3A_596 : f32 to vector<16xf32>
        %mul3A_598 = arith.mulf %get3A_595, %mul3A_597 : vector<16xf32>
        %mul3A_599 = arith.constant 4 : i32
        %mul3A_600 = arith.muli %scan3A_347, %mul3A_599 : i32
        %add3A_601 = arith.constant 2 : i32
        %add3A_602 = arith.addi %mul3A_600, %add3A_601 : i32
        %swap3A_603 = arith.constant 3 : i32
        %swap3A_604 = arith.index_cast %swap3A_603 : i32 to index
        %swap3A_605 = arith.index_cast %add3A_602 : i32 to index
        %swap3A_606 = arith.constant 32 : index
        %swap3A_607 = tpu.vector_load %arg7[%swap3A_604, %swap3A_605, %swap3A_606] {strides = array<i32>} : memref<4x128x64xf32, #tpu.memory_space<vmem>>, vector<1x1x16xf32>,
        %swap3A_608 = vector.shape_cast %swap3A_607 : vector<1x1x16xf32> to vector<16xf32>
        %swap3A_609 = vector.shape_cast %mul3A_598 : vector<16xf32> to vector<1x1x16xf32>
        tpu.vector_store %arg7[%swap3A_604, %swap3A_605, %swap3A_606], %swap3A_609 {strides = array<i32>} : memref<4x128x64xf32, #tpu.memory_space<vmem>>, vector<1x1x16xf32>,
        %mul3A_610 = arith.constant 4 : i32
        %mul3A_611 = arith.muli %scan3A_347, %mul3A_610 : i32
        %add3A_612 = arith.constant 2 : i32
        %add3A_613 = arith.addi %mul3A_611, %add3A_612 : i32
        %get3A_614 = arith.constant 3 : i32
        %get3A_615 = arith.index_cast %get3A_614 : i32 to index
        %get3A_616 = arith.index_cast %add3A_613 : i32 to index
        %get3A_617 = arith.constant 48 : index
        %get3A_618 = tpu.vector_load %arg6[%get3A_615, %get3A_616, %get3A_617] {strides = array<i32>} : memref<4x128x64xf32, #tpu.memory_space<vmem>>, vector<1x1x16xf32>,
        %get3A_619 = vector.shape_cast %get3A_618 : vector<1x1x16xf32> to vector<16xf32>
        %mul3A_620 = arith.constant 1.200000e+01 : f32
        %mul3A_621 = vector.broadcast %mul3A_620 : f32 to vector<16xf32>
        %mul3A_622 = arith.mulf %get3A_619, %mul3A_621 : vector<16xf32>
        %mul3A_623 = arith.constant 4 : i32
        %mul3A_624 = arith.muli %scan3A_347, %mul3A_623 : i32
        %add3A_625 = arith.constant 2 : i32
        %add3A_626 = arith.addi %mul3A_624, %add3A_625 : i32
        %swap3A_627 = arith.constant 3 : i32
        %swap3A_628 = arith.index_cast %swap3A_627 : i32 to index
        %swap3A_629 = arith.index_cast %add3A_626 : i32 to index
        %swap3A_630 = arith.constant 48 : index
        %swap3A_631 = tpu.vector_load %arg7[%swap3A_628, %swap3A_629, %swap3A_630] {strides = array<i32>} : memref<4x128x64xf32, #tpu.memory_space<vmem>>, vector<1x1x16xf32>,
        %swap3A_632 = vector.shape_cast %swap3A_631 : vector<1x1x16xf32> to vector<16xf32>
        %swap3A_633 = vector.shape_cast %mul3A_622 : vector<16xf32> to vector<1x1x16xf32>
        tpu.vector_store %arg7[%swap3A_628, %swap3A_629, %swap3A_630], %swap3A_633 {strides = array<i32>} : memref<4x128x64xf32, #tpu.memory_space<vmem>>, vector<1x1x16xf32>,
        %mul3A_634 = arith.constant 4 : i32
        %mul3A_635 = arith.muli %scan3A_347, %mul3A_634 : i32
        %add3A_636 = arith.constant 3 : i32
        %add3A_637 = arith.addi %mul3A_635, %add3A_636 : i32
        %get3A_638 = arith.constant 3 : i32
        %get3A_639 = arith.index_cast %get3A_638 : i32 to index
        %get3A_640 = arith.index_cast %add3A_637 : i32 to index
        %get3A_641 = arith.constant 0 : index
        %get3A_642 = tpu.vector_load %arg6[%get3A_639, %get3A_640, %get3A_641] {strides = array<i32>} : memref<4x128x64xf32, #tpu.memory_space<vmem>>, vector<1x1x16xf32>,
        %get3A_643 = vector.shape_cast %get3A_642 : vector<1x1x16xf32> to vector<16xf32>
        %mul3A_644 = arith.constant 1.200000e+01 : f32
        %mul3A_645 = vector.broadcast %mul3A_644 : f32 to vector<16xf32>
        %mul3A_646 = arith.mulf %get3A_643, %mul3A_645 : vector<16xf32>
        %mul3A_647 = arith.constant 4 : i32
        %mul3A_648 = arith.muli %scan3A_347, %mul3A_647 : i32
        %add3A_649 = arith.constant 3 : i32
        %add3A_650 = arith.addi %mul3A_648, %add3A_649 : i32
        %swap3A_651 = arith.constant 3 : i32
        %swap3A_652 = arith.index_cast %swap3A_651 : i32 to index
        %swap3A_653 = arith.index_cast %add3A_650 : i32 to index
        %swap3A_654 = arith.constant 0 : index
        %swap3A_655 = tpu.vector_load %arg7[%swap3A_652, %swap3A_653, %swap3A_654] {strides = array<i32>} : memref<4x128x64xf32, #tpu.memory_space<vmem>>, vector<1x1x16xf32>,
        %swap3A_656 = vector.shape_cast %swap3A_655 : vector<1x1x16xf32> to vector<16xf32>
        %swap3A_657 = vector.shape_cast %mul3A_646 : vector<16xf32> to vector<1x1x16xf32>
        tpu.vector_store %arg7[%swap3A_652, %swap3A_653, %swap3A_654], %swap3A_657 {strides = array<i32>} : memref<4x128x64xf32, #tpu.memory_space<vmem>>, vector<1x1x16xf32>,
        %mul3A_658 = arith.constant 4 : i32
        %mul3A_659 = arith.muli %scan3A_347, %mul3A_658 : i32
        %add3A_660 = arith.constant 3 : i32
        %add3A_661 = arith.addi %mul3A_659, %add3A_660 : i32
        %get3A_662 = arith.constant 3 : i32
        %get3A_663 = arith.index_cast %get3A_662 : i32 to index
        %get3A_664 = arith.index_cast %add3A_661 : i32 to index
        %get3A_665 = arith.constant 16 : index
        %get3A_666 = tpu.vector_load %arg6[%get3A_663, %get3A_664, %get3A_665] {strides = array<i32>} : memref<4x128x64xf32, #tpu.memory_space<vmem>>, vector<1x1x16xf32>,
        %get3A_667 = vector.shape_cast %get3A_666 : vector<1x1x16xf32> to vector<16xf32>
        %mul3A_668 = arith.constant 1.200000e+01 : f32
        %mul3A_669 = vector.broadcast %mul3A_668 : f32 to vector<16xf32>
        %mul3A_670 = arith.mulf %get3A_667, %mul3A_669 : vector<16xf32>
        %mul3A_671 = arith.constant 4 : i32
        %mul3A_672 = arith.muli %scan3A_347, %mul3A_671 : i32
        %add3A_673 = arith.constant 3 : i32
        %add3A_674 = arith.addi %mul3A_672, %add3A_673 : i32
        %swap3A_675 = arith.constant 3 : i32
        %swap3A_676 = arith.index_cast %swap3A_675 : i32 to index
        %swap3A_677 = arith.index_cast %add3A_674 : i32 to index
        %swap3A_678 = arith.constant 16 : index
        %swap3A_679 = tpu.vector_load %arg7[%swap3A_676, %swap3A_677, %swap3A_678] {strides = array<i32>} : memref<4x128x64xf32, #tpu.memory_space<vmem>>, vector<1x1x16xf32>,
        %swap3A_680 = vector.shape_cast %swap3A_679 : vector<1x1x16xf32> to vector<16xf32>
        %swap3A_681 = vector.shape_cast %mul3A_670 : vector<16xf32> to vector<1x1x16xf32>
        tpu.vector_store %arg7[%swap3A_676, %swap3A_677, %swap3A_678], %swap3A_681 {strides = array<i32>} : memref<4x128x64xf32, #tpu.memory_space<vmem>>, vector<1x1x16xf32>,
        %mul3A_682 = arith.constant 4 : i32
        %mul3A_683 = arith.muli %scan3A_347, %mul3A_682 : i32
        %add3A_684 = arith.constant 3 : i32
        %add3A_685 = arith.addi %mul3A_683, %add3A_684 : i32
        %get3A_686 = arith.constant 3 : i32
        %get3A_687 = arith.index_cast %get3A_686 : i32 to index
        %get3A_688 = arith.index_cast %add3A_685 : i32 to index
        %get3A_689 = arith.constant 32 : index
        %get3A_690 = tpu.vector_load %arg6[%get3A_687, %get3A_688, %get3A_689] {strides = array<i32>} : memref<4x128x64xf32, #tpu.memory_space<vmem>>, vector<1x1x16xf32>,
        %get3A_691 = vector.shape_cast %get3A_690 : vector<1x1x16xf32> to vector<16xf32>
        %mul3A_692 = arith.constant 1.200000e+01 : f32
        %mul3A_693 = vector.broadcast %mul3A_692 : f32 to vector<16xf32>
        %mul3A_694 = arith.mulf %get3A_691, %mul3A_693 : vector<16xf32>
        %mul3A_695 = arith.constant 4 : i32
        %mul3A_696 = arith.muli %scan3A_347, %mul3A_695 : i32
        %add3A_697 = arith.constant 3 : i32
        %add3A_698 = arith.addi %mul3A_696, %add3A_697 : i32
        %swap3A_699 = arith.constant 3 : i32
        %swap3A_700 = arith.index_cast %swap3A_699 : i32 to index
        %swap3A_701 = arith.index_cast %add3A_698 : i32 to index
        %swap3A_702 = arith.constant 32 : index
        %swap3A_703 = tpu.vector_load %arg7[%swap3A_700, %swap3A_701, %swap3A_702] {strides = array<i32>} : memref<4x128x64xf32, #tpu.memory_space<vmem>>, vector<1x1x16xf32>,
        %swap3A_704 = vector.shape_cast %swap3A_703 : vector<1x1x16xf32> to vector<16xf32>
        %swap3A_705 = vector.shape_cast %mul3A_694 : vector<16xf32> to vector<1x1x16xf32>
        tpu.vector_store %arg7[%swap3A_700, %swap3A_701, %swap3A_702], %swap3A_705 {strides = array<i32>} : memref<4x128x64xf32, #tpu.memory_space<vmem>>, vector<1x1x16xf32>,
        %mul3A_706 = arith.constant 4 : i32
        %mul3A_707 = arith.muli %scan3A_347, %mul3A_706 : i32
        %add3A_708 = arith.constant 3 : i32
        %add3A_709 = arith.addi %mul3A_707, %add3A_708 : i32
        %get3A_710 = arith.constant 3 : i32
        %get3A_711 = arith.index_cast %get3A_710 : i32 to index
        %get3A_712 = arith.index_cast %add3A_709 : i32 to index
        %get3A_713 = arith.constant 48 : index
        %get3A_714 = tpu.vector_load %arg6[%get3A_711, %get3A_712, %get3A_713] {strides = array<i32>} : memref<4x128x64xf32, #tpu.memory_space<vmem>>, vector<1x1x16xf32>,
        %get3A_715 = vector.shape_cast %get3A_714 : vector<1x1x16xf32> to vector<16xf32>
        %mul3A_716 = arith.constant 1.200000e+01 : f32
        %mul3A_717 = vector.broadcast %mul3A_716 : f32 to vector<16xf32>
        %mul3A_718 = arith.mulf %get3A_715, %mul3A_717 : vector<16xf32>
        %mul3A_719 = arith.constant 4 : i32
        %mul3A_720 = arith.muli %scan3A_347, %mul3A_719 : i32
        %add3A_721 = arith.constant 3 : i32
        %add3A_722 = arith.addi %mul3A_720, %add3A_721 : i32
        %swap3A_723 = arith.constant 3 : i32
        %swap3A_724 = arith.index_cast %swap3A_723 : i32 to index
        %swap3A_725 = arith.index_cast %add3A_722 : i32 to index
        %swap3A_726 = arith.constant 48 : index
        %swap3A_727 = tpu.vector_load %arg7[%swap3A_724, %swap3A_725, %swap3A_726] {strides = array<i32>} : memref<4x128x64xf32, #tpu.memory_space<vmem>>, vector<1x1x16xf32>,
        %swap3A_728 = vector.shape_cast %swap3A_727 : vector<1x1x16xf32> to vector<16xf32>
        %swap3A_729 = vector.shape_cast %mul3A_718 : vector<16xf32> to vector<1x1x16xf32>
        tpu.vector_store %arg7[%swap3A_724, %swap3A_725, %swap3A_726], %swap3A_729 {strides = array<i32>} : memref<4x128x64xf32, #tpu.memory_space<vmem>>, vector<1x1x16xf32>,
        %scan3A_730 = arith.constant 1 : i32
        %scan3A_731 = arith.addi %scan3A_347, %scan3A_730 : i32
        %mul3A_732 = arith.constant 4 : i32
        %mul3A_733 = arith.muli %scan3A_731, %mul3A_732 : i32
        %add3A_734 = arith.constant 0 : i32
        %add3A_735 = arith.addi %mul3A_733, %add3A_734 : i32
        %get3A_736 = arith.constant 3 : i32
        %get3A_737 = arith.index_cast %get3A_736 : i32 to index
        %get3A_738 = arith.index_cast %add3A_735 : i32 to index
        %get3A_739 = arith.constant 0 : index
        %get3A_740 = tpu.vector_load %arg6[%get3A_737, %get3A_738, %get3A_739] {strides = array<i32>} : memref<4x128x64xf32, #tpu.memory_space<vmem>>, vector<1x1x16xf32>,
        %get3A_741 = vector.shape_cast %get3A_740 : vector<1x1x16xf32> to vector<16xf32>
        %mul3A_742 = arith.constant 1.200000e+01 : f32
        %mul3A_743 = vector.broadcast %mul3A_742 : f32 to vector<16xf32>
        %mul3A_744 = arith.mulf %get3A_741, %mul3A_743 : vector<16xf32>
        %mul3A_745 = arith.constant 4 : i32
        %mul3A_746 = arith.muli %scan3A_731, %mul3A_745 : i32
        %add3A_747 = arith.constant 0 : i32
        %add3A_748 = arith.addi %mul3A_746, %add3A_747 : i32
        %swap3A_749 = arith.constant 3 : i32
        %swap3A_750 = arith.index_cast %swap3A_749 : i32 to index
        %swap3A_751 = arith.index_cast %add3A_748 : i32 to index
        %swap3A_752 = arith.constant 0 : index
        %swap3A_753 = tpu.vector_load %arg7[%swap3A_750, %swap3A_751, %swap3A_752] {strides = array<i32>} : memref<4x128x64xf32, #tpu.memory_space<vmem>>, vector<1x1x16xf32>,
        %swap3A_754 = vector.shape_cast %swap3A_753 : vector<1x1x16xf32> to vector<16xf32>
        %swap3A_755 = vector.shape_cast %mul3A_744 : vector<16xf32> to vector<1x1x16xf32>
        tpu.vector_store %arg7[%swap3A_750, %swap3A_751, %swap3A_752], %swap3A_755 {strides = array<i32>} : memref<4x128x64xf32, #tpu.memory_space<vmem>>, vector<1x1x16xf32>,
        %mul3A_756 = arith.constant 4 : i32
        %mul3A_757 = arith.muli %scan3A_731, %mul3A_756 : i32
        %add3A_758 = arith.constant 0 : i32
        %add3A_759 = arith.addi %mul3A_757, %add3A_758 : i32
        %get3A_760 = arith.constant 3 : i32
        %get3A_761 = arith.index_cast %get3A_760 : i32 to index
        %get3A_762 = arith.index_cast %add3A_759 : i32 to index
        %get3A_763 = arith.constant 16 : index
        %get3A_764 = tpu.vector_load %arg6[%get3A_761, %get3A_762, %get3A_763] {strides = array<i32>} : memref<4x128x64xf32, #tpu.memory_space<vmem>>, vector<1x1x16xf32>,
        %get3A_765 = vector.shape_cast %get3A_764 : vector<1x1x16xf32> to vector<16xf32>
        %mul3A_766 = arith.constant 1.200000e+01 : f32
        %mul3A_767 = vector.broadcast %mul3A_766 : f32 to vector<16xf32>
        %mul3A_768 = arith.mulf %get3A_765, %mul3A_767 : vector<16xf32>
        %mul3A_769 = arith.constant 4 : i32
        %mul3A_770 = arith.muli %scan3A_731, %mul3A_769 : i32
        %add3A_771 = arith.constant 0 : i32
        %add3A_772 = arith.addi %mul3A_770, %add3A_771 : i32
        %swap3A_773 = arith.constant 3 : i32
        %swap3A_774 = arith.index_cast %swap3A_773 : i32 to index
        %swap3A_775 = arith.index_cast %add3A_772 : i32 to index
        %swap3A_776 = arith.constant 16 : index
        %swap3A_777 = tpu.vector_load %arg7[%swap3A_774, %swap3A_775, %swap3A_776] {strides = array<i32>} : memref<4x128x64xf32, #tpu.memory_space<vmem>>, vector<1x1x16xf32>,
        %swap3A_778 = vector.shape_cast %swap3A_777 : vector<1x1x16xf32> to vector<16xf32>
        %swap3A_779 = vector.shape_cast %mul3A_768 : vector<16xf32> to vector<1x1x16xf32>
        tpu.vector_store %arg7[%swap3A_774, %swap3A_775, %swap3A_776], %swap3A_779 {strides = array<i32>} : memref<4x128x64xf32, #tpu.memory_space<vmem>>, vector<1x1x16xf32>,
        %mul3A_780 = arith.constant 4 : i32
        %mul3A_781 = arith.muli %scan3A_731, %mul3A_780 : i32
        %add3A_782 = arith.constant 0 : i32
        %add3A_783 = arith.addi %mul3A_781, %add3A_782 : i32
        %get3A_784 = arith.constant 3 : i32
        %get3A_785 = arith.index_cast %get3A_784 : i32 to index
        %get3A_786 = arith.index_cast %add3A_783 : i32 to index
        %get3A_787 = arith.constant 32 : index
        %get3A_788 = tpu.vector_load %arg6[%get3A_785, %get3A_786, %get3A_787] {strides = array<i32>} : memref<4x128x64xf32, #tpu.memory_space<vmem>>, vector<1x1x16xf32>,
        %get3A_789 = vector.shape_cast %get3A_788 : vector<1x1x16xf32> to vector<16xf32>
        %mul3A_790 = arith.constant 1.200000e+01 : f32
        %mul3A_791 = vector.broadcast %mul3A_790 : f32 to vector<16xf32>
        %mul3A_792 = arith.mulf %get3A_789, %mul3A_791 : vector<16xf32>
        %mul3A_793 = arith.constant 4 : i32
        %mul3A_794 = arith.muli %scan3A_731, %mul3A_793 : i32
        %add3A_795 = arith.constant 0 : i32
        %add3A_796 = arith.addi %mul3A_794, %add3A_795 : i32
        %swap3A_797 = arith.constant 3 : i32
        %swap3A_798 = arith.index_cast %swap3A_797 : i32 to index
        %swap3A_799 = arith.index_cast %add3A_796 : i32 to index
        %swap3A_800 = arith.constant 32 : index
        %swap3A_801 = tpu.vector_load %arg7[%swap3A_798, %swap3A_799, %swap3A_800] {strides = array<i32>} : memref<4x128x64xf32, #tpu.memory_space<vmem>>, vector<1x1x16xf32>,
        %swap3A_802 = vector.shape_cast %swap3A_801 : vector<1x1x16xf32> to vector<16xf32>
        %swap3A_803 = vector.shape_cast %mul3A_792 : vector<16xf32> to vector<1x1x16xf32>
        tpu.vector_store %arg7[%swap3A_798, %swap3A_799, %swap3A_800], %swap3A_803 {strides = array<i32>} : memref<4x128x64xf32, #tpu.memory_space<vmem>>, vector<1x1x16xf32>,
        %mul3A_804 = arith.constant 4 : i32
        %mul3A_805 = arith.muli %scan3A_731, %mul3A_804 : i32
        %add3A_806 = arith.constant 0 : i32
        %add3A_807 = arith.addi %mul3A_805, %add3A_806 : i32
        %get3A_808 = arith.constant 3 : i32
        %get3A_809 = arith.index_cast %get3A_808 : i32 to index
        %get3A_810 = arith.index_cast %add3A_807 : i32 to index
        %get3A_811 = arith.constant 48 : index
        %get3A_812 = tpu.vector_load %arg6[%get3A_809, %get3A_810, %get3A_811] {strides = array<i32>} : memref<4x128x64xf32, #tpu.memory_space<vmem>>, vector<1x1x16xf32>,
        %get3A_813 = vector.shape_cast %get3A_812 : vector<1x1x16xf32> to vector<16xf32>
        %mul3A_814 = arith.constant 1.200000e+01 : f32
        %mul3A_815 = vector.broadcast %mul3A_814 : f32 to vector<16xf32>
        %mul3A_816 = arith.mulf %get3A_813, %mul3A_815 : vector<16xf32>
        %mul3A_817 = arith.constant 4 : i32
        %mul3A_818 = arith.muli %scan3A_731, %mul3A_817 : i32
        %add3A_819 = arith.constant 0 : i32
        %add3A_820 = arith.addi %mul3A_818, %add3A_819 : i32
        %swap3A_821 = arith.constant 3 : i32
        %swap3A_822 = arith.index_cast %swap3A_821 : i32 to index
        %swap3A_823 = arith.index_cast %add3A_820 : i32 to index
        %swap3A_824 = arith.constant 48 : index
        %swap3A_825 = tpu.vector_load %arg7[%swap3A_822, %swap3A_823, %swap3A_824] {strides = array<i32>} : memref<4x128x64xf32, #tpu.memory_space<vmem>>, vector<1x1x16xf32>,
        %swap3A_826 = vector.shape_cast %swap3A_825 : vector<1x1x16xf32> to vector<16xf32>
        %swap3A_827 = vector.shape_cast %mul3A_816 : vector<16xf32> to vector<1x1x16xf32>
        tpu.vector_store %arg7[%swap3A_822, %swap3A_823, %swap3A_824], %swap3A_827 {strides = array<i32>} : memref<4x128x64xf32, #tpu.memory_space<vmem>>, vector<1x1x16xf32>,
        %mul3A_828 = arith.constant 4 : i32
        %mul3A_829 = arith.muli %scan3A_731, %mul3A_828 : i32
        %add3A_830 = arith.constant 1 : i32
        %add3A_831 = arith.addi %mul3A_829, %add3A_830 : i32
        %get3A_832 = arith.constant 3 : i32
        %get3A_833 = arith.index_cast %get3A_832 : i32 to index
        %get3A_834 = arith.index_cast %add3A_831 : i32 to index
        %get3A_835 = arith.constant 0 : index
        %get3A_836 = tpu.vector_load %arg6[%get3A_833, %get3A_834, %get3A_835] {strides = array<i32>} : memref<4x128x64xf32, #tpu.memory_space<vmem>>, vector<1x1x16xf32>,
        %get3A_837 = vector.shape_cast %get3A_836 : vector<1x1x16xf32> to vector<16xf32>
        %mul3A_838 = arith.constant 1.200000e+01 : f32
        %mul3A_839 = vector.broadcast %mul3A_838 : f32 to vector<16xf32>
        %mul3A_840 = arith.mulf %get3A_837, %mul3A_839 : vector<16xf32>
        %mul3A_841 = arith.constant 4 : i32
        %mul3A_842 = arith.muli %scan3A_731, %mul3A_841 : i32
        %add3A_843 = arith.constant 1 : i32
        %add3A_844 = arith.addi %mul3A_842, %add3A_843 : i32
        %swap3A_845 = arith.constant 3 : i32
        %swap3A_846 = arith.index_cast %swap3A_845 : i32 to index
        %swap3A_847 = arith.index_cast %add3A_844 : i32 to index
        %swap3A_848 = arith.constant 0 : index
        %swap3A_849 = tpu.vector_load %arg7[%swap3A_846, %swap3A_847, %swap3A_848] {strides = array<i32>} : memref<4x128x64xf32, #tpu.memory_space<vmem>>, vector<1x1x16xf32>,
        %swap3A_850 = vector.shape_cast %swap3A_849 : vector<1x1x16xf32> to vector<16xf32>
        %swap3A_851 = vector.shape_cast %mul3A_840 : vector<16xf32> to vector<1x1x16xf32>
        tpu.vector_store %arg7[%swap3A_846, %swap3A_847, %swap3A_848], %swap3A_851 {strides = array<i32>} : memref<4x128x64xf32, #tpu.memory_space<vmem>>, vector<1x1x16xf32>,
        %mul3A_852 = arith.constant 4 : i32
        %mul3A_853 = arith.muli %scan3A_731, %mul3A_852 : i32
        %add3A_854 = arith.constant 1 : i32
        %add3A_855 = arith.addi %mul3A_853, %add3A_854 : i32
        %get3A_856 = arith.constant 3 : i32
        %get3A_857 = arith.index_cast %get3A_856 : i32 to index
        %get3A_858 = arith.index_cast %add3A_855 : i32 to index
        %get3A_859 = arith.constant 16 : index
        %get3A_860 = tpu.vector_load %arg6[%get3A_857, %get3A_858, %get3A_859] {strides = array<i32>} : memref<4x128x64xf32, #tpu.memory_space<vmem>>, vector<1x1x16xf32>,
        %get3A_861 = vector.shape_cast %get3A_860 : vector<1x1x16xf32> to vector<16xf32>
        %mul3A_862 = arith.constant 1.200000e+01 : f32
        %mul3A_863 = vector.broadcast %mul3A_862 : f32 to vector<16xf32>
        %mul3A_864 = arith.mulf %get3A_861, %mul3A_863 : vector<16xf32>
        %mul3A_865 = arith.constant 4 : i32
        %mul3A_866 = arith.muli %scan3A_731, %mul3A_865 : i32
        %add3A_867 = arith.constant 1 : i32
        %add3A_868 = arith.addi %mul3A_866, %add3A_867 : i32
        %swap3A_869 = arith.constant 3 : i32
        %swap3A_870 = arith.index_cast %swap3A_869 : i32 to index
        %swap3A_871 = arith.index_cast %add3A_868 : i32 to index
        %swap3A_872 = arith.constant 16 : index
        %swap3A_873 = tpu.vector_load %arg7[%swap3A_870, %swap3A_871, %swap3A_872] {strides = array<i32>} : memref<4x128x64xf32, #tpu.memory_space<vmem>>, vector<1x1x16xf32>,
        %swap3A_874 = vector.shape_cast %swap3A_873 : vector<1x1x16xf32> to vector<16xf32>
        %swap3A_875 = vector.shape_cast %mul3A_864 : vector<16xf32> to vector<1x1x16xf32>
        tpu.vector_store %arg7[%swap3A_870, %swap3A_871, %swap3A_872], %swap3A_875 {strides = array<i32>} : memref<4x128x64xf32, #tpu.memory_space<vmem>>, vector<1x1x16xf32>,
        %mul3A_876 = arith.constant 4 : i32
        %mul3A_877 = arith.muli %scan3A_731, %mul3A_876 : i32
        %add3A_878 = arith.constant 1 : i32
        %add3A_879 = arith.addi %mul3A_877, %add3A_878 : i32
        %get3A_880 = arith.constant 3 : i32
        %get3A_881 = arith.index_cast %get3A_880 : i32 to index
        %get3A_882 = arith.index_cast %add3A_879 : i32 to index
        %get3A_883 = arith.constant 32 : index
        %get3A_884 = tpu.vector_load %arg6[%get3A_881, %get3A_882, %get3A_883] {strides = array<i32>} : memref<4x128x64xf32, #tpu.memory_space<vmem>>, vector<1x1x16xf32>,
        %get3A_885 = vector.shape_cast %get3A_884 : vector<1x1x16xf32> to vector<16xf32>
        %mul3A_886 = arith.constant 1.200000e+01 : f32
        %mul3A_887 = vector.broadcast %mul3A_886 : f32 to vector<16xf32>
        %mul3A_888 = arith.mulf %get3A_885, %mul3A_887 : vector<16xf32>
        %mul3A_889 = arith.constant 4 : i32
        %mul3A_890 = arith.muli %scan3A_731, %mul3A_889 : i32
        %add3A_891 = arith.constant 1 : i32
        %add3A_892 = arith.addi %mul3A_890, %add3A_891 : i32
        %swap3A_893 = arith.constant 3 : i32
        %swap3A_894 = arith.index_cast %swap3A_893 : i32 to index
        %swap3A_895 = arith.index_cast %add3A_892 : i32 to index
        %swap3A_896 = arith.constant 32 : index
        %swap3A_897 = tpu.vector_load %arg7[%swap3A_894, %swap3A_895, %swap3A_896] {strides = array<i32>} : memref<4x128x64xf32, #tpu.memory_space<vmem>>, vector<1x1x16xf32>,
        %swap3A_898 = vector.shape_cast %swap3A_897 : vector<1x1x16xf32> to vector<16xf32>
        %swap3A_899 = vector.shape_cast %mul3A_888 : vector<16xf32> to vector<1x1x16xf32>
        tpu.vector_store %arg7[%swap3A_894, %swap3A_895, %swap3A_896], %swap3A_899 {strides = array<i32>} : memref<4x128x64xf32, #tpu.memory_space<vmem>>, vector<1x1x16xf32>,
        %mul3A_900 = arith.constant 4 : i32
        %mul3A_901 = arith.muli %scan3A_731, %mul3A_900 : i32
        %add3A_902 = arith.constant 1 : i32
        %add3A_903 = arith.addi %mul3A_901, %add3A_902 : i32
        %get3A_904 = arith.constant 3 : i32
        %get3A_905 = arith.index_cast %get3A_904 : i32 to index
        %get3A_906 = arith.index_cast %add3A_903 : i32 to index
        %get3A_907 = arith.constant 48 : index
        %get3A_908 = tpu.vector_load %arg6[%get3A_905, %get3A_906, %get3A_907] {strides = array<i32>} : memref<4x128x64xf32, #tpu.memory_space<vmem>>, vector<1x1x16xf32>,
        %get3A_909 = vector.shape_cast %get3A_908 : vector<1x1x16xf32> to vector<16xf32>
        %mul3A_910 = arith.constant 1.200000e+01 : f32
        %mul3A_911 = vector.broadcast %mul3A_910 : f32 to vector<16xf32>
        %mul3A_912 = arith.mulf %get3A_909, %mul3A_911 : vector<16xf32>
        %mul3A_913 = arith.constant 4 : i32
        %mul3A_914 = arith.muli %scan3A_731, %mul3A_913 : i32
        %add3A_915 = arith.constant 1 : i32
        %add3A_916 = arith.addi %mul3A_914, %add3A_915 : i32
        %swap3A_917 = arith.constant 3 : i32
        %swap3A_918 = arith.index_cast %swap3A_917 : i32 to index
        %swap3A_919 = arith.index_cast %add3A_916 : i32 to index
        %swap3A_920 = arith.constant 48 : index
        %swap3A_921 = tpu.vector_load %arg7[%swap3A_918, %swap3A_919, %swap3A_920] {strides = array<i32>} : memref<4x128x64xf32, #tpu.memory_space<vmem>>, vector<1x1x16xf32>,
        %swap3A_922 = vector.shape_cast %swap3A_921 : vector<1x1x16xf32> to vector<16xf32>
        %swap3A_923 = vector.shape_cast %mul3A_912 : vector<16xf32> to vector<1x1x16xf32>
        tpu.vector_store %arg7[%swap3A_918, %swap3A_919, %swap3A_920], %swap3A_923 {strides = array<i32>} : memref<4x128x64xf32, #tpu.memory_space<vmem>>, vector<1x1x16xf32>,
        %mul3A_924 = arith.constant 4 : i32
        %mul3A_925 = arith.muli %scan3A_731, %mul3A_924 : i32
        %add3A_926 = arith.constant 2 : i32
        %add3A_927 = arith.addi %mul3A_925, %add3A_926 : i32
        %get3A_928 = arith.constant 3 : i32
        %get3A_929 = arith.index_cast %get3A_928 : i32 to index
        %get3A_930 = arith.index_cast %add3A_927 : i32 to index
        %get3A_931 = arith.constant 0 : index
        %get3A_932 = tpu.vector_load %arg6[%get3A_929, %get3A_930, %get3A_931] {strides = array<i32>} : memref<4x128x64xf32, #tpu.memory_space<vmem>>, vector<1x1x16xf32>,
        %get3A_933 = vector.shape_cast %get3A_932 : vector<1x1x16xf32> to vector<16xf32>
        %mul3A_934 = arith.constant 1.200000e+01 : f32
        %mul3A_935 = vector.broadcast %mul3A_934 : f32 to vector<16xf32>
        %mul3A_936 = arith.mulf %get3A_933, %mul3A_935 : vector<16xf32>
        %mul3A_937 = arith.constant 4 : i32
        %mul3A_938 = arith.muli %scan3A_731, %mul3A_937 : i32
        %add3A_939 = arith.constant 2 : i32
        %add3A_940 = arith.addi %mul3A_938, %add3A_939 : i32
        %swap3A_941 = arith.constant 3 : i32
        %swap3A_942 = arith.index_cast %swap3A_941 : i32 to index
        %swap3A_943 = arith.index_cast %add3A_940 : i32 to index
        %swap3A_944 = arith.constant 0 : index
        %swap3A_945 = tpu.vector_load %arg7[%swap3A_942, %swap3A_943, %swap3A_944] {strides = array<i32>} : memref<4x128x64xf32, #tpu.memory_space<vmem>>, vector<1x1x16xf32>,
        %swap3A_946 = vector.shape_cast %swap3A_945 : vector<1x1x16xf32> to vector<16xf32>
        %swap3A_947 = vector.shape_cast %mul3A_936 : vector<16xf32> to vector<1x1x16xf32>
        tpu.vector_store %arg7[%swap3A_942, %swap3A_943, %swap3A_944], %swap3A_947 {strides = array<i32>} : memref<4x128x64xf32, #tpu.memory_space<vmem>>, vector<1x1x16xf32>,
        %mul3A_948 = arith.constant 4 : i32
        %mul3A_949 = arith.muli %scan3A_731, %mul3A_948 : i32
        %add3A_950 = arith.constant 2 : i32
        %add3A_951 = arith.addi %mul3A_949, %add3A_950 : i32
        %get3A_952 = arith.constant 3 : i32
        %get3A_953 = arith.index_cast %get3A_952 : i32 to index
        %get3A_954 = arith.index_cast %add3A_951 : i32 to index
        %get3A_955 = arith.constant 16 : index
        %get3A_956 = tpu.vector_load %arg6[%get3A_953, %get3A_954, %get3A_955] {strides = array<i32>} : memref<4x128x64xf32, #tpu.memory_space<vmem>>, vector<1x1x16xf32>,
        %get3A_957 = vector.shape_cast %get3A_956 : vector<1x1x16xf32> to vector<16xf32>
        %mul3A_958 = arith.constant 1.200000e+01 : f32
        %mul3A_959 = vector.broadcast %mul3A_958 : f32 to vector<16xf32>
        %mul3A_960 = arith.mulf %get3A_957, %mul3A_959 : vector<16xf32>
        %mul3A_961 = arith.constant 4 : i32
        %mul3A_962 = arith.muli %scan3A_731, %mul3A_961 : i32
        %add3A_963 = arith.constant 2 : i32
        %add3A_964 = arith.addi %mul3A_962, %add3A_963 : i32
        %swap3A_965 = arith.constant 3 : i32
        %swap3A_966 = arith.index_cast %swap3A_965 : i32 to index
        %swap3A_967 = arith.index_cast %add3A_964 : i32 to index
        %swap3A_968 = arith.constant 16 : index
        %swap3A_969 = tpu.vector_load %arg7[%swap3A_966, %swap3A_967, %swap3A_968] {strides = array<i32>} : memref<4x128x64xf32, #tpu.memory_space<vmem>>, vector<1x1x16xf32>,
        %swap3A_970 = vector.shape_cast %swap3A_969 : vector<1x1x16xf32> to vector<16xf32>
        %swap3A_971 = vector.shape_cast %mul3A_960 : vector<16xf32> to vector<1x1x16xf32>
        tpu.vector_store %arg7[%swap3A_966, %swap3A_967, %swap3A_968], %swap3A_971 {strides = array<i32>} : memref<4x128x64xf32, #tpu.memory_space<vmem>>, vector<1x1x16xf32>,
        %mul3A_972 = arith.constant 4 : i32
        %mul3A_973 = arith.muli %scan3A_731, %mul3A_972 : i32
        %add3A_974 = arith.constant 2 : i32
        %add3A_975 = arith.addi %mul3A_973, %add3A_974 : i32
        %get3A_976 = arith.constant 3 : i32
        %get3A_977 = arith.index_cast %get3A_976 : i32 to index
        %get3A_978 = arith.index_cast %add3A_975 : i32 to index
        %get3A_979 = arith.constant 32 : index
        %get3A_980 = tpu.vector_load %arg6[%get3A_977, %get3A_978, %get3A_979] {strides = array<i32>} : memref<4x128x64xf32, #tpu.memory_space<vmem>>, vector<1x1x16xf32>,
        %get3A_981 = vector.shape_cast %get3A_980 : vector<1x1x16xf32> to vector<16xf32>
        %mul3A_982 = arith.constant 1.200000e+01 : f32
        %mul3A_983 = vector.broadcast %mul3A_982 : f32 to vector<16xf32>
        %mul3A_984 = arith.mulf %get3A_981, %mul3A_983 : vector<16xf32>
        %mul3A_985 = arith.constant 4 : i32
        %mul3A_986 = arith.muli %scan3A_731, %mul3A_985 : i32
        %add3A_987 = arith.constant 2 : i32
        %add3A_988 = arith.addi %mul3A_986, %add3A_987 : i32
        %swap3A_989 = arith.constant 3 : i32
        %swap3A_990 = arith.index_cast %swap3A_989 : i32 to index
        %swap3A_991 = arith.index_cast %add3A_988 : i32 to index
        %swap3A_992 = arith.constant 32 : index
        %swap3A_993 = tpu.vector_load %arg7[%swap3A_990, %swap3A_991, %swap3A_992] {strides = array<i32>} : memref<4x128x64xf32, #tpu.memory_space<vmem>>, vector<1x1x16xf32>,
        %swap3A_994 = vector.shape_cast %swap3A_993 : vector<1x1x16xf32> to vector<16xf32>
        %swap3A_995 = vector.shape_cast %mul3A_984 : vector<16xf32> to vector<1x1x16xf32>
        tpu.vector_store %arg7[%swap3A_990, %swap3A_991, %swap3A_992], %swap3A_995 {strides = array<i32>} : memref<4x128x64xf32, #tpu.memory_space<vmem>>, vector<1x1x16xf32>,
        %mul3A_996 = arith.constant 4 : i32
        %mul3A_997 = arith.muli %scan3A_731, %mul3A_996 : i32
        %add3A_998 = arith.constant 2 : i32
        %add3A_999 = arith.addi %mul3A_997, %add3A_998 : i32
        %get3A_1000 = arith.constant 3 : i32
        %get3A_1001 = arith.index_cast %get3A_1000 : i32 to index
        %get3A_1002 = arith.index_cast %add3A_999 : i32 to index
        %get3A_1003 = arith.constant 48 : index
        %get3A_1004 = tpu.vector_load %arg6[%get3A_1001, %get3A_1002, %get3A_1003] {strides = array<i32>} : memref<4x128x64xf32, #tpu.memory_space<vmem>>, vector<1x1x16xf32>,
        %get3A_1005 = vector.shape_cast %get3A_1004 : vector<1x1x16xf32> to vector<16xf32>
        %mul3A_1006 = arith.constant 1.200000e+01 : f32
        %mul3A_1007 = vector.broadcast %mul3A_1006 : f32 to vector<16xf32>
        %mul3A_1008 = arith.mulf %get3A_1005, %mul3A_1007 : vector<16xf32>
        %mul3A_1009 = arith.constant 4 : i32
        %mul3A_1010 = arith.muli %scan3A_731, %mul3A_1009 : i32
        %add3A_1011 = arith.constant 2 : i32
        %add3A_1012 = arith.addi %mul3A_1010, %add3A_1011 : i32
        %swap3A_1013 = arith.constant 3 : i32
        %swap3A_1014 = arith.index_cast %swap3A_1013 : i32 to index
        %swap3A_1015 = arith.index_cast %add3A_1012 : i32 to index
        %swap3A_1016 = arith.constant 48 : index
        %swap3A_1017 = tpu.vector_load %arg7[%swap3A_1014, %swap3A_1015, %swap3A_1016] {strides = array<i32>} : memref<4x128x64xf32, #tpu.memory_space<vmem>>, vector<1x1x16xf32>,
        %swap3A_1018 = vector.shape_cast %swap3A_1017 : vector<1x1x16xf32> to vector<16xf32>
        %swap3A_1019 = vector.shape_cast %mul3A_1008 : vector<16xf32> to vector<1x1x16xf32>
        tpu.vector_store %arg7[%swap3A_1014, %swap3A_1015, %swap3A_1016], %swap3A_1019 {strides = array<i32>} : memref<4x128x64xf32, #tpu.memory_space<vmem>>, vector<1x1x16xf32>,
        %mul3A_1020 = arith.constant 4 : i32
        %mul3A_1021 = arith.muli %scan3A_731, %mul3A_1020 : i32
        %add3A_1022 = arith.constant 3 : i32
        %add3A_1023 = arith.addi %mul3A_1021, %add3A_1022 : i32
        %get3A_1024 = arith.constant 3 : i32
        %get3A_1025 = arith.index_cast %get3A_1024 : i32 to index
        %get3A_1026 = arith.index_cast %add3A_1023 : i32 to index
        %get3A_1027 = arith.constant 0 : index
        %get3A_1028 = tpu.vector_load %arg6[%get3A_1025, %get3A_1026, %get3A_1027] {strides = array<i32>} : memref<4x128x64xf32, #tpu.memory_space<vmem>>, vector<1x1x16xf32>,
        %get3A_1029 = vector.shape_cast %get3A_1028 : vector<1x1x16xf32> to vector<16xf32>
        %mul3A_1030 = arith.constant 1.200000e+01 : f32
        %mul3A_1031 = vector.broadcast %mul3A_1030 : f32 to vector<16xf32>
        %mul3A_1032 = arith.mulf %get3A_1029, %mul3A_1031 : vector<16xf32>
        %mul3A_1033 = arith.constant 4 : i32
        %mul3A_1034 = arith.muli %scan3A_731, %mul3A_1033 : i32
        %add3A_1035 = arith.constant 3 : i32
        %add3A_1036 = arith.addi %mul3A_1034, %add3A_1035 : i32
        %swap3A_1037 = arith.constant 3 : i32
        %swap3A_1038 = arith.index_cast %swap3A_1037 : i32 to index
        %swap3A_1039 = arith.index_cast %add3A_1036 : i32 to index
        %swap3A_1040 = arith.constant 0 : index
        %swap3A_1041 = tpu.vector_load %arg7[%swap3A_1038, %swap3A_1039, %swap3A_1040] {strides = array<i32>} : memref<4x128x64xf32, #tpu.memory_space<vmem>>, vector<1x1x16xf32>,
        %swap3A_1042 = vector.shape_cast %swap3A_1041 : vector<1x1x16xf32> to vector<16xf32>
        %swap3A_1043 = vector.shape_cast %mul3A_1032 : vector<16xf32> to vector<1x1x16xf32>
        tpu.vector_store %arg7[%swap3A_1038, %swap3A_1039, %swap3A_1040], %swap3A_1043 {strides = array<i32>} : memref<4x128x64xf32, #tpu.memory_space<vmem>>, vector<1x1x16xf32>,
        %mul3A_1044 = arith.constant 4 : i32
        %mul3A_1045 = arith.muli %scan3A_731, %mul3A_1044 : i32
        %add3A_1046 = arith.constant 3 : i32
        %add3A_1047 = arith.addi %mul3A_1045, %add3A_1046 : i32
        %get3A_1048 = arith.constant 3 : i32
        %get3A_1049 = arith.index_cast %get3A_1048 : i32 to index
        %get3A_1050 = arith.index_cast %add3A_1047 : i32 to index
        %get3A_1051 = arith.constant 16 : index
        %get3A_1052 = tpu.vector_load %arg6[%get3A_1049, %get3A_1050, %get3A_1051] {strides = array<i32>} : memref<4x128x64xf32, #tpu.memory_space<vmem>>, vector<1x1x16xf32>,
        %get3A_1053 = vector.shape_cast %get3A_1052 : vector<1x1x16xf32> to vector<16xf32>
        %mul3A_1054 = arith.constant 1.200000e+01 : f32
        %mul3A_1055 = vector.broadcast %mul3A_1054 : f32 to vector<16xf32>
        %mul3A_1056 = arith.mulf %get3A_1053, %mul3A_1055 : vector<16xf32>
        %mul3A_1057 = arith.constant 4 : i32
        %mul3A_1058 = arith.muli %scan3A_731, %mul3A_1057 : i32
        %add3A_1059 = arith.constant 3 : i32
        %add3A_1060 = arith.addi %mul3A_1058, %add3A_1059 : i32
        %swap3A_1061 = arith.constant 3 : i32
        %swap3A_1062 = arith.index_cast %swap3A_1061 : i32 to index
        %swap3A_1063 = arith.index_cast %add3A_1060 : i32 to index
        %swap3A_1064 = arith.constant 16 : index
        %swap3A_1065 = tpu.vector_load %arg7[%swap3A_1062, %swap3A_1063, %swap3A_1064] {strides = array<i32>} : memref<4x128x64xf32, #tpu.memory_space<vmem>>, vector<1x1x16xf32>,
        %swap3A_1066 = vector.shape_cast %swap3A_1065 : vector<1x1x16xf32> to vector<16xf32>
        %swap3A_1067 = vector.shape_cast %mul3A_1056 : vector<16xf32> to vector<1x1x16xf32>
        tpu.vector_store %arg7[%swap3A_1062, %swap3A_1063, %swap3A_1064], %swap3A_1067 {strides = array<i32>} : memref<4x128x64xf32, #tpu.memory_space<vmem>>, vector<1x1x16xf32>,
        %mul3A_1068 = arith.constant 4 : i32
        %mul3A_1069 = arith.muli %scan3A_731, %mul3A_1068 : i32
        %add3A_1070 = arith.constant 3 : i32
        %add3A_1071 = arith.addi %mul3A_1069, %add3A_1070 : i32
        %get3A_1072 = arith.constant 3 : i32
        %get3A_1073 = arith.index_cast %get3A_1072 : i32 to index
        %get3A_1074 = arith.index_cast %add3A_1071 : i32 to index
        %get3A_1075 = arith.constant 32 : index
        %get3A_1076 = tpu.vector_load %arg6[%get3A_1073, %get3A_1074, %get3A_1075] {strides = array<i32>} : memref<4x128x64xf32, #tpu.memory_space<vmem>>, vector<1x1x16xf32>,
        %get3A_1077 = vector.shape_cast %get3A_1076 : vector<1x1x16xf32> to vector<16xf32>
        %mul3A_1078 = arith.constant 1.200000e+01 : f32
        %mul3A_1079 = vector.broadcast %mul3A_1078 : f32 to vector<16xf32>
        %mul3A_1080 = arith.mulf %get3A_1077, %mul3A_1079 : vector<16xf32>
        %mul3A_1081 = arith.constant 4 : i32
        %mul3A_1082 = arith.muli %scan3A_731, %mul3A_1081 : i32
        %add3A_1083 = arith.constant 3 : i32
        %add3A_1084 = arith.addi %mul3A_1082, %add3A_1083 : i32
        %swap3A_1085 = arith.constant 3 : i32
        %swap3A_1086 = arith.index_cast %swap3A_1085 : i32 to index
        %swap3A_1087 = arith.index_cast %add3A_1084 : i32 to index
        %swap3A_1088 = arith.constant 32 : index
        %swap3A_1089 = tpu.vector_load %arg7[%swap3A_1086, %swap3A_1087, %swap3A_1088] {strides = array<i32>} : memref<4x128x64xf32, #tpu.memory_space<vmem>>, vector<1x1x16xf32>,
        %swap3A_1090 = vector.shape_cast %swap3A_1089 : vector<1x1x16xf32> to vector<16xf32>
        %swap3A_1091 = vector.shape_cast %mul3A_1080 : vector<16xf32> to vector<1x1x16xf32>
        tpu.vector_store %arg7[%swap3A_1086, %swap3A_1087, %swap3A_1088], %swap3A_1091 {strides = array<i32>} : memref<4x128x64xf32, #tpu.memory_space<vmem>>, vector<1x1x16xf32>,
        %mul3A_1092 = arith.constant 4 : i32
        %mul3A_1093 = arith.muli %scan3A_731, %mul3A_1092 : i32
        %add3A_1094 = arith.constant 3 : i32
        %add3A_1095 = arith.addi %mul3A_1093, %add3A_1094 : i32
        %get3A_1096 = arith.constant 3 : i32
        %get3A_1097 = arith.index_cast %get3A_1096 : i32 to index
        %get3A_1098 = arith.index_cast %add3A_1095 : i32 to index
        %get3A_1099 = arith.constant 48 : index
        %get3A_1100 = tpu.vector_load %arg6[%get3A_1097, %get3A_1098, %get3A_1099] {strides = array<i32>} : memref<4x128x64xf32, #tpu.memory_space<vmem>>, vector<1x1x16xf32>,
        %get3A_1101 = vector.shape_cast %get3A_1100 : vector<1x1x16xf32> to vector<16xf32>
        %mul3A_1102 = arith.constant 1.200000e+01 : f32
        %mul3A_1103 = vector.broadcast %mul3A_1102 : f32 to vector<16xf32>
        %mul3A_1104 = arith.mulf %get3A_1101, %mul3A_1103 : vector<16xf32>
        %mul3A_1105 = arith.constant 4 : i32
        %mul3A_1106 = arith.muli %scan3A_731, %mul3A_1105 : i32
        %add3A_1107 = arith.constant 3 : i32
        %add3A_1108 = arith.addi %mul3A_1106, %add3A_1107 : i32
        %swap3A_1109 = arith.constant 3 : i32
        %swap3A_1110 = arith.index_cast %swap3A_1109 : i32 to index
        %swap3A_1111 = arith.index_cast %add3A_1108 : i32 to index
        %swap3A_1112 = arith.constant 48 : index
        %swap3A_1113 = tpu.vector_load %arg7[%swap3A_1110, %swap3A_1111, %swap3A_1112] {strides = array<i32>} : memref<4x128x64xf32, #tpu.memory_space<vmem>>, vector<1x1x16xf32>,
        %swap3A_1114 = vector.shape_cast %swap3A_1113 : vector<1x1x16xf32> to vector<16xf32>
        %swap3A_1115 = vector.shape_cast %mul3A_1104 : vector<16xf32> to vector<1x1x16xf32>
        tpu.vector_store %arg7[%swap3A_1110, %swap3A_1111, %swap3A_1112], %swap3A_1115 {strides = array<i32>} : memref<4x128x64xf32, #tpu.memory_space<vmem>>, vector<1x1x16xf32>,
      }
      %scan3A_320 = arith.constant 32 : i32
      %add3A_321 = arith.constant 4 : i32
      %add3A_322 = arith.addi %add3A_295, %add3A_321 : i32
      %lt3A_323 = arith.constant 200 : i32
      %lt3A_324 = arith.cmpi slt, %add3A_322, %lt3A_323 : i32
      %convert_element_type3A_325 = arith.extui %lt3A_324 : i1 to i32
      %cond3A_326 = arith.constant 0 : i32
      %cond3A_327 = arith.cmpi ne, %convert_element_type3A_325, %cond3A_326 : i32
      scf.if %cond3A_327 {
        %add3A_347 = arith.constant 4 : i32
        %add3A_348 = arith.addi %add3A_295, %add3A_347 : i32
        %mul3A_349 = arith.constant 128 : i32
        %mul3A_350 = arith.muli %add3A_348, %mul3A_349 : i32
        %dma_start3A_351 = arith.constant 3 : i32
        %dma_start3A_352 = arith.constant 3 : i32
        %dma_start3A_353 = arith.constant 0 : i32
        %dma_start3A_354 = arith.constant 0 : i32
        %dma_start3A_355 = tpu.memref_slice %arg6[%dma_start3A_351, %dma_start3A_353, %dma_start3A_354] : memref<4x128x64xf32, #tpu.memory_space<vmem>> -> memref<1x128x64xf32, #tpu.memory_space<vmem>>
        %dma_start3A_356 = tpu.memref_squeeze %dma_start3A_355 : memref<1x128x64xf32, #tpu.memory_space<vmem>> -> memref<128x64xf32, #tpu.memory_space<vmem>>
        %dma_start3A_357 = tpu.memref_slice %arg5[%mul3A_350] : memref<25600xi32, #tpu.memory_space<vmem>> -> memref<128xi32, #tpu.memory_space<vmem>>
        %dma_start3A_358 = arith.constant 0 : i32
        %dma_start3A_359 = arith.constant 0 : i32
        %dma_start3A_360 = tpu.memref_slice %arg3[%dma_start3A_358, %dma_start3A_359] : memref<1000000x64xf32, #tpu.memory_space<hbm>> -> memref<1000000x64xf32, #tpu.memory_space<hbm>>
        %dma_start3A_361 = tpu.memref_slice %arg8[%dma_start3A_352] : memref<4x!tpu.dma_semaphore, #tpu.memory_space<semaphore_mem>> -> memref<1x!tpu.dma_semaphore, #tpu.memory_space<semaphore_mem>>
        %dma_start3A_362 = tpu.memref_squeeze %dma_start3A_361 : memref<1x!tpu.dma_semaphore, #tpu.memory_space<semaphore_mem>> -> memref<!tpu.dma_semaphore, #tpu.memory_space<semaphore_mem>>
        tpu.enqueue_indirect_dma source(%dma_start3A_360 : memref<1000000x64xf32, #tpu.memory_space<hbm>>) target(%dma_start3A_356 : memref<128x64xf32, #tpu.memory_space<vmem>>) offsets(%dma_start3A_357 : memref<128xi32, #tpu.memory_space<vmem>>) semaphore(%dma_start3A_362 : memref<!tpu.dma_semaphore, #tpu.memory_space<semaphore_mem>>)
      } else {
      }
      %mul3A_328 = arith.constant 128 : i32
      %mul3A_329 = arith.muli %add3A_295, %mul3A_328 : i32
      %add3A_330 = arith.addi %mul3A_2, %mul3A_329 : i32
      %dma_start3A_331 = arith.constant 3 : i32
      %dma_start3A_332 = arith.constant 3 : i32
      %dma_start3A_333 = arith.constant 0 : i32
      %dma_start3A_334 = arith.constant 0 : i32
      %dma_start3A_335 = tpu.memref_slice %arg7[%dma_start3A_331, %dma_start3A_333, %dma_start3A_334] : memref<4x128x64xf32, #tpu.memory_space<vmem>> -> memref<1x128x64xf32, #tpu.memory_space<vmem>>
      %dma_start3A_336 = tpu.memref_squeeze %dma_start3A_335 : memref<1x128x64xf32, #tpu.memory_space<vmem>> -> memref<128x64xf32, #tpu.memory_space<vmem>>
      %dma_start3A_337 = arith.constant 0 : i32
      %dma_start3A_338 = tpu.memref_slice %arg4[%add3A_330, %dma_start3A_337] : memref<819200x64xf32, #tpu.memory_space<hbm>> -> memref<128x64xf32, #tpu.memory_space<hbm>>
      %dma_start3A_339 = tpu.memref_slice %arg9[%dma_start3A_332] : memref<4x!tpu.dma_semaphore, #tpu.memory_space<semaphore_mem>> -> memref<1x!tpu.dma_semaphore, #tpu.memory_space<semaphore_mem>>
      %dma_start3A_340 = tpu.memref_squeeze %dma_start3A_339 : memref<1x!tpu.dma_semaphore, #tpu.memory_space<semaphore_mem>> -> memref<!tpu.dma_semaphore, #tpu.memory_space<semaphore_mem>>
      %dma_start3A_341 = arith.constant 0 : i32
      %dma_start3A_342 = tpu.memref_slice %arg4[%add3A_330, %dma_start3A_341] : memref<819200x64xf32, #tpu.memory_space<hbm>> -> memref<128x64xf32, #tpu.memory_space<hbm>>
      %dma_start3A_343 = arith.constant 0 : i32
      %dma_start3A_344 = arith.constant 0 : i32
      %dma_start3A_345 = tpu.memref_slice %arg7[%dma_start3A_331, %dma_start3A_343, %dma_start3A_344] : memref<4x128x64xf32, #tpu.memory_space<vmem>> -> memref<1x128x64xf32, #tpu.memory_space<vmem>>
      %dma_start3A_346 = tpu.memref_squeeze %dma_start3A_345 : memref<1x128x64xf32, #tpu.memory_space<vmem>> -> memref<128x64xf32, #tpu.memory_space<vmem>>
      tpu.enqueue_dma source(%dma_start3A_346 : memref<128x64xf32, #tpu.memory_space<vmem>>) target(%dma_start3A_342 : memref<128x64xf32, #tpu.memory_space<hbm>>) target_semaphore(%dma_start3A_340 : memref<!tpu.dma_semaphore, #tpu.memory_space<semaphore_mem>>)
    }
    %scan3A_58 = arith.constant 50 : i32
    %add3A_59 = arith.constant 25088 : i32
    %add3A_60 = arith.addi %mul3A_2, %add3A_59 : i32
    %dma_wait3A = arith.constant 0 : i32
    %dma_wait3A_61 = arith.constant 0 : i32
    %dma_wait3A_62 = arith.constant 0 : i32
    %dma_wait3A_63 = arith.constant 0 : i32
    %dma_wait3A_64 = tpu.memref_slice %arg7[%dma_wait3A, %dma_wait3A_62, %dma_wait3A_63] : memref<4x128x64xf32, #tpu.memory_space<vmem>> -> memref<1x128x64xf32, #tpu.memory_space<vmem>>
    %dma_wait3A_65 = tpu.memref_squeeze %dma_wait3A_64 : memref<1x128x64xf32, #tpu.memory_space<vmem>> -> memref<128x64xf32, #tpu.memory_space<vmem>>
    %dma_wait3A_66 = arith.constant 0 : i32
    %dma_wait3A_67 = tpu.memref_slice %arg4[%add3A_60, %dma_wait3A_66] : memref<819200x64xf32, #tpu.memory_space<hbm>> -> memref<128x64xf32, #tpu.memory_space<hbm>>
    %dma_wait3A_68 = tpu.memref_slice %arg9[%dma_wait3A_61] : memref<4x!tpu.dma_semaphore, #tpu.memory_space<semaphore_mem>> -> memref<1x!tpu.dma_semaphore, #tpu.memory_space<semaphore_mem>>
    %dma_wait3A_69 = tpu.memref_squeeze %dma_wait3A_68 : memref<1x!tpu.dma_semaphore, #tpu.memory_space<semaphore_mem>> -> memref<!tpu.dma_semaphore, #tpu.memory_space<semaphore_mem>>
    %dma_wait3A_70 = arith.constant 0 : i32
    %dma_wait3A_71 = tpu.memref_slice %arg4[%add3A_60, %dma_wait3A_70] : memref<819200x64xf32, #tpu.memory_space<hbm>> -> memref<128x64xf32, #tpu.memory_space<hbm>>
    %dma_wait3A_72 = arith.constant 0 : i32
    %dma_wait3A_73 = arith.constant 0 : i32
    %dma_wait3A_74 = tpu.memref_slice %arg7[%dma_wait3A, %dma_wait3A_72, %dma_wait3A_73] : memref<4x128x64xf32, #tpu.memory_space<vmem>> -> memref<1x128x64xf32, #tpu.memory_space<vmem>>
    %dma_wait3A_75 = tpu.memref_squeeze %dma_wait3A_74 : memref<1x128x64xf32, #tpu.memory_space<vmem>> -> memref<128x64xf32, #tpu.memory_space<vmem>>
    tpu.wait_dma2 semaphore(%dma_wait3A_69 : memref<!tpu.dma_semaphore, #tpu.memory_space<semaphore_mem>>) src(%dma_wait3A_75 : memref<128x64xf32, #tpu.memory_space<vmem>>) dst(%dma_wait3A_71 : memref<128x64xf32, #tpu.memory_space<hbm>>)
    %add3A_76 = arith.constant 25216 : i32
    %add3A_77 = arith.addi %mul3A_2, %add3A_76 : i32
    %dma_wait3A_78 = arith.constant 1 : i32
    %dma_wait3A_79 = arith.constant 1 : i32
    %dma_wait3A_80 = arith.constant 0 : i32
    %dma_wait3A_81 = arith.constant 0 : i32
    %dma_wait3A_82 = tpu.memref_slice %arg7[%dma_wait3A_78, %dma_wait3A_80, %dma_wait3A_81] : memref<4x128x64xf32, #tpu.memory_space<vmem>> -> memref<1x128x64xf32, #tpu.memory_space<vmem>>
    %dma_wait3A_83 = tpu.memref_squeeze %dma_wait3A_82 : memref<1x128x64xf32, #tpu.memory_space<vmem>> -> memref<128x64xf32, #tpu.memory_space<vmem>>
    %dma_wait3A_84 = arith.constant 0 : i32
    %dma_wait3A_85 = tpu.memref_slice %arg4[%add3A_77, %dma_wait3A_84] : memref<819200x64xf32, #tpu.memory_space<hbm>> -> memref<128x64xf32, #tpu.memory_space<hbm>>
    %dma_wait3A_86 = tpu.memref_slice %arg9[%dma_wait3A_79] : memref<4x!tpu.dma_semaphore, #tpu.memory_space<semaphore_mem>> -> memref<1x!tpu.dma_semaphore, #tpu.memory_space<semaphore_mem>>
    %dma_wait3A_87 = tpu.memref_squeeze %dma_wait3A_86 : memref<1x!tpu.dma_semaphore, #tpu.memory_space<semaphore_mem>> -> memref<!tpu.dma_semaphore, #tpu.memory_space<semaphore_mem>>
    %dma_wait3A_88 = arith.constant 0 : i32
    %dma_wait3A_89 = tpu.memref_slice %arg4[%add3A_77, %dma_wait3A_88] : memref<819200x64xf32, #tpu.memory_space<hbm>> -> memref<128x64xf32, #tpu.memory_space<hbm>>
    %dma_wait3A_90 = arith.constant 0 : i32
    %dma_wait3A_91 = arith.constant 0 : i32
    %dma_wait3A_92 = tpu.memref_slice %arg7[%dma_wait3A_78, %dma_wait3A_90, %dma_wait3A_91] : memref<4x128x64xf32, #tpu.memory_space<vmem>> -> memref<1x128x64xf32, #tpu.memory_space<vmem>>
    %dma_wait3A_93 = tpu.memref_squeeze %dma_wait3A_92 : memref<1x128x64xf32, #tpu.memory_space<vmem>> -> memref<128x64xf32, #tpu.memory_space<vmem>>
    tpu.wait_dma2 semaphore(%dma_wait3A_87 : memref<!tpu.dma_semaphore, #tpu.memory_space<semaphore_mem>>) src(%dma_wait3A_93 : memref<128x64xf32, #tpu.memory_space<vmem>>) dst(%dma_wait3A_89 : memref<128x64xf32, #tpu.memory_space<hbm>>)
    %add3A_94 = arith.constant 25344 : i32
    %add3A_95 = arith.addi %mul3A_2, %add3A_94 : i32
    %dma_wait3A_96 = arith.constant 2 : i32
    %dma_wait3A_97 = arith.constant 2 : i32
    %dma_wait3A_98 = arith.constant 0 : i32
    %dma_wait3A_99 = arith.constant 0 : i32
    %dma_wait3A_100 = tpu.memref_slice %arg7[%dma_wait3A_96, %dma_wait3A_98, %dma_wait3A_99] : memref<4x128x64xf32, #tpu.memory_space<vmem>> -> memref<1x128x64xf32, #tpu.memory_space<vmem>>
    %dma_wait3A_101 = tpu.memref_squeeze %dma_wait3A_100 : memref<1x128x64xf32, #tpu.memory_space<vmem>> -> memref<128x64xf32, #tpu.memory_space<vmem>>
    %dma_wait3A_102 = arith.constant 0 : i32
    %dma_wait3A_103 = tpu.memref_slice %arg4[%add3A_95, %dma_wait3A_102] : memref<819200x64xf32, #tpu.memory_space<hbm>> -> memref<128x64xf32, #tpu.memory_space<hbm>>
    %dma_wait3A_104 = tpu.memref_slice %arg9[%dma_wait3A_97] : memref<4x!tpu.dma_semaphore, #tpu.memory_space<semaphore_mem>> -> memref<1x!tpu.dma_semaphore, #tpu.memory_space<semaphore_mem>>
    %dma_wait3A_105 = tpu.memref_squeeze %dma_wait3A_104 : memref<1x!tpu.dma_semaphore, #tpu.memory_space<semaphore_mem>> -> memref<!tpu.dma_semaphore, #tpu.memory_space<semaphore_mem>>
    %dma_wait3A_106 = arith.constant 0 : i32
    %dma_wait3A_107 = tpu.memref_slice %arg4[%add3A_95, %dma_wait3A_106] : memref<819200x64xf32, #tpu.memory_space<hbm>> -> memref<128x64xf32, #tpu.memory_space<hbm>>
    %dma_wait3A_108 = arith.constant 0 : i32
    %dma_wait3A_109 = arith.constant 0 : i32
    %dma_wait3A_110 = tpu.memref_slice %arg7[%dma_wait3A_96, %dma_wait3A_108, %dma_wait3A_109] : memref<4x128x64xf32, #tpu.memory_space<vmem>> -> memref<1x128x64xf32, #tpu.memory_space<vmem>>
    %dma_wait3A_111 = tpu.memref_squeeze %dma_wait3A_110 : memref<1x128x64xf32, #tpu.memory_space<vmem>> -> memref<128x64xf32, #tpu.memory_space<vmem>>
    tpu.wait_dma2 semaphore(%dma_wait3A_105 : memref<!tpu.dma_semaphore, #tpu.memory_space<semaphore_mem>>) src(%dma_wait3A_111 : memref<128x64xf32, #tpu.memory_space<vmem>>) dst(%dma_wait3A_107 : memref<128x64xf32, #tpu.memory_space<hbm>>)
    %add3A_112 = arith.constant 25472 : i32
    %add3A_113 = arith.addi %mul3A_2, %add3A_112 : i32
    %dma_wait3A_114 = arith.constant 3 : i32
    %dma_wait3A_115 = arith.constant 3 : i32
    %dma_wait3A_116 = arith.constant 0 : i32
    %dma_wait3A_117 = arith.constant 0 : i32
    %dma_wait3A_118 = tpu.memref_slice %arg7[%dma_wait3A_114, %dma_wait3A_116, %dma_wait3A_117] : memref<4x128x64xf32, #tpu.memory_space<vmem>> -> memref<1x128x64xf32, #tpu.memory_space<vmem>>
    %dma_wait3A_119 = tpu.memref_squeeze %dma_wait3A_118 : memref<1x128x64xf32, #tpu.memory_space<vmem>> -> memref<128x64xf32, #tpu.memory_space<vmem>>
    %dma_wait3A_120 = arith.constant 0 : i32
    %dma_wait3A_121 = tpu.memref_slice %arg4[%add3A_113, %dma_wait3A_120] : memref<819200x64xf32, #tpu.memory_space<hbm>> -> memref<128x64xf32, #tpu.memory_space<hbm>>
    %dma_wait3A_122 = tpu.memref_slice %arg9[%dma_wait3A_115] : memref<4x!tpu.dma_semaphore, #tpu.memory_space<semaphore_mem>> -> memref<1x!tpu.dma_semaphore, #tpu.memory_space<semaphore_mem>>
    %dma_wait3A_123 = tpu.memref_squeeze %dma_wait3A_122 : memref<1x!tpu.dma_semaphore, #tpu.memory_space<semaphore_mem>> -> memref<!tpu.dma_semaphore, #tpu.memory_space<semaphore_mem>>
    %dma_wait3A_124 = arith.constant 0 : i32
    %dma_wait3A_125 = tpu.memref_slice %arg4[%add3A_113, %dma_wait3A_124] : memref<819200x64xf32, #tpu.memory_space<hbm>> -> memref<128x64xf32, #tpu.memory_space<hbm>>
    %dma_wait3A_126 = arith.constant 0 : i32
    %dma_wait3A_127 = arith.constant 0 : i32
    %dma_wait3A_128 = tpu.memref_slice %arg7[%dma_wait3A_114, %dma_wait3A_126, %dma_wait3A_127] : memref<4x128x64xf32, #tpu.memory_space<vmem>> -> memref<1x128x64xf32, #tpu.memory_space<vmem>>
    %dma_wait3A_129 = tpu.memref_squeeze %dma_wait3A_128 : memref<1x128x64xf32, #tpu.memory_space<vmem>> -> memref<128x64xf32, #tpu.memory_space<vmem>>
    tpu.wait_dma2 semaphore(%dma_wait3A_123 : memref<!tpu.dma_semaphore, #tpu.memory_space<semaphore_mem>>) src(%dma_wait3A_129 : memref<128x64xf32, #tpu.memory_space<vmem>>) dst(%dma_wait3A_125 : memref<128x64xf32, #tpu.memory_space<hbm>>)
    return
  }
}

</mosaic_0001>

<sc_bundles>
// kernel: kernel.3.cloned.1.call-start
scs
__scs_entry_jumppad:
0x0: {  	(pc) =	sbr.rel $0x88, $3  }
0x1: {  	(tag) =	ssettag $0x0;
	lr =	simm.s32 $0x1  }
0x2: {  	[smem:$0x3F9F] =	sst lr;
	_ =	strace $0xD0000000  }
0x3: {  	_ = 	snop  }
0x4: {  	_ = 	snop  }
0x5: {  	_ = 	snop  }
0x6: {  	_ = 	snop  }
0x7: {  	_ = 	snop  }
__scs_overlays_trampoline_lowered:
0x8: {  	[smem:$0x3FAE] =	sst s0  }
0x9: {  	[smem:$0x3FAF] =	sst s1  }
0xa: {  	[smem:$0x3FB0] =	sst s2  }
0xb: {  	[smem:$0x3FB1] =	sst s3  }
0xc: {  	[smem:$0x3FB2] =	sst s4  }
0xd: {  	[smem:$0x3FB3] =	sst s5  }
0xe: {  	[smem:$0x3FB4] =	sst s6  }
0xf: {  	[smem:$0x3FB5] =	sst s7  }
0x10: {  	[smem:$0x3FB6] =	sst s8  }
0x11: {  	[smem:$0x3FB7] =	sst s9;
	s0 =	simm.s32 @!p0 $0x0  }
0x12: {  	s1 =	sld [smem:$0x3F9D];
	s0 =	simm.s32 @p0 $0x1  }
0x13: {  	[smem:$0x3FB8] =	sst s0;
	s0 =	simm.s32 @!p1 $0x0  }
0x14: {  	s2 =	sld [smem:$0x3F9C];
	s0 =	simm.s32 @p1 $0x1  }
0x15: {  	[smem:$0x3FB9] =	sst s0;
	s0 =	simm.s32 @!p2 $0x0  }
0x16: {  	s3 =	sld [smem:$0x3FDB];
	s0 =	simm.s32 @p2 $0x1  }
0x17: {  	s4 =	simm.s32 $0x1BF5;
	[smem:$0x3FBB] =	sst s0  }
0x18: {  	s0 =	sld [smem:$0x3F9E];
	_ =	swait.ge [sflag:s4], $0x0  }
0x19: {  	s7 =	sld [smem:$0x3F9F]  }
0x1a: {  	s8 =	sadd.s32 $0xFFFFE003, lr  }
0x1b: {  	s9 =	sadd.s32 $0xFFFFFEF7, lr;
	s5 =	simm.s32 $0xFFFFFFFF;
	p2 =	slt.u32 s8, $0xFFFFF086  }
0x1c: {  	p1 =	slt.u32 s9, $0xF7A;
	s5 =	simm.s32 @!p2 $0x0  }
0x1d: {  	s5 =	simm.s32 @p1 $0x1;
	p0 =	seq.s32 s7, s2  }
0x1e: {  	s7 =	smul.u32 @!p0 $0xF7A, s2;
	p2 =	seq.s32 @!p0 s5, $0x0  }
0x1f: {  	s9 =	smul.u32 $0xF7A, s1;
	s8 =	simm.s32 @!p0 $0x1BF5;
	p2 =	por !p2, p0  }
0x20: {  	[sflag:s8] =	ssyncset.s32 @!p0 $0xFFFFF086;
	s6 =	sadd.s32 @!p0 s3, s7;
	s7 =	simm.s32 @!p0 $0x108  }
0x21: {  	s3 =	sadd.s32 s3, s9;
	s6 =	sadd.s32 @!p0 $0x88, s6;
	s7 =	simm.s32 @p2 $0x1082  }
0x22: {  	[simem:s7], [sflag:s8] =	dma.local @!p0 [hbm:s6], $0xF7A  }
0x23: {  	s9 =	sor.u32 $0xD0000000, s2;
	s6 =	simm.s32 $0x108;
	_ =	swait.ge @!p0 [sflag:s8], $0x0  }
0x24: {  	s3 =	sadd.s32 $0x88, s3;
	s6 =	simm.s32 @!p1 $0x1082;
	[sflag:s4] =	ssyncset.s32 $0xFFFFF086  }
0x25: {  	[simem:s6], [sflag:s4] =	dma.local [hbm:s3], $0xF7A  }
0x26: {  	[smem:$0x3F9F] =	sst s1;
	(tag) =	ssettag s2;
	_ =	strace s9  }
0x27: {  	s1 =	sld [smem:$0x3FAF]  }
0x28: {  	s2 =	sld [smem:$0x3FB0]  }
0x29: {  	s4 =	sld [smem:$0x3FB2]  }
0x2a: {  	p0 =	seq.s32 s5, $0x0;
	s5 =	sld [smem:$0x3FB3]  }
0x2b: {  	s6 =	sld [smem:$0x3FB4]  }
0x2c: {  	s7 =	sld [smem:$0x3FB5]  }
0x2d: {  	s3 =	simm.s32 $0x108;
	s8 =	sld [smem:$0x3FB6]  }
0x2e: {  	s3 =	simm.s32 @!p0 $0x1082;
	s9 =	sld [smem:$0x3FB7]  }
0x2f: {  	lr =	sadd.s32 s0, s3;
	s0 =	sld [smem:$0x3FAE]  }
0x30: {  	s3 =	sld [smem:$0x3FB1]  }
0x31: {  	[smem:$0x3FBA] =	sst s10  }
0x32: {  	s10 =	sld [smem:$0x3FB8];
	_ =	sdelay $0x3  }
0x33: {  	p0 =	seq.s32 s10, $0x1;
	s10 =	sld [smem:$0x3FBA];
	_ =	sdelay $0x3  }
0x34: {  	[smem:$0x3FBA] =	sst s10  }
0x35: {  	s10 =	sld [smem:$0x3FB9];
	_ =	sdelay $0x3  }
0x36: {  	p1 =	seq.s32 s10, $0x1;
	s10 =	sld [smem:$0x3FBA];
	_ =	sdelay $0x3  }
0x37: {  	[smem:$0x3FBA] =	sst s10  }
0x38: {  	s10 =	sld [smem:$0x3FBB]  }
0x39: {  	_ = 	snop;
	(pc) =	sbr.ind lr, $3  }
0x3a: {  	_ = 	snop  }
0x3b: {  	_ = 	snop  }
0x3c: {  	p2 =	seq.s32 s10, $0x1;
	s10 =	sld [smem:$0x3FBA]  }
0x3d: {  	_ =	shalt  }
0x3e: {  	_ =	shalt  }
0x3f: {  	_ =	shalt  }
0x40: {  	_ =	shalt  }
0x41: {  	_ =	shalt  }
0x42: {  	_ =	shalt  }
0x43: {  	_ =	shalt  }
0x44: {  	_ =	shalt  }
0x45: {  	_ =	shalt  }
0x46: {  	_ =	shalt  }
0x47: {  	_ =	shalt  }
0x48: {  	_ =	shalt  }
0x49: {  	_ =	shalt  }
0x4a: {  	_ =	shalt  }
0x4b: {  	_ =	shalt  }
0x4c: {  	_ =	shalt  }
0x4d: {  	_ =	shalt  }
0x4e: {  	_ =	shalt  }
0x4f: {  	_ =	shalt  }
0x50: {  	_ =	shalt  }
0x51: {  	_ =	shalt  }
0x52: {  	_ =	shalt  }
0x53: {  	_ =	shalt  }
0x54: {  	_ =	shalt  }
0x55: {  	_ =	shalt  }
0x56: {  	_ =	shalt  }
0x57: {  	_ =	shalt  }
0x58: {  	_ =	shalt  }
0x59: {  	_ =	shalt  }
0x5a: {  	_ =	shalt  }
0x5b: {  	_ =	shalt  }
0x5c: {  	_ =	shalt  }
0x5d: {  	_ =	shalt  }
0x5e: {  	_ =	shalt  }
0x5f: {  	_ =	shalt  }
0x60: {  	_ =	shalt  }
0x61: {  	_ =	shalt  }
0x62: {  	_ =	shalt  }
0x63: {  	_ =	shalt  }
0x64: {  	_ =	shalt  }
0x65: {  	_ =	shalt  }
0x66: {  	_ =	shalt  }
0x67: {  	_ =	shalt  }
0x68: {  	_ =	shalt  }
0x69: {  	_ =	shalt  }
0x6a: {  	_ =	shalt  }
0x6b: {  	_ =	shalt  }
0x6c: {  	_ =	shalt  }
0x6d: {  	_ =	shalt  }
0x6e: {  	_ =	shalt  }
0x6f: {  	_ =	shalt  }
0x70: {  	_ =	shalt  }
0x71: {  	_ =	shalt  }
0x72: {  	_ =	shalt  }
0x73: {  	_ =	shalt  }
0x74: {  	_ =	shalt  }
0x75: {  	_ =	shalt  }
0x76: {  	_ =	shalt  }
0x77: {  	_ =	shalt  }
0x78: {  	_ =	shalt  }
0x79: {  	_ =	shalt  }
0x7a: {  	_ =	shalt  }
0x7b: {  	_ =	shalt  }
0x7c: {  	_ =	shalt  }
0x7d: {  	_ =	shalt  }
0x7e: {  	_ =	shalt  }
0x7f: {  	_ =	shalt  }
0x80: {  	_ =	shalt  }
0x81: {  	_ =	shalt  }
0x82: {  	_ =	shalt  }
0x83: {  	_ =	shalt  }
0x84: {  	_ =	shalt  }
0x85: {  	_ =	shalt  }
0x86: {  	_ =	shalt  }
0x87: {  	_ =	shalt  }
.Lfunc_end0:
.L_simem_size_0:
called_computation.1_lowered:
.L_overlay_start_0:
0x88: {  	s2 =	sld [smem:$0x3FD9]  }
0x89: {  	s3 =	sld [smem:$0x3FFE];
	_ =	sdelay $0x1  }
0x8a: {  	s1 =	srdreg.scid  }
0x8b: {  	s0 =	sand.u32 $0x1, s1  }
0x8c: {  	s17 =	sshll.u32 s0, $0xA;
	s2 =	sadd.s32 s3, s2  }
0x8d: {  	s2 =	sadd.s32 s2, s17  }
0x8e: {  	[smem:$0x3FC6] =	sst s2  }
0x8f: {  	_ = 	snop  }
0x90: {  	s2 =	sld [smem:$0x3FD0];
	(tm) =	ssettm $0x1  }
0x91: {  	s18 =	sld [smem:$0x3FFB];
	_ =	sdelay $0x3  }
0x92: {  	_ =	strace s18  }
0x93: {  	s3 =	sld [smem:$0x3FFC];
	_ =	sdelay $0x3  }
0x94: {  	_ =	strace s3  }
0x95: {  	s3 =	sld [smem:$0x3FFD];
	_ =	sdelay $0x3  }
0x96: {  	_ =	strace s3  }
0x97: {  	_ =	strace $0x8FFFFFFF  }
0x98: {  	s19 =	sld [smem:$0x3FDB];
	_ =	sdelay $0x1  }
0x99: {  	s4 =	simm.s32 $_scs_section_size  }
0x9a: {  	s5 =	simm.s32 $_size__tile_overlayer_lowered;
	s6 =	simm.s32 $_tile_overlayer_lowered  }
0x9b: {  	s22 =	simm.s32 $0x1BFF;
	s21 =	sshll.u32 s6, $0x1;
	s3 =	sadd.s32 s4, s19  }
0x9c: {  	s7 =	simm.s32 $0x0;
	s20 =	sshll.u32 s5, $0x1;
	s5 =	sadd.s32 s21, s3  }
0x9d: {  	[timem:s7], [sflag:s22] =	dma.local [hbm:s5], s20  }
0x9e: {  	_ =	swait.ge [sflag:s22], s20  }
0x9f: {  	s4 =	ssub.s32 $0x0, s20;
	[sflag:s22] =	ssyncset.done $0x0  }
0xa0: {  	[sflag:s22] =	ssyncadd.s32 s4;
	_ =	sdelay $0x1  }
0xa1: {  	s23 =	simm.s32 $0x1B8B  }
0xa2: {  	_ =	swait.ge [sflag:s23], $0x1  }
0xa3: {  	[sflag:s23] =	ssyncset.done $0x0  }
0xa4: {  	s25 =	simm.s32 $0x1B8E;
	s24 =	sld [smem:$0x3FFE];
	[sflag:s23] =	ssyncadd.s32 $0xFFFFFFFF  }
0xa5: {  	s26 =	simm.s32 $execute0_lowered;
	[smem:$0x3FD2] =	sst s25  }
0xa6: {  	s5 =	sshll.u32 s26, $0x1;
	_ =	strace $0x80000046;
	[dreg:$0x1] =	wrdreg $0xFFFFFFFF  }
0xa7: {  	s28 =	simm.s32 $_size_execute0_lowered;
	s3 =	sadd.s32 s3, s5;
	[dreg:$0x0] =	wrdreg $0x0  }
0xa8: {  	s5 =	sshll.u32 s28, $0x1;
	[dreg:$0x2] =	wrdreg s3  }
0xa9: {  	[dreg:$0x3] =	wrdreg s5  }
0xaa: {  	[dreg:$0x4] =	wrdreg $0xC0  }
0xab: {  	_ =	task [dreg:s7], $0x5FFFF  }
0xac: {  	[dreg:$0x1] =	wrdreg $0xFFFFFFFF  }
0xad: {  	[dreg:$0x0] =	wrdreg $0x60  }
0xae: {  	[dreg:$0x2] =	wrdreg s24  }
0xaf: {  	[dreg:$0x3] =	wrdreg s2  }
0xb0: {  	[dreg:$0x4] =	wrdreg $0x9  }
0xb1: {  	_ =	task.clear_ibuf [dreg:s7], $0x5FFFF;
	_ =	strace $0x90000046  }
0xb2: {  	s29 =	simm.s32 $0x9;
	_ =	strace $0x80000048  }
0xb3: {  	_ =	swait.ge [sflag:s29], $0x1  }
0xb4: {  	[sflag:s29] =	ssyncadd.s32 $0xFFFFFFFF  }
0xb5: {  	_ =	strace $0x90000048  }
0xb6: {  	_ =	sfence  }
0xb7: {  	s30 =	sld [smem:$0x0];
	_ =	sdelay $0x2  }
0xb8: {  	s31 =	sshll.u32 s1, $0xD;
	s1 =	sshrl.u32 s1, $0x2  }
0xb9: {  	s3 =	sand.u32 $0x4000, s31;
	s1 =	sadd.s32 s1, s30  }
0xba: {  	s0 =	sor.u32 s3, s0;
	s1 =	sshll.u32 s1, $0x11  }
0xbb: {  	s0 =	sor.u32 s1, s0  }
0xbc: {  	s0 =	sadd.s32 $0x8F2B, s0  }
0xbd: {  	[sflag:s0] =	ssyncadd.remote.s32 $0x1  }
0xbe: {  	_ =	sfence.sel $0xFFFF  }
0xbf: {  	[dreg:$0x0] =	wrdreg $0xFFFFFFFF;
	(pc) =	sbr.abs _section_cstart, $3  }
0xc0: {  	[dreg:$0x1] =	wrdreg $0xFFFFFFFF  }
0xc1: {  	_ =	task.clear_ibuf [dreg:s7], $0x2FFFF;
	_ =	strace $0x9FFFFFFF  }
0xc2: {  	(tm) =	ssettm $0x7FFFFFFF  }
0xc3: {  	_ =	shalt  }
tec
execute0_lowered:
.L_overlay_start_1:
0x0: {  	(tag) =	ssettag $0x1  }
0x1: {  	s0 =	srdreg.scid  }
0x2: {  	s1 =	stileid.u32;
	s4 =	rddreg [dreg:$0x0]  }
0x3: {  	s2 =	rddreg [dreg:$0x1];
	s3 =	simm.s32 $0x0;
	s11 =	simm.s32 $0x9  }
0x4: {  	s12 =	simm.s32 $0x80;
	s19 =	simm.s32 $0x1;
	s20 =	simm.s32 $0xE400  }
0x5: {  	s21 =	simm.s32 $0x2;
	s22 =	simm.s32 $0x10400;
	s23 =	simm.s32 $0x3  }
0x6: {  	s24 =	simm.s32 $0x12400;
	s25 =	simm.s32 $0x4;
	s28 =	simm.s32 $0x5  }
0x7: {  	s29 =	simm.s32 $0x6;
	s0 =	sand.u32 $0x1, s0;
	s1 =	sshll.u32 s1, $0x1  }
0x8: {  	s30 =	simm.s32 $0x7;
	s1 =	sor.u32 s0, s1;
	s0 =	ssub.s32 $0x2, s0  }
0x9: {  	[smem:$0x7FF] =	sst s3;
	s9 =	smul.u32 $0x6400, s1;
	s7 =	sshrl.u32 s0, $0x1  }
0xa: {  	s31 =	simm.s32 $0x8;
	_ =	strace $0x80000047;
	s0 =	ssub.s32 s0, s7  }
0xb: {  	s5 =	sshrl.u32 s9, $0x3;
	s7 =	sor.u32 $0x80, s9;
	s9 =	sor.u32 $0x180, s9  }
0xc: {  	s10 =	smax.u32 s0, $0x1;
	s6 =	sadd.s32 s5, s4;
	s5 =	smul.u32 $0x190000, s1  }
0xd: {  	s4 =	sadd.s32 $0xF42E00, s4;
	s1 =	simm.s32 $0x0;
	s26 =	sadd.s32 $0xA00, s6  }
0xe: {  	[dreg:$0x3] =	wrdreg s26;
	s8 =	sor.u32 $0x4000, s5;
	s26 =	simm.s32 $0x14400  }
.LBB2_1:
0xf: {  	s0 =	rddreg [dreg:$0x3]  }
0x10: {  	[tilespmem:s3], [sflag:$0x9] =	stream.linear.gather [hbm4b:s0+s3], $0x6400, $0x38;
	[tilespmem:$0x16400] =	vst v63  }
0x11: {  	_ =	swait.ge [sflag:s11], $0x6400  }
0x12: {  	[sflag:s11] =	ssyncset.done $0x0  }
0x13: {  	s14 =	simm.s32 $0x6400;
	[sflag:s11] =	ssyncadd.s32 $0xFFFF9C00  }
0x14: {  	[tilespmem:s14], [sflag:$0x1] =	stream.indirect.gather [hbm4b:s4+s12], $0x40, s3, s12, $0xb8;
	[tilespmem:$0x16400] =	vst v63  }
0x15: {  	s15 =	simm.s32 $0x8400  }
0x16: {  	[tilespmem:s15], [sflag:$0x2] =	stream.indirect.gather [hbm4b:s4+s12], $0x40, s12, s12, $0xb8;
	[tilespmem:$0x16400] =	vst v63  }
0x17: {  	s16 =	simm.s32 $0x100;
	s6 =	simm.s32 $0xA400  }
0x18: {  	[tilespmem:s6], [sflag:$0x3] =	stream.indirect.gather [hbm4b:s4+s12], $0x40, s16, s12, $0xb8;
	[tilespmem:$0x16400] =	vst v63  }
0x19: {  	s17 =	simm.s32 $0x180;
	s18 =	simm.s32 $0xC400;
	s0 =	simm.s32 $0x0  }
0x1a: {  	[tilespmem:s18], [sflag:$0x4] =	stream.indirect.gather [hbm4b:s4+s12], $0x40, s17, s12, $0xb8;
	[tilespmem:$0x16400] =	vst v63  }
.LBB2_2:
0x1b: {  	_ =	swait.ge [sflag:s19], $0x2000  }
0x1c: {  	p0 =	seq.s32 s0, $0x0;
	[sflag:s19] =	ssyncset.done $0x0  }
0x1d: {  	s13 =	simm.s32 @!p0 $0x5;
	[sflag:s19] =	ssyncadd.s32 $0xFFFFE000  }
0x1e: {  	_ =	swait.ge @!p0 [sflag:s13], $0x2000  }
0x1f: {  	[sflag:s13] =	ssyncset.done @!p0 $0x0  }
0x20: {  	s14 =	simm.s32 $0x6500;
	[sflag:s13] =	ssyncadd.s32 @!p0 $0xFFFFE000  }
0x21: {  	v0 =	vld [tilespmem:s14+$0xFFFFFF00];
	_ =	sdelay $0x4  }
0x22: {  	v0 =	vmul.f32 $1.200000000e+01, v0  }
0x23: {  	s13 =	simm.s32 $0xE500  }
0x24: {  	[tilespmem:s13+$0xFFFFFF00] =	vst v0  }
0x25: {  	v0 =	vld [tilespmem:s14+$0xFFFFFF10];
	_ =	sdelay $0x4  }
0x26: {  	v0 =	vmul.f32 $1.200000000e+01, v0;
	_ =	sdelay $0x1  }
0x27: {  	[tilespmem:s13+$0xFFFFFF10] =	vst v0  }
0x28: {  	v0 =	vld [tilespmem:s14+$0xFFFFFF20];
	_ =	sdelay $0x4  }
0x29: {  	v0 =	vmul.f32 $1.200000000e+01, v0;
	_ =	sdelay $0x1  }
0x2a: {  	[tilespmem:s13+$0xFFFFFF20] =	vst v0  }
0x2b: {  	v0 =	vld [tilespmem:s14+$0xFFFFFF30];
	_ =	sdelay $0x4  }
0x2c: {  	v0 =	vmul.f32 $1.200000000e+01, v0;
	_ =	sdelay $0x1  }
0x2d: {  	[tilespmem:s13+$0xFFFFFF30] =	vst v0  }
0x2e: {  	v0 =	vld [tilespmem:s14+$0xFFFFFF40];
	_ =	sdelay $0x4  }
0x2f: {  	v0 =	vmul.f32 $1.200000000e+01, v0;
	_ =	sdelay $0x1  }
0x30: {  	[tilespmem:s13+$0xFFFFFF40] =	vst v0  }
0x31: {  	v0 =	vld [tilespmem:s14+$0xFFFFFF50];
	_ =	sdelay $0x4  }
0x32: {  	v0 =	vmul.f32 $1.200000000e+01, v0;
	_ =	sdelay $0x1  }
0x33: {  	[tilespmem:s13+$0xFFFFFF50] =	vst v0  }
0x34: {  	v0 =	vld [tilespmem:s14+$0xFFFFFF60];
	_ =	sdelay $0x4  }
0x35: {  	v0 =	vmul.f32 $1.200000000e+01, v0;
	_ =	sdelay $0x1  }
0x36: {  	[tilespmem:s13+$0xFFFFFF60] =	vst v0  }
0x37: {  	v0 =	vld [tilespmem:s14+$0xFFFFFF70];
	_ =	sdelay $0x4  }
0x38: {  	v0 =	vmul.f32 $1.200000000e+01, v0;
	_ =	sdelay $0x1  }
0x39: {  	[tilespmem:s13+$0xFFFFFF70] =	vst v0  }
0x3a: {  	v0 =	vld [tilespmem:s14+$0xFFFFFF80];
	_ =	sdelay $0x4  }
0x3b: {  	v0 =	vmul.f32 $1.200000000e+01, v0;
	_ =	sdelay $0x1  }
0x3c: {  	[tilespmem:s13+$0xFFFFFF80] =	vst v0  }
0x3d: {  	v0 =	vld [tilespmem:s14+$0xFFFFFF90];
	_ =	sdelay $0x4  }
0x3e: {  	v0 =	vmul.f32 $1.200000000e+01, v0;
	_ =	sdelay $0x1  }
0x3f: {  	[tilespmem:s13+$0xFFFFFF90] =	vst v0  }
0x40: {  	v0 =	vld [tilespmem:s14+$0xFFFFFFA0];
	_ =	sdelay $0x4  }
0x41: {  	v0 =	vmul.f32 $1.200000000e+01, v0;
	_ =	sdelay $0x1  }
0x42: {  	[tilespmem:s13+$0xFFFFFFA0] =	vst v0  }
0x43: {  	v0 =	vld [tilespmem:s14+$0xFFFFFFB0];
	_ =	sdelay $0x4  }
0x44: {  	v0 =	vmul.f32 $1.200000000e+01, v0;
	_ =	sdelay $0x1  }
0x45: {  	[tilespmem:s13+$0xFFFFFFB0] =	vst v0  }
0x46: {  	v0 =	vld [tilespmem:s14+$0xFFFFFFC0];
	_ =	sdelay $0x4  }
0x47: {  	v0 =	vmul.f32 $1.200000000e+01, v0;
	_ =	sdelay $0x1  }
0x48: {  	[tilespmem:s13+$0xFFFFFFC0] =	vst v0  }
0x49: {  	v0 =	vld [tilespmem:s14+$0xFFFFFFD0];
	_ =	sdelay $0x4  }
0x4a: {  	v0 =	vmul.f32 $1.200000000e+01, v0;
	_ =	sdelay $0x1  }
0x4b: {  	[tilespmem:s13+$0xFFFFFFD0] =	vst v0  }
0x4c: {  	v0 =	vld [tilespmem:s14+$0xFFFFFFE0];
	_ =	sdelay $0x4  }
0x4d: {  	v0 =	vmul.f32 $1.200000000e+01, v0;
	_ =	sdelay $0x1  }
0x4e: {  	[tilespmem:s13+$0xFFFFFFE0] =	vst v0  }
0x4f: {  	v0 =	vld [tilespmem:s14+$0xFFFFFFF0];
	_ =	sdelay $0x4  }
0x50: {  	v0 =	vmul.f32 $1.200000000e+01, v0;
	_ =	sdelay $0x1  }
0x51: {  	[tilespmem:s13+$0xFFFFFFF0] =	vst v0  }
0x52: {  	v0 =	vld [tilespmem:s14+$0x0];
	_ =	sdelay $0x4  }
0x53: {  	v0 =	vmul.f32 $1.200000000e+01, v0;
	_ =	sdelay $0x1  }
0x54: {  	[tilespmem:s13+$0x0] =	vst v0  }
0x55: {  	v0 =	vld [tilespmem:s14+$0x10];
	_ =	sdelay $0x4  }
0x56: {  	v0 =	vmul.f32 $1.200000000e+01, v0;
	_ =	sdelay $0x1  }
0x57: {  	[tilespmem:s13+$0x10] =	vst v0  }
0x58: {  	v0 =	vld [tilespmem:s14+$0x20];
	_ =	sdelay $0x4  }
0x59: {  	v0 =	vmul.f32 $1.200000000e+01, v0;
	_ =	sdelay $0x1  }
0x5a: {  	[tilespmem:s13+$0x20] =	vst v0  }
0x5b: {  	v0 =	vld [tilespmem:s14+$0x30];
	_ =	sdelay $0x4  }
0x5c: {  	v0 =	vmul.f32 $1.200000000e+01, v0;
	_ =	sdelay $0x1  }
0x5d: {  	[tilespmem:s13+$0x30] =	vst v0  }
0x5e: {  	v0 =	vld [tilespmem:s14+$0x40];
	_ =	sdelay $0x4  }
0x5f: {  	v0 =	vmul.f32 $1.200000000e+01, v0;
	_ =	sdelay $0x1  }
0x60: {  	[tilespmem:s13+$0x40] =	vst v0  }
0x61: {  	v0 =	vld [tilespmem:s14+$0x50];
	_ =	sdelay $0x4  }
0x62: {  	v0 =	vmul.f32 $1.200000000e+01, v0;
	_ =	sdelay $0x1  }
0x63: {  	[tilespmem:s13+$0x50] =	vst v0  }
0x64: {  	v0 =	vld [tilespmem:s14+$0x60];
	_ =	sdelay $0x4  }
0x65: {  	v0 =	vmul.f32 $1.200000000e+01, v0;
	_ =	sdelay $0x1  }
0x66: {  	[tilespmem:s13+$0x60] =	vst v0  }
0x67: {  	v0 =	vld [tilespmem:s14+$0x70];
	_ =	sdelay $0x4  }
0x68: {  	v0 =	vmul.f32 $1.200000000e+01, v0;
	_ =	sdelay $0x1  }
0x69: {  	[tilespmem:s13+$0x70] =	vst v0  }
0x6a: {  	v0 =	vld [tilespmem:s14+$0x80];
	_ =	sdelay $0x4  }
0x6b: {  	v0 =	vmul.f32 $1.200000000e+01, v0;
	_ =	sdelay $0x1  }
0x6c: {  	[tilespmem:s13+$0x80] =	vst v0  }
0x6d: {  	v0 =	vld [tilespmem:s14+$0x90];
	_ =	sdelay $0x4  }
0x6e: {  	v0 =	vmul.f32 $1.200000000e+01, v0;
	_ =	sdelay $0x1  }
0x6f: {  	[tilespmem:s13+$0x90] =	vst v0  }
0x70: {  	v0 =	vld [tilespmem:s14+$0xA0];
	_ =	sdelay $0x4  }
0x71: {  	v0 =	vmul.f32 $1.200000000e+01, v0;
	_ =	sdelay $0x1  }
0x72: {  	[tilespmem:s13+$0xA0] =	vst v0  }
0x73: {  	v0 =	vld [tilespmem:s14+$0xB0];
	_ =	sdelay $0x4  }
0x74: {  	v0 =	vmul.f32 $1.200000000e+01, v0;
	_ =	sdelay $0x1  }
0x75: {  	[tilespmem:s13+$0xB0] =	vst v0  }
0x76: {  	v0 =	vld [tilespmem:s14+$0xC0];
	_ =	sdelay $0x4  }
0x77: {  	v0 =	vmul.f32 $1.200000000e+01, v0;
	_ =	sdelay $0x1  }
0x78: {  	[tilespmem:s13+$0xC0] =	vst v0  }
0x79: {  	v0 =	vld [tilespmem:s14+$0xD0];
	_ =	sdelay $0x4  }
0x7a: {  	v0 =	vmul.f32 $1.200000000e+01, v0;
	_ =	sdelay $0x1  }
0x7b: {  	[tilespmem:s13+$0xD0] =	vst v0  }
0x7c: {  	v0 =	vld [tilespmem:s14+$0xE0];
	_ =	sdelay $0x4  }
0x7d: {  	v0 =	vmul.f32 $1.200000000e+01, v0;
	_ =	sdelay $0x1  }
0x7e: {  	[tilespmem:s13+$0xE0] =	vst v0  }
0x7f: {  	v0 =	vld [tilespmem:s14+$0xF0];
	_ =	sdelay $0x4  }
0x80: {  	v0 =	vmul.f32 $1.200000000e+01, v0;
	_ =	sdelay $0x1  }
0x81: {  	s15 =	simm.s32 $0x0;
	s16 =	simm.s32 $0x6700;
	s14 =	sshll.u32 s0, $0xB;
	[tilespmem:s13+$0xF0] =	vst v0  }
.LBB2_3:
0x82: {  	v0 =	vld [tilespmem:s16+$0xFFFFFF00];
	s15 =	sadd.s32 $0x2, s15  }
0x83: {  	p1 =	slt.u32 s15, $0x1E;
	_ =	sdelay $0x3  }
0x84: {  	v0 =	vmul.f32 $1.200000000e+01, v0  }
0x85: {  	s13 =	sadd.s32 $0x200, s13  }
0x86: {  	[tilespmem:s13+$0xFFFFFF00] =	vst v0  }
0x87: {  	v0 =	vld [tilespmem:s16+$0xFFFFFF10];
	_ =	sdelay $0x4  }
0x88: {  	v0 =	vmul.f32 $1.200000000e+01, v0;
	_ =	sdelay $0x1  }
0x89: {  	[tilespmem:s13+$0xFFFFFF10] =	vst v0  }
0x8a: {  	v0 =	vld [tilespmem:s16+$0xFFFFFF20];
	_ =	sdelay $0x4  }
0x8b: {  	v0 =	vmul.f32 $1.200000000e+01, v0;
	_ =	sdelay $0x1  }
0x8c: {  	[tilespmem:s13+$0xFFFFFF20] =	vst v0  }
0x8d: {  	v0 =	vld [tilespmem:s16+$0xFFFFFF30];
	_ =	sdelay $0x4  }
0x8e: {  	v0 =	vmul.f32 $1.200000000e+01, v0;
	_ =	sdelay $0x1  }
0x8f: {  	[tilespmem:s13+$0xFFFFFF30] =	vst v0  }
0x90: {  	v0 =	vld [tilespmem:s16+$0xFFFFFF40];
	_ =	sdelay $0x4  }
0x91: {  	v0 =	vmul.f32 $1.200000000e+01, v0;
	_ =	sdelay $0x1  }
0x92: {  	[tilespmem:s13+$0xFFFFFF40] =	vst v0  }
0x93: {  	v0 =	vld [tilespmem:s16+$0xFFFFFF50];
	_ =	sdelay $0x4  }
0x94: {  	v0 =	vmul.f32 $1.200000000e+01, v0;
	_ =	sdelay $0x1  }
0x95: {  	[tilespmem:s13+$0xFFFFFF50] =	vst v0  }
0x96: {  	v0 =	vld [tilespmem:s16+$0xFFFFFF60];
	_ =	sdelay $0x4  }
0x97: {  	v0 =	vmul.f32 $1.200000000e+01, v0;
	_ =	sdelay $0x1  }
0x98: {  	[tilespmem:s13+$0xFFFFFF60] =	vst v0  }
0x99: {  	v0 =	vld [tilespmem:s16+$0xFFFFFF70];
	_ =	sdelay $0x4  }
0x9a: {  	v0 =	vmul.f32 $1.200000000e+01, v0;
	_ =	sdelay $0x1  }
0x9b: {  	[tilespmem:s13+$0xFFFFFF70] =	vst v0  }
0x9c: {  	v0 =	vld [tilespmem:s16+$0xFFFFFF80];
	_ =	sdelay $0x4  }
0x9d: {  	v0 =	vmul.f32 $1.200000000e+01, v0;
	_ =	sdelay $0x1  }
0x9e: {  	[tilespmem:s13+$0xFFFFFF80] =	vst v0  }
0x9f: {  	v0 =	vld [tilespmem:s16+$0xFFFFFF90];
	_ =	sdelay $0x4  }
0xa0: {  	v0 =	vmul.f32 $1.200000000e+01, v0;
	_ =	sdelay $0x1  }
0xa1: {  	[tilespmem:s13+$0xFFFFFF90] =	vst v0  }
0xa2: {  	v0 =	vld [tilespmem:s16+$0xFFFFFFA0];
	_ =	sdelay $0x4  }
0xa3: {  	v0 =	vmul.f32 $1.200000000e+01, v0;
	_ =	sdelay $0x1  }
0xa4: {  	[tilespmem:s13+$0xFFFFFFA0] =	vst v0  }
0xa5: {  	v0 =	vld [tilespmem:s16+$0xFFFFFFB0];
	_ =	sdelay $0x4  }
0xa6: {  	v0 =	vmul.f32 $1.200000000e+01, v0;
	_ =	sdelay $0x1  }
0xa7: {  	[tilespmem:s13+$0xFFFFFFB0] =	vst v0  }
0xa8: {  	v0 =	vld [tilespmem:s16+$0xFFFFFFC0];
	_ =	sdelay $0x4  }
0xa9: {  	v0 =	vmul.f32 $1.200000000e+01, v0;
	_ =	sdelay $0x1  }
0xaa: {  	[tilespmem:s13+$0xFFFFFFC0] =	vst v0  }
0xab: {  	v0 =	vld [tilespmem:s16+$0xFFFFFFD0];
	_ =	sdelay $0x4  }
0xac: {  	v0 =	vmul.f32 $1.200000000e+01, v0;
	_ =	sdelay $0x1  }
0xad: {  	[tilespmem:s13+$0xFFFFFFD0] =	vst v0  }
0xae: {  	v0 =	vld [tilespmem:s16+$0xFFFFFFE0];
	_ =	sdelay $0x4  }
0xaf: {  	v0 =	vmul.f32 $1.200000000e+01, v0;
	_ =	sdelay $0x1  }
0xb0: {  	[tilespmem:s13+$0xFFFFFFE0] =	vst v0  }
0xb1: {  	v0 =	vld [tilespmem:s16+$0xFFFFFFF0];
	_ =	sdelay $0x4  }
0xb2: {  	v0 =	vmul.f32 $1.200000000e+01, v0;
	_ =	sdelay $0x1  }
0xb3: {  	[tilespmem:s13+$0xFFFFFFF0] =	vst v0  }
0xb4: {  	v0 =	vld [tilespmem:s16+$0x0];
	_ =	sdelay $0x4  }
0xb5: {  	v0 =	vmul.f32 $1.200000000e+01, v0;
	_ =	sdelay $0x1  }
0xb6: {  	[tilespmem:s13+$0x0] =	vst v0  }
0xb7: {  	v0 =	vld [tilespmem:s16+$0x10];
	_ =	sdelay $0x4  }
0xb8: {  	v0 =	vmul.f32 $1.200000000e+01, v0;
	_ =	sdelay $0x1  }
0xb9: {  	[tilespmem:s13+$0x10] =	vst v0  }
0xba: {  	v0 =	vld [tilespmem:s16+$0x20];
	_ =	sdelay $0x4  }
0xbb: {  	v0 =	vmul.f32 $1.200000000e+01, v0;
	_ =	sdelay $0x1  }
0xbc: {  	[tilespmem:s13+$0x20] =	vst v0  }
0xbd: {  	v0 =	vld [tilespmem:s16+$0x30];
	_ =	sdelay $0x4  }
0xbe: {  	v0 =	vmul.f32 $1.200000000e+01, v0;
	_ =	sdelay $0x1  }
0xbf: {  	[tilespmem:s13+$0x30] =	vst v0  }
0xc0: {  	v0 =	vld [tilespmem:s16+$0x40];
	_ =	sdelay $0x4  }
0xc1: {  	v0 =	vmul.f32 $1.200000000e+01, v0;
	_ =	sdelay $0x1  }
0xc2: {  	[tilespmem:s13+$0x40] =	vst v0  }
0xc3: {  	v0 =	vld [tilespmem:s16+$0x50];
	_ =	sdelay $0x4  }
0xc4: {  	v0 =	vmul.f32 $1.200000000e+01, v0;
	_ =	sdelay $0x1  }
0xc5: {  	[tilespmem:s13+$0x50] =	vst v0  }
0xc6: {  	v0 =	vld [tilespmem:s16+$0x60];
	_ =	sdelay $0x4  }
0xc7: {  	v0 =	vmul.f32 $1.200000000e+01, v0;
	_ =	sdelay $0x1  }
0xc8: {  	[tilespmem:s13+$0x60] =	vst v0  }
0xc9: {  	v0 =	vld [tilespmem:s16+$0x70];
	_ =	sdelay $0x4  }
0xca: {  	v0 =	vmul.f32 $1.200000000e+01, v0;
	_ =	sdelay $0x1  }
0xcb: {  	[tilespmem:s13+$0x70] =	vst v0  }
0xcc: {  	v0 =	vld [tilespmem:s16+$0x80];
	_ =	sdelay $0x4  }
0xcd: {  	v0 =	vmul.f32 $1.200000000e+01, v0;
	_ =	sdelay $0x1  }
0xce: {  	[tilespmem:s13+$0x80] =	vst v0  }
0xcf: {  	v0 =	vld [tilespmem:s16+$0x90];
	_ =	sdelay $0x4  }
0xd0: {  	v0 =	vmul.f32 $1.200000000e+01, v0;
	_ =	sdelay $0x1  }
0xd1: {  	[tilespmem:s13+$0x90] =	vst v0  }
0xd2: {  	v0 =	vld [tilespmem:s16+$0xA0];
	_ =	sdelay $0x4  }
0xd3: {  	v0 =	vmul.f32 $1.200000000e+01, v0;
	_ =	sdelay $0x1  }
0xd4: {  	[tilespmem:s13+$0xA0] =	vst v0  }
0xd5: {  	v0 =	vld [tilespmem:s16+$0xB0];
	_ =	sdelay $0x4  }
0xd6: {  	v0 =	vmul.f32 $1.200000000e+01, v0;
	_ =	sdelay $0x1  }
0xd7: {  	[tilespmem:s13+$0xB0] =	vst v0  }
0xd8: {  	v0 =	vld [tilespmem:s16+$0xC0];
	_ =	sdelay $0x4  }
0xd9: {  	v0 =	vmul.f32 $1.200000000e+01, v0;
	_ =	sdelay $0x1  }
0xda: {  	[tilespmem:s13+$0xC0] =	vst v0  }
0xdb: {  	v0 =	vld [tilespmem:s16+$0xD0];
	_ =	sdelay $0x4  }
0xdc: {  	v0 =	vmul.f32 $1.200000000e+01, v0;
	_ =	sdelay $0x1  }
0xdd: {  	[tilespmem:s13+$0xD0] =	vst v0  }
0xde: {  	v0 =	vld [tilespmem:s16+$0xE0];
	_ =	sdelay $0x4  }
0xdf: {  	v0 =	vmul.f32 $1.200000000e+01, v0;
	_ =	sdelay $0x1  }
0xe0: {  	[tilespmem:s13+$0xE0] =	vst v0  }
0xe1: {  	v0 =	vld [tilespmem:s16+$0xF0];
	_ =	sdelay $0x2  }
.Ltmp0:
0xe2: {  	(pc) =	sbr.rel @p1 .LBB2_3-.Ltmp0, $3  }
0xe3: {  	_ = 	snop  }
0xe4: {  	v0 =	vmul.f32 $1.200000000e+01, v0;
	_ =	sdelay $0x1  }
0xe5: {  	s16 =	sadd.s32 $0x200, s16;
	[tilespmem:s13+$0xF0] =	vst v0  }
0xe6: {  	p1 =	seq.s32 s0, $0x31  }
0xe7: {  	s13 =	sshrl.u32 @!p1 s14, $0x2  }
0xe8: {  	s15 =	simm.s32 @!p1 $0x80;
	s16 =	simm.s32 @!p1 $0x6400;
	s14 =	sadd.s32 @!p1 $0x200, s13  }
0xe9: {  	[tilespmem:s16], [sflag:$0x1] =	stream.indirect.gather @!p1 [hbm4b:s4+s15], $0x40, s14, s15, $0xb8;
	[tilespmem:$0x16400] =	vst v63  }
0xea: {  	s14 =	sshll.u32 s0, $0xF  }
0xeb: {  	s17 =	sadd.s32 s5, s14  }
0xec: {  	s15 =	sshrl.u32 s17, $0x3  }
0xed: {  	s15 =	sadd.s32 s2, s15  }
0xee: {  	[hbm4b:s15+s3] =	stream.linear.scatter [tilespmem:s20], [sflag:$0x5], $0x2000, $0x38;
	[tilespmem:$0x16400] =	vst v63  }
0xef: {  	_ =	swait.ge [sflag:s21], $0x2000  }
0xf0: {  	[sflag:s21] =	ssyncset.done $0x0  }
0xf1: {  	s15 =	simm.s32 @!p0 $0x6;
	[sflag:s21] =	ssyncadd.s32 $0xFFFFE000  }
0xf2: {  	_ =	swait.ge @!p0 [sflag:s15], $0x2000  }
0xf3: {  	[sflag:s15] =	ssyncset.done @!p0 $0x0  }
0xf4: {  	s18 =	simm.s32 $0x85F0;
	[sflag:s15] =	ssyncadd.s32 @!p0 $0xFFFFE000  }
0xf5: {  	v0 =	vld [tilespmem:s18+$0xFFFFFE10];
	_ =	sdelay $0x4  }
0xf6: {  	v0 =	vmul.f32 $1.200000000e+01, v0  }
0xf7: {  	s15 =	simm.s32 $0x105F0  }
0xf8: {  	[tilespmem:s15+$0xFFFFFE10] =	vst v0  }
0xf9: {  	v0 =	vld [tilespmem:s18+$0xFFFFFE20];
	_ =	sdelay $0x4  }
0xfa: {  	v0 =	vmul.f32 $1.200000000e+01, v0;
	_ =	sdelay $0x1  }
0xfb: {  	[tilespmem:s15+$0xFFFFFE20] =	vst v0  }
0xfc: {  	v0 =	vld [tilespmem:s18+$0xFFFFFE30];
	_ =	sdelay $0x4  }
0xfd: {  	v0 =	vmul.f32 $1.200000000e+01, v0;
	_ =	sdelay $0x1  }
0xfe: {  	[tilespmem:s15+$0xFFFFFE30] =	vst v0  }
0xff: {  	v0 =	vld [tilespmem:s18+$0xFFFFFE40];
	_ =	sdelay $0x4  }
0x100: {  	v0 =	vmul.f32 $1.200000000e+01, v0;
	_ =	sdelay $0x1  }
0x101: {  	[tilespmem:s15+$0xFFFFFE40] =	vst v0  }
0x102: {  	v0 =	vld [tilespmem:s18+$0xFFFFFE50];
	_ =	sdelay $0x4  }
0x103: {  	v0 =	vmul.f32 $1.200000000e+01, v0;
	_ =	sdelay $0x1  }
0x104: {  	[tilespmem:s15+$0xFFFFFE50] =	vst v0  }
0x105: {  	v0 =	vld [tilespmem:s18+$0xFFFFFE60];
	_ =	sdelay $0x4  }
0x106: {  	v0 =	vmul.f32 $1.200000000e+01, v0;
	_ =	sdelay $0x1  }
0x107: {  	[tilespmem:s15+$0xFFFFFE60] =	vst v0  }
0x108: {  	v0 =	vld [tilespmem:s18+$0xFFFFFE70];
	_ =	sdelay $0x4  }
0x109: {  	v0 =	vmul.f32 $1.200000000e+01, v0;
	_ =	sdelay $0x1  }
0x10a: {  	[tilespmem:s15+$0xFFFFFE70] =	vst v0  }
0x10b: {  	v0 =	vld [tilespmem:s18+$0xFFFFFE80];
	_ =	sdelay $0x4  }
0x10c: {  	v0 =	vmul.f32 $1.200000000e+01, v0;
	_ =	sdelay $0x1  }
0x10d: {  	[tilespmem:s15+$0xFFFFFE80] =	vst v0  }
0x10e: {  	v0 =	vld [tilespmem:s18+$0xFFFFFE90];
	_ =	sdelay $0x4  }
0x10f: {  	v0 =	vmul.f32 $1.200000000e+01, v0;
	_ =	sdelay $0x1  }
0x110: {  	[tilespmem:s15+$0xFFFFFE90] =	vst v0  }
0x111: {  	v0 =	vld [tilespmem:s18+$0xFFFFFEA0];
	_ =	sdelay $0x4  }
0x112: {  	v0 =	vmul.f32 $1.200000000e+01, v0;
	_ =	sdelay $0x1  }
0x113: {  	[tilespmem:s15+$0xFFFFFEA0] =	vst v0  }
0x114: {  	v0 =	vld [tilespmem:s18+$0xFFFFFEB0];
	_ =	sdelay $0x4  }
0x115: {  	v0 =	vmul.f32 $1.200000000e+01, v0;
	_ =	sdelay $0x1  }
0x116: {  	[tilespmem:s15+$0xFFFFFEB0] =	vst v0  }
0x117: {  	v0 =	vld [tilespmem:s18+$0xFFFFFEC0];
	_ =	sdelay $0x4  }
0x118: {  	v0 =	vmul.f32 $1.200000000e+01, v0;
	_ =	sdelay $0x1  }
0x119: {  	[tilespmem:s15+$0xFFFFFEC0] =	vst v0  }
0x11a: {  	v0 =	vld [tilespmem:s18+$0xFFFFFED0];
	_ =	sdelay $0x4  }
0x11b: {  	v0 =	vmul.f32 $1.200000000e+01, v0;
	_ =	sdelay $0x1  }
0x11c: {  	[tilespmem:s15+$0xFFFFFED0] =	vst v0  }
0x11d: {  	v0 =	vld [tilespmem:s18+$0xFFFFFEE0];
	_ =	sdelay $0x4  }
0x11e: {  	v0 =	vmul.f32 $1.200000000e+01, v0;
	_ =	sdelay $0x1  }
0x11f: {  	[tilespmem:s15+$0xFFFFFEE0] =	vst v0  }
0x120: {  	v0 =	vld [tilespmem:s18+$0xFFFFFEF0];
	_ =	sdelay $0x4  }
0x121: {  	v0 =	vmul.f32 $1.200000000e+01, v0;
	_ =	sdelay $0x1  }
0x122: {  	[tilespmem:s15+$0xFFFFFEF0] =	vst v0  }
0x123: {  	v0 =	vld [tilespmem:s18+$0xFFFFFF00];
	_ =	sdelay $0x4  }
0x124: {  	v0 =	vmul.f32 $1.200000000e+01, v0;
	_ =	sdelay $0x1  }
0x125: {  	[tilespmem:s15+$0xFFFFFF00] =	vst v0  }
0x126: {  	v0 =	vld [tilespmem:s18+$0xFFFFFF10];
	_ =	sdelay $0x4  }
0x127: {  	v0 =	vmul.f32 $1.200000000e+01, v0;
	_ =	sdelay $0x1  }
0x128: {  	[tilespmem:s15+$0xFFFFFF10] =	vst v0  }
0x129: {  	v0 =	vld [tilespmem:s18+$0xFFFFFF20];
	_ =	sdelay $0x4  }
0x12a: {  	v0 =	vmul.f32 $1.200000000e+01, v0;
	_ =	sdelay $0x1  }
0x12b: {  	[tilespmem:s15+$0xFFFFFF20] =	vst v0  }
0x12c: {  	v0 =	vld [tilespmem:s18+$0xFFFFFF30];
	_ =	sdelay $0x4  }
0x12d: {  	v0 =	vmul.f32 $1.200000000e+01, v0;
	_ =	sdelay $0x1  }
0x12e: {  	[tilespmem:s15+$0xFFFFFF30] =	vst v0  }
0x12f: {  	v0 =	vld [tilespmem:s18+$0xFFFFFF40];
	_ =	sdelay $0x4  }
0x130: {  	v0 =	vmul.f32 $1.200000000e+01, v0;
	_ =	sdelay $0x1  }
0x131: {  	[tilespmem:s15+$0xFFFFFF40] =	vst v0  }
0x132: {  	v0 =	vld [tilespmem:s18+$0xFFFFFF50];
	_ =	sdelay $0x4  }
0x133: {  	v0 =	vmul.f32 $1.200000000e+01, v0;
	_ =	sdelay $0x1  }
0x134: {  	[tilespmem:s15+$0xFFFFFF50] =	vst v0  }
0x135: {  	v0 =	vld [tilespmem:s18+$0xFFFFFF60];
	_ =	sdelay $0x4  }
0x136: {  	v0 =	vmul.f32 $1.200000000e+01, v0;
	_ =	sdelay $0x1  }
0x137: {  	[tilespmem:s15+$0xFFFFFF60] =	vst v0  }
0x138: {  	v0 =	vld [tilespmem:s18+$0xFFFFFF70];
	_ =	sdelay $0x4  }
0x139: {  	v0 =	vmul.f32 $1.200000000e+01, v0;
	_ =	sdelay $0x1  }
0x13a: {  	[tilespmem:s15+$0xFFFFFF70] =	vst v0  }
0x13b: {  	v0 =	vld [tilespmem:s18+$0xFFFFFF80];
	_ =	sdelay $0x4  }
0x13c: {  	v0 =	vmul.f32 $1.200000000e+01, v0;
	_ =	sdelay $0x1  }
0x13d: {  	[tilespmem:s15+$0xFFFFFF80] =	vst v0  }
0x13e: {  	v0 =	vld [tilespmem:s18+$0xFFFFFF90];
	_ =	sdelay $0x4  }
0x13f: {  	v0 =	vmul.f32 $1.200000000e+01, v0;
	_ =	sdelay $0x1  }
0x140: {  	[tilespmem:s15+$0xFFFFFF90] =	vst v0  }
0x141: {  	v0 =	vld [tilespmem:s18+$0xFFFFFFA0];
	_ =	sdelay $0x4  }
0x142: {  	v0 =	vmul.f32 $1.200000000e+01, v0;
	_ =	sdelay $0x1  }
0x143: {  	[tilespmem:s15+$0xFFFFFFA0] =	vst v0  }
0x144: {  	v0 =	vld [tilespmem:s18+$0xFFFFFFB0];
	_ =	sdelay $0x4  }
0x145: {  	v0 =	vmul.f32 $1.200000000e+01, v0;
	_ =	sdelay $0x1  }
0x146: {  	[tilespmem:s15+$0xFFFFFFB0] =	vst v0  }
0x147: {  	v0 =	vld [tilespmem:s18+$0xFFFFFFC0];
	_ =	sdelay $0x4  }
0x148: {  	v0 =	vmul.f32 $1.200000000e+01, v0;
	_ =	sdelay $0x1  }
0x149: {  	[tilespmem:s15+$0xFFFFFFC0] =	vst v0  }
0x14a: {  	v0 =	vld [tilespmem:s18+$0xFFFFFFD0];
	_ =	sdelay $0x4  }
0x14b: {  	v0 =	vmul.f32 $1.200000000e+01, v0;
	_ =	sdelay $0x1  }
0x14c: {  	[tilespmem:s15+$0xFFFFFFD0] =	vst v0  }
0x14d: {  	v0 =	vld [tilespmem:s18+$0xFFFFFFE0];
	_ =	sdelay $0x4  }
0x14e: {  	v0 =	vmul.f32 $1.200000000e+01, v0;
	_ =	sdelay $0x1  }
0x14f: {  	[tilespmem:s15+$0xFFFFFFE0] =	vst v0  }
0x150: {  	v0 =	vld [tilespmem:s18+$0xFFFFFFF0];
	_ =	sdelay $0x4  }
0x151: {  	v0 =	vmul.f32 $1.200000000e+01, v0;
	_ =	sdelay $0x1  }
0x152: {  	[tilespmem:s15+$0xFFFFFFF0] =	vst v0  }
0x153: {  	v0 =	vld [tilespmem:s18+$0x0];
	_ =	sdelay $0x4  }
0x154: {  	v0 =	vmul.f32 $1.200000000e+01, v0;
	_ =	sdelay $0x1  }
0x155: {  	s16 =	simm.s32 $0x0;
	s17 =	simm.s32 $0x87F0;
	[tilespmem:s15+$0x0] =	vst v0  }
.LBB2_5:
0x156: {  	v0 =	vld [tilespmem:s17+$0xFFFFFE10];
	s16 =	sadd.s32 $0x2, s16  }
0x157: {  	p2 =	slt.u32 s16, $0x1E;
	_ =	sdelay $0x3  }
0x158: {  	v0 =	vmul.f32 $1.200000000e+01, v0  }
0x159: {  	s15 =	sadd.s32 $0x200, s15  }
0x15a: {  	[tilespmem:s15+$0xFFFFFE10] =	vst v0  }
0x15b: {  	v0 =	vld [tilespmem:s17+$0xFFFFFE20];
	_ =	sdelay $0x4  }
0x15c: {  	v0 =	vmul.f32 $1.200000000e+01, v0;
	_ =	sdelay $0x1  }
0x15d: {  	[tilespmem:s15+$0xFFFFFE20] =	vst v0  }
0x15e: {  	v0 =	vld [tilespmem:s17+$0xFFFFFE30];
	_ =	sdelay $0x4  }
0x15f: {  	v0 =	vmul.f32 $1.200000000e+01, v0;
	_ =	sdelay $0x1  }
0x160: {  	[tilespmem:s15+$0xFFFFFE30] =	vst v0  }
0x161: {  	v0 =	vld [tilespmem:s17+$0xFFFFFE40];
	_ =	sdelay $0x4  }
0x162: {  	v0 =	vmul.f32 $1.200000000e+01, v0;
	_ =	sdelay $0x1  }
0x163: {  	[tilespmem:s15+$0xFFFFFE40] =	vst v0  }
0x164: {  	v0 =	vld [tilespmem:s17+$0xFFFFFE50];
	_ =	sdelay $0x4  }
0x165: {  	v0 =	vmul.f32 $1.200000000e+01, v0;
	_ =	sdelay $0x1  }
0x166: {  	[tilespmem:s15+$0xFFFFFE50] =	vst v0  }
0x167: {  	v0 =	vld [tilespmem:s17+$0xFFFFFE60];
	_ =	sdelay $0x4  }
0x168: {  	v0 =	vmul.f32 $1.200000000e+01, v0;
	_ =	sdelay $0x1  }
0x169: {  	[tilespmem:s15+$0xFFFFFE60] =	vst v0  }
0x16a: {  	v0 =	vld [tilespmem:s17+$0xFFFFFE70];
	_ =	sdelay $0x4  }
0x16b: {  	v0 =	vmul.f32 $1.200000000e+01, v0;
	_ =	sdelay $0x1  }
0x16c: {  	[tilespmem:s15+$0xFFFFFE70] =	vst v0  }
0x16d: {  	v0 =	vld [tilespmem:s17+$0xFFFFFE80];
	_ =	sdelay $0x4  }
0x16e: {  	v0 =	vmul.f32 $1.200000000e+01, v0;
	_ =	sdelay $0x1  }
0x16f: {  	[tilespmem:s15+$0xFFFFFE80] =	vst v0  }
0x170: {  	v0 =	vld [tilespmem:s17+$0xFFFFFE90];
	_ =	sdelay $0x4  }
0x171: {  	v0 =	vmul.f32 $1.200000000e+01, v0;
	_ =	sdelay $0x1  }
0x172: {  	[tilespmem:s15+$0xFFFFFE90] =	vst v0  }
0x173: {  	v0 =	vld [tilespmem:s17+$0xFFFFFEA0];
	_ =	sdelay $0x4  }
0x174: {  	v0 =	vmul.f32 $1.200000000e+01, v0;
	_ =	sdelay $0x1  }
0x175: {  	[tilespmem:s15+$0xFFFFFEA0] =	vst v0  }
0x176: {  	v0 =	vld [tilespmem:s17+$0xFFFFFEB0];
	_ =	sdelay $0x4  }
0x177: {  	v0 =	vmul.f32 $1.200000000e+01, v0;
	_ =	sdelay $0x1  }
0x178: {  	[tilespmem:s15+$0xFFFFFEB0] =	vst v0  }
0x179: {  	v0 =	vld [tilespmem:s17+$0xFFFFFEC0];
	_ =	sdelay $0x4  }
0x17a: {  	v0 =	vmul.f32 $1.200000000e+01, v0;
	_ =	sdelay $0x1  }
0x17b: {  	[tilespmem:s15+$0xFFFFFEC0] =	vst v0  }
0x17c: {  	v0 =	vld [tilespmem:s17+$0xFFFFFED0];
	_ =	sdelay $0x4  }
0x17d: {  	v0 =	vmul.f32 $1.200000000e+01, v0;
	_ =	sdelay $0x1  }
0x17e: {  	[tilespmem:s15+$0xFFFFFED0] =	vst v0  }
0x17f: {  	v0 =	vld [tilespmem:s17+$0xFFFFFEE0];
	_ =	sdelay $0x4  }
0x180: {  	v0 =	vmul.f32 $1.200000000e+01, v0;
	_ =	sdelay $0x1  }
0x181: {  	[tilespmem:s15+$0xFFFFFEE0] =	vst v0  }
0x182: {  	v0 =	vld [tilespmem:s17+$0xFFFFFEF0];
	_ =	sdelay $0x4  }
0x183: {  	v0 =	vmul.f32 $1.200000000e+01, v0;
	_ =	sdelay $0x1  }
0x184: {  	[tilespmem:s15+$0xFFFFFEF0] =	vst v0  }
0x185: {  	v0 =	vld [tilespmem:s17+$0xFFFFFF00];
	_ =	sdelay $0x4  }
0x186: {  	v0 =	vmul.f32 $1.200000000e+01, v0;
	_ =	sdelay $0x1  }
0x187: {  	[tilespmem:s15+$0xFFFFFF00] =	vst v0  }
0x188: {  	v0 =	vld [tilespmem:s17+$0xFFFFFF10];
	_ =	sdelay $0x4  }
0x189: {  	v0 =	vmul.f32 $1.200000000e+01, v0;
	_ =	sdelay $0x1  }
0x18a: {  	[tilespmem:s15+$0xFFFFFF10] =	vst v0  }
0x18b: {  	v0 =	vld [tilespmem:s17+$0xFFFFFF20];
	_ =	sdelay $0x4  }
0x18c: {  	v0 =	vmul.f32 $1.200000000e+01, v0;
	_ =	sdelay $0x1  }
0x18d: {  	[tilespmem:s15+$0xFFFFFF20] =	vst v0  }
0x18e: {  	v0 =	vld [tilespmem:s17+$0xFFFFFF30];
	_ =	sdelay $0x4  }
0x18f: {  	v0 =	vmul.f32 $1.200000000e+01, v0;
	_ =	sdelay $0x1  }
0x190: {  	[tilespmem:s15+$0xFFFFFF30] =	vst v0  }
0x191: {  	v0 =	vld [tilespmem:s17+$0xFFFFFF40];
	_ =	sdelay $0x4  }
0x192: {  	v0 =	vmul.f32 $1.200000000e+01, v0;
	_ =	sdelay $0x1  }
0x193: {  	[tilespmem:s15+$0xFFFFFF40] =	vst v0  }
0x194: {  	v0 =	vld [tilespmem:s17+$0xFFFFFF50];
	_ =	sdelay $0x4  }
0x195: {  	v0 =	vmul.f32 $1.200000000e+01, v0;
	_ =	sdelay $0x1  }
0x196: {  	[tilespmem:s15+$0xFFFFFF50] =	vst v0  }
0x197: {  	v0 =	vld [tilespmem:s17+$0xFFFFFF60];
	_ =	sdelay $0x4  }
0x198: {  	v0 =	vmul.f32 $1.200000000e+01, v0;
	_ =	sdelay $0x1  }
0x199: {  	[tilespmem:s15+$0xFFFFFF60] =	vst v0  }
0x19a: {  	v0 =	vld [tilespmem:s17+$0xFFFFFF70];
	_ =	sdelay $0x4  }
0x19b: {  	v0 =	vmul.f32 $1.200000000e+01, v0;
	_ =	sdelay $0x1  }
0x19c: {  	[tilespmem:s15+$0xFFFFFF70] =	vst v0  }
0x19d: {  	v0 =	vld [tilespmem:s17+$0xFFFFFF80];
	_ =	sdelay $0x4  }
0x19e: {  	v0 =	vmul.f32 $1.200000000e+01, v0;
	_ =	sdelay $0x1  }
0x19f: {  	[tilespmem:s15+$0xFFFFFF80] =	vst v0  }
0x1a0: {  	v0 =	vld [tilespmem:s17+$0xFFFFFF90];
	_ =	sdelay $0x4  }
0x1a1: {  	v0 =	vmul.f32 $1.200000000e+01, v0;
	_ =	sdelay $0x1  }
0x1a2: {  	[tilespmem:s15+$0xFFFFFF90] =	vst v0  }
0x1a3: {  	v0 =	vld [tilespmem:s17+$0xFFFFFFA0];
	_ =	sdelay $0x4  }
0x1a4: {  	v0 =	vmul.f32 $1.200000000e+01, v0;
	_ =	sdelay $0x1  }
0x1a5: {  	[tilespmem:s15+$0xFFFFFFA0] =	vst v0  }
0x1a6: {  	v0 =	vld [tilespmem:s17+$0xFFFFFFB0];
	_ =	sdelay $0x4  }
0x1a7: {  	v0 =	vmul.f32 $1.200000000e+01, v0;
	_ =	sdelay $0x1  }
0x1a8: {  	[tilespmem:s15+$0xFFFFFFB0] =	vst v0  }
0x1a9: {  	v0 =	vld [tilespmem:s17+$0xFFFFFFC0];
	_ =	sdelay $0x4  }
0x1aa: {  	v0 =	vmul.f32 $1.200000000e+01, v0;
	_ =	sdelay $0x1  }
0x1ab: {  	[tilespmem:s15+$0xFFFFFFC0] =	vst v0  }
0x1ac: {  	v0 =	vld [tilespmem:s17+$0xFFFFFFD0];
	_ =	sdelay $0x4  }
0x1ad: {  	v0 =	vmul.f32 $1.200000000e+01, v0;
	_ =	sdelay $0x1  }
0x1ae: {  	[tilespmem:s15+$0xFFFFFFD0] =	vst v0  }
0x1af: {  	v0 =	vld [tilespmem:s17+$0xFFFFFFE0];
	_ =	sdelay $0x4  }
0x1b0: {  	v0 =	vmul.f32 $1.200000000e+01, v0;
	_ =	sdelay $0x1  }
0x1b1: {  	[tilespmem:s15+$0xFFFFFFE0] =	vst v0  }
0x1b2: {  	v0 =	vld [tilespmem:s17+$0xFFFFFFF0];
	_ =	sdelay $0x4  }
0x1b3: {  	v0 =	vmul.f32 $1.200000000e+01, v0;
	_ =	sdelay $0x1  }
0x1b4: {  	[tilespmem:s15+$0xFFFFFFF0] =	vst v0  }
0x1b5: {  	v0 =	vld [tilespmem:s17+$0x0];
	_ =	sdelay $0x2  }
.Ltmp1:
0x1b6: {  	(pc) =	sbr.rel @p2 .LBB2_5-.Ltmp1, $3  }
0x1b7: {  	_ = 	snop  }
0x1b8: {  	v0 =	vmul.f32 $1.200000000e+01, v0;
	_ =	sdelay $0x1  }
0x1b9: {  	s17 =	sadd.s32 $0x200, s17;
	[tilespmem:s15+$0x0] =	vst v0  }
0x1ba: {  	s15 =	sadd.s32 @!p1 $0x280, s13;
	s16 =	simm.s32 @!p1 $0x80;
	s17 =	simm.s32 @!p1 $0x8400  }
0x1bb: {  	[tilespmem:s17], [sflag:$0x2] =	stream.indirect.gather @!p1 [hbm4b:s4+s16], $0x40, s15, s16, $0xb8;
	[tilespmem:$0x16400] =	vst v63  }
0x1bc: {  	s15 =	sshll.u32 s0, $0x9  }
0x1bd: {  	s18 =	sadd.s32 s15, s7  }
0x1be: {  	s16 =	sshll.u32 s18, $0x3  }
0x1bf: {  	s16 =	sand.u32 $0x1FFFF400, s16  }
0x1c0: {  	s16 =	sadd.s32 s2, s16  }
0x1c1: {  	[hbm4b:s16+s3] =	stream.linear.scatter [tilespmem:s22], [sflag:$0x6], $0x2000, $0x38;
	[tilespmem:$0x16400] =	vst v63  }
0x1c2: {  	_ =	swait.ge [sflag:s23], $0x2000  }
0x1c3: {  	[sflag:s23] =	ssyncset.done $0x0  }
0x1c4: {  	s16 =	simm.s32 @!p0 $0x7;
	[sflag:s23] =	ssyncadd.s32 $0xFFFFE000  }
0x1c5: {  	_ =	swait.ge @!p0 [sflag:s16], $0x2000  }
0x1c6: {  	[sflag:s16] =	ssyncset.done @!p0 $0x0  }
0x1c7: {  	[sflag:s16] =	ssyncadd.s32 @!p0 $0xFFFFE000;
	s16 =	simm.s32 $0x0  }
0x1c8: {  	v0 =	vld [tilespmem:s16+$0xA5F0]  }
0x1c9: {  	v1 =	vld [tilespmem:s16+$0xA400]  }
0x1ca: {  	v2 =	vld [tilespmem:s16+$0xA410]  }
0x1cb: {  	v3 =	vld [tilespmem:s16+$0xA420]  }
0x1cc: {  	v4 =	vld [tilespmem:s16+$0xA430]  }
0x1cd: {  	v5 =	vld [tilespmem:s16+$0xA440];
	v0 =	vmul.f32 $1.200000000e+01, v0  }
0x1ce: {  	v6 =	vld [tilespmem:s16+$0xA450];
	v1 =	vmul.f32 $1.200000000e+01, v1  }
0x1cf: {  	v7 =	vld [tilespmem:s16+$0xA460];
	[tilespmem:s16+$0x125F0] =	vst v0;
	v0 =	vmul.f32 $1.200000000e+01, v2  }
0x1d0: {  	[tilespmem:s16+$0x12400] =	vst v1;
	v1 =	vld [tilespmem:s16+$0xA470];
	v2 =	vmul.f32 $1.200000000e+01, v3  }
0x1d1: {  	v3 =	vmul.f32 $1.200000000e+01, v4;
	[tilespmem:s16+$0x12410] =	vst v0;
	v0 =	vld [tilespmem:s16+$0xA480]  }
0x1d2: {  	v4 =	vmul.f32 $1.200000000e+01, v5;
	[tilespmem:s16+$0x12420] =	vst v2;
	v2 =	vld [tilespmem:s16+$0xA490]  }
0x1d3: {  	v5 =	vmul.f32 $1.200000000e+01, v6;
	[tilespmem:s16+$0x12430] =	vst v3;
	v3 =	vld [tilespmem:s16+$0xA4A0]  }
0x1d4: {  	v6 =	vmul.f32 $1.200000000e+01, v7;
	[tilespmem:s16+$0x12440] =	vst v4;
	v4 =	vld [tilespmem:s16+$0xA4B0]  }
0x1d5: {  	[tilespmem:s16+$0x12450] =	vst v5;
	v5 =	vld [tilespmem:s16+$0xA4C0];
	v1 =	vmul.f32 $1.200000000e+01, v1  }
0x1d6: {  	[tilespmem:s16+$0x12460] =	vst v6;
	v6 =	vld [tilespmem:s16+$0xA4D0];
	v0 =	vmul.f32 $1.200000000e+01, v0  }
0x1d7: {  	[tilespmem:s16+$0x12470] =	vst v1;
	v1 =	vld [tilespmem:s16+$0xA4E0];
	v2 =	vmul.f32 $1.200000000e+01, v2  }
0x1d8: {  	v3 =	vmul.f32 $1.200000000e+01, v3;
	[tilespmem:s16+$0x12480] =	vst v0;
	v0 =	vld [tilespmem:s16+$0xA4F0]  }
0x1d9: {  	v4 =	vmul.f32 $1.200000000e+01, v4;
	[tilespmem:s16+$0x12490] =	vst v2;
	v2 =	vld [tilespmem:s16+$0xA500]  }
0x1da: {  	v5 =	vmul.f32 $1.200000000e+01, v5;
	[tilespmem:s16+$0x124A0] =	vst v3;
	v3 =	vld [tilespmem:s16+$0xA510]  }
0x1db: {  	v6 =	vmul.f32 $1.200000000e+01, v6;
	[tilespmem:s16+$0x124B0] =	vst v4;
	v4 =	vld [tilespmem:s16+$0xA520]  }
0x1dc: {  	[tilespmem:s16+$0x124C0] =	vst v5;
	v5 =	vld [tilespmem:s16+$0xA530];
	v1 =	vmul.f32 $1.200000000e+01, v1  }
0x1dd: {  	[tilespmem:s16+$0x124D0] =	vst v6;
	v6 =	vld [tilespmem:s16+$0xA540];
	v0 =	vmul.f32 $1.200000000e+01, v0  }
0x1de: {  	v7 =	vld [tilespmem:s16+$0xA560];
	[tilespmem:s16+$0x124E0] =	vst v1;
	v2 =	vmul.f32 $1.200000000e+01, v2  }
0x1df: {  	v1 =	vld [tilespmem:s16+$0xA550];
	[tilespmem:s16+$0x124F0] =	vst v0;
	v0 =	vmul.f32 $1.200000000e+01, v3  }
0x1e0: {  	v8 =	vld [tilespmem:s16+$0xA570];
	[tilespmem:s16+$0x12500] =	vst v2;
	v2 =	vmul.f32 $1.200000000e+01, v4  }
0x1e1: {  	v4 =	vld [tilespmem:s16+$0xA580];
	[tilespmem:s16+$0x12510] =	vst v0;
	v0 =	vmul.f32 $1.200000000e+01, v5  }
0x1e2: {  	v3 =	vmul.f32 $1.200000000e+01, v6;
	[tilespmem:s16+$0x12520] =	vst v2;
	v2 =	vld [tilespmem:s16+$0xA590]  }
0x1e3: {  	v6 =	vmul.f32 $1.200000000e+01, v7;
	[tilespmem:s16+$0x12530] =	vst v0;
	v0 =	vld [tilespmem:s16+$0xA5A0]  }
0x1e4: {  	[tilespmem:s16+$0x12540] =	vst v3;
	v5 =	vmul.f32 $1.200000000e+01, v1;
	v1 =	vld [tilespmem:s16+$0xA5B0]  }
0x1e5: {  	v3 =	vld [tilespmem:s16+$0xA5C0];
	[tilespmem:s16+$0x12560] =	vst v6;
	v6 =	vmul.f32 $1.200000000e+01, v8  }
0x1e6: {  	s17 =	simm.s32 $0x0;
	s18 =	simm.s32 $0x800;
	[tilespmem:s16+$0x12550] =	vst v5;
	v5 =	vmul.f32 $1.200000000e+01, v4;
	v4 =	vld [tilespmem:s16+$0xA5D0]  }
.LBB2_7:
0x1e7: {  	s6 =	sshra.s32 s18, $0x2;
	s17 =	sadd.s32 $0x2, s17;
	[tilespmem:s16+$0x12570] =	vst v6;
	v2 =	vmul.f32 $1.200000000e+01, v2;
	v6 =	vld [tilespmem:s16+$0xA5E0]  }
0x1e8: {  	v7 =	vld [tilespmem:s6+$0xA5F0];
	p2 =	slt.u32 s17, $0x1E;
	[tilespmem:s16+$0x12580] =	vst v5;
	v0 =	vmul.f32 $1.200000000e+01, v0  }
0x1e9: {  	v5 =	vld [tilespmem:s6+$0xA400];
	[tilespmem:s16+$0x12590] =	vst v2;
	v1 =	vmul.f32 $1.200000000e+01, v1  }
0x1ea: {  	v2 =	vld [tilespmem:s6+$0xA410];
	[tilespmem:s16+$0x125A0] =	vst v0;
	v0 =	vmul.f32 $1.200000000e+01, v3  }
0x1eb: {  	v3 =	vld [tilespmem:s6+$0xA420];
	[tilespmem:s16+$0x125B0] =	vst v1;
	v1 =	vmul.f32 $1.200000000e+01, v4  }
0x1ec: {  	v4 =	vld [tilespmem:s6+$0xA430];
	[tilespmem:s16+$0x125C0] =	vst v0;
	v0 =	vmul.f32 $1.200000000e+01, v6  }
0x1ed: {  	v6 =	vld [tilespmem:s6+$0xA440];
	v7 =	vmul.f32 $1.200000000e+01, v7;
	[tilespmem:s16+$0x125D0] =	vst v1  }
0x1ee: {  	v1 =	vmul.f32 $1.200000000e+01, v5;
	v5 =	vld [tilespmem:s6+$0xA450];
	[tilespmem:s16+$0x125E0] =	vst v0;
	s16 =	smov.u32 s6  }
0x1ef: {  	v0 =	vmul.f32 $1.200000000e+01, v2;
	v2 =	vld [tilespmem:s16+$0xA460];
	[tilespmem:s16+$0x125F0] =	vst v7  }
0x1f0: {  	[tilespmem:s16+$0x12400] =	vst v1;
	v1 =	vmul.f32 $1.200000000e+01, v3;
	v3 =	vld [tilespmem:s16+$0xA470]  }
0x1f1: {  	[tilespmem:s16+$0x12410] =	vst v0;
	v0 =	vmul.f32 $1.200000000e+01, v4;
	v4 =	vld [tilespmem:s16+$0xA480]  }
0x1f2: {  	[tilespmem:s16+$0x12420] =	vst v1;
	v1 =	vmul.f32 $1.200000000e+01, v6;
	v6 =	vld [tilespmem:s16+$0xA490]  }
0x1f3: {  	[tilespmem:s16+$0x12430] =	vst v0;
	v0 =	vmul.f32 $1.200000000e+01, v5;
	v5 =	vld [tilespmem:s16+$0xA4A0]  }
0x1f4: {  	[tilespmem:s16+$0x12440] =	vst v1;
	v1 =	vmul.f32 $1.200000000e+01, v2;
	v2 =	vld [tilespmem:s16+$0xA4B0]  }
0x1f5: {  	[tilespmem:s16+$0x12450] =	vst v0;
	v0 =	vmul.f32 $1.200000000e+01, v3;
	v3 =	vld [tilespmem:s16+$0xA4C0]  }
0x1f6: {  	[tilespmem:s16+$0x12460] =	vst v1;
	v1 =	vmul.f32 $1.200000000e+01, v4;
	v4 =	vld [tilespmem:s16+$0xA4D0]  }
0x1f7: {  	[tilespmem:s16+$0x12470] =	vst v0;
	v0 =	vmul.f32 $1.200000000e+01, v6;
	v6 =	vld [tilespmem:s16+$0xA4E0]  }
0x1f8: {  	[tilespmem:s16+$0x12480] =	vst v1;
	v1 =	vmul.f32 $1.200000000e+01, v5;
	v5 =	vld [tilespmem:s16+$0xA4F0]  }
0x1f9: {  	[tilespmem:s16+$0x12490] =	vst v0;
	v0 =	vmul.f32 $1.200000000e+01, v2;
	v2 =	vld [tilespmem:s16+$0xA500]  }
0x1fa: {  	[tilespmem:s16+$0x124A0] =	vst v1;
	v1 =	vmul.f32 $1.200000000e+01, v3;
	v3 =	vld [tilespmem:s16+$0xA510]  }
0x1fb: {  	[tilespmem:s16+$0x124B0] =	vst v0;
	v0 =	vmul.f32 $1.200000000e+01, v4;
	v4 =	vld [tilespmem:s16+$0xA520]  }
0x1fc: {  	[tilespmem:s16+$0x124C0] =	vst v1;
	v1 =	vmul.f32 $1.200000000e+01, v6;
	v6 =	vld [tilespmem:s16+$0xA530]  }
0x1fd: {  	[tilespmem:s16+$0x124D0] =	vst v0;
	v0 =	vmul.f32 $1.200000000e+01, v5;
	v5 =	vld [tilespmem:s16+$0xA540]  }
0x1fe: {  	[tilespmem:s16+$0x124E0] =	vst v1;
	v1 =	vmul.f32 $1.200000000e+01, v2;
	v7 =	vld [tilespmem:s16+$0xA550]  }
0x1ff: {  	[tilespmem:s16+$0x124F0] =	vst v0;
	v0 =	vmul.f32 $1.200000000e+01, v3;
	v3 =	vld [tilespmem:s16+$0xA560]  }
0x200: {  	[tilespmem:s16+$0x12500] =	vst v1;
	v1 =	vmul.f32 $1.200000000e+01, v4;
	v4 =	vld [tilespmem:s16+$0xA570]  }
0x201: {  	[tilespmem:s16+$0x12510] =	vst v0;
	v0 =	vmul.f32 $1.200000000e+01, v6;
	v8 =	vld [tilespmem:s16+$0xA580]  }
.Ltmp2:
0x202: {  	[tilespmem:s16+$0x12520] =	vst v1;
	v1 =	vmul.f32 $1.200000000e+01, v5;
	v2 =	vld [tilespmem:s16+$0xA590];
	(pc) =	sbr.rel @p2 .LBB2_7-.Ltmp2, $4  }
0x203: {  	[tilespmem:s16+$0x12530] =	vst v0;
	v5 =	vmul.f32 $1.200000000e+01, v7;
	v0 =	vld [tilespmem:s16+$0xA5A0]  }
0x204: {  	[tilespmem:s16+$0x12540] =	vst v1;
	v7 =	vmul.f32 $1.200000000e+01, v3;
	v1 =	vld [tilespmem:s16+$0xA5B0]  }
0x205: {  	[tilespmem:s16+$0x12550] =	vst v5;
	v6 =	vmul.f32 $1.200000000e+01, v4;
	v3 =	vld [tilespmem:s16+$0xA5C0]  }
0x206: {  	s18 =	sadd.s32 $0x800, s18;
	[tilespmem:s16+$0x12560] =	vst v7;
	v5 =	vmul.f32 $1.200000000e+01, v8;
	v4 =	vld [tilespmem:s16+$0xA5D0]  }
0x207: {  	[tilespmem:s16+$0x12570] =	vst v6;
	v2 =	vmul.f32 $1.200000000e+01, v2;
	v6 =	vld [tilespmem:s16+$0xA5E0]  }
0x208: {  	[tilespmem:s16+$0x12580] =	vst v5;
	v0 =	vmul.f32 $1.200000000e+01, v0  }
0x209: {  	[tilespmem:s16+$0x12590] =	vst v2;
	v1 =	vmul.f32 $1.200000000e+01, v1  }
0x20a: {  	[tilespmem:s16+$0x125A0] =	vst v0;
	v0 =	vmul.f32 $1.200000000e+01, v3  }
0x20b: {  	[tilespmem:s16+$0x125B0] =	vst v1;
	v1 =	vmul.f32 $1.200000000e+01, v4  }
0x20c: {  	[tilespmem:s16+$0x125C0] =	vst v0;
	v0 =	vmul.f32 $1.200000000e+01, v6  }
0x20d: {  	s6 =	sadd.s32 @!p1 $0x300, s13;
	[tilespmem:s16+$0x125D0] =	vst v1  }
0x20e: {  	s17 =	simm.s32 @!p1 $0xA400;
	s18 =	sadd.s32 s14, s8;
	[tilespmem:s16+$0x125E0] =	vst v0;
	s16 =	simm.s32 @!p1 $0x80  }
0x20f: {  	[tilespmem:s17], [sflag:$0x3] =	stream.indirect.gather @!p1 [hbm4b:s4+s16], $0x40, s6, s16, $0xb8;
	[tilespmem:$0x16400] =	vst v63  }
0x210: {  	s6 =	sshrl.u32 s18, $0x3  }
0x211: {  	s6 =	sadd.s32 s2, s6  }
0x212: {  	[hbm4b:s6+s3] =	stream.linear.scatter [tilespmem:s24], [sflag:$0x7], $0x2000, $0x38;
	[tilespmem:$0x16400] =	vst v63  }
0x213: {  	_ =	swait.ge [sflag:s25], $0x2000  }
0x214: {  	[sflag:s25] =	ssyncset.done $0x0  }
0x215: {  	s6 =	simm.s32 @!p0 $0x8;
	[sflag:s25] =	ssyncadd.s32 $0xFFFFE000  }
0x216: {  	_ =	swait.ge @!p0 [sflag:s6], $0x2000  }
0x217: {  	[sflag:s6] =	ssyncset.done @!p0 $0x0  }
0x218: {  	s14 =	simm.s32 $0x0;
	[sflag:s6] =	ssyncadd.s32 @!p0 $0xFFFFE000  }
0x219: {  	v0 =	vld [tilespmem:s14+$0xC5F0]  }
0x21a: {  	v1 =	vld [tilespmem:s14+$0xC400]  }
0x21b: {  	v2 =	vld [tilespmem:s14+$0xC410]  }
0x21c: {  	v3 =	vld [tilespmem:s14+$0xC420]  }
0x21d: {  	v4 =	vld [tilespmem:s14+$0xC430]  }
0x21e: {  	v5 =	vld [tilespmem:s14+$0xC440];
	v0 =	vmul.f32 $1.200000000e+01, v0  }
0x21f: {  	v6 =	vld [tilespmem:s14+$0xC450];
	v1 =	vmul.f32 $1.200000000e+01, v1  }
0x220: {  	v7 =	vld [tilespmem:s14+$0xC460];
	[tilespmem:s14+$0x145F0] =	vst v0;
	v0 =	vmul.f32 $1.200000000e+01, v2  }
0x221: {  	[tilespmem:s14+$0x14400] =	vst v1;
	v1 =	vld [tilespmem:s14+$0xC470];
	v2 =	vmul.f32 $1.200000000e+01, v3  }
0x222: {  	v3 =	vmul.f32 $1.200000000e+01, v4;
	[tilespmem:s14+$0x14410] =	vst v0;
	v0 =	vld [tilespmem:s14+$0xC480]  }
0x223: {  	v4 =	vmul.f32 $1.200000000e+01, v5;
	[tilespmem:s14+$0x14420] =	vst v2;
	v2 =	vld [tilespmem:s14+$0xC490]  }
0x224: {  	v5 =	vmul.f32 $1.200000000e+01, v6;
	[tilespmem:s14+$0x14430] =	vst v3;
	v3 =	vld [tilespmem:s14+$0xC4A0]  }
0x225: {  	v6 =	vmul.f32 $1.200000000e+01, v7;
	[tilespmem:s14+$0x14440] =	vst v4;
	v4 =	vld [tilespmem:s14+$0xC4B0]  }
0x226: {  	[tilespmem:s14+$0x14450] =	vst v5;
	v5 =	vld [tilespmem:s14+$0xC4C0];
	v1 =	vmul.f32 $1.200000000e+01, v1  }
0x227: {  	[tilespmem:s14+$0x14460] =	vst v6;
	v6 =	vld [tilespmem:s14+$0xC4D0];
	v0 =	vmul.f32 $1.200000000e+01, v0  }
0x228: {  	[tilespmem:s14+$0x14470] =	vst v1;
	v1 =	vld [tilespmem:s14+$0xC4E0];
	v2 =	vmul.f32 $1.200000000e+01, v2  }
0x229: {  	v3 =	vmul.f32 $1.200000000e+01, v3;
	[tilespmem:s14+$0x14480] =	vst v0;
	v0 =	vld [tilespmem:s14+$0xC4F0]  }
0x22a: {  	v4 =	vmul.f32 $1.200000000e+01, v4;
	[tilespmem:s14+$0x14490] =	vst v2;
	v2 =	vld [tilespmem:s14+$0xC500]  }
0x22b: {  	v5 =	vmul.f32 $1.200000000e+01, v5;
	[tilespmem:s14+$0x144A0] =	vst v3;
	v3 =	vld [tilespmem:s14+$0xC510]  }
0x22c: {  	v6 =	vmul.f32 $1.200000000e+01, v6;
	[tilespmem:s14+$0x144B0] =	vst v4;
	v4 =	vld [tilespmem:s14+$0xC520]  }
0x22d: {  	[tilespmem:s14+$0x144C0] =	vst v5;
	v5 =	vld [tilespmem:s14+$0xC530];
	v1 =	vmul.f32 $1.200000000e+01, v1  }
0x22e: {  	[tilespmem:s14+$0x144D0] =	vst v6;
	v6 =	vld [tilespmem:s14+$0xC540];
	v0 =	vmul.f32 $1.200000000e+01, v0  }
0x22f: {  	v7 =	vld [tilespmem:s14+$0xC560];
	[tilespmem:s14+$0x144E0] =	vst v1;
	v2 =	vmul.f32 $1.200000000e+01, v2  }
0x230: {  	v1 =	vld [tilespmem:s14+$0xC550];
	[tilespmem:s14+$0x144F0] =	vst v0;
	v0 =	vmul.f32 $1.200000000e+01, v3  }
0x231: {  	v8 =	vld [tilespmem:s14+$0xC570];
	[tilespmem:s14+$0x14500] =	vst v2;
	v2 =	vmul.f32 $1.200000000e+01, v4  }
0x232: {  	v4 =	vld [tilespmem:s14+$0xC580];
	[tilespmem:s14+$0x14510] =	vst v0;
	v0 =	vmul.f32 $1.200000000e+01, v5  }
0x233: {  	v3 =	vmul.f32 $1.200000000e+01, v6;
	[tilespmem:s14+$0x14520] =	vst v2;
	v2 =	vld [tilespmem:s14+$0xC590]  }
0x234: {  	v6 =	vmul.f32 $1.200000000e+01, v7;
	[tilespmem:s14+$0x14530] =	vst v0;
	v0 =	vld [tilespmem:s14+$0xC5A0]  }
0x235: {  	[tilespmem:s14+$0x14540] =	vst v3;
	v5 =	vmul.f32 $1.200000000e+01, v1;
	v1 =	vld [tilespmem:s14+$0xC5B0]  }
0x236: {  	v3 =	vld [tilespmem:s14+$0xC5C0];
	[tilespmem:s14+$0x14560] =	vst v6;
	v6 =	vmul.f32 $1.200000000e+01, v8  }
0x237: {  	s16 =	simm.s32 $0x0;
	s17 =	simm.s32 $0x800;
	[tilespmem:s14+$0x14550] =	vst v5;
	v5 =	vmul.f32 $1.200000000e+01, v4;
	v4 =	vld [tilespmem:s14+$0xC5D0]  }
.LBB2_9:
0x238: {  	s6 =	sshra.s32 s17, $0x2;
	s16 =	sadd.s32 $0x2, s16;
	[tilespmem:s14+$0x14570] =	vst v6;
	v2 =	vmul.f32 $1.200000000e+01, v2;
	v6 =	vld [tilespmem:s14+$0xC5E0]  }
0x239: {  	v7 =	vld [tilespmem:s6+$0xC5F0];
	p0 =	slt.u32 s16, $0x1E;
	[tilespmem:s14+$0x14580] =	vst v5;
	v0 =	vmul.f32 $1.200000000e+01, v0  }
0x23a: {  	v5 =	vld [tilespmem:s6+$0xC400];
	[tilespmem:s14+$0x14590] =	vst v2;
	v1 =	vmul.f32 $1.200000000e+01, v1  }
0x23b: {  	v2 =	vld [tilespmem:s6+$0xC410];
	[tilespmem:s14+$0x145A0] =	vst v0;
	v0 =	vmul.f32 $1.200000000e+01, v3  }
0x23c: {  	v3 =	vld [tilespmem:s6+$0xC420];
	[tilespmem:s14+$0x145B0] =	vst v1;
	v1 =	vmul.f32 $1.200000000e+01, v4  }
0x23d: {  	v4 =	vld [tilespmem:s6+$0xC430];
	[tilespmem:s14+$0x145C0] =	vst v0;
	v0 =	vmul.f32 $1.200000000e+01, v6  }
0x23e: {  	v6 =	vld [tilespmem:s6+$0xC440];
	v7 =	vmul.f32 $1.200000000e+01, v7;
	[tilespmem:s14+$0x145D0] =	vst v1  }
0x23f: {  	v1 =	vmul.f32 $1.200000000e+01, v5;
	v5 =	vld [tilespmem:s6+$0xC450];
	[tilespmem:s14+$0x145E0] =	vst v0;
	s14 =	smov.u32 s6  }
0x240: {  	v0 =	vmul.f32 $1.200000000e+01, v2;
	v2 =	vld [tilespmem:s14+$0xC460];
	[tilespmem:s14+$0x145F0] =	vst v7  }
0x241: {  	[tilespmem:s14+$0x14400] =	vst v1;
	v1 =	vmul.f32 $1.200000000e+01, v3;
	v3 =	vld [tilespmem:s14+$0xC470]  }
0x242: {  	[tilespmem:s14+$0x14410] =	vst v0;
	v0 =	vmul.f32 $1.200000000e+01, v4;
	v4 =	vld [tilespmem:s14+$0xC480]  }
0x243: {  	[tilespmem:s14+$0x14420] =	vst v1;
	v1 =	vmul.f32 $1.200000000e+01, v6;
	v6 =	vld [tilespmem:s14+$0xC490]  }
0x244: {  	[tilespmem:s14+$0x14430] =	vst v0;
	v0 =	vmul.f32 $1.200000000e+01, v5;
	v5 =	vld [tilespmem:s14+$0xC4A0]  }
0x245: {  	[tilespmem:s14+$0x14440] =	vst v1;
	v1 =	vmul.f32 $1.200000000e+01, v2;
	v2 =	vld [tilespmem:s14+$0xC4B0]  }
0x246: {  	[tilespmem:s14+$0x14450] =	vst v0;
	v0 =	vmul.f32 $1.200000000e+01, v3;
	v3 =	vld [tilespmem:s14+$0xC4C0]  }
0x247: {  	[tilespmem:s14+$0x14460] =	vst v1;
	v1 =	vmul.f32 $1.200000000e+01, v4;
	v4 =	vld [tilespmem:s14+$0xC4D0]  }
0x248: {  	[tilespmem:s14+$0x14470] =	vst v0;
	v0 =	vmul.f32 $1.200000000e+01, v6;
	v6 =	vld [tilespmem:s14+$0xC4E0]  }
0x249: {  	[tilespmem:s14+$0x14480] =	vst v1;
	v1 =	vmul.f32 $1.200000000e+01, v5;
	v5 =	vld [tilespmem:s14+$0xC4F0]  }
0x24a: {  	[tilespmem:s14+$0x14490] =	vst v0;
	v0 =	vmul.f32 $1.200000000e+01, v2;
	v2 =	vld [tilespmem:s14+$0xC500]  }
0x24b: {  	[tilespmem:s14+$0x144A0] =	vst v1;
	v1 =	vmul.f32 $1.200000000e+01, v3;
	v3 =	vld [tilespmem:s14+$0xC510]  }
0x24c: {  	[tilespmem:s14+$0x144B0] =	vst v0;
	v0 =	vmul.f32 $1.200000000e+01, v4;
	v4 =	vld [tilespmem:s14+$0xC520]  }
0x24d: {  	[tilespmem:s14+$0x144C0] =	vst v1;
	v1 =	vmul.f32 $1.200000000e+01, v6;
	v6 =	vld [tilespmem:s14+$0xC530]  }
0x24e: {  	[tilespmem:s14+$0x144D0] =	vst v0;
	v0 =	vmul.f32 $1.200000000e+01, v5;
	v5 =	vld [tilespmem:s14+$0xC540]  }
0x24f: {  	[tilespmem:s14+$0x144E0] =	vst v1;
	v1 =	vmul.f32 $1.200000000e+01, v2;
	v7 =	vld [tilespmem:s14+$0xC550]  }
0x250: {  	[tilespmem:s14+$0x144F0] =	vst v0;
	v0 =	vmul.f32 $1.200000000e+01, v3;
	v3 =	vld [tilespmem:s14+$0xC560]  }
0x251: {  	[tilespmem:s14+$0x14500] =	vst v1;
	v1 =	vmul.f32 $1.200000000e+01, v4;
	v4 =	vld [tilespmem:s14+$0xC570]  }
0x252: {  	[tilespmem:s14+$0x14510] =	vst v0;
	v0 =	vmul.f32 $1.200000000e+01, v6;
	v8 =	vld [tilespmem:s14+$0xC580]  }
.Ltmp3:
0x253: {  	[tilespmem:s14+$0x14520] =	vst v1;
	v1 =	vmul.f32 $1.200000000e+01, v5;
	v2 =	vld [tilespmem:s14+$0xC590];
	(pc) =	sbr.rel @p0 .LBB2_9-.Ltmp3, $4  }
0x254: {  	[tilespmem:s14+$0x14530] =	vst v0;
	v5 =	vmul.f32 $1.200000000e+01, v7;
	v0 =	vld [tilespmem:s14+$0xC5A0]  }
0x255: {  	[tilespmem:s14+$0x14540] =	vst v1;
	v7 =	vmul.f32 $1.200000000e+01, v3;
	v1 =	vld [tilespmem:s14+$0xC5B0]  }
0x256: {  	[tilespmem:s14+$0x14550] =	vst v5;
	v6 =	vmul.f32 $1.200000000e+01, v4;
	v3 =	vld [tilespmem:s14+$0xC5C0]  }
0x257: {  	s17 =	sadd.s32 $0x800, s17;
	[tilespmem:s14+$0x14560] =	vst v7;
	v5 =	vmul.f32 $1.200000000e+01, v8;
	v4 =	vld [tilespmem:s14+$0xC5D0]  }
0x258: {  	[tilespmem:s14+$0x14570] =	vst v6;
	v2 =	vmul.f32 $1.200000000e+01, v2;
	v60 =	vld [tilespmem:s14+$0xC5E0]  }
0x259: {  	[tilespmem:s14+$0x14580] =	vst v5;
	v0 =	vmul.f32 $1.200000000e+01, v0  }
0x25a: {  	[tilespmem:s14+$0x14590] =	vst v2;
	v1 =	vmul.f32 $1.200000000e+01, v1  }
0x25b: {  	[tilespmem:s14+$0x145A0] =	vst v0;
	v61 =	vmul.f32 $1.200000000e+01, v3  }
0x25c: {  	[tilespmem:s14+$0x145B0] =	vst v1;
	v62 =	vmul.f32 $1.200000000e+01, v4  }
0x25d: {  	[tilespmem:s14+$0x145C0] =	vst v61;
	v63 =	vmul.f32 $1.200000000e+01, v60  }
0x25e: {  	s6 =	sadd.s32 @!p1 $0x380, s13;
	s0 =	sadd.s32 $0x1, s0;
	[tilespmem:s14+$0x145D0] =	vst v62  }
0x25f: {  	s13 =	simm.s32 @!p1 $0x80;
	p0 =	sne.s32 s0, $0x32;
	[tilespmem:s14+$0x145E0] =	vst v63;
	s14 =	simm.s32 @!p1 $0xC400  }
0x260: {  	[tilespmem:s14], [sflag:$0x4] =	stream.indirect.gather @!p1 [hbm4b:s4+s13], $0x40, s6, s13, $0xb8;
	[tilespmem:$0x16400] =	vst v63  }
.Ltmp4:
0x261: {  	s18 =	sadd.s32 s15, s9;
	(pc) =	sbr.rel @p0 .LBB2_2-.Ltmp4, $4  }
0x262: {  	s6 =	sshll.u32 s18, $0x3  }
0x263: {  	s6 =	sand.u32 $0x1FFFFC00, s6  }
0x264: {  	s6 =	sadd.s32 s2, s6  }
0x265: {  	[hbm4b:s6+s3] =	stream.linear.scatter [tilespmem:s26], [sflag:$0x8], $0x2000, $0x38;
	[tilespmem:$0x16400] =	vst v63  }
0x266: {  	_ =	swait.ge [sflag:s28], $0x2000  }
0x267: {  	[sflag:s28] =	ssyncset.done $0x0  }
0x268: {  	[sflag:s28] =	ssyncadd.s32 $0xFFFFE000  }
0x269: {  	_ =	swait.ge [sflag:s29], $0x2000  }
0x26a: {  	[sflag:s29] =	ssyncset.done $0x0  }
0x26b: {  	s1 =	sadd.s32 $0x1, s1;
	[sflag:s29] =	ssyncadd.s32 $0xFFFFE000  }
0x26c: {  	p0 =	sne.s32 s1, s10;
	_ =	swait.ge [sflag:s30], $0x2000  }
.Ltmp5:
0x26d: {  	[sflag:s30] =	ssyncset.done $0x0;
	(pc) =	sbr.rel @p0 .LBB2_1-.Ltmp5, $4  }
0x26e: {  	[sflag:s30] =	ssyncadd.s32 $0xFFFFE000  }
0x26f: {  	_ =	swait.ge [sflag:s31], $0x2000  }
0x270: {  	[sflag:s31] =	ssyncset.done $0x0  }
0x271: {  	[sflag:s31] =	ssyncadd.s32 $0xFFFFE000  }
0x272: {  	_ =	sfence.sel $0x180000  }
0x273: {  	[bflag:$0x0] =	sbarrier.arrive $0xFFFF  }
0x274: {  	_ =	strace $0x90000047  }
0x275: {  	s0 =	stileid.u32;
	[bflag:$0x2] =	sbarrier.arrive $0xFFFF  }
0x276: {  	p0 =	sne.s32 s0, $0x0;
	s0 =	rddreg [dreg:$0x2]  }
0x277: {  	s0 =	sadd.s32 @!p0 $0x100000, s0  }
0x278: {  	[sflag:s0] =	ssyncadd.tile.s32 @!p0 $0x1;
	_ =	shalt  }
.Lfunc_end2:
_tile_overlayer_lowered:
.L_overlay_start_2:
0x279: {  	(tag) =	ssettag $0x2  }
0x27a: {  	s0 =	rddreg [dreg:$0x0];
	s2 =	stileid.u32  }
0x27b: {  	s1 =	rddreg [dreg:$0x1];
	p0 =	sne.s32 s2, $0x0  }
0x27c: {  	s3 =	rddreg [dreg:$0x2];
	[bflag:$0x3] =	sbarrier.arrive $0xFFFF;
	s2 =	simm.s32 @!p0 $0x1C09  }
0x27d: {  	[timem:s3], [sflag:s2] =	dma.local @!p0 [hbm:s0], s1  }
0x27e: {  	s0 =	simm.s32 @!p0 $0x9  }
0x27f: {  	_ =	swait.ge @!p0 [sflag:s0], s1  }
0x280: {  	s1 =	ssub.s32 @!p0 $0x0, s1;
	[sflag:s0] =	ssyncset.done @!p0 $0x0  }
0x281: {  	[sflag:s0] =	ssyncadd.s32 @!p0 s1  }
0x282: {  	[bflag:$0x3] =	sbarrier.arrive $0xFFFF  }
0x283: {  	_ =	shalt  }

// kernel: sparse-core-data-format-call.cloned.1.call-start
scs
called_computation_lowered:
.L_overlay_start_0:
0x0: {  	s2 =	sld [smem:$0x3FD9]  }
0x1: {  	s3 =	sld [smem:$0x3FFE];
	_ =	sdelay $0x1  }
0x2: {  	s1 =	srdreg.scid  }
0x3: {  	s0 =	sand.u32 $0x1, s1  }
0x4: {  	s18 =	sshll.u32 s0, $0xA;
	s2 =	sadd.s32 s3, s2  }
0x5: {  	s2 =	sadd.s32 s2, s18  }
0x6: {  	[smem:$0x3FC6] =	sst s2  }
0x7: {  	_ = 	snop  }
0x8: {  	s2 =	sld [smem:$0x3FD0];
	(tm) =	ssettm $0x1  }
0x9: {  	s19 =	sld [smem:$0x3FFB];
	_ =	sdelay $0x3  }
0xa: {  	_ =	strace s19  }
0xb: {  	s3 =	sld [smem:$0x3FFC];
	_ =	sdelay $0x3  }
0xc: {  	_ =	strace s3  }
0xd: {  	s3 =	sld [smem:$0x3FFD];
	_ =	sdelay $0x3  }
0xe: {  	_ =	strace s3  }
0xf: {  	_ =	strace $0x8FFFFFFF  }
0x10: {  	s20 =	sld [smem:$0x3FDB];
	_ =	sdelay $0x1  }
0x11: {  	s4 =	simm.s32 $_scs_section_size  }
0x12: {  	s5 =	simm.s32 $_size__tile_overlayer_lowered;
	s6 =	simm.s32 $_tile_overlayer_lowered  }
0x13: {  	s23 =	simm.s32 $0x1BFF;
	s22 =	sshll.u32 s6, $0x1;
	s3 =	sadd.s32 s4, s20  }
0x14: {  	s7 =	simm.s32 $0x0;
	s21 =	sshll.u32 s5, $0x1;
	s5 =	sadd.s32 s22, s3  }
0x15: {  	[timem:s7], [sflag:s23] =	dma.local [hbm:s5], s21  }
0x16: {  	_ =	swait.ge [sflag:s23], s21  }
0x17: {  	s4 =	ssub.s32 $0x0, s21;
	[sflag:s23] =	ssyncset.done $0x0  }
0x18: {  	[sflag:s23] =	ssyncadd.s32 s4;
	_ =	sdelay $0x1  }
0x19: {  	s24 =	simm.s32 $0x1B8B  }
0x1a: {  	_ =	swait.ge [sflag:s24], $0x1  }
0x1b: {  	[sflag:s24] =	ssyncset.done $0x0  }
0x1c: {  	s26 =	simm.s32 $0x1B8E;
	s25 =	sld [smem:$0x3FFE];
	[sflag:s24] =	ssyncadd.s32 $0xFFFFFFFF  }
0x1d: {  	s27 =	simm.s32 $execute0_lowered;
	[smem:$0x3FD2] =	sst s26  }
0x1e: {  	s5 =	sshll.u32 s27, $0x1;
	_ =	strace $0x80000049;
	[dreg:$0x1] =	wrdreg $0xFFFFFFFF  }
0x1f: {  	s28 =	simm.s32 $_size_execute0_lowered;
	s3 =	sadd.s32 s3, s5;
	[dreg:$0x0] =	wrdreg $0x0  }
0x20: {  	s5 =	sshll.u32 s28, $0x1;
	[dreg:$0x2] =	wrdreg s3  }
0x21: {  	[dreg:$0x3] =	wrdreg s5  }
0x22: {  	[dreg:$0x4] =	wrdreg $0xC0  }
0x23: {  	_ =	task [dreg:s7], $0x5FFFF  }
0x24: {  	[dreg:$0x1] =	wrdreg $0xFFFFFFFF  }
0x25: {  	[dreg:$0x0] =	wrdreg $0x60  }
0x26: {  	[dreg:$0x2] =	wrdreg s25  }
0x27: {  	[dreg:$0x3] =	wrdreg s2  }
0x28: {  	[dreg:$0x4] =	wrdreg $0x9  }
0x29: {  	_ =	task.clear_ibuf [dreg:s7], $0x5FFFF;
	_ =	strace $0x90000049  }
0x2a: {  	s29 =	simm.s32 $0x9;
	_ =	strace $0x8000004B  }
0x2b: {  	_ =	swait.ge [sflag:s29], $0x1  }
0x2c: {  	[sflag:s29] =	ssyncadd.s32 $0xFFFFFFFF  }
0x2d: {  	_ =	strace $0x9000004B  }
0x2e: {  	_ =	sfence  }
0x2f: {  	s30 =	sld [smem:$0x0];
	_ =	sdelay $0x2  }
0x30: {  	s31 =	sshll.u32 s1, $0xD;
	s1 =	sshrl.u32 s1, $0x2  }
0x31: {  	s3 =	sand.u32 $0x4000, s31;
	s1 =	sadd.s32 s1, s30  }
0x32: {  	s0 =	sor.u32 s3, s0;
	s1 =	sshll.u32 s1, $0x11  }
0x33: {  	s0 =	sor.u32 s1, s0  }
0x34: {  	s0 =	sadd.s32 $0x8F2B, s0  }
0x35: {  	[sflag:s0] =	ssyncadd.remote.s32 $0x1  }
0x36: {  	_ =	sfence.sel $0xFFFF  }
0x37: {  	[dreg:$0x0] =	wrdreg $0xFFFFFFFF;
	(pc) =	sbr.abs _section_cstart, $3  }
0x38: {  	[dreg:$0x1] =	wrdreg $0xFFFFFFFF  }
0x39: {  	_ =	task.clear_ibuf [dreg:s7], $0x2FFFF;
	_ =	strace $0x9FFFFFFF  }
0x3a: {  	(tm) =	ssettm $0x7FFFFFFF  }
0x3b: {  	_ =	shalt  }
tec
execute0_lowered:
.L_overlay_start_1:
0x0: {  	(tag) =	ssettag $0x1  }
0x1: {  	s0 =	srdreg.scid  }
0x2: {  	s1 =	sshll.u32 s0, $0x4  }
0x3: {  	s0 =	stileid.u32;
	s1 =	sand.u32 $0x10, s1  }
0x4: {  	s1 =	sor.u32 s0, s1  }
0x5: {  	s6 =	rddreg [dreg:$0x0];
	s4 =	simm.s32 $0x1;
	s2 =	sshll.u32 s1, $0x7  }
0x6: {  	s7 =	simm.s32 $0x2;
	s12 =	simm.s32 $0x0;
	s1 =	ssub.s32 $0x1000, s2  }
0x7: {  	s8 =	simm.s32 $0x8000;
	s13 =	simm.s32 $0x0;
	s3 =	sand.u32 $0xF80, s1  }
0x8: {  	s9 =	simm.s32 $0x0;
	s5 =	sshrl.u32 s1, $0xC;
	p0 =	sne.s32 s3, $0x0  }
.Ltmp0:
0x9: {  	s1 =	rddreg [dreg:$0x2];
	s4 =	simm.s32 @!p0 $0x0;
	(pc) =	sbr.rel .LBB1_1-.Ltmp0, $4  }
0xa: {  	s11 =	simm.s32 $0x0;
	s3 =	rddreg [dreg:$0x1];
	s5 =	sadd.s32 s4, s5  }
0xb: {  	_ =	strace $0x8000004A;
	s4 =	simm.s32 $0x1;
	s5 =	smul.u32 $0xC8, s5  }
0xc: {  	s6 =	sadd.s32 $0xA00, s6;
	s10 =	smov.u32 s2;
	[sflag:s4] =	ssyncpa.u1 $0x0  }
0xd: {  	p0 =	por $0x0, $0x0;
	[sflag:s7] =	ssyncpa.u1 $0x0;
	s7 =	sor.u32 $0x1, s5  }
.LBB1_4:
0xe: {  	s16 =	sshll.u32 s13, $0x3;
	s17 =	sand.u32 $0x78, s13  }
0xf: {  	s30 =	sand.u32 $0x7E00, s13;
	s12 =	sshll.u32 s12, $0xF;
	s16 =	sand.u32 $0xC00, s16  }
0x10: {  	[tilespmem:s15+$0x810 ss:$0x81] =	vst.msk $0xffff, v2;
	s31 =	sand.u32 $0x7, s13;
	s16 =	sor.u32 s17, s16;
	s17 =	sadd.s32 s3, s30  }
0x11: {  	[tilespmem:s15+$0x1020 ss:$0x81] =	vst.msk $0xffff, v0;
	s13 =	sshll.u32 s31, $0x12;
	s12 =	sadd.s32 s12, s17;
	s16 =	sshrl.u32 s16, $0x3  }
0x12: {  	[tilespmem:s15+$0x0 ss:$0x81] =	vst.msk $0xffff, v1;
	s13 =	sor.u32 $0x400, s13;
	s12 =	sadd.s32 s16, s12  }
0x13: {  	[hbm4b:s12+s13] =	stream.strided.scatter [tilespmem:s14], [sflag:$0x2], $0x2000, s8, s13, $0x20;
	[tilespmem:$0x8080] =	vst v63  }
.LBB1_5:
0x14: {  	s14 =	sadd.s32 $0x1, s9  }
0x15: {  	s12 =	sadd.s32 $0x1000, s10;
	s16 =	smov.u32 s10;
	p2 =	sgt.s32 s14, $0xC7  }
0x16: {  	s16 =	smov.u32 @p2 s12  }
0x17: {  	s14 =	simm.s32 @p2 $0x0;
	p2 =	sgt.s32 s16, $0xFFF  }
0x18: {  	s16 =	smov.u32 @p2 s2;
	p2 =	sne.s32 s11, s7  }
.Ltmp1:
0x19: {  	p1 =	slt.u32 s11, $0x2;
	(pc) =	sbr.rel @!p2 .LBB1_6-.Ltmp1, $4  }
0x1a: {  	s15 =	simm.s32 @!p1 $0x2  }
0x1b: {  	s13 =	smov.u32 s10;
	p0 =	por !p0, !p0;
	_ =	swait.ge @!p1 [sflag:s15], $0x2000  }
0x1c: {  	s12 =	smov.u32 s9;
	[sflag:s15] =	ssyncset.done @!p1 $0x0;
	s9 =	smov.u32 s14  }
0x1d: {  	s11 =	sadd.s32 $0x1, s11;
	[sflag:s15] =	ssyncadd.s32 @!p1 $0xFFFFE000;
	s10 =	smov.u32 s16  }
.LBB1_1:
0x1e: {  	p1 =	sge.u32 s11, s5  }
0x1f: {  	s14 =	sand.u32 @!p1 $0x1FFFFFF, s9  }
0x20: {  	s15 =	smulhi.u32 @!p1 $0x147AE15, s14;
	_ =	sdelay $0x1  }
0x21: {  	s15 =	smul.u32 @!p1 $0xC8, s15  }
0x22: {  	s16 =	sxor.u32 @!p1 $0xFFFFFFFF, s11;
	s17 =	smul.u32 @!p1 $0xC80, s10  }
0x23: {  	s31 =	sadd.s32 $0xFFFFFFFF, s11;
	s16 =	sshll.u32 @!p1 s16, $0xD;
	s14 =	ssub.s32 @!p1 s14, s15  }
0x24: {  	s15 =	sand.u32 @!p1 $0x2000, s16;
	s16 =	sadd.s32 @!p1 s6, s17;
	s14 =	sshll.u32 @!p1 s14, $0x4  }
0x25: {  	s17 =	simm.s32 @!p1 $0x6400;
	s14 =	sadd.s32 @!p1 s14, s16;
	s16 =	simm.s32 @!p1 $0x40  }
0x26: {  	[tilespmem:s15], [sflag:$0x1] =	stream.strided.gather @!p1 [hbm4b:s14+s16], $0x2000, s17, s16, $0x38;
	[tilespmem:$0x8080] =	vst v63  }
0x27: {  	p1 =	sge.u32 s31, s5  }
.Ltmp2:
0x28: {  	_ = 	snop;
	(pc) =	sbr.rel @p1 .LBB1_5-.Ltmp2, $1  }
0x29: {  	_ =	sdelay $0x3  }
0x2a: {  	s14 =	simm.s32 $0x1  }
0x2b: {  	_ =	swait.ge [sflag:s4], $0x2000;
	s14 =	simm.s32 @!p0 $0x0  }
0x2c: {  	[sflag:s4] =	ssyncset.done $0x0;
	s15 =	sshll.u32 s14, $0xD  }
0x2d: {  	[sflag:s4] =	ssyncadd.s32 $0xFFFFE000;
	s18 =	sor.u32 $0x20, s15  }
0x2e: {  	s14 =	smul.u32 $0x8100, s14;
	v3 =	vld [tilespmem:s18+$0x10]  }
0x2f: {  	s30 =	sand.u32 $0x1, s11;
	v2 =	vld [tilespmem:s18+$0xFFFFFFF0]  }
0x30: {  	s15 =	smul.u32 $0x8100, s30;
	s14 =	sshrl.u32 s14, $0x2;
	v0 =	vld [tilespmem:s18+$0x0]  }
0x31: {  	v1 =	vld [tilespmem:s18+$0xFFFFFFE0];
	s16 =	sor.u32 $0x4000, s14  }
0x32: {  	s31 =	sshrl.u32 s15, $0x2;
	s15 =	sadd.s32 $0x0, s16  }
0x33: {  	s17 =	simm.s32 $0x4;
	s18 =	sadd.s32 $0x40, s18;
	s14 =	sor.u32 $0x4000, s31;
	[tilespmem:s15+$0x1830 ss:$0x81] =	vst.msk $0xffff, v3  }
.LBB1_3:
0x34: {  	v3 =	vld [tilespmem:s18+$0x10];
	p1 =	sne.s32 s17, $0x1FC;
	[tilespmem:s15+$0x810 ss:$0x81] =	vst.msk $0xffff, v2;
	s19 =	smov.u32 s17;
	s17 =	sadd.s32 $0x4, s17  }
.Ltmp3:
0x35: {  	v2 =	vld [tilespmem:s18+$0xFFFFFFF0];
	[tilespmem:s15+$0x1020 ss:$0x81] =	vst.msk $0xffff, v0;
	(pc) =	sbr.rel @p1 .LBB1_3-.Ltmp3, $4  }
0x36: {  	v0 =	vld [tilespmem:s18+$0x0];
	[tilespmem:s15+$0x0 ss:$0x81] =	vst.msk $0xffff, v1  }
0x37: {  	s15 =	sshra.s32 s19, $0x2;
	v1 =	vld [tilespmem:s18+$0xFFFFFFE0]  }
0x38: {  	s15 =	sadd.s32 s15, s16  }
0x39: {  	s18 =	sadd.s32 $0x40, s18;
	[tilespmem:s15+$0x1830 ss:$0x81] =	vst.msk $0xffff, v3  }
.Ltmp4:
0x3a: {  	_ = 	snop;
	(pc) =	sbr.rel .LBB1_4-.Ltmp4, $1  }
0x3b: {  	_ =	sdelay $0x3  }
.LBB1_6:
0x3c: {  	_ =	sfence.sel $0x180000  }
0x3d: {  	s2 =	simm.s32 $0x1;
	[bflag:$0x0] =	sbarrier.arrive $0xFFFF  }
0x3e: {  	s31 =	simm.s32 $0x2;
	[sflag:s2] =	ssyncpa.u1 $0x1  }
0x3f: {  	[sflag:s31] =	ssyncpa.u1 $0x1  }
0x40: {  	p0 =	sne.s32 s0, $0x0;
	_ =	strace $0x9000004A  }
0x41: {  	s0 =	sadd.s32 @!p0 $0x100000, s1;
	[bflag:$0x2] =	sbarrier.arrive $0xFFFF  }
0x42: {  	[sflag:s0] =	ssyncadd.tile.s32 @!p0 $0x1;
	_ =	shalt  }
.Lfunc_end1:
_tile_overlayer_lowered:
.L_overlay_start_2:
0x43: {  	(tag) =	ssettag $0x2  }
0x44: {  	s0 =	rddreg [dreg:$0x0];
	s2 =	stileid.u32  }
0x45: {  	s1 =	rddreg [dreg:$0x1];
	p0 =	sne.s32 s2, $0x0  }
0x46: {  	s3 =	rddreg [dreg:$0x2];
	[bflag:$0x3] =	sbarrier.arrive $0xFFFF;
	s2 =	simm.s32 @!p0 $0x1C01  }
0x47: {  	[timem:s3], [sflag:s2] =	dma.local @!p0 [hbm:s0], s1  }
0x48: {  	s0 =	simm.s32 @!p0 $0x1  }
0x49: {  	_ =	swait.ge @!p0 [sflag:s0], s1  }
0x4a: {  	s1 =	ssub.s32 @!p0 $0x0, s1;
	[sflag:s0] =	ssyncset.done @!p0 $0x0  }
0x4b: {  	[sflag:s0] =	ssyncadd.s32 @!p0 s1  }
0x4c: {  	[bflag:$0x3] =	sbarrier.arrive $0xFFFF  }
0x4d: {  	_ =	shalt  }

</sc_bundles>
